<compile_context>
chip_gen: v7x
topology: tpu7x:2x2x1
jax: 0.10.2.dev20260603
libtpu: 0.0.44.dev20260713+nightly
codegen_flags: <defaults>
</compile_context>

<pallas_src>
import functools

import jax
import jax.numpy as jnp
from jax import lax
from jax.experimental import pallas as pl
from jax.experimental.pallas import tpu as pltpu

N = 10000
E = 320000
ND = 128
H = 64
Z = 32

EBLK = 5000



def _gather_rows(table, idx):
    return jnp.take(table, idx, axis=0)


def _scatter_add(data, idx, num):
    return jax.ops.segment_sum(data, idx, num_segments=num)


def _counts(idx):
    return jax.ops.segment_sum(jnp.ones((idx.shape[0],), jnp.float32), idx,
                               num_segments=N)



def _k_node_pre(x_ref, w_ref, o_ref):
    o_ref[...] = jnp.dot(x_ref[...], w_ref[...],
                         preferred_element_type=jnp.float32)


def _node_pre(x, w_cat):
    return pl.pallas_call(
        _k_node_pre,
        out_shape=jax.ShapeDtypeStruct((N, 3 * H), jnp.float32),
    )(x, w_cat)


def _k_edge_b(gs_ref, gd_ref, ea_ref, w_ref, b_ref, o_ref):
    pre = (gs_ref[...] + gd_ref[...] + b_ref[...]
           + jnp.dot(ea_ref[...], w_ref[...],
                     preferred_element_type=jnp.float32))
    o_ref[...] = jnp.maximum(pre, 0.0)


def _edge_b(g_s, g_d, ea, w_ea, b_e):
    grid = (E // EBLK,)
    eb = lambda i: (i, 0)
    wb = lambda i: (0, 0)
    return pl.pallas_call(
        _k_edge_b,
        grid=grid,
        in_specs=[
            pl.BlockSpec((EBLK, H), eb),
            pl.BlockSpec((EBLK, H), eb),
            pl.BlockSpec((EBLK, 16), eb),
            pl.BlockSpec((16, H), wb),
            pl.BlockSpec((1, H), wb),
        ],
        out_specs=pl.BlockSpec((EBLK, H), eb),
        out_shape=jax.ShapeDtypeStruct((E, H), jnp.float32),
    )(g_s, g_d, ea, w_ea, b_e)


def _k_node_b(pxn_ref, se_ref, cnt_ref, u_ref, wn_ref, bn_ref, wg_ref, bg_ref,
              v1_ref, ic_ref, u1_ref):
    inv_cnt = 1.0 / jnp.maximum(cnt_ref[...], 1.0)
    mean_e1 = se_ref[...] * inv_cnt
    v1 = jnp.maximum(
        pxn_ref[...] + bn_ref[...]
        + jnp.dot(mean_e1, wn_ref[...], preferred_element_type=jnp.float32),
        0.0)
    v1_ref[...] = v1
    ic_ref[...] = inv_cnt
    gsum_v1 = jnp.sum(v1, axis=0, keepdims=True) / N
    gsum_e1 = jnp.sum(se_ref[...], axis=0, keepdims=True) / E
    gcat = jnp.concatenate([u_ref[...], gsum_v1, gsum_e1], axis=1)
    u1_ref[...] = jnp.maximum(
        jnp.dot(gcat, wg_ref[...], preferred_element_type=jnp.float32)
        + bg_ref[...], 0.0)


def _node_b(px_n, sum_e1, cnt, u, wn_e, bn, wg, bg):
    return pl.pallas_call(
        _k_node_b,
        out_shape=(
            jax.ShapeDtypeStruct((N, H), jnp.float32),
            jax.ShapeDtypeStruct((N, 1), jnp.float32),
            jax.ShapeDtypeStruct((1, H), jnp.float32),
        ),
    )(px_n, sum_e1, cnt, u, wn_e, bn, wg, bg)


def _k_edge_d(gvs_ref, gvd_ref, e1_ref, he_ref, wzr_ref, bzr_ref,
              wh_ref, bh_ref, o_ref):
    gvs, gvd, e1, he = gvs_ref[...], gvd_ref[...], e1_ref[...], he_ref[...]
    cat = jnp.concatenate([gvs, gvd, e1, he], axis=1)
    zr = jax.nn.sigmoid(
        jnp.dot(cat, wzr_ref[...], preferred_element_type=jnp.float32)
        + bzr_ref[...])
    z, r = zr[:, :H], zr[:, H:]
    cat2 = jnp.concatenate([gvs, gvd, e1, r * he], axis=1)
    hh = jnp.tanh(
        jnp.dot(cat2, wh_ref[...], preferred_element_type=jnp.float32)
        + bh_ref[...])
    o_ref[...] = (1.0 - z) * he + z * hh


def _edge_d(gv_s, gv_d, e1, h_e, w_zr, b_zr, w_h, b_h):
    grid = (E // EBLK,)
    eb = lambda i: (i, 0)
    wb = lambda i: (0, 0)
    return pl.pallas_call(
        _k_edge_d,
        grid=grid,
        in_specs=[
            pl.BlockSpec((EBLK, H), eb),
            pl.BlockSpec((EBLK, H), eb),
            pl.BlockSpec((EBLK, H), eb),
            pl.BlockSpec((EBLK, H), eb),
            pl.BlockSpec((4 * H, 2 * H), wb),
            pl.BlockSpec((1, 2 * H), wb),
            pl.BlockSpec((4 * H, H), wb),
            pl.BlockSpec((1, H), wb),
        ],
        out_specs=pl.BlockSpec((EBLK, H), eb),
        out_shape=jax.ShapeDtypeStruct((E, H), jnp.float32),
    )(gv_s, gv_d, e1, h_e, w_zr, b_zr, w_h, b_h)


def _k_node_d(v1_ref, sh_ref, ic_ref, hx_ref, u1_ref, hu_ref,
              wnzr_ref, bnzr_ref, wnh_ref, bnh_ref,
              wgzr_ref, bgzr_ref, wgh_ref, bgh_ref, wpm_ref,
              hx2_ref, pm_ref, hu2_ref):
    v1, hx = v1_ref[...], hx_ref[...]
    mean_he2 = sh_ref[...] * ic_ref[...]
    ncat = jnp.concatenate([v1, mean_he2, hx], axis=1)
    nzr = jax.nn.sigmoid(
        jnp.dot(ncat, wnzr_ref[...], preferred_element_type=jnp.float32)
        + bnzr_ref[...])
    nz, nr = nzr[:, :H], nzr[:, H:]
    ncat2 = jnp.concatenate([v1, mean_he2, nr * hx], axis=1)
    nhh = jnp.tanh(
        jnp.dot(ncat2, wnh_ref[...], preferred_element_type=jnp.float32)
        + bnh_ref[...])
    hx2 = (1.0 - nz) * hx + nz * nhh
    hx2_ref[...] = hx2
    pm_ref[...] = jnp.dot(hx2, wpm_ref[...],
                          preferred_element_type=jnp.float32)

    gm_hx2 = jnp.sum(hx2, axis=0, keepdims=True) / N
    gm_he2 = jnp.sum(sh_ref[...], axis=0, keepdims=True) / E
    hu = hu_ref[...]
    gcat = jnp.concatenate([u1_ref[...], gm_hx2, gm_he2, hu], axis=1)
    gzr = jax.nn.sigmoid(
        jnp.dot(gcat, wgzr_ref[...], preferred_element_type=jnp.float32)
        + bgzr_ref[...])
    gz, gr = gzr[:, :H], gzr[:, H:]
    gcat2 = jnp.concatenate([u1_ref[...], gm_hx2, gm_he2, gr * hu], axis=1)
    ghh = jnp.tanh(
        jnp.dot(gcat2, wgh_ref[...], preferred_element_type=jnp.float32)
        + bgh_ref[...])
    hu2_ref[...] = (1.0 - gz) * hu + gz * ghh


def _node_d(v1, sum_he2, inv_cnt, h_x, u1, h_u, wn_zr, bn_zr, wn_h, bn_h,
            wg_zr, bg_zr, wg_h, bg_h, w_pm):
    return pl.pallas_call(
        _k_node_d,
        out_shape=(
            jax.ShapeDtypeStruct((N, H), jnp.float32),
            jax.ShapeDtypeStruct((N, 2 * H), jnp.float32),
            jax.ShapeDtypeStruct((1, H), jnp.float32),
        ),
    )(v1, sum_he2, inv_cnt, h_x, u1, h_u, wn_zr, bn_zr, wn_h, bn_h,
      wg_zr, bg_zr, wg_h, bg_h, w_pm)


def _k_edge_f(gms_ref, gmd_ref, he2_ref, wml_ref, bml_ref, ww_ref, bw_ref,
              mu_ref, var_ref, w_ref):
    ml = (gms_ref[...] + gmd_ref[...] + bml_ref[...]
          + jnp.dot(he2_ref[...], wml_ref[...],
                    preferred_element_type=jnp.float32))
    mu = ml[:, :Z]
    mu_ref[...] = mu
    var_ref[...] = jax.nn.softplus(ml[:, Z:])
    w_ref[...] = jax.nn.sigmoid(
        jnp.dot(mu, ww_ref[...], preferred_element_type=jnp.float32)
        + bw_ref[...])


def _edge_f(gm_s, gm_d, h_e2, w_ml, b_ml, w_w, b_w):
    grid = (E // EBLK,)
    eb = lambda i: (i, 0)
    wb = lambda i: (0, 0)
    return pl.pallas_call(
        _k_edge_f,
        grid=grid,
        in_specs=[
            pl.BlockSpec((EBLK, 2 * Z), eb),
            pl.BlockSpec((EBLK, 2 * Z), eb),
            pl.BlockSpec((EBLK, H), eb),
            pl.BlockSpec((H, 2 * Z), wb),
            pl.BlockSpec((1, 2 * Z), wb),
            pl.BlockSpec((Z, 1), wb),
            pl.BlockSpec((1, 1), wb),
        ],
        out_specs=(
            pl.BlockSpec((EBLK, Z), eb),
            pl.BlockSpec((EBLK, Z), eb),
            pl.BlockSpec((EBLK, 1), eb),
        ),
        out_shape=(
            jax.ShapeDtypeStruct((E, Z), jnp.float32),
            jax.ShapeDtypeStruct((E, Z), jnp.float32),
            jax.ShapeDtypeStruct((E, 1), jnp.float32),
        ),
    )(gm_s, gm_d, h_e2, w_ml, b_ml, w_w, b_w)


def _k_node_f(hx2_ref, sz_ref, ic_ref, wml_ref, bml_ref, wg_ref, bg_ref,
              mu_ref, var_ref, g_ref):
    mean_z = sz_ref[...] * ic_ref[...]
    cat = jnp.concatenate([hx2_ref[...], mean_z], axis=1)
    ml = (jnp.dot(cat, wml_ref[...], preferred_element_type=jnp.float32)
          + bml_ref[...])
    mu = ml[:, :Z]
    mu_ref[...] = mu
    var_ref[...] = jax.nn.softplus(ml[:, Z:])
    g_ref[...] = (jnp.dot(mu, wg_ref[...], preferred_element_type=jnp.float32)
                  + bg_ref[...])


def _node_f(h_x2, sum_z, inv_cnt, w_ml, b_ml, w_g, b_g):
    return pl.pallas_call(
        _k_node_f,
        out_shape=(
            jax.ShapeDtypeStruct((N, Z), jnp.float32),
            jax.ShapeDtypeStruct((N, Z), jnp.float32),
            jax.ShapeDtypeStruct((N, 1), jnp.float32),
        ),
    )(h_x2, sum_z, inv_cnt, w_ml, b_ml, w_g, b_g)



def kernel(x, edge_index, edge_attr, u, batch, h_x, h_e, h_u, params):
    src, dst = edge_index[0], edge_index[1]

    We, be = params['enc_e']
    w_pre = jnp.concatenate([We[:ND], We[ND:2 * ND],
                             params['enc_n'][0][:ND]], axis=1)
    Wn, bn = params['enc_n']
    Wg, bg = params['enc_g']
    gz, gr, gh = params['re']['z'], params['re']['r'], params['re']['h']
    w_zr = jnp.concatenate([gz[0], gr[0]], axis=1)
    b_zr = jnp.concatenate([gz[1], gr[1]])[None]
    nz, nr, nh = params['rn']['z'], params['rn']['r'], params['rn']['h']
    wn_zr = jnp.concatenate([nz[0], nr[0]], axis=1)
    bn_zr = jnp.concatenate([nz[1], nr[1]])[None]
    gz2, gr2, gh2 = params['rg']['z'], params['rg']['r'], params['rg']['h']
    wg_zr = jnp.concatenate([gz2[0], gr2[0]], axis=1)
    bg_zr = jnp.concatenate([gz2[1], gr2[1]])[None]
    Wm, bm = params['de_mu']
    Wl, bl = params['de_lv']
    w_pm = jnp.concatenate([
        jnp.concatenate([Wm[:H], Wl[:H]], axis=1),
        jnp.concatenate([Wm[H:2 * H], Wl[H:2 * H]], axis=1)], axis=1)
    w_ml3 = jnp.concatenate([Wm[2 * H:], Wl[2 * H:]], axis=1)
    b_ml = jnp.concatenate([bm, bl])[None]
    Wdm, bdm = params['dn_mu']
    Wdl, bdl = params['dn_lv']
    w_dml = jnp.concatenate([Wdm, Wdl], axis=1)
    b_dml = jnp.concatenate([bdm, bdl])[None]

    px = _node_pre(x, w_pre)
    px_s, px_d, px_n = px[:, :H], px[:, H:2 * H], px[:, 2 * H:]
    g_s = _gather_rows(px_s, src)
    g_d = _gather_rows(px_d, dst)
    e1 = _edge_b(g_s, g_d, edge_attr, We[2 * ND:], be[None])
    sum_e1 = _scatter_add(e1, dst, N)
    cnt = _counts(dst).reshape(N, 1)
    v1, inv_cnt, u1 = _node_b(px_n, sum_e1, cnt, u, Wn[ND:], bn[None], Wg, bg[None])

    gv_s = _gather_rows(v1, src)
    gv_d = _gather_rows(v1, dst)
    h_e2 = _edge_d(gv_s, gv_d, e1, h_e, w_zr, b_zr, gh[0], gh[1][None])
    sum_he2 = _scatter_add(h_e2, dst, N)
    h_x2, pm, h_u2 = _node_d(v1, sum_he2, inv_cnt, h_x, u1, h_u,
                             wn_zr, bn_zr, nh[0], nh[1][None],
                             wg_zr, bg_zr, gh2[0], gh2[1][None], w_pm)

    pm_s, pm_d = pm[:, :H], pm[:, H:]
    gm_s = _gather_rows(pm_s, src)
    gm_d = _gather_rows(pm_d, dst)
    ze_mu, ze_var, w_ = _edge_f(gm_s, gm_d, h_e2, w_ml3, b_ml,
                                params['de_w'][0], params['de_w'][1][None])
    sum_z = _scatter_add(ze_mu, dst, N)
    zn_mu, zn_var, g_ = _node_f(h_x2, sum_z, inv_cnt, w_dml, b_dml,
                                params['dn_g'][0], params['dn_g'][1][None])

    return (h_x2, h_e2, h_u2, w_, g_, ze_mu, ze_var, zn_mu, zn_var)

# --- scband reference (transcript-rebuilt; emitter-appended) ---
"""Pipeline reference for scband-winding-graph-net-37177236914580 (READ-ONLY COPY).

The authoritative reference and input builder live on the scoring server;
editing this copy changes nothing except your own understanding.
"""

import jax, jax.numpy as jnp
import numpy as np

N = 10000
E = 320000
ND = 128
ED = 16
UD = 16
H = 64
Z = 32
PW = 1
PG = 1
NG = 1


def _init_params(key):
    ks = jax.random.split(key, 32)
    it = iter(ks)

    def lin(k, i, o, s=0.05):
        return (jax.random.normal(k, (i, o), jnp.float32) * s,
                jnp.zeros((o,), jnp.float32))

    p = {}
    p['enc_e'] = lin(next(it), 2 * ND + ED, H)
    p['enc_n'] = lin(next(it), ND + H, H)
    p['enc_g'] = lin(next(it), UD + 2 * H, H)
    for name, idim in [('re', 3 * H), ('rn', 2 * H), ('rg', 3 * H)]:
        p[name] = {g: lin(next(it), idim + H, H) for g in ('z', 'r', 'h')}
    p['de_mu'] = lin(next(it), 3 * H, Z)
    p['de_lv'] = lin(next(it), 3 * H, Z)
    p['de_w'] = lin(next(it), Z, PW)
    p['dn_mu'] = lin(next(it), H + Z, Z)
    p['dn_lv'] = lin(next(it), H + Z, Z)
    p['dn_g'] = lin(next(it), Z, PG)
    p['dg'] = lin(next(it), H + 2 * Z, UD)
    return p


def setup_inputs(seed: int = 0):
    key = jax.random.key(seed)
    kx, ke, ku, khx, khe, khu, kei, kp = jax.random.split(key, 8)
    return {
        'x': jax.random.normal(kx, (N, ND), jnp.float32),
        'edge_index': jax.random.randint(kei, (2, E), 0, N, dtype=jnp.int32),
        'edge_attr': jax.random.normal(ke, (E, ED), jnp.float32),
        'u': jax.random.normal(ku, (NG, UD), jnp.float32),
        'batch': jnp.zeros((N,), jnp.int32),
        'h_x': jax.random.normal(khx, (N, H), jnp.float32),
        'h_e': jax.random.normal(khe, (E, H), jnp.float32),
        'h_u': jax.random.normal(khu, (NG, H), jnp.float32),
        'params': _init_params(kp),
    }


def _lin(p, x):
    return x @ p[0] + p[1]


def _gru(p, inp, h):
    cat = jnp.concatenate([inp, h], -1)
    z = jax.nn.sigmoid(_lin(p['z'], cat))
    r = jax.nn.sigmoid(_lin(p['r'], cat))
    hh = jnp.tanh(_lin(p['h'], jnp.concatenate([inp, r * h], -1)))
    return (1.0 - z) * h + z * hh


def _segmean(data, ids, num):
    s = jax.ops.segment_sum(data, ids, num_segments=num)
    c = jax.ops.segment_sum(jnp.ones((data.shape[0], 1), data.dtype), ids, num_segments=num)
    return s / jnp.maximum(c, 1.0)


def _forward(x, edge_attr, u, h_x, h_e, h_u, params, edge_index, batch):
    src, dst = edge_index[0], edge_index[1]
    ebatch = batch[dst]
    # encoder (BinaryMetaLayer: edge -> node -> global)
    e1 = jax.nn.relu(_lin(params['enc_e'], jnp.concatenate([x[src], x[dst], edge_attr], -1)))
    v1 = jax.nn.relu(_lin(params['enc_n'], jnp.concatenate([x, _segmean(e1, dst, N)], -1)))
    u1 = jax.nn.relu(_lin(params['enc_g'], jnp.concatenate([u, _segmean(v1, batch, NG), _segmean(e1, ebatch, NG)], -1)))
    # recurrent (RecurrentMetaLayer: GRU-style update of hidden graph)
    h_e2 = _gru(params['re'], jnp.concatenate([v1[src], v1[dst], e1], -1), h_e)
    h_x2 = _gru(params['rn'], jnp.concatenate([v1, _segmean(h_e2, dst, N)], -1), h_x)
    h_u2 = _gru(params['rg'], jnp.concatenate([u1, _segmean(h_x2, batch, NG), _segmean(h_e2, ebatch, NG)], -1), h_u)
    # decoder (ProbBinaryMetaLayer: latent mu/var + binary winding / node preds)
    de_in = jnp.concatenate([h_x2[src], h_x2[dst], h_e2], -1)
    ze_mu = _lin(params['de_mu'], de_in)
    ze_var = jax.nn.softplus(_lin(params['de_lv'], de_in))
    w_ = jax.nn.sigmoid(_lin(params['de_w'], ze_mu))
    dn_in = jnp.concatenate([h_x2, _segmean(ze_mu, dst, N)], -1)
    zn_mu = _lin(params['dn_mu'], dn_in)
    zn_var = jax.nn.softplus(_lin(params['dn_lv'], dn_in))
    g_ = _lin(params['dn_g'], zn_mu)
    _ = jax.nn.relu(_lin(params['dg'], jnp.concatenate([h_u2, _segmean(zn_mu, batch, NG), _segmean(ze_mu, ebatch, NG)], -1)))
    return (h_x2, h_e2, h_u2, w_, g_, ze_mu, ze_var, zn_mu, zn_var)


def reference(x, edge_index, edge_attr, u, batch, h_x, h_e, h_u, params):
    return _forward(x, edge_attr, u, h_x, h_e, h_u, params, edge_index, batch)

if __name__ == "__main__":
    import jax
    _d = setup_inputs()
    print(jax.jit(kernel)(*tuple(_d.values())))

</pallas_src>

<mosaic_0001>
module attributes {stable_mosaic.version = 14 : i64} {
  func.func @_k_node_pre(%arg0: memref<10000x128xf32, #tpu.memory_space<vmem>>, %arg1: memref<128x192xf32, #tpu.memory_space<vmem>>, %arg2: memref<10000x192xf32, #tpu.memory_space<vmem>>) attributes {dimension_semantics = [], scalar_prefetch = 0 : i64, scratch_operands = 0 : i64, tpu.core_type = #tpu.core_type<tc>} {
    %get3A = arith.constant 0 : index
    %get3A_0 = arith.constant 0 : index
    %get3A_1 = vector.load %arg0[%get3A, %get3A_0] : memref<10000x128xf32, #tpu.memory_space<vmem>>, vector<10000x128xf32>
    %get3A_2 = arith.constant 0 : index
    %get3A_3 = arith.constant 0 : index
    %get3A_4 = vector.load %arg1[%get3A_2, %get3A_3] : memref<128x192xf32, #tpu.memory_space<vmem>>, vector<128x192xf32>
    %dot_general3A = arith.constant dense<0.000000e+00> : vector<10000x192xf32>
    %dot_general3A_5 = tpu.matmul %get3A_1, %get3A_4, %dot_general3A {dimension_numbers = #tpu.dot_dimension_numbers<[1], [0], [0], [1], [0, 0, 1, 1], [], []>, transpose_lhs_hint = false} : vector<10000x128xf32>, vector<128x192xf32>, vector<10000x192xf32> -> vector<10000x192xf32>
    %swap3A = arith.constant 0 : index
    %swap3A_6 = arith.constant 0 : index
    %swap3A_7 = vector.load %arg2[%swap3A, %swap3A_6] : memref<10000x192xf32, #tpu.memory_space<vmem>>, vector<10000x192xf32>
    tpu.vector_store %arg2[%swap3A, %swap3A_6], %dot_general3A_5 {strides = array<i32>} : memref<10000x192xf32, #tpu.memory_space<vmem>>, vector<10000x192xf32>,
    return
  }
}

module attributes {stable_mosaic.version = 14 : i64} {
  func.func @_k_edge_b(%arg0: i32, %arg1: memref<5000x64xf32, #tpu.memory_space<vmem>>, %arg2: memref<5000x64xf32, #tpu.memory_space<vmem>>, %arg3: memref<5000x16xf32, #tpu.memory_space<vmem>>, %arg4: memref<16x64xf32, #tpu.memory_space<vmem>>, %arg5: memref<1x64xf32, #tpu.memory_space<vmem>>, %arg6: memref<5000x64xf32, #tpu.memory_space<vmem>>) attributes {dimension_semantics = [#tpu.dimension_semantics<arbitrary>], iteration_bounds = array<i64: 64>, scalar_prefetch = 0 : i64, scratch_operands = 0 : i64, tpu.core_type = #tpu.core_type<tc>, window_params = [{transform_indices = @transform_0, window_bounds = array<i64: 5000, 64>}, {transform_indices = @transform_1, window_bounds = array<i64: 5000, 64>}, {transform_indices = @transform_2, window_bounds = array<i64: 5000, 16>}, {pipeline_mode = #tpu.pipeline_mode<synchronous>, transform_indices = @transform_3, window_bounds = array<i64: 16, 64>}, {pipeline_mode = #tpu.pipeline_mode<synchronous>, transform_indices = @transform_4, window_bounds = array<i64: 1, 64>}, {transform_indices = @transform_5, window_bounds = array<i64: 5000, 64>}]} {
    %get3A = arith.constant 0 : index
    %get3A_0 = arith.constant 0 : index
    %get3A_1 = vector.load %arg1[%get3A, %get3A_0] : memref<5000x64xf32, #tpu.memory_space<vmem>>, vector<5000x64xf32>
    %get3A_2 = arith.constant 0 : index
    %get3A_3 = arith.constant 0 : index
    %get3A_4 = vector.load %arg2[%get3A_2, %get3A_3] : memref<5000x64xf32, #tpu.memory_space<vmem>>, vector<5000x64xf32>
    %add3A = arith.addf %get3A_1, %get3A_4 : vector<5000x64xf32>
    %get3A_5 = arith.constant 0 : index
    %get3A_6 = arith.constant 0 : index
    %get3A_7 = vector.load %arg5[%get3A_5, %get3A_6] : memref<1x64xf32, #tpu.memory_space<vmem>>, vector<1x64xf32>
    %add3A_8 = vector.broadcast %get3A_7 : vector<1x64xf32> to vector<5000x64xf32>
    %add3A_9 = arith.addf %add3A, %add3A_8 : vector<5000x64xf32>
    %get3A_10 = arith.constant 0 : index
    %get3A_11 = arith.constant 0 : index
    %get3A_12 = vector.load %arg3[%get3A_10, %get3A_11] : memref<5000x16xf32, #tpu.memory_space<vmem>>, vector<5000x16xf32>
    %get3A_13 = arith.constant 0 : index
    %get3A_14 = arith.constant 0 : index
    %get3A_15 = vector.load %arg4[%get3A_13, %get3A_14] : memref<16x64xf32, #tpu.memory_space<vmem>>, vector<16x64xf32>
    %dot_general3A = arith.constant dense<0.000000e+00> : vector<5000x64xf32>
    %dot_general3A_16 = tpu.matmul %get3A_12, %get3A_15, %dot_general3A {dimension_numbers = #tpu.dot_dimension_numbers<[1], [0], [0], [1], [0, 0, 1, 1], [], []>, transpose_lhs_hint = false} : vector<5000x16xf32>, vector<16x64xf32>, vector<5000x64xf32> -> vector<5000x64xf32>
    %add3A_17 = arith.addf %add3A_9, %dot_general3A_16 : vector<5000x64xf32>
    %max3A = arith.constant 0.000000e+00 : f32
    %max3A_18 = vector.broadcast %max3A : f32 to vector<5000x64xf32>
    %max3A_19 = arith.maximumf %add3A_17, %max3A_18 : vector<5000x64xf32>
    %swap3A = arith.constant 0 : index
    %swap3A_20 = arith.constant 0 : index
    %swap3A_21 = vector.load %arg6[%swap3A, %swap3A_20] : memref<5000x64xf32, #tpu.memory_space<vmem>>, vector<5000x64xf32>
    tpu.vector_store %arg6[%swap3A, %swap3A_20], %max3A_19 {strides = array<i32>} : memref<5000x64xf32, #tpu.memory_space<vmem>>, vector<5000x64xf32>,
    return
  }
  func.func @transform_0(%arg0: i32) -> (i32, i32) {
    %c0_i32 = arith.constant 0 : i32
    %c0_i32_0 = arith.constant 0 : i32
    return %arg0, %c0_i32 : i32, i32
  }
  func.func @transform_1(%arg0: i32) -> (i32, i32) {
    %c0_i32 = arith.constant 0 : i32
    %c0_i32_0 = arith.constant 0 : i32
    return %arg0, %c0_i32 : i32, i32
  }
  func.func @transform_2(%arg0: i32) -> (i32, i32) {
    %c0_i32 = arith.constant 0 : i32
    %c0_i32_0 = arith.constant 0 : i32
    return %arg0, %c0_i32 : i32, i32
  }
  func.func @transform_3(%arg0: i32) -> (i32, i32) {
    %c0_i32 = arith.constant 0 : i32
    %c0_i32_0 = arith.constant 0 : i32
    %c0_i32_1 = arith.constant 0 : i32
    return %c0_i32, %c0_i32_0 : i32, i32
  }
  func.func @transform_4(%arg0: i32) -> (i32, i32) {
    %c0_i32 = arith.constant 0 : i32
    %c0_i32_0 = arith.constant 0 : i32
    %c0_i32_1 = arith.constant 0 : i32
    return %c0_i32, %c0_i32_0 : i32, i32
  }
  func.func @transform_5(%arg0: i32) -> (i32, i32) {
    %c0_i32 = arith.constant 0 : i32
    %c0_i32_0 = arith.constant 0 : i32
    return %arg0, %c0_i32 : i32, i32
  }
}

module attributes {stable_mosaic.version = 14 : i64} {
  func.func @_k_node_b(%arg0: memref<10000x64xf32, #tpu.memory_space<vmem>>, %arg1: memref<10000x64xf32, #tpu.memory_space<vmem>>, %arg2: memref<10000x1xf32, #tpu.memory_space<vmem>>, %arg3: memref<1x16xf32, #tpu.memory_space<vmem>>, %arg4: memref<64x64xf32, #tpu.memory_space<vmem>>, %arg5: memref<1x64xf32, #tpu.memory_space<vmem>>, %arg6: memref<144x64xf32, #tpu.memory_space<vmem>>, %arg7: memref<1x64xf32, #tpu.memory_space<vmem>>, %arg8: memref<10000x64xf32, #tpu.memory_space<vmem>>, %arg9: memref<10000x1xf32, #tpu.memory_space<vmem>>, %arg10: memref<1x64xf32, #tpu.memory_space<vmem>>) attributes {dimension_semantics = [], scalar_prefetch = 0 : i64, scratch_operands = 0 : i64, tpu.core_type = #tpu.core_type<tc>} {
    %get3A = arith.constant 0 : index
    %get3A_0 = arith.constant 0 : index
    %get3A_1 = vector.load %arg2[%get3A, %get3A_0] : memref<10000x1xf32, #tpu.memory_space<vmem>>, vector<10000x1xf32>
    %max3A = arith.constant 1.000000e+00 : f32
    %max3A_2 = vector.broadcast %max3A : f32 to vector<10000x1xf32>
    %max3A_3 = arith.maximumf %get3A_1, %max3A_2 : vector<10000x1xf32>
    %div3A = arith.constant 1.000000e+00 : f32
    %div3A_4 = vector.broadcast %div3A : f32 to vector<10000x1xf32>
    %div3A_5 = arith.divf %div3A_4, %max3A_3 : vector<10000x1xf32>
    %get3A_6 = arith.constant 0 : index
    %get3A_7 = arith.constant 0 : index
    %get3A_8 = vector.load %arg1[%get3A_6, %get3A_7] : memref<10000x64xf32, #tpu.memory_space<vmem>>, vector<10000x64xf32>
    %mul3A = vector.broadcast %div3A_5 : vector<10000x1xf32> to vector<10000x64xf32>
    %mul3A_9 = arith.mulf %get3A_8, %mul3A : vector<10000x64xf32>
    %get3A_10 = arith.constant 0 : index
    %get3A_11 = arith.constant 0 : index
    %get3A_12 = vector.load %arg0[%get3A_10, %get3A_11] : memref<10000x64xf32, #tpu.memory_space<vmem>>, vector<10000x64xf32>
    %get3A_13 = arith.constant 0 : index
    %get3A_14 = arith.constant 0 : index
    %get3A_15 = vector.load %arg5[%get3A_13, %get3A_14] : memref<1x64xf32, #tpu.memory_space<vmem>>, vector<1x64xf32>
    %add3A = vector.broadcast %get3A_15 : vector<1x64xf32> to vector<10000x64xf32>
    %add3A_16 = arith.addf %get3A_12, %add3A : vector<10000x64xf32>
    %get3A_17 = arith.constant 0 : index
    %get3A_18 = arith.constant 0 : index
    %get3A_19 = vector.load %arg4[%get3A_17, %get3A_18] : memref<64x64xf32, #tpu.memory_space<vmem>>, vector<64x64xf32>
    %dot_general3A = arith.constant dense<0.000000e+00> : vector<10000x64xf32>
    %dot_general3A_20 = tpu.matmul %mul3A_9, %get3A_19, %dot_general3A {dimension_numbers = #tpu.dot_dimension_numbers<[1], [0], [0], [1], [0, 0, 1, 1], [], []>, transpose_lhs_hint = false} : vector<10000x64xf32>, vector<64x64xf32>, vector<10000x64xf32> -> vector<10000x64xf32>
    %add3A_21 = arith.addf %add3A_16, %dot_general3A_20 : vector<10000x64xf32>
    %max3A_22 = arith.constant 0.000000e+00 : f32
    %max3A_23 = vector.broadcast %max3A_22 : f32 to vector<10000x64xf32>
    %max3A_24 = arith.maximumf %add3A_21, %max3A_23 : vector<10000x64xf32>
    %swap3A = arith.constant 0 : index
    %swap3A_25 = arith.constant 0 : index
    %swap3A_26 = vector.load %arg8[%swap3A, %swap3A_25] : memref<10000x64xf32, #tpu.memory_space<vmem>>, vector<10000x64xf32>
    tpu.vector_store %arg8[%swap3A, %swap3A_25], %max3A_24 {strides = array<i32>} : memref<10000x64xf32, #tpu.memory_space<vmem>>, vector<10000x64xf32>,
    %swap3A_27 = arith.constant 0 : index
    %swap3A_28 = arith.constant 0 : index
    %swap3A_29 = vector.load %arg9[%swap3A_27, %swap3A_28] : memref<10000x1xf32, #tpu.memory_space<vmem>>, vector<10000x1xf32>
    tpu.vector_store %arg9[%swap3A_27, %swap3A_28], %div3A_5 {strides = array<i32>} : memref<10000x1xf32, #tpu.memory_space<vmem>>, vector<10000x1xf32>,
    %reduce_sum3A = arith.constant dense<0.000000e+00> : vector<64xf32>
    %reduce_sum3A_30 = vector.multi_reduction <add>, %max3A_24, %reduce_sum3A [0] : vector<10000x64xf32> to vector<64xf32>
    %broadcast_in_dim3A = vector.shape_cast %reduce_sum3A_30 : vector<64xf32> to vector<1x64xf32>
    %div3A_31 = arith.constant 1.000000e+04 : f32
    %div3A_32 = vector.broadcast %div3A_31 : f32 to vector<1x64xf32>
    %div3A_33 = arith.divf %broadcast_in_dim3A, %div3A_32 : vector<1x64xf32>
    %get3A_34 = arith.constant 0 : index
    %get3A_35 = arith.constant 0 : index
    %get3A_36 = vector.load %arg1[%get3A_34, %get3A_35] : memref<10000x64xf32, #tpu.memory_space<vmem>>, vector<10000x64xf32>
    %reduce_sum3A_37 = arith.constant dense<0.000000e+00> : vector<64xf32>
    %reduce_sum3A_38 = vector.multi_reduction <add>, %get3A_36, %reduce_sum3A_37 [0] : vector<10000x64xf32> to vector<64xf32>
    %broadcast_in_dim3A_39 = vector.shape_cast %reduce_sum3A_38 : vector<64xf32> to vector<1x64xf32>
    %div3A_40 = arith.constant 3.200000e+05 : f32
    %div3A_41 = vector.broadcast %div3A_40 : f32 to vector<1x64xf32>
    %div3A_42 = arith.divf %broadcast_in_dim3A_39, %div3A_41 : vector<1x64xf32>
    %get3A_43 = arith.constant 0 : index
    %get3A_44 = arith.constant 0 : index
    %get3A_45 = vector.load %arg3[%get3A_43, %get3A_44] : memref<1x16xf32, #tpu.memory_space<vmem>>, vector<1x16xf32>
    %concatenate3A = tpu.concatenate %get3A_45, %div3A_33, %div3A_42 in 1 : vector<1x16xf32>, vector<1x64xf32>, vector<1x64xf32> -> vector<1x144xf32>
    %get3A_46 = arith.constant 0 : index
    %get3A_47 = arith.constant 0 : index
    %get3A_48 = vector.load %arg6[%get3A_46, %get3A_47] : memref<144x64xf32, #tpu.memory_space<vmem>>, vector<144x64xf32>
    %dot_general3A_49 = arith.constant dense<0.000000e+00> : vector<1x64xf32>
    %dot_general3A_50 = tpu.matmul %concatenate3A, %get3A_48, %dot_general3A_49 {dimension_numbers = #tpu.dot_dimension_numbers<[1], [0], [0], [1], [0, 0, 1, 1], [], []>, transpose_lhs_hint = false} : vector<1x144xf32>, vector<144x64xf32>, vector<1x64xf32> -> vector<1x64xf32>
    %get3A_51 = arith.constant 0 : index
    %get3A_52 = arith.constant 0 : index
    %get3A_53 = vector.load %arg7[%get3A_51, %get3A_52] : memref<1x64xf32, #tpu.memory_space<vmem>>, vector<1x64xf32>
    %add3A_54 = arith.addf %dot_general3A_50, %get3A_53 : vector<1x64xf32>
    %max3A_55 = arith.constant 0.000000e+00 : f32
    %max3A_56 = vector.broadcast %max3A_55 : f32 to vector<1x64xf32>
    %max3A_57 = arith.maximumf %add3A_54, %max3A_56 : vector<1x64xf32>
    %swap3A_58 = arith.constant 0 : index
    %swap3A_59 = arith.constant 0 : index
    %swap3A_60 = vector.load %arg10[%swap3A_58, %swap3A_59] : memref<1x64xf32, #tpu.memory_space<vmem>>, vector<1x64xf32>
    tpu.vector_store %arg10[%swap3A_58, %swap3A_59], %max3A_57 {strides = array<i32>} : memref<1x64xf32, #tpu.memory_space<vmem>>, vector<1x64xf32>,
    return
  }
}

module attributes {stable_mosaic.version = 14 : i64} {
  func.func @_k_edge_d(%arg0: i32, %arg1: memref<5000x64xf32, #tpu.memory_space<vmem>>, %arg2: memref<5000x64xf32, #tpu.memory_space<vmem>>, %arg3: memref<5000x64xf32, #tpu.memory_space<vmem>>, %arg4: memref<5000x64xf32, #tpu.memory_space<vmem>>, %arg5: memref<256x128xf32, #tpu.memory_space<vmem>>, %arg6: memref<1x128xf32, #tpu.memory_space<vmem>>, %arg7: memref<256x64xf32, #tpu.memory_space<vmem>>, %arg8: memref<1x64xf32, #tpu.memory_space<vmem>>, %arg9: memref<5000x64xf32, #tpu.memory_space<vmem>>) attributes {dimension_semantics = [#tpu.dimension_semantics<arbitrary>], iteration_bounds = array<i64: 64>, scalar_prefetch = 0 : i64, scratch_operands = 0 : i64, tpu.core_type = #tpu.core_type<tc>, window_params = [{transform_indices = @transform_0, window_bounds = array<i64: 5000, 64>}, {transform_indices = @transform_1, window_bounds = array<i64: 5000, 64>}, {transform_indices = @transform_2, window_bounds = array<i64: 5000, 64>}, {transform_indices = @transform_3, window_bounds = array<i64: 5000, 64>}, {pipeline_mode = #tpu.pipeline_mode<synchronous>, transform_indices = @transform_4, window_bounds = array<i64: 256, 128>}, {pipeline_mode = #tpu.pipeline_mode<synchronous>, transform_indices = @transform_5, window_bounds = array<i64: 1, 128>}, {pipeline_mode = #tpu.pipeline_mode<synchronous>, transform_indices = @transform_6, window_bounds = array<i64: 256, 64>}, {pipeline_mode = #tpu.pipeline_mode<synchronous>, transform_indices = @transform_7, window_bounds = array<i64: 1, 64>}, {transform_indices = @transform_8, window_bounds = array<i64: 5000, 64>}]} {
    %get3A = arith.constant 0 : index
    %get3A_0 = arith.constant 0 : index
    %get3A_1 = vector.load %arg1[%get3A, %get3A_0] : memref<5000x64xf32, #tpu.memory_space<vmem>>, vector<5000x64xf32>
    %get3A_2 = arith.constant 0 : index
    %get3A_3 = arith.constant 0 : index
    %get3A_4 = vector.load %arg2[%get3A_2, %get3A_3] : memref<5000x64xf32, #tpu.memory_space<vmem>>, vector<5000x64xf32>
    %get3A_5 = arith.constant 0 : index
    %get3A_6 = arith.constant 0 : index
    %get3A_7 = vector.load %arg3[%get3A_5, %get3A_6] : memref<5000x64xf32, #tpu.memory_space<vmem>>, vector<5000x64xf32>
    %get3A_8 = arith.constant 0 : index
    %get3A_9 = arith.constant 0 : index
    %get3A_10 = vector.load %arg4[%get3A_8, %get3A_9] : memref<5000x64xf32, #tpu.memory_space<vmem>>, vector<5000x64xf32>
    %concatenate3A = tpu.concatenate %get3A_1, %get3A_4, %get3A_7, %get3A_10 in 1 : vector<5000x64xf32>, vector<5000x64xf32>, vector<5000x64xf32>, vector<5000x64xf32> -> vector<5000x256xf32>
    %get3A_11 = arith.constant 0 : index
    %get3A_12 = arith.constant 0 : index
    %get3A_13 = vector.load %arg5[%get3A_11, %get3A_12] : memref<256x128xf32, #tpu.memory_space<vmem>>, vector<256x128xf32>
    %dot_general3A = arith.constant dense<0.000000e+00> : vector<5000x128xf32>
    %dot_general3A_14 = tpu.matmul %concatenate3A, %get3A_13, %dot_general3A {dimension_numbers = #tpu.dot_dimension_numbers<[1], [0], [0], [1], [0, 0, 1, 1], [], []>, transpose_lhs_hint = false} : vector<5000x256xf32>, vector<256x128xf32>, vector<5000x128xf32> -> vector<5000x128xf32>
    %get3A_15 = arith.constant 0 : index
    %get3A_16 = arith.constant 0 : index
    %get3A_17 = vector.load %arg6[%get3A_15, %get3A_16] : memref<1x128xf32, #tpu.memory_space<vmem>>, vector<1x128xf32>
    %add3A = vector.broadcast %get3A_17 : vector<1x128xf32> to vector<5000x128xf32>
    %add3A_18 = arith.addf %dot_general3A_14, %add3A : vector<5000x128xf32>
    %logistic3A = arith.negf %add3A_18 : vector<5000x128xf32>
    %logistic3A_19 = math.exp %logistic3A : vector<5000x128xf32>
    %logistic3A_20 = arith.constant 1.000000e+00 : f32
    %logistic3A_21 = vector.broadcast %logistic3A_20 : f32 to vector<5000x128xf32>
    %logistic3A_22 = arith.addf %logistic3A_21, %logistic3A_19 : vector<5000x128xf32>
    %logistic3A_23 = arith.divf %logistic3A_21, %logistic3A_22 : vector<5000x128xf32>
    %slice3A = vector.extract_strided_slice %logistic3A_23 {offsets = [0, 0], sizes = [5000, 64], strides = [1, 1]} : vector<5000x128xf32> to vector<5000x64xf32>
    %slice3A_24 = vector.extract_strided_slice %logistic3A_23 {offsets = [0, 64], sizes = [5000, 64], strides = [1, 1]} : vector<5000x128xf32> to vector<5000x64xf32>
    %mul3A = arith.mulf %slice3A_24, %get3A_10 : vector<5000x64xf32>
    %concatenate3A_25 = tpu.concatenate %get3A_1, %get3A_4, %get3A_7, %mul3A in 1 : vector<5000x64xf32>, vector<5000x64xf32>, vector<5000x64xf32>, vector<5000x64xf32> -> vector<5000x256xf32>
    %get3A_26 = arith.constant 0 : index
    %get3A_27 = arith.constant 0 : index
    %get3A_28 = vector.load %arg7[%get3A_26, %get3A_27] : memref<256x64xf32, #tpu.memory_space<vmem>>, vector<256x64xf32>
    %dot_general3A_29 = arith.constant dense<0.000000e+00> : vector<5000x64xf32>
    %dot_general3A_30 = tpu.matmul %concatenate3A_25, %get3A_28, %dot_general3A_29 {dimension_numbers = #tpu.dot_dimension_numbers<[1], [0], [0], [1], [0, 0, 1, 1], [], []>, transpose_lhs_hint = false} : vector<5000x256xf32>, vector<256x64xf32>, vector<5000x64xf32> -> vector<5000x64xf32>
    %get3A_31 = arith.constant 0 : index
    %get3A_32 = arith.constant 0 : index
    %get3A_33 = vector.load %arg8[%get3A_31, %get3A_32] : memref<1x64xf32, #tpu.memory_space<vmem>>, vector<1x64xf32>
    %add3A_34 = vector.broadcast %get3A_33 : vector<1x64xf32> to vector<5000x64xf32>
    %add3A_35 = arith.addf %dot_general3A_30, %add3A_34 : vector<5000x64xf32>
    %tanh3A = math.tanh %add3A_35 : vector<5000x64xf32>
    %sub3A = arith.constant 1.000000e+00 : f32
    %sub3A_36 = vector.broadcast %sub3A : f32 to vector<5000x64xf32>
    %sub3A_37 = arith.subf %sub3A_36, %slice3A : vector<5000x64xf32>
    %mul3A_38 = arith.mulf %sub3A_37, %get3A_10 : vector<5000x64xf32>
    %mul3A_39 = arith.mulf %slice3A, %tanh3A : vector<5000x64xf32>
    %add3A_40 = arith.addf %mul3A_38, %mul3A_39 : vector<5000x64xf32>
    %swap3A = arith.constant 0 : index
    %swap3A_41 = arith.constant 0 : index
    %swap3A_42 = vector.load %arg9[%swap3A, %swap3A_41] : memref<5000x64xf32, #tpu.memory_space<vmem>>, vector<5000x64xf32>
    tpu.vector_store %arg9[%swap3A, %swap3A_41], %add3A_40 {strides = array<i32>} : memref<5000x64xf32, #tpu.memory_space<vmem>>, vector<5000x64xf32>,
    return
  }
  func.func @transform_0(%arg0: i32) -> (i32, i32) {
    %c0_i32 = arith.constant 0 : i32
    %c0_i32_0 = arith.constant 0 : i32
    return %arg0, %c0_i32 : i32, i32
  }
  func.func @transform_1(%arg0: i32) -> (i32, i32) {
    %c0_i32 = arith.constant 0 : i32
    %c0_i32_0 = arith.constant 0 : i32
    return %arg0, %c0_i32 : i32, i32
  }
  func.func @transform_2(%arg0: i32) -> (i32, i32) {
    %c0_i32 = arith.constant 0 : i32
    %c0_i32_0 = arith.constant 0 : i32
    return %arg0, %c0_i32 : i32, i32
  }
  func.func @transform_3(%arg0: i32) -> (i32, i32) {
    %c0_i32 = arith.constant 0 : i32
    %c0_i32_0 = arith.constant 0 : i32
    return %arg0, %c0_i32 : i32, i32
  }
  func.func @transform_4(%arg0: i32) -> (i32, i32) {
    %c0_i32 = arith.constant 0 : i32
    %c0_i32_0 = arith.constant 0 : i32
    %c0_i32_1 = arith.constant 0 : i32
    return %c0_i32, %c0_i32_0 : i32, i32
  }
  func.func @transform_5(%arg0: i32) -> (i32, i32) {
    %c0_i32 = arith.constant 0 : i32
    %c0_i32_0 = arith.constant 0 : i32
    %c0_i32_1 = arith.constant 0 : i32
    return %c0_i32, %c0_i32_0 : i32, i32
  }
  func.func @transform_6(%arg0: i32) -> (i32, i32) {
    %c0_i32 = arith.constant 0 : i32
    %c0_i32_0 = arith.constant 0 : i32
    %c0_i32_1 = arith.constant 0 : i32
    return %c0_i32, %c0_i32_0 : i32, i32
  }
  func.func @transform_7(%arg0: i32) -> (i32, i32) {
    %c0_i32 = arith.constant 0 : i32
    %c0_i32_0 = arith.constant 0 : i32
    %c0_i32_1 = arith.constant 0 : i32
    return %c0_i32, %c0_i32_0 : i32, i32
  }
  func.func @transform_8(%arg0: i32) -> (i32, i32) {
    %c0_i32 = arith.constant 0 : i32
    %c0_i32_0 = arith.constant 0 : i32
    return %arg0, %c0_i32 : i32, i32
  }
}

module attributes {stable_mosaic.version = 14 : i64} {
  func.func @_k_node_d(%arg0: memref<10000x64xf32, #tpu.memory_space<vmem>>, %arg1: memref<10000x64xf32, #tpu.memory_space<vmem>>, %arg2: memref<10000x1xf32, #tpu.memory_space<vmem>>, %arg3: memref<10000x64xf32, #tpu.memory_space<vmem>>, %arg4: memref<1x64xf32, #tpu.memory_space<vmem>>, %arg5: memref<1x64xf32, #tpu.memory_space<vmem>>, %arg6: memref<192x128xf32, #tpu.memory_space<vmem>>, %arg7: memref<1x128xf32, #tpu.memory_space<vmem>>, %arg8: memref<192x64xf32, #tpu.memory_space<vmem>>, %arg9: memref<1x64xf32, #tpu.memory_space<vmem>>, %arg10: memref<256x128xf32, #tpu.memory_space<vmem>>, %arg11: memref<1x128xf32, #tpu.memory_space<vmem>>, %arg12: memref<256x64xf32, #tpu.memory_space<vmem>>, %arg13: memref<1x64xf32, #tpu.memory_space<vmem>>, %arg14: memref<64x128xf32, #tpu.memory_space<vmem>>, %arg15: memref<10000x64xf32, #tpu.memory_space<vmem>>, %arg16: memref<10000x128xf32, #tpu.memory_space<vmem>>, %arg17: memref<1x64xf32, #tpu.memory_space<vmem>>) attributes {dimension_semantics = [], scalar_prefetch = 0 : i64, scratch_operands = 0 : i64, tpu.core_type = #tpu.core_type<tc>} {
    %get3A = arith.constant 0 : index
    %get3A_0 = arith.constant 0 : index
    %get3A_1 = vector.load %arg0[%get3A, %get3A_0] : memref<10000x64xf32, #tpu.memory_space<vmem>>, vector<10000x64xf32>
    %get3A_2 = arith.constant 0 : index
    %get3A_3 = arith.constant 0 : index
    %get3A_4 = vector.load %arg3[%get3A_2, %get3A_3] : memref<10000x64xf32, #tpu.memory_space<vmem>>, vector<10000x64xf32>
    %get3A_5 = arith.constant 0 : index
    %get3A_6 = arith.constant 0 : index
    %get3A_7 = vector.load %arg1[%get3A_5, %get3A_6] : memref<10000x64xf32, #tpu.memory_space<vmem>>, vector<10000x64xf32>
    %get3A_8 = arith.constant 0 : index
    %get3A_9 = arith.constant 0 : index
    %get3A_10 = vector.load %arg2[%get3A_8, %get3A_9] : memref<10000x1xf32, #tpu.memory_space<vmem>>, vector<10000x1xf32>
    %mul3A = vector.broadcast %get3A_10 : vector<10000x1xf32> to vector<10000x64xf32>
    %mul3A_11 = arith.mulf %get3A_7, %mul3A : vector<10000x64xf32>
    %concatenate3A = tpu.concatenate %get3A_1, %mul3A_11, %get3A_4 in 1 : vector<10000x64xf32>, vector<10000x64xf32>, vector<10000x64xf32> -> vector<10000x192xf32>
    %get3A_12 = arith.constant 0 : index
    %get3A_13 = arith.constant 0 : index
    %get3A_14 = vector.load %arg6[%get3A_12, %get3A_13] : memref<192x128xf32, #tpu.memory_space<vmem>>, vector<192x128xf32>
    %dot_general3A = arith.constant dense<0.000000e+00> : vector<10000x128xf32>
    %dot_general3A_15 = tpu.matmul %concatenate3A, %get3A_14, %dot_general3A {dimension_numbers = #tpu.dot_dimension_numbers<[1], [0], [0], [1], [0, 0, 1, 1], [], []>, transpose_lhs_hint = false} : vector<10000x192xf32>, vector<192x128xf32>, vector<10000x128xf32> -> vector<10000x128xf32>
    %get3A_16 = arith.constant 0 : index
    %get3A_17 = arith.constant 0 : index
    %get3A_18 = vector.load %arg7[%get3A_16, %get3A_17] : memref<1x128xf32, #tpu.memory_space<vmem>>, vector<1x128xf32>
    %add3A = vector.broadcast %get3A_18 : vector<1x128xf32> to vector<10000x128xf32>
    %add3A_19 = arith.addf %dot_general3A_15, %add3A : vector<10000x128xf32>
    %logistic3A = arith.negf %add3A_19 : vector<10000x128xf32>
    %logistic3A_20 = math.exp %logistic3A : vector<10000x128xf32>
    %logistic3A_21 = arith.constant 1.000000e+00 : f32
    %logistic3A_22 = vector.broadcast %logistic3A_21 : f32 to vector<10000x128xf32>
    %logistic3A_23 = arith.addf %logistic3A_22, %logistic3A_20 : vector<10000x128xf32>
    %logistic3A_24 = arith.divf %logistic3A_22, %logistic3A_23 : vector<10000x128xf32>
    %slice3A = vector.extract_strided_slice %logistic3A_24 {offsets = [0, 0], sizes = [10000, 64], strides = [1, 1]} : vector<10000x128xf32> to vector<10000x64xf32>
    %slice3A_25 = vector.extract_strided_slice %logistic3A_24 {offsets = [0, 64], sizes = [10000, 64], strides = [1, 1]} : vector<10000x128xf32> to vector<10000x64xf32>
    %mul3A_26 = arith.mulf %slice3A_25, %get3A_4 : vector<10000x64xf32>
    %concatenate3A_27 = tpu.concatenate %get3A_1, %mul3A_11, %mul3A_26 in 1 : vector<10000x64xf32>, vector<10000x64xf32>, vector<10000x64xf32> -> vector<10000x192xf32>
    %get3A_28 = arith.constant 0 : index
    %get3A_29 = arith.constant 0 : index
    %get3A_30 = vector.load %arg8[%get3A_28, %get3A_29] : memref<192x64xf32, #tpu.memory_space<vmem>>, vector<192x64xf32>
    %dot_general3A_31 = arith.constant dense<0.000000e+00> : vector<10000x64xf32>
    %dot_general3A_32 = tpu.matmul %concatenate3A_27, %get3A_30, %dot_general3A_31 {dimension_numbers = #tpu.dot_dimension_numbers<[1], [0], [0], [1], [0, 0, 1, 1], [], []>, transpose_lhs_hint = false} : vector<10000x192xf32>, vector<192x64xf32>, vector<10000x64xf32> -> vector<10000x64xf32>
    %get3A_33 = arith.constant 0 : index
    %get3A_34 = arith.constant 0 : index
    %get3A_35 = vector.load %arg9[%get3A_33, %get3A_34] : memref<1x64xf32, #tpu.memory_space<vmem>>, vector<1x64xf32>
    %add3A_36 = vector.broadcast %get3A_35 : vector<1x64xf32> to vector<10000x64xf32>
    %add3A_37 = arith.addf %dot_general3A_32, %add3A_36 : vector<10000x64xf32>
    %tanh3A = math.tanh %add3A_37 : vector<10000x64xf32>
    %sub3A = arith.constant 1.000000e+00 : f32
    %sub3A_38 = vector.broadcast %sub3A : f32 to vector<10000x64xf32>
    %sub3A_39 = arith.subf %sub3A_38, %slice3A : vector<10000x64xf32>
    %mul3A_40 = arith.mulf %sub3A_39, %get3A_4 : vector<10000x64xf32>
    %mul3A_41 = arith.mulf %slice3A, %tanh3A : vector<10000x64xf32>
    %add3A_42 = arith.addf %mul3A_40, %mul3A_41 : vector<10000x64xf32>
    %swap3A = arith.constant 0 : index
    %swap3A_43 = arith.constant 0 : index
    %swap3A_44 = vector.load %arg15[%swap3A, %swap3A_43] : memref<10000x64xf32, #tpu.memory_space<vmem>>, vector<10000x64xf32>
    tpu.vector_store %arg15[%swap3A, %swap3A_43], %add3A_42 {strides = array<i32>} : memref<10000x64xf32, #tpu.memory_space<vmem>>, vector<10000x64xf32>,
    %get3A_45 = arith.constant 0 : index
    %get3A_46 = arith.constant 0 : index
    %get3A_47 = vector.load %arg14[%get3A_45, %get3A_46] : memref<64x128xf32, #tpu.memory_space<vmem>>, vector<64x128xf32>
    %dot_general3A_48 = arith.constant dense<0.000000e+00> : vector<10000x128xf32>
    %dot_general3A_49 = tpu.matmul %add3A_42, %get3A_47, %dot_general3A_48 {dimension_numbers = #tpu.dot_dimension_numbers<[1], [0], [0], [1], [0, 0, 1, 1], [], []>, transpose_lhs_hint = false} : vector<10000x64xf32>, vector<64x128xf32>, vector<10000x128xf32> -> vector<10000x128xf32>
    %swap3A_50 = arith.constant 0 : index
    %swap3A_51 = arith.constant 0 : index
    %swap3A_52 = vector.load %arg16[%swap3A_50, %swap3A_51] : memref<10000x128xf32, #tpu.memory_space<vmem>>, vector<10000x128xf32>
    tpu.vector_store %arg16[%swap3A_50, %swap3A_51], %dot_general3A_49 {strides = array<i32>} : memref<10000x128xf32, #tpu.memory_space<vmem>>, vector<10000x128xf32>,
    %reduce_sum3A = arith.constant dense<0.000000e+00> : vector<64xf32>
    %reduce_sum3A_53 = vector.multi_reduction <add>, %add3A_42, %reduce_sum3A [0] : vector<10000x64xf32> to vector<64xf32>
    %broadcast_in_dim3A = vector.shape_cast %reduce_sum3A_53 : vector<64xf32> to vector<1x64xf32>
    %div3A = arith.constant 1.000000e+04 : f32
    %div3A_54 = vector.broadcast %div3A : f32 to vector<1x64xf32>
    %div3A_55 = arith.divf %broadcast_in_dim3A, %div3A_54 : vector<1x64xf32>
    %get3A_56 = arith.constant 0 : index
    %get3A_57 = arith.constant 0 : index
    %get3A_58 = vector.load %arg1[%get3A_56, %get3A_57] : memref<10000x64xf32, #tpu.memory_space<vmem>>, vector<10000x64xf32>
    %reduce_sum3A_59 = arith.constant dense<0.000000e+00> : vector<64xf32>
    %reduce_sum3A_60 = vector.multi_reduction <add>, %get3A_58, %reduce_sum3A_59 [0] : vector<10000x64xf32> to vector<64xf32>
    %broadcast_in_dim3A_61 = vector.shape_cast %reduce_sum3A_60 : vector<64xf32> to vector<1x64xf32>
    %div3A_62 = arith.constant 3.200000e+05 : f32
    %div3A_63 = vector.broadcast %div3A_62 : f32 to vector<1x64xf32>
    %div3A_64 = arith.divf %broadcast_in_dim3A_61, %div3A_63 : vector<1x64xf32>
    %get3A_65 = arith.constant 0 : index
    %get3A_66 = arith.constant 0 : index
    %get3A_67 = vector.load %arg5[%get3A_65, %get3A_66] : memref<1x64xf32, #tpu.memory_space<vmem>>, vector<1x64xf32>
    %get3A_68 = arith.constant 0 : index
    %get3A_69 = arith.constant 0 : index
    %get3A_70 = vector.load %arg4[%get3A_68, %get3A_69] : memref<1x64xf32, #tpu.memory_space<vmem>>, vector<1x64xf32>
    %concatenate3A_71 = tpu.concatenate %get3A_70, %div3A_55, %div3A_64, %get3A_67 in 1 : vector<1x64xf32>, vector<1x64xf32>, vector<1x64xf32>, vector<1x64xf32> -> vector<1x256xf32>
    %get3A_72 = arith.constant 0 : index
    %get3A_73 = arith.constant 0 : index
    %get3A_74 = vector.load %arg10[%get3A_72, %get3A_73] : memref<256x128xf32, #tpu.memory_space<vmem>>, vector<256x128xf32>
    %dot_general3A_75 = arith.constant dense<0.000000e+00> : vector<1x128xf32>
    %dot_general3A_76 = tpu.matmul %concatenate3A_71, %get3A_74, %dot_general3A_75 {dimension_numbers = #tpu.dot_dimension_numbers<[1], [0], [0], [1], [0, 0, 1, 1], [], []>, transpose_lhs_hint = false} : vector<1x256xf32>, vector<256x128xf32>, vector<1x128xf32> -> vector<1x128xf32>
    %get3A_77 = arith.constant 0 : index
    %get3A_78 = arith.constant 0 : index
    %get3A_79 = vector.load %arg11[%get3A_77, %get3A_78] : memref<1x128xf32, #tpu.memory_space<vmem>>, vector<1x128xf32>
    %add3A_80 = arith.addf %dot_general3A_76, %get3A_79 : vector<1x128xf32>
    %logistic3A_81 = arith.negf %add3A_80 : vector<1x128xf32>
    %logistic3A_82 = math.exp %logistic3A_81 : vector<1x128xf32>
    %logistic3A_83 = arith.constant 1.000000e+00 : f32
    %logistic3A_84 = vector.broadcast %logistic3A_83 : f32 to vector<1x128xf32>
    %logistic3A_85 = arith.addf %logistic3A_84, %logistic3A_82 : vector<1x128xf32>
    %logistic3A_86 = arith.divf %logistic3A_84, %logistic3A_85 : vector<1x128xf32>
    %slice3A_87 = vector.extract_strided_slice %logistic3A_86 {offsets = [0, 0], sizes = [1, 64], strides = [1, 1]} : vector<1x128xf32> to vector<1x64xf32>
    %slice3A_88 = vector.extract_strided_slice %logistic3A_86 {offsets = [0, 64], sizes = [1, 64], strides = [1, 1]} : vector<1x128xf32> to vector<1x64xf32>
    %get3A_89 = arith.constant 0 : index
    %get3A_90 = arith.constant 0 : index
    %get3A_91 = vector.load %arg4[%get3A_89, %get3A_90] : memref<1x64xf32, #tpu.memory_space<vmem>>, vector<1x64xf32>
    %mul3A_92 = arith.mulf %slice3A_88, %get3A_67 : vector<1x64xf32>
    %concatenate3A_93 = tpu.concatenate %get3A_91, %div3A_55, %div3A_64, %mul3A_92 in 1 : vector<1x64xf32>, vector<1x64xf32>, vector<1x64xf32>, vector<1x64xf32> -> vector<1x256xf32>
    %get3A_94 = arith.constant 0 : index
    %get3A_95 = arith.constant 0 : index
    %get3A_96 = vector.load %arg12[%get3A_94, %get3A_95] : memref<256x64xf32, #tpu.memory_space<vmem>>, vector<256x64xf32>
    %dot_general3A_97 = arith.constant dense<0.000000e+00> : vector<1x64xf32>
    %dot_general3A_98 = tpu.matmul %concatenate3A_93, %get3A_96, %dot_general3A_97 {dimension_numbers = #tpu.dot_dimension_numbers<[1], [0], [0], [1], [0, 0, 1, 1], [], []>, transpose_lhs_hint = false} : vector<1x256xf32>, vector<256x64xf32>, vector<1x64xf32> -> vector<1x64xf32>
    %get3A_99 = arith.constant 0 : index
    %get3A_100 = arith.constant 0 : index
    %get3A_101 = vector.load %arg13[%get3A_99, %get3A_100] : memref<1x64xf32, #tpu.memory_space<vmem>>, vector<1x64xf32>
    %add3A_102 = arith.addf %dot_general3A_98, %get3A_101 : vector<1x64xf32>
    %tanh3A_103 = math.tanh %add3A_102 : vector<1x64xf32>
    %sub3A_104 = arith.constant 1.000000e+00 : f32
    %sub3A_105 = vector.broadcast %sub3A_104 : f32 to vector<1x64xf32>
    %sub3A_106 = arith.subf %sub3A_105, %slice3A_87 : vector<1x64xf32>
    %mul3A_107 = arith.mulf %sub3A_106, %get3A_67 : vector<1x64xf32>
    %mul3A_108 = arith.mulf %slice3A_87, %tanh3A_103 : vector<1x64xf32>
    %add3A_109 = arith.addf %mul3A_107, %mul3A_108 : vector<1x64xf32>
    %swap3A_110 = arith.constant 0 : index
    %swap3A_111 = arith.constant 0 : index
    %swap3A_112 = vector.load %arg17[%swap3A_110, %swap3A_111] : memref<1x64xf32, #tpu.memory_space<vmem>>, vector<1x64xf32>
    tpu.vector_store %arg17[%swap3A_110, %swap3A_111], %add3A_109 {strides = array<i32>} : memref<1x64xf32, #tpu.memory_space<vmem>>, vector<1x64xf32>,
    return
  }
}

module attributes {stable_mosaic.version = 14 : i64} {
  func.func @_k_edge_f(%arg0: i32, %arg1: memref<5000x64xf32, #tpu.memory_space<vmem>>, %arg2: memref<5000x64xf32, #tpu.memory_space<vmem>>, %arg3: memref<5000x64xf32, #tpu.memory_space<vmem>>, %arg4: memref<64x64xf32, #tpu.memory_space<vmem>>, %arg5: memref<1x64xf32, #tpu.memory_space<vmem>>, %arg6: memref<32x1xf32, #tpu.memory_space<vmem>>, %arg7: memref<1x1xf32, #tpu.memory_space<vmem>>, %arg8: memref<5000x32xf32, #tpu.memory_space<vmem>>, %arg9: memref<5000x32xf32, #tpu.memory_space<vmem>>, %arg10: memref<5000x1xf32, #tpu.memory_space<vmem>>) attributes {dimension_semantics = [#tpu.dimension_semantics<arbitrary>], iteration_bounds = array<i64: 64>, scalar_prefetch = 0 : i64, scratch_operands = 0 : i64, tpu.core_type = #tpu.core_type<tc>, window_params = [{transform_indices = @transform_0, window_bounds = array<i64: 5000, 64>}, {transform_indices = @transform_1, window_bounds = array<i64: 5000, 64>}, {transform_indices = @transform_2, window_bounds = array<i64: 5000, 64>}, {pipeline_mode = #tpu.pipeline_mode<synchronous>, transform_indices = @transform_3, window_bounds = array<i64: 64, 64>}, {pipeline_mode = #tpu.pipeline_mode<synchronous>, transform_indices = @transform_4, window_bounds = array<i64: 1, 64>}, {pipeline_mode = #tpu.pipeline_mode<synchronous>, transform_indices = @transform_5, window_bounds = array<i64: 32, 1>}, {pipeline_mode = #tpu.pipeline_mode<synchronous>, transform_indices = @transform_6, window_bounds = array<i64: 1, 1>}, {transform_indices = @transform_7, window_bounds = array<i64: 5000, 32>}, {transform_indices = @transform_8, window_bounds = array<i64: 5000, 32>}, {transform_indices = @transform_9, window_bounds = array<i64: 5000, 1>}]} {
    %get3A = arith.constant 0 : index
    %get3A_0 = arith.constant 0 : index
    %get3A_1 = vector.load %arg1[%get3A, %get3A_0] : memref<5000x64xf32, #tpu.memory_space<vmem>>, vector<5000x64xf32>
    %get3A_2 = arith.constant 0 : index
    %get3A_3 = arith.constant 0 : index
    %get3A_4 = vector.load %arg2[%get3A_2, %get3A_3] : memref<5000x64xf32, #tpu.memory_space<vmem>>, vector<5000x64xf32>
    %add3A = arith.addf %get3A_1, %get3A_4 : vector<5000x64xf32>
    %get3A_5 = arith.constant 0 : index
    %get3A_6 = arith.constant 0 : index
    %get3A_7 = vector.load %arg5[%get3A_5, %get3A_6] : memref<1x64xf32, #tpu.memory_space<vmem>>, vector<1x64xf32>
    %add3A_8 = vector.broadcast %get3A_7 : vector<1x64xf32> to vector<5000x64xf32>
    %add3A_9 = arith.addf %add3A, %add3A_8 : vector<5000x64xf32>
    %get3A_10 = arith.constant 0 : index
    %get3A_11 = arith.constant 0 : index
    %get3A_12 = vector.load %arg3[%get3A_10, %get3A_11] : memref<5000x64xf32, #tpu.memory_space<vmem>>, vector<5000x64xf32>
    %get3A_13 = arith.constant 0 : index
    %get3A_14 = arith.constant 0 : index
    %get3A_15 = vector.load %arg4[%get3A_13, %get3A_14] : memref<64x64xf32, #tpu.memory_space<vmem>>, vector<64x64xf32>
    %dot_general3A = arith.constant dense<0.000000e+00> : vector<5000x64xf32>
    %dot_general3A_16 = tpu.matmul %get3A_12, %get3A_15, %dot_general3A {dimension_numbers = #tpu.dot_dimension_numbers<[1], [0], [0], [1], [0, 0, 1, 1], [], []>, transpose_lhs_hint = false} : vector<5000x64xf32>, vector<64x64xf32>, vector<5000x64xf32> -> vector<5000x64xf32>
    %add3A_17 = arith.addf %add3A_9, %dot_general3A_16 : vector<5000x64xf32>
    %slice3A = vector.extract_strided_slice %add3A_17 {offsets = [0, 0], sizes = [5000, 32], strides = [1, 1]} : vector<5000x64xf32> to vector<5000x32xf32>
    %swap3A = arith.constant 0 : index
    %swap3A_18 = arith.constant 0 : index
    %swap3A_19 = vector.load %arg8[%swap3A, %swap3A_18] : memref<5000x32xf32, #tpu.memory_space<vmem>>, vector<5000x32xf32>
    tpu.vector_store %arg8[%swap3A, %swap3A_18], %slice3A {strides = array<i32>} : memref<5000x32xf32, #tpu.memory_space<vmem>>, vector<5000x32xf32>,
    %slice3A_20 = vector.extract_strided_slice %add3A_17 {offsets = [0, 32], sizes = [5000, 32], strides = [1, 1]} : vector<5000x64xf32> to vector<5000x32xf32>
    %custom_jvp_call3A = arith.constant 0.000000e+00 : f32
    %max3A = vector.broadcast %custom_jvp_call3A : f32 to vector<5000x32xf32>
    %max3A_21 = arith.maximumf %slice3A_20, %max3A : vector<5000x32xf32>
    %sub3A = vector.broadcast %custom_jvp_call3A : f32 to vector<5000x32xf32>
    %sub3A_22 = arith.subf %slice3A_20, %sub3A : vector<5000x32xf32>
    %ne3A = arith.cmpf one, %sub3A_22, %sub3A_22 : vector<5000x32xf32>
    %add3A_23 = vector.broadcast %custom_jvp_call3A : f32 to vector<5000x32xf32>
    %add3A_24 = arith.addf %slice3A_20, %add3A_23 : vector<5000x32xf32>
    %abs3A = math.absf %sub3A_22 : vector<5000x32xf32>
    %neg3A = arith.constant 0.000000e+00 : f32
    %neg3A_25 = vector.broadcast %neg3A : f32 to vector<5000x32xf32>
    %neg3A_26 = arith.subf %neg3A_25, %abs3A : vector<5000x32xf32>
    %exp3A = math.exp %neg3A_26 : vector<5000x32xf32>
    %log1p3A = math.log1p %exp3A : vector<5000x32xf32>
    %add3A_27 = arith.addf %max3A_21, %log1p3A : vector<5000x32xf32>
    %select_n3A = arith.select %ne3A, %add3A_24, %add3A_27 : vector<5000x32xi1>, vector<5000x32xf32>
    %swap3A_28 = arith.constant 0 : index
    %swap3A_29 = arith.constant 0 : index
    %swap3A_30 = vector.load %arg9[%swap3A_28, %swap3A_29] : memref<5000x32xf32, #tpu.memory_space<vmem>>, vector<5000x32xf32>
    tpu.vector_store %arg9[%swap3A_28, %swap3A_29], %select_n3A {strides = array<i32>} : memref<5000x32xf32, #tpu.memory_space<vmem>>, vector<5000x32xf32>,
    %get3A_31 = arith.constant 0 : index
    %get3A_32 = arith.constant 0 : index
    %get3A_33 = vector.load %arg6[%get3A_31, %get3A_32] : memref<32x1xf32, #tpu.memory_space<vmem>>, vector<32x1xf32>
    %dot_general3A_34 = arith.constant dense<0.000000e+00> : vector<5000x1xf32>
    %dot_general3A_35 = tpu.matmul %slice3A, %get3A_33, %dot_general3A_34 {dimension_numbers = #tpu.dot_dimension_numbers<[1], [0], [0], [1], [0, 0, 1, 1], [], []>, transpose_lhs_hint = false} : vector<5000x32xf32>, vector<32x1xf32>, vector<5000x1xf32> -> vector<5000x1xf32>
    %get3A_36 = arith.constant 0 : index
    %get3A_37 = arith.constant 0 : index
    %get3A_38 = vector.load %arg7[%get3A_36, %get3A_37] : memref<1x1xf32, #tpu.memory_space<vmem>>, vector<1x1xf32>
    %add3A_39 = vector.broadcast %get3A_38 : vector<1x1xf32> to vector<5000x1xf32>
    %add3A_40 = arith.addf %dot_general3A_35, %add3A_39 : vector<5000x1xf32>
    %logistic3A = arith.negf %add3A_40 : vector<5000x1xf32>
    %logistic3A_41 = math.exp %logistic3A : vector<5000x1xf32>
    %logistic3A_42 = arith.constant 1.000000e+00 : f32
    %logistic3A_43 = vector.broadcast %logistic3A_42 : f32 to vector<5000x1xf32>
    %logistic3A_44 = arith.addf %logistic3A_43, %logistic3A_41 : vector<5000x1xf32>
    %logistic3A_45 = arith.divf %logistic3A_43, %logistic3A_44 : vector<5000x1xf32>
    %swap3A_46 = arith.constant 0 : index
    %swap3A_47 = arith.constant 0 : index
    %swap3A_48 = vector.load %arg10[%swap3A_46, %swap3A_47] : memref<5000x1xf32, #tpu.memory_space<vmem>>, vector<5000x1xf32>
    tpu.vector_store %arg10[%swap3A_46, %swap3A_47], %logistic3A_45 {strides = array<i32>} : memref<5000x1xf32, #tpu.memory_space<vmem>>, vector<5000x1xf32>,
    return
  }
  func.func @transform_0(%arg0: i32) -> (i32, i32) {
    %c0_i32 = arith.constant 0 : i32
    %c0_i32_0 = arith.constant 0 : i32
    return %arg0, %c0_i32 : i32, i32
  }
  func.func @transform_1(%arg0: i32) -> (i32, i32) {
    %c0_i32 = arith.constant 0 : i32
    %c0_i32_0 = arith.constant 0 : i32
    return %arg0, %c0_i32 : i32, i32
  }
  func.func @transform_2(%arg0: i32) -> (i32, i32) {
    %c0_i32 = arith.constant 0 : i32
    %c0_i32_0 = arith.constant 0 : i32
    return %arg0, %c0_i32 : i32, i32
  }
  func.func @transform_3(%arg0: i32) -> (i32, i32) {
    %c0_i32 = arith.constant 0 : i32
    %c0_i32_0 = arith.constant 0 : i32
    %c0_i32_1 = arith.constant 0 : i32
    return %c0_i32, %c0_i32_0 : i32, i32
  }
  func.func @transform_4(%arg0: i32) -> (i32, i32) {
    %c0_i32 = arith.constant 0 : i32
    %c0_i32_0 = arith.constant 0 : i32
    %c0_i32_1 = arith.constant 0 : i32
    return %c0_i32, %c0_i32_0 : i32, i32
  }
  func.func @transform_5(%arg0: i32) -> (i32, i32) {
    %c0_i32 = arith.constant 0 : i32
    %c0_i32_0 = arith.constant 0 : i32
    %c0_i32_1 = arith.constant 0 : i32
    return %c0_i32, %c0_i32_0 : i32, i32
  }
  func.func @transform_6(%arg0: i32) -> (i32, i32) {
    %c0_i32 = arith.constant 0 : i32
    %c0_i32_0 = arith.constant 0 : i32
    %c0_i32_1 = arith.constant 0 : i32
    return %c0_i32, %c0_i32_0 : i32, i32
  }
  func.func @transform_7(%arg0: i32) -> (i32, i32) {
    %c0_i32 = arith.constant 0 : i32
    %c0_i32_0 = arith.constant 0 : i32
    return %arg0, %c0_i32 : i32, i32
  }
  func.func @transform_8(%arg0: i32) -> (i32, i32) {
    %c0_i32 = arith.constant 0 : i32
    %c0_i32_0 = arith.constant 0 : i32
    return %arg0, %c0_i32 : i32, i32
  }
  func.func @transform_9(%arg0: i32) -> (i32, i32) {
    %c0_i32 = arith.constant 0 : i32
    %c0_i32_0 = arith.constant 0 : i32
    return %arg0, %c0_i32 : i32, i32
  }
}

module attributes {stable_mosaic.version = 14 : i64} {
  func.func @_k_node_f(%arg0: memref<10000x64xf32, #tpu.memory_space<vmem>>, %arg1: memref<10000x32xf32, #tpu.memory_space<vmem>>, %arg2: memref<10000x1xf32, #tpu.memory_space<vmem>>, %arg3: memref<96x64xf32, #tpu.memory_space<vmem>>, %arg4: memref<1x64xf32, #tpu.memory_space<vmem>>, %arg5: memref<32x1xf32, #tpu.memory_space<vmem>>, %arg6: memref<1x1xf32, #tpu.memory_space<vmem>>, %arg7: memref<10000x32xf32, #tpu.memory_space<vmem>>, %arg8: memref<10000x32xf32, #tpu.memory_space<vmem>>, %arg9: memref<10000x1xf32, #tpu.memory_space<vmem>>) attributes {dimension_semantics = [], scalar_prefetch = 0 : i64, scratch_operands = 0 : i64, tpu.core_type = #tpu.core_type<tc>} {
    %get3A = arith.constant 0 : index
    %get3A_0 = arith.constant 0 : index
    %get3A_1 = vector.load %arg1[%get3A, %get3A_0] : memref<10000x32xf32, #tpu.memory_space<vmem>>, vector<10000x32xf32>
    %get3A_2 = arith.constant 0 : index
    %get3A_3 = arith.constant 0 : index
    %get3A_4 = vector.load %arg2[%get3A_2, %get3A_3] : memref<10000x1xf32, #tpu.memory_space<vmem>>, vector<10000x1xf32>
    %mul3A = vector.broadcast %get3A_4 : vector<10000x1xf32> to vector<10000x32xf32>
    %mul3A_5 = arith.mulf %get3A_1, %mul3A : vector<10000x32xf32>
    %get3A_6 = arith.constant 0 : index
    %get3A_7 = arith.constant 0 : index
    %get3A_8 = vector.load %arg0[%get3A_6, %get3A_7] : memref<10000x64xf32, #tpu.memory_space<vmem>>, vector<10000x64xf32>
    %concatenate3A = tpu.concatenate %get3A_8, %mul3A_5 in 1 : vector<10000x64xf32>, vector<10000x32xf32> -> vector<10000x96xf32>
    %get3A_9 = arith.constant 0 : index
    %get3A_10 = arith.constant 0 : index
    %get3A_11 = vector.load %arg3[%get3A_9, %get3A_10] : memref<96x64xf32, #tpu.memory_space<vmem>>, vector<96x64xf32>
    %dot_general3A = arith.constant dense<0.000000e+00> : vector<10000x64xf32>
    %dot_general3A_12 = tpu.matmul %concatenate3A, %get3A_11, %dot_general3A {dimension_numbers = #tpu.dot_dimension_numbers<[1], [0], [0], [1], [0, 0, 1, 1], [], []>, transpose_lhs_hint = false} : vector<10000x96xf32>, vector<96x64xf32>, vector<10000x64xf32> -> vector<10000x64xf32>
    %get3A_13 = arith.constant 0 : index
    %get3A_14 = arith.constant 0 : index
    %get3A_15 = vector.load %arg4[%get3A_13, %get3A_14] : memref<1x64xf32, #tpu.memory_space<vmem>>, vector<1x64xf32>
    %add3A = vector.broadcast %get3A_15 : vector<1x64xf32> to vector<10000x64xf32>
    %add3A_16 = arith.addf %dot_general3A_12, %add3A : vector<10000x64xf32>
    %slice3A = vector.extract_strided_slice %add3A_16 {offsets = [0, 0], sizes = [10000, 32], strides = [1, 1]} : vector<10000x64xf32> to vector<10000x32xf32>
    %swap3A = arith.constant 0 : index
    %swap3A_17 = arith.constant 0 : index
    %swap3A_18 = vector.load %arg7[%swap3A, %swap3A_17] : memref<10000x32xf32, #tpu.memory_space<vmem>>, vector<10000x32xf32>
    tpu.vector_store %arg7[%swap3A, %swap3A_17], %slice3A {strides = array<i32>} : memref<10000x32xf32, #tpu.memory_space<vmem>>, vector<10000x32xf32>,
    %slice3A_19 = vector.extract_strided_slice %add3A_16 {offsets = [0, 32], sizes = [10000, 32], strides = [1, 1]} : vector<10000x64xf32> to vector<10000x32xf32>
    %custom_jvp_call3A = arith.constant 0.000000e+00 : f32
    %max3A = vector.broadcast %custom_jvp_call3A : f32 to vector<10000x32xf32>
    %max3A_20 = arith.maximumf %slice3A_19, %max3A : vector<10000x32xf32>
    %sub3A = vector.broadcast %custom_jvp_call3A : f32 to vector<10000x32xf32>
    %sub3A_21 = arith.subf %slice3A_19, %sub3A : vector<10000x32xf32>
    %ne3A = arith.cmpf one, %sub3A_21, %sub3A_21 : vector<10000x32xf32>
    %add3A_22 = vector.broadcast %custom_jvp_call3A : f32 to vector<10000x32xf32>
    %add3A_23 = arith.addf %slice3A_19, %add3A_22 : vector<10000x32xf32>
    %abs3A = math.absf %sub3A_21 : vector<10000x32xf32>
    %neg3A = arith.constant 0.000000e+00 : f32
    %neg3A_24 = vector.broadcast %neg3A : f32 to vector<10000x32xf32>
    %neg3A_25 = arith.subf %neg3A_24, %abs3A : vector<10000x32xf32>
    %exp3A = math.exp %neg3A_25 : vector<10000x32xf32>
    %log1p3A = math.log1p %exp3A : vector<10000x32xf32>
    %add3A_26 = arith.addf %max3A_20, %log1p3A : vector<10000x32xf32>
    %select_n3A = arith.select %ne3A, %add3A_23, %add3A_26 : vector<10000x32xi1>, vector<10000x32xf32>
    %swap3A_27 = arith.constant 0 : index
    %swap3A_28 = arith.constant 0 : index
    %swap3A_29 = vector.load %arg8[%swap3A_27, %swap3A_28] : memref<10000x32xf32, #tpu.memory_space<vmem>>, vector<10000x32xf32>
    tpu.vector_store %arg8[%swap3A_27, %swap3A_28], %select_n3A {strides = array<i32>} : memref<10000x32xf32, #tpu.memory_space<vmem>>, vector<10000x32xf32>,
    %get3A_30 = arith.constant 0 : index
    %get3A_31 = arith.constant 0 : index
    %get3A_32 = vector.load %arg5[%get3A_30, %get3A_31] : memref<32x1xf32, #tpu.memory_space<vmem>>, vector<32x1xf32>
    %dot_general3A_33 = arith.constant dense<0.000000e+00> : vector<10000x1xf32>
    %dot_general3A_34 = tpu.matmul %slice3A, %get3A_32, %dot_general3A_33 {dimension_numbers = #tpu.dot_dimension_numbers<[1], [0], [0], [1], [0, 0, 1, 1], [], []>, transpose_lhs_hint = false} : vector<10000x32xf32>, vector<32x1xf32>, vector<10000x1xf32> -> vector<10000x1xf32>
    %get3A_35 = arith.constant 0 : index
    %get3A_36 = arith.constant 0 : index
    %get3A_37 = vector.load %arg6[%get3A_35, %get3A_36] : memref<1x1xf32, #tpu.memory_space<vmem>>, vector<1x1xf32>
    %add3A_38 = vector.broadcast %get3A_37 : vector<1x1xf32> to vector<10000x1xf32>
    %add3A_39 = arith.addf %dot_general3A_34, %add3A_38 : vector<10000x1xf32>
    %swap3A_40 = arith.constant 0 : index
    %swap3A_41 = arith.constant 0 : index
    %swap3A_42 = vector.load %arg9[%swap3A_40, %swap3A_41] : memref<10000x1xf32, #tpu.memory_space<vmem>>, vector<10000x1xf32>
    tpu.vector_store %arg9[%swap3A_40, %swap3A_41], %add3A_39 {strides = array<i32>} : memref<10000x1xf32, #tpu.memory_space<vmem>>, vector<10000x1xf32>,
    return
  }
}

</mosaic_0001>

<sc_bundles>
// kernel: scatter_offload_async_start.1
scs
__scs_entry_jumppad:
0x0: {  	(pc) =	sbr.rel $0x88, $3  }
0x1: {  	(tag) =	ssettag $0x0;
	lr =	simm.s32 $0x1  }
0x2: {  	[smem:$0x3F76] =	sst lr;
	_ =	strace $0xD0000000  }
0x3: {  	_ = 	snop  }
0x4: {  	_ = 	snop  }
0x5: {  	_ = 	snop  }
0x6: {  	_ = 	snop  }
0x7: {  	_ = 	snop  }
__scs_overlays_trampoline_lowered:
0x8: {  	[smem:$0x3F85] =	sst s0  }
0x9: {  	[smem:$0x3F86] =	sst s1  }
0xa: {  	[smem:$0x3F87] =	sst s2  }
0xb: {  	[smem:$0x3F88] =	sst s3  }
0xc: {  	[smem:$0x3F89] =	sst s4  }
0xd: {  	[smem:$0x3F8A] =	sst s5  }
0xe: {  	[smem:$0x3F8B] =	sst s6  }
0xf: {  	[smem:$0x3F8C] =	sst s7  }
0x10: {  	[smem:$0x3F8D] =	sst s8  }
0x11: {  	[smem:$0x3F8E] =	sst s9;
	s0 =	simm.s32 @!p0 $0x0  }
0x12: {  	s1 =	sld [smem:$0x3F74];
	s0 =	simm.s32 @p0 $0x1  }
0x13: {  	[smem:$0x3F8F] =	sst s0;
	s0 =	simm.s32 @!p1 $0x0  }
0x14: {  	s2 =	sld [smem:$0x3F73];
	s0 =	simm.s32 @p1 $0x1  }
0x15: {  	[smem:$0x3F90] =	sst s0;
	s0 =	simm.s32 @!p2 $0x0  }
0x16: {  	s3 =	sld [smem:$0x3FDB];
	s0 =	simm.s32 @p2 $0x1  }
0x17: {  	s4 =	simm.s32 $0x1BF5;
	[smem:$0x3F92] =	sst s0  }
0x18: {  	s0 =	sld [smem:$0x3F75];
	_ =	swait.ge [sflag:s4], $0x0  }
0x19: {  	s7 =	sld [smem:$0x3F76]  }
0x1a: {  	s8 =	sadd.s32 $0xFFFFE003, lr  }
0x1b: {  	s9 =	sadd.s32 $0xFFFFFEF7, lr;
	s5 =	simm.s32 $0xFFFFFFFF;
	p2 =	slt.u32 s8, $0xFFFFF086  }
0x1c: {  	p1 =	slt.u32 s9, $0xF7A;
	s5 =	simm.s32 @!p2 $0x0  }
0x1d: {  	s5 =	simm.s32 @p1 $0x1;
	p0 =	seq.s32 s7, s2  }
0x1e: {  	s7 =	smul.u32 @!p0 $0xF7A, s2;
	p2 =	seq.s32 @!p0 s5, $0x0  }
0x1f: {  	s9 =	smul.u32 $0xF7A, s1;
	s8 =	simm.s32 @!p0 $0x1BF5;
	p2 =	por !p2, p0  }
0x20: {  	[sflag:s8] =	ssyncset.s32 @!p0 $0xFFFFF086;
	s6 =	sadd.s32 @!p0 s3, s7;
	s7 =	simm.s32 @!p0 $0x108  }
0x21: {  	s3 =	sadd.s32 s3, s9;
	s6 =	sadd.s32 @!p0 $0x88, s6;
	s7 =	simm.s32 @p2 $0x1082  }
0x22: {  	[simem:s7], [sflag:s8] =	dma.local @!p0 [hbm:s6], $0xF7A  }
0x23: {  	s9 =	sor.u32 $0xD0000000, s2;
	s6 =	simm.s32 $0x108;
	_ =	swait.ge @!p0 [sflag:s8], $0x0  }
0x24: {  	s3 =	sadd.s32 $0x88, s3;
	s6 =	simm.s32 @!p1 $0x1082;
	[sflag:s4] =	ssyncset.s32 $0xFFFFF086  }
0x25: {  	[simem:s6], [sflag:s4] =	dma.local [hbm:s3], $0xF7A  }
0x26: {  	[smem:$0x3F76] =	sst s1;
	(tag) =	ssettag s2;
	_ =	strace s9  }
0x27: {  	s1 =	sld [smem:$0x3F86]  }
0x28: {  	s2 =	sld [smem:$0x3F87]  }
0x29: {  	s4 =	sld [smem:$0x3F89]  }
0x2a: {  	p0 =	seq.s32 s5, $0x0;
	s5 =	sld [smem:$0x3F8A]  }
0x2b: {  	s6 =	sld [smem:$0x3F8B]  }
0x2c: {  	s7 =	sld [smem:$0x3F8C]  }
0x2d: {  	s3 =	simm.s32 $0x108;
	s8 =	sld [smem:$0x3F8D]  }
0x2e: {  	s3 =	simm.s32 @!p0 $0x1082;
	s9 =	sld [smem:$0x3F8E]  }
0x2f: {  	lr =	sadd.s32 s0, s3;
	s0 =	sld [smem:$0x3F85]  }
0x30: {  	s3 =	sld [smem:$0x3F88]  }
0x31: {  	[smem:$0x3F91] =	sst s10  }
0x32: {  	s10 =	sld [smem:$0x3F8F];
	_ =	sdelay $0x3  }
0x33: {  	p0 =	seq.s32 s10, $0x1;
	s10 =	sld [smem:$0x3F91];
	_ =	sdelay $0x3  }
0x34: {  	[smem:$0x3F91] =	sst s10  }
0x35: {  	s10 =	sld [smem:$0x3F90];
	_ =	sdelay $0x3  }
0x36: {  	p1 =	seq.s32 s10, $0x1;
	s10 =	sld [smem:$0x3F91];
	_ =	sdelay $0x3  }
0x37: {  	[smem:$0x3F91] =	sst s10  }
0x38: {  	s10 =	sld [smem:$0x3F92]  }
0x39: {  	_ = 	snop;
	(pc) =	sbr.ind lr, $3  }
0x3a: {  	_ = 	snop  }
0x3b: {  	_ = 	snop  }
0x3c: {  	p2 =	seq.s32 s10, $0x1;
	s10 =	sld [smem:$0x3F91]  }
0x3d: {  	_ =	shalt  }
0x3e: {  	_ =	shalt  }
0x3f: {  	_ =	shalt  }
0x40: {  	_ =	shalt  }
0x41: {  	_ =	shalt  }
0x42: {  	_ =	shalt  }
0x43: {  	_ =	shalt  }
0x44: {  	_ =	shalt  }
0x45: {  	_ =	shalt  }
0x46: {  	_ =	shalt  }
0x47: {  	_ =	shalt  }
0x48: {  	_ =	shalt  }
0x49: {  	_ =	shalt  }
0x4a: {  	_ =	shalt  }
0x4b: {  	_ =	shalt  }
0x4c: {  	_ =	shalt  }
0x4d: {  	_ =	shalt  }
0x4e: {  	_ =	shalt  }
0x4f: {  	_ =	shalt  }
0x50: {  	_ =	shalt  }
0x51: {  	_ =	shalt  }
0x52: {  	_ =	shalt  }
0x53: {  	_ =	shalt  }
0x54: {  	_ =	shalt  }
0x55: {  	_ =	shalt  }
0x56: {  	_ =	shalt  }
0x57: {  	_ =	shalt  }
0x58: {  	_ =	shalt  }
0x59: {  	_ =	shalt  }
0x5a: {  	_ =	shalt  }
0x5b: {  	_ =	shalt  }
0x5c: {  	_ =	shalt  }
0x5d: {  	_ =	shalt  }
0x5e: {  	_ =	shalt  }
0x5f: {  	_ =	shalt  }
0x60: {  	_ =	shalt  }
0x61: {  	_ =	shalt  }
0x62: {  	_ =	shalt  }
0x63: {  	_ =	shalt  }
0x64: {  	_ =	shalt  }
0x65: {  	_ =	shalt  }
0x66: {  	_ =	shalt  }
0x67: {  	_ =	shalt  }
0x68: {  	_ =	shalt  }
0x69: {  	_ =	shalt  }
0x6a: {  	_ =	shalt  }
0x6b: {  	_ =	shalt  }
0x6c: {  	_ =	shalt  }
0x6d: {  	_ =	shalt  }
0x6e: {  	_ =	shalt  }
0x6f: {  	_ =	shalt  }
0x70: {  	_ =	shalt  }
0x71: {  	_ =	shalt  }
0x72: {  	_ =	shalt  }
0x73: {  	_ =	shalt  }
0x74: {  	_ =	shalt  }
0x75: {  	_ =	shalt  }
0x76: {  	_ =	shalt  }
0x77: {  	_ =	shalt  }
0x78: {  	_ =	shalt  }
0x79: {  	_ =	shalt  }
0x7a: {  	_ =	shalt  }
0x7b: {  	_ =	shalt  }
0x7c: {  	_ =	shalt  }
0x7d: {  	_ =	shalt  }
0x7e: {  	_ =	shalt  }
0x7f: {  	_ =	shalt  }
0x80: {  	_ =	shalt  }
0x81: {  	_ =	shalt  }
0x82: {  	_ =	shalt  }
0x83: {  	_ =	shalt  }
0x84: {  	_ =	shalt  }
0x85: {  	_ =	shalt  }
0x86: {  	_ =	shalt  }
0x87: {  	_ =	shalt  }
.Lfunc_end0:
.L_simem_size_0:
called_computation.1_lowered:
.L_overlay_start_0:
0x88: {  	s0 =	sld [smem:$0x3FD9]  }
0x89: {  	s1 =	sld [smem:$0x3FFE];
	_ =	sdelay $0x3  }
0x8a: {  	s0 =	sadd.s32 s1, s0  }
0x8b: {  	[smem:$0x3F9D] =	sst s0  }
0x8c: {  	_ = 	snop  }
0x8d: {  	s0 =	sld [smem:$0x3FD0];
	_ =	sdelay $0x2  }
0x8e: {  	s13 =	simm.s32 $0xC;
	s2 =	simm.s32 $0x10  }
0x8f: {  	[smem:s2], [sflag:s13] =	dma.local [hbm:s0], $0x1  }
0x90: {  	_ =	swait.eq [sflag:s13], $0x1  }
0x91: {  	[sflag:s13] =	ssyncset.done $0x0  }
0x92: {  	[sflag:s13] =	ssyncadd.s32 $0xFFFFFFFF  }
0x93: {  	s14 =	sld [smem:$0x11];
	(tm) =	ssettm $0x1  }
0x94: {  	s15 =	sld [smem:$0x3FFB];
	_ =	sdelay $0x3  }
0x95: {  	_ =	strace s15  }
0x96: {  	s1 =	sld [smem:$0x3FFC];
	_ =	sdelay $0x3  }
0x97: {  	_ =	strace s1  }
0x98: {  	s1 =	sld [smem:$0x3FFD];
	_ =	sdelay $0x3  }
0x99: {  	_ =	strace s1  }
0x9a: {  	_ =	strace $0x8FFFFFFF  }
0x9b: {  	s16 =	sld [smem:$0x3FDB];
	_ =	sdelay $0x1  }
0x9c: {  	s17 =	simm.s32 $_scs_section_size  }
0x9d: {  	s3 =	simm.s32 $_size__tile_overlayer_lowered;
	s4 =	simm.s32 $_tile_overlayer_lowered  }
0x9e: {  	s20 =	simm.s32 $0x1BFF;
	s19 =	sshll.u32 s4, $0x1;
	s1 =	sadd.s32 s17, s16  }
0x9f: {  	s5 =	simm.s32 $0x0;
	s18 =	sshll.u32 s3, $0x1;
	s3 =	sadd.s32 s19, s1  }
0xa0: {  	[timem:s5], [sflag:s20] =	dma.local [hbm:s3], s18  }
0xa1: {  	_ =	swait.ge [sflag:s20], s18  }
0xa2: {  	s2 =	ssub.s32 $0x0, s18;
	[sflag:s20] =	ssyncset.done $0x0  }
0xa3: {  	[sflag:s20] =	ssyncadd.s32 s2;
	_ =	sdelay $0x1  }
0xa4: {  	s21 =	simm.s32 $0x1B8B  }
0xa5: {  	_ =	swait.ge [sflag:s21], $0x1  }
0xa6: {  	[sflag:s21] =	ssyncset.done $0x0  }
0xa7: {  	s23 =	simm.s32 $0x1B8E;
	s22 =	sld [smem:$0x3FFE];
	[sflag:s21] =	ssyncadd.s32 $0xFFFFFFFF  }
0xa8: {  	s24 =	simm.s32 $execute0_lowered;
	[smem:$0x3FD2] =	sst s23  }
0xa9: {  	s3 =	sshll.u32 s24, $0x1;
	_ =	strace $0x80000046;
	[dreg:$0x1] =	wrdreg $0xFFFFFFFF  }
0xaa: {  	s25 =	simm.s32 $_size_execute0_lowered;
	s1 =	sadd.s32 s1, s3;
	[dreg:$0x0] =	wrdreg $0x0  }
0xab: {  	s3 =	sshll.u32 s25, $0x1;
	[dreg:$0x2] =	wrdreg s1  }
0xac: {  	[dreg:$0x3] =	wrdreg s3  }
0xad: {  	[dreg:$0x4] =	wrdreg $0xC0  }
0xae: {  	_ =	task [dreg:s5], $0x5FFFF  }
0xaf: {  	[dreg:$0x1] =	wrdreg $0xFFFFFFFF  }
0xb0: {  	[dreg:$0x0] =	wrdreg $0x60  }
0xb1: {  	[dreg:$0x2] =	wrdreg s22  }
0xb2: {  	[dreg:$0x3] =	wrdreg s14  }
0xb3: {  	[dreg:$0x4] =	wrdreg $0xB  }
0xb4: {  	_ =	task.clear_ibuf [dreg:s5], $0x5FFFF;
	_ =	strace $0x90000046  }
0xb5: {  	s26 =	simm.s32 $0xB;
	_ =	strace $0x80000048  }
0xb6: {  	_ =	swait.ge [sflag:s26], $0x1  }
0xb7: {  	[sflag:s26] =	ssyncadd.s32 $0xFFFFFFFF  }
0xb8: {  	_ =	strace $0x90000048  }
0xb9: {  	_ =	sfence  }
0xba: {  	s28 =	sld [smem:$0x0];
	_ =	sdelay $0x1  }
0xbb: {  	s29 =	srdreg.scid  }
0xbc: {  	s30 =	sshll.u32 s29, $0xD;
	s31 =	sshrl.u32 s29, $0x2  }
0xbd: {  	s2 =	sand.u32 $0x4000, s30;
	s1 =	sand.u32 $0x1, s29;
	s0 =	sadd.s32 s31, s28  }
0xbe: {  	s1 =	sor.u32 s2, s1;
	s0 =	sshll.u32 s0, $0x11  }
0xbf: {  	s0 =	sor.u32 s0, s1  }
0xc0: {  	s0 =	sadd.s32 $0x8F2B, s0  }
0xc1: {  	[sflag:s0] =	ssyncadd.remote.s32 $0x1  }
0xc2: {  	_ =	sfence.sel $0xFFFF  }
0xc3: {  	[dreg:$0x0] =	wrdreg $0xFFFFFFFF;
	(pc) =	sbr.abs _section_cstart, $3  }
0xc4: {  	[dreg:$0x1] =	wrdreg $0xFFFFFFFF  }
0xc5: {  	_ =	task.clear_ibuf [dreg:s5], $0x2FFFF;
	_ =	strace $0x9FFFFFFF  }
0xc6: {  	(tm) =	ssettm $0x7FFFFFFF  }
0xc7: {  	_ =	shalt  }
tec
execute0_lowered:
.L_overlay_start_1:
0x0: {  	(tag) =	ssettag $0x1  }
0x1: {  	s0 =	rddreg [dreg:$0x0]  }
0x2: {  	s3 =	rddreg [dreg:$0x1];
	_ =	strace $0x80000047;
	s15 =	stileid.u32  }
0x3: {  	s2 =	simm.s32 $0x1;
	s1 =	smin.u32 s15, $0x8;
	s4 =	sshll.u32 s15, $0x1  }
0x4: {  	v1 =	vimm.s32 $0xFFFFFFFF;
	[sflag:s2] =	ssyncpa.u1 $0x0;
	s1 =	sadd.s32 s1, s4  }
0x5: {  	p0 =	slt.u32 s15, $0x8;
	[tilespmem:$0x10] =	vst v1;
	s5 =	smul.u32 $0x1F40, s1;
	s1 =	simm.s32 $0x5DC0  }
0x6: {  	v0 =	vimm.f32 $0.0e+00;
	[tilespmem:$0x20] =	vst v1;
	s1 =	simm.s32 @!p0 $0x3E80  }
0x7: {  	[tilespmem:$0x30] =	vst v0;
	s1 =	sadd.s32 s1, s5  }
0x8: {  	[tilespmem:$0x40] =	vst v0;
	s6 =	smin.u32 s1, $0x4E200  }
0x9: {  	s7 =	simm.s32 $0x2;
	[tilespmem:$0x50] =	vst v0;
	s9 =	ssub.s32 s6, s5  }
0xa: {  	s8 =	simm.s32 $0x8;
	s31 =	simm.s32 $0x9;
	[tilespmem:$0x60] =	vst v1;
	p0 =	sgt.s32 s9, $0x0  }
0xb: {  	s16 =	simm.s32 $0x0;
	s17 =	simm.s32 $0xF0;
	[tilespmem:$0x70] =	vst v1;
	s9 =	simm.s32 @!p0 $0x0  }
0xc: {  	s18 =	simm.s32 $0xFFFFFFFF;
	s19 =	simm.s32 $0xFFFFC280;
	[tilespmem:$0x80] =	vst v1;
	s30 =	smulhi.u32 $0x10624DD3, s9  }
0xd: {  	s20 =	simm.s32 $0xFFFFFFFE;
	s21 =	simm.s32 $0xF;
	s25 =	simm.s32 $0x0;
	v1 =	vimm.s32 $0x0;
	[tilespmem:$0xB0] =	vst v0  }
0xe: {  	s24 =	simm.s32 $0x0;
	s15 =	sshllo.u32 s15, $0x1;
	[tilespmem:$0x90] =	vst v1;
	s10 =	sshrl.u32 s30, $0x9  }
0xf: {  	[tilespmem:$0xA0] =	vst v1;
	[sflag:s7] =	ssyncpa.u1 $0x0;
	s7 =	simm.s32 $0x7;
	s11 =	smul.u32 $0x1F40, s10  }
.Ltmp0:
0x10: {  	s13 =	sor.u32 $0x80, s4;
	[sflag:s7] =	ssyncpa.u1 $0x0;
	(pc) =	sbr.rel .LBB2_1-.Ltmp0, $4  }
0x11: {  	s14 =	sor.u32 $0x81, s4;
	[sflag:s8] =	ssyncpa.u1 $0x0;
	p0 =	sne.s32 s9, s11  }
0x12: {  	s23 =	smov.u32 s5;
	s1 =	sadd.s32 $0x15E00, s0;
	s2 =	simm.s32 @!p0 $0x0  }
0x13: {  	vm0 =	vmmov $0xffff;
	v2 =	vlaneseq.u32;
	[sflag:s31] =	ssyncpa.u1 $0x0;
	s9 =	sadd.s32 $0x4F7E00, s0;
	s10 =	sadd.s32 s2, s10  }
0x14: {  	vm1 =	vmxor vm1, vm1;
	vm2 =	vmmov $0x1;
	vm3 =	vcmask $0x3F3C;
	p0 =	por $0x0, $0x0;
	s11 =	sadd.s32 $0x1, s10;
	s12 =	sadd.s32 $0x2, s10  }
.LBB2_9:
0x15: {  	p1 =	slt.u32 s24, $0x3  }
0x16: {  	s0 =	simm.s32 @!p1 $0x2  }
0x17: {  	_ =	swait.ge @!p1 [sflag:s0], $0x1F40  }
0x18: {  	[sflag:s0] =	ssyncset.done @!p1 $0x0  }
0x19: {  	[sflag:s0] =	ssyncadd.s32 @!p1 $0xFFFFE0C0;
	s0 =	simm.s32 @!p1 $0x9  }
0x1a: {  	_ =	swait.ge @!p1 [sflag:s0], $0x10  }
0x1b: {  	[sflag:s0] =	ssyncset.done @!p1 $0x0  }
0x1c: {  	[sflag:s0] =	ssyncadd.s32 @!p1 $0xFFFFFFF0;
	p1 =	sne.s32 s24, s12  }
.Ltmp1:
0x1d: {  	s2 =	sadd.s32 $0x1F40, s23;
	(pc) =	sbr.rel @!p1 .LBB2_10-.Ltmp1, $4  }
0x1e: {  	s22 =	smov.u32 s5;
	s31 =	sadd.s32 $0x1, s24;
	s17 =	sadd.s32 $0x1F40, s17  }
0x1f: {  	s18 =	sadd.s32 $0x1, s18;
	s25 =	smov.u32 s23;
	p2 =	slt.s32 s2, s6  }
0x20: {  	p0 =	por !p0, !p0;
	s19 =	sadd.s32 $0x1F40, s19;
	s22 =	smov.u32 @p2 s2  }
0x21: {  	s20 =	sadd.s32 $0x1, s20;
	s23 =	smov.u32 s22;
	s24 =	smov.u32 s31  }
.LBB2_1:
0x22: {  	p1 =	sge.u32 s24, s10  }
0x23: {  	s0 =	smulhi.u32 @!p1 $0xAAAAAAAB, s24;
	_ =	sdelay $0x1  }
0x24: {  	s0 =	sshrl.u32 @!p1 s0, $0x1  }
0x25: {  	s0 =	smul.u32 @!p1 $0x3, s0;
	_ =	sdelay $0x1  }
0x26: {  	s0 =	ssub.s32 @!p1 s24, s0  }
0x27: {  	s0 =	smul.u32 @!p1 $0x7D00, s0;
	_ =	sdelay $0x1  }
0x28: {  	s2 =	sshrl.u32 @!p1 s23, $0x3;
	s0 =	sshrl.u32 @!p1 s0, $0x2  }
0x29: {  	s22 =	sand.u32 @!p1 $0x7, s23;
	s2 =	sadd.s32 @!p1 s3, s2;
	s0 =	sadd.s32 @!p1 $0x100, s0  }
0x2a: {  	[tilespmem:s0], [sflag:$0x7] =	stream.linear.gather @!p1 [hbm4b:s2+s22], $0x1F40, $0x38;
	[tilespmem:$0x11A60] =	vst v63  }
0x2b: {  	s0 =	sadd.s32 $0xFFFFFFFF, s24  }
0x2c: {  	p1 =	sge.u32 s0, s10  }
.Ltmp2:
0x2d: {  	_ = 	snop;
	(pc) =	sbr.rel @p1 .LBB2_5-.Ltmp2, $1  }
0x2e: {  	_ =	sdelay $0x3  }
0x2f: {  	s2 =	smulhi.u32 $0xAAAAAAAB, s0;
	_ =	sdelay $0x1  }
0x30: {  	s2 =	sshrl.u32 s2, $0x1  }
0x31: {  	s2 =	smul.u32 $0x3, s2;
	_ =	sdelay $0x1  }
0x32: {  	s2 =	ssub.s32 s0, s2  }
0x33: {  	s2 =	smul.u32 $0x7D00, s2  }
0x34: {  	_ =	swait.ge [sflag:s7], $0x1F40  }
0x35: {  	[sflag:s7] =	ssyncset.done $0x0;
	s2 =	sshrl.u32 s2, $0x2  }
0x36: {  	[sflag:s7] =	ssyncadd.s32 $0xFFFFE0C0;
	(ifvalue) =	ssetifvalue $0xFFFFFFFF;
	v3 =	vld.msk [tilespmem:s2+$0x100 ss:$0x1], $0xffff;
	_ =	sdelay $0x2  }
0x37: {  	s30 =	smulhi.u32 $0xAAAAAAAB, s18;
	p1 =	sne.s32 s24, $0x1  }
0x38: {  	v4 =	vimm.s32 @!p1 $0x0  }
0x39: {  	s2 =	sshrl.u32 s30, $0x1;
	v4 =	vperm.xlane @!p1 v3, v4  }
0x3a: {  	s22 =	sshll.u32 s24, $0x4;
	s2 =	smul.u32 $0xFFFE8900, s2;
	vm4 =	vlt.u32 v3, $0x2800  }
0x3b: {  	s22 =	sand.u32 $0x10, s22;
	v3 =	vnsel vm4, $0xFFFFFFFE, v3;
	vm4 =	vlt.u32 @!p1 v4, $0x2800  }
0x3c: {  	s2 =	sshra.s32 s2, $0x2;
	[tilespmem:s22+$0x60] =	vst v3;
	v3 =	vnsel @!p1 vm4, $0xFFFFFFFE, v4  }
0x3d: {  	s28 =	sadd.s32 s2, s17;
	[tilespmem:$0x80] =	vst @!p1 v3  }
0x3e: {  	v3 =	vld.msk [tilespmem:s28+$0x0 ss:$0x1], $0xffff;
	_ =	sdelay $0x4  }
0x3f: {  	(xrf1) =	vunique.msk.u32 $0xffff, v3;
	_ =	sdelay $0xd  }
0x40: {  	v4 =	vimm.s32 $0xFFFFFFFF;
	v5, _, _ =	vpop (xrf1)  }
0x41: {  	vm5 =	vne.s32 v3, v4;
	vm4 =	veq.s32 v5, v2  }
0x42: {  	vm6 =	vlt.u32 v3, $0x2800;
	vm4 =	vmand vm5, vm4  }
0x43: {  	vm4 =	vmand vm6, vm4  }
0x44: {  	v4 =	vnsel vm4, $0xFFFFFFFF, v3  }
0x45: {  	s31 =	sand.u32 $0x1, s0  }
0x46: {  	s0 =	simm.s32 $0x1F40;
	p1 =	seq.s32 s31, $0x1  }
0x47: {  	s0 =	simm.s32 @!p1 $0x0  }
0x48: {  	s26 =	sadd.s32 $0x7DF0, s0;
	(ifvalue) =	ssetifvalue $0xFFFFFFFF  }
0x49: {  	v3 =	vperm.xlane v3, v1;
	[tilespmem:s26], [sflag:$0x8] =	stream.indirect_vreg.gather [hbm4b:s1+s16], $0x1, v4, vm0, $0x4038;
	v4 =	vnsel vm6, $0xFFFFFFFE, v4;
	[tilespmem:$0x11A60] =	vst v63  }
0x4a: {  	s2 =	simm.s32 $0x0;
	s22 =	sadd.s32 $0xFFFFFFF0, s28;
	[tilespmem:s28+$0x0] =	vst v4  }
.LBB2_3:
0x4b: {  	v4 =	vld.msk [tilespmem:s22+$0x0 ss:$0x1], $0xffff;
	s2 =	sadd.s32 $0x10, s2;
	v5 =	vmov v3;
	s28 =	smov.u32 s22  }
0x4c: {  	p1 =	slt.u32 s2, $0x1F30;
	_ =	sdelay $0x4  }
0x4d: {  	v3 =	vperm.xlane v4, v1;
	(xrf1) =	vunique.msk.u32 $0xffff, v4;
	_ =	sdelay $0xd  }
0x4e: {  	v6, _, _ =	vpop (xrf1)  }
0x4f: {  	vm5 =	vne.s32 v4, v5;
	vm4 =	veq.s32 v6, v2  }
0x50: {  	vm6 =	vlt.u32 v4, $0x2800;
	vm4 =	vmand vm5, vm4  }
0x51: {  	vm4 =	vmand vm6, vm4  }
0x52: {  	v4 =	vnsel vm4, $0xFFFFFFFF, v4  }
.Ltmp3:
0x53: {  	v5 =	vnsel vm6, $0xFFFFFFFE, v4;
	(pc) =	sbr.rel @p1 .LBB2_3-.Ltmp3, $3  }
0x54: {  	_ =	sdelay $0x1  }
0x55: {  	s22 =	sadd.s32 $0xFFFFFFF0, s22;
	s26 =	sadd.s32 $0xFFFFFFF0, s26;
	(ifvalue) =	ssetifvalue $0xFFFFFFFF  }
0x56: {  	[tilespmem:s26], [sflag:$0x8] =	stream.indirect_vreg.gather [hbm4b:s1+s16], $0x1, v4, vm0, $0x4038;
	[tilespmem:s28+$0x0] =	vst v5  }
0x57: {  	s2 =	sshrl.u32 s25, $0x3  }
0x58: {  	s0 =	sadd.s32 $0x9D40, s0;
	s2 =	sadd.s32 s9, s2  }
0x59: {  	[tilespmem:s0], [sflag:$0x8] =	stream.linear.gather [hbm:s2], $0x1F40, $0x38;
	[tilespmem:$0x11A60] =	vst v63  }
.LBB2_5:
0x5a: {  	p1 =	slt.u32 s24, $0x2  }
0x5b: {  	p2 =	sge.u32 @!p1 s24, s12  }
0x5c: {  	p1 =	por p1, p2  }
.Ltmp4:
0x5d: {  	_ = 	snop;
	(pc) =	sbr.rel @p1 .LBB2_9-.Ltmp4, $1  }
0x5e: {  	_ =	sdelay $0x3  }
0x5f: {  	s0 =	sadd.s32 $0xFFFFFFFE, s24  }
0x60: {  	s2 =	smulhi.u32 $0xAAAAAAAB, s0;
	_ =	sdelay $0x1  }
0x61: {  	s2 =	sshrl.u32 s2, $0x1  }
0x62: {  	s2 =	smul.u32 $0x3, s2;
	_ =	sdelay $0x1  }
0x63: {  	s0 =	ssub.s32 s0, s2  }
0x64: {  	_ =	swait.ge [sflag:s8], $0x3E80;
	s0 =	smul.u32 $0x1F40, s0  }
0x65: {  	p1 =	sne.s32 s24, s11;
	[sflag:s8] =	ssyncset.done $0x0  }
0x66: {  	[sflag:s8] =	ssyncadd.s32 $0xFFFFC180;
	s2 =	sadd.s32 @!p1 $0x203F, s0  }
0x67: {  	[spmem:s14] =	stream.linear.scatter @!p1 [tilespmem:s2], [sflag:$0x1], $0x1, $0x38;
	[tilespmem:$0x11A60] =	vst v63  }
0x68: {  	s2 =	simm.s32 @!p1 $0x1  }
0x69: {  	_ =	swait.ge @!p1 [sflag:s2], $0x1  }
0x6a: {  	s22 =	sshll.u32 s24, $0x4;
	[sflag:s2] =	ssyncset.done @!p1 $0x0  }
0x6b: {  	s25 =	sand.u32 $0x10, s22;
	[sflag:s2] =	ssyncadd.s32 @!p1 $0xFFFFFFFF  }
0x6c: {  	s2 =	sxor.u32 $0x10, s25;
	v4 =	vld [tilespmem:s25+$0x10]  }
0x6d: {  	v5 =	vld [tilespmem:s2+$0x60]  }
0x6e: {  	v3 =	vld [tilespmem:$0x80];
	_ =	sdelay $0x2  }
0x6f: {  	(v2sf) =	vpush v4, $0x0  }
0x70: {  	(v2sf) =	vpush v5, $0x0  }
0x71: {  	(v2sf) =	vpush v3, $0x0;
	_ =	sdelay $0xc  }
0x72: {  	s22 =	spop (v2sf)  }
0x73: {  	s26 =	spop (v2sf)  }
0x74: {  	s28 =	spop (v2sf)  }
0x75: {  	p2 =	seq.s32 s22, s26;
	p3 =	seq.s32 s28, s22  }
0x76: {  	p3 =	por p2, p3  }
0x77: {  	s26 =	sand.u32 $0x1, s24;
	v4 =	vpsel p3, $0xFFFFFFFF, v4  }
0x78: {  	s29 =	smul.u32 $0x1F40, s26;
	[tilespmem:s25+$0x10] =	vst.msk $0x1, v4  }
0x79: {  	v4 =	vld [tilespmem:$0x30]  }
0x7a: {  	v5 =	vld [tilespmem:s29+$0x9D40]  }
0x7b: {  	v6 =	vld [tilespmem:s25+$0x40];
	_ =	sdelay $0x3  }
0x7c: {  	vm4 =	vmmov vm1;
	v5 =	vadd.f32 v5, v4  }
0x7d: {  	vm5 =	vmmov vm2;
	vm4 =	vmmov @p2 vm2;
	s22 =	sshll.u32 s26, $0x4;
	v4 =	vadd.f32 v6, v4  }
0x7e: {  	s26 =	sor.u32 $0x11A40, s22;
	vm5 =	vmmov @p3 vm1;
	[tilespmem:s29+$0x9D40] =	vst.msk vm4, v5  }
0x7f: {  	[tilespmem:s26+$0x0] =	vst.msk vm5, v4  }
0x80: {  	v4 =	vld [tilespmem:s29+$0x7DF0];
	_ =	sdelay $0x3  }
0x81: {  	v5 =	vimm.f32 $0.0e+00  }
0x82: {  	v4 =	vshift.insert v4, v5, s21  }
0x83: {  	s22 =	sor.u32 $0x40, s2  }
0x84: {  	[tilespmem:s22+$0x0] =	vst.msk $0x1, v4  }
0x85: {  	[tilespmem:s29+$0x7DFF] =	vst.msk $0x1, v5  }
0x86: {  	v4 =	vld [tilespmem:s0+$0x2030];
	_ =	sdelay $0x1  }
0x87: {  	s22 =	smulhi.u32 $0xAAAAAAAB, s20;
	s0 =	simm.s32 $0x1  }
0x88: {  	s0 =	simm.s32 @!p0 $0x0  }
0x89: {  	s22 =	sshrl.u32 s22, $0x1;
	s0 =	smul.u32 $0x7D00, s0  }
0x8a: {  	s22 =	smul.u32 $0xFFFE8900, s22;
	v4 =	vshift.insert v4, v1, s21  }
0x8b: {  	s0 =	sshrl.u32 s0, $0x2  }
0x8c: {  	s22 =	sshra.s32 s22, $0x2;
	s30 =	sadd.s32 $0x9D40, s0;
	[tilespmem:s2+$0x10] =	vst.msk $0x1, v4  }
0x8d: {  	s22 =	sadd.s32 s22, s19;
	v6 =	vld [tilespmem:s30+$0x0]  }
0x8e: {  	v7 =	vld [tilespmem:s22+$0x0];
	_ =	sdelay $0x3  }
0x8f: {  	v5 =	vadd.f32 v6, v5  }
0x90: {  	vm4 =	vne.s32 v7, $0xFFFFFFFF  }
0x91: {  	(xrf2) =	vadd.seg.scan.f32 vm4, v5;
	_ =	sdelay $0x3  }
0x92: {  	s31 =	sadd.s32 $0x5EC0, s0;
	v5 =	vperm.xlane v4, v1  }
0x93: {  	v6 =	vld [tilespmem:s31+$0x0]  }
0x94: {  	vm5 =	veq.s32 v7, v3;
	vm6 =	veq.s32 v7, v5  }
0x95: {  	vm7 =	vgt.u32 v7, $0xFFFFFFFD;
	vm6 =	vmor vm6, vm5  }
0x96: {  	vm6 =	vmor vm6, vm7  }
0x97: {  	v9 =	vld [tilespmem:$0xA0];
	v7 =	vsel vm6, $0xFFFFFFFF, v7  }
0x98: {  	v10 =	vld [tilespmem:$0x90];
	v6 =	vsel vm5, $0x0, v6;
	v8, _, _ =	vpop (xrf2)  }
0x99: {  	v6 =	vadd.f32 v8, v6  }
0x9a: {  	s0 =	sadd.s32 $0xDBC0, s0  }
0x9b: {  	vm4 =	vmand vm4, vm3;
	[tilespmem:s0+$0x0] =	vst v6;
	(ifvalue) =	ssetifvalue $0xFFFFFFFF  }
0x9c: {  	vm6 =	veq.s32 v9, $0x1;
	[hbm4b:s1+s16] =	stream.indirect_vreg.scatter [tilespmem:s0], [sflag:$0x2], $0x1, v7, vm0, $0x4038;
	v7 =	vsel vm4, $0x0, v8;
	[tilespmem:$0x11A60] =	vst v63  }
0x9d: {  	s2 =	simm.s32 $0x0;
	s22 =	sadd.s32 $0x10, s22;
	vm4 =	vmor vm6, vm5;
	v6 =	vsel vm5, v8, v10;
	v7 =	vshift.insert v7, v0, s21  }
.LBB2_7:
0x9e: {  	v8 =	vld [tilespmem:s22+$0x0];
	s30 =	sadd.s32 $0x10, s30  }
0x9f: {  	s31 =	sadd.s32 $0x10, s31;
	v9 =	vld [tilespmem:s30+$0x0]  }
0xa0: {  	s2 =	sadd.s32 $0x10, s2;
	v10 =	vld [tilespmem:s31+$0x0]  }
0xa1: {  	p2 =	slt.u32 s2, $0x1F30;
	_ =	sdelay $0x2  }
0xa2: {  	v7 =	vadd.f32 v9, v7  }
0xa3: {  	vm5 =	vne.s32 v8, $0xFFFFFFFF  }
0xa4: {  	vm6 =	vmand vm5, vm3;
	(xrf2) =	vadd.seg.scan.f32 vm5, v7;
	_ =	sdelay $0x5  }
0xa5: {  	vm7 =	veq.s32 v8, v5;
	vm5 =	veq.s32 v8, v3  }
0xa6: {  	vm8 =	vgt.u32 v8, $0xFFFFFFFD;
	vm4 =	vmor vm4, vm5;
	vm7 =	vmor vm7, vm5  }
0xa7: {  	vm7 =	vmor vm7, vm8  }
0xa8: {  	v8 =	vsel vm7, $0xFFFFFFFF, v8  }
.Ltmp5:
0xa9: {  	v7 =	vsel vm5, $0x0, v10;
	v9, _, _ =	vpop (xrf2);
	(pc) =	sbr.rel @p2 .LBB2_7-.Ltmp5, $4  }
0xaa: {  	v6 =	vsel vm5, v9, v6;
	v10 =	vadd.f32 v9, v7;
	v7 =	vsel vm6, $0x0, v9  }
0xab: {  	s0 =	sadd.s32 $0x10, s0;
	v7 =	vshift.insert v7, v0, s21  }
0xac: {  	s22 =	sadd.s32 $0x10, s22;
	[tilespmem:s0+$0x0] =	vst v10;
	(ifvalue) =	ssetifvalue $0xFFFFFFFF  }
0xad: {  	[hbm4b:s1+s16] =	stream.indirect_vreg.scatter [tilespmem:s0], [sflag:$0x2], $0x1, v8, vm0, $0x4038;
	[tilespmem:$0x11A60] =	vst v63  }
0xae: {  	v3 =	vld [tilespmem:s29+$0xFAF0];
	_ =	sdelay $0x4  }
0xaf: {  	v3 =	vshift.insert v3, v0, s21  }
0xb0: {  	s0 =	simm.s32 $0x30  }
0xb1: {  	[tilespmem:s0+$0x0] =	vst.msk $0x1, v3  }
0xb2: {  	v3 =	vsel vm4, $0x1, v1;
	[tilespmem:$0x90] =	vst v6  }
0xb3: {  	s0 =	sadd.s32 @!p1 $0xFAFF, s29;
	[tilespmem:$0xA0] =	vst v3  }
0xb4: {  	[spmem:s15] =	stream.linear.scatter @!p1 [tilespmem:s0], [sflag:$0x1], $0x1, $0x38;
	[tilespmem:$0x11A60] =	vst v63  }
0xb5: {  	s0 =	simm.s32 @!p1 $0x1  }
0xb6: {  	v3 =	vmctz.xlane @!p1 vm4;
	_ =	swait.ge @!p1 [sflag:s0], $0x1  }
0xb7: {  	(v2sf) =	vpush @!p1 v4, $0x0  }
0xb8: {  	(v2sf) =	vpush @!p1 v3, $0x0;
	_ =	sdelay $0xd  }
0xb9: {  	s2 =	spop @!p1 (v2sf)  }
0xba: {  	s22 =	spop @!p1 (v2sf)  }
0xbb: {  	p2 =	sne.s32 @!p1 s28, s2;
	p3 =	slt.s32 @!p1 s22, $0xF  }
0xbc: {  	[sflag:s0] =	ssyncset.done @!p1 $0x0;
	p2 =	por p2, p1;
	p3 =	por !p3, p1  }
0xbd: {  	[sflag:s0] =	ssyncadd.s32 @!p1 $0xFFFFFFFF;
	v3 =	vimm.s32 @!p2 $0xFFFFFFFF;
	s22 =	simm.s32 @p3 $0xF  }
0xbe: {  	[tilespmem:$0x80] =	vst @!p2 v3;
	s2 =	sadd.s32 @!p1 $0x90, s22  }
0xbf: {  	[spmem:s4] =	stream.linear.scatter @!p1 [tilespmem:s2], [sflag:$0x1], $0x1, $0x38;
	[tilespmem:$0x11A60] =	vst v63  }
0xc0: {  	_ =	swait.ge @!p1 [sflag:s0], $0x1  }
0xc1: {  	[sflag:s0] =	ssyncset.done @!p1 $0x0  }
0xc2: {  	s2 =	simm.s32 @!p1 $0x80;
	[sflag:s0] =	ssyncadd.s32 @!p1 $0xFFFFFFFF  }
0xc3: {  	[spmem:s13] =	stream.linear.scatter @!p1 [tilespmem:s2], [sflag:$0x1], $0x1, $0x38;
	[tilespmem:$0x11A60] =	vst v63  }
0xc4: {  	_ =	swait.ge @!p1 [sflag:s0], $0x1  }
0xc5: {  	[sflag:s0] =	ssyncset.done @!p1 $0x0  }
0xc6: {  	[sflag:s0] =	ssyncadd.s32 @!p1 $0xFFFFFFFF;
	(ifvalue) =	ssetifvalue $0xFFFFFFFF;
	v3 =	vld [tilespmem:s25+$0x10];
	_ =	sdelay $0x3  }
.Ltmp6:
0xc7: {  	_ = 	snop;
	(pc) =	sbr.rel .LBB2_9-.Ltmp6, $3  }
0xc8: {  	_ =	sdelay $0x1  }
0xc9: {  	(ifvalue) =	ssetifvalue $0xFFFFFFFF  }
0xca: {  	[hbm4b:s1+s16] =	stream.indirect_vreg.scatter [tilespmem:s26], [sflag:$0x9], $0x1, v3, vm0, $0x4038;
	[tilespmem:$0x11A60] =	vst v63  }
.LBB2_10:
0xcb: {  	_ =	sfence.sel $0x180000  }
0xcc: {  	s0 =	simm.s32 $0x7;
	[bflag:$0x0] =	sbarrier.arrive $0xFFFF  }
0xcd: {  	s26 =	simm.s32 $0x8;
	[sflag:s0] =	ssyncpa.u1 $0x1  }
0xce: {  	s28 =	simm.s32 $0x9;
	[sflag:s26] =	ssyncpa.u1 $0x1  }
0xcf: {  	[sflag:s28] =	ssyncpa.u1 $0x1  }
0xd0: {  	_ =	sfence.stream.spmem  }
0xd1: {  	s29 =	simm.s32 $0x3;
	[bflag:$0x0] =	sbarrier.arrive $0xFFFF  }
0xd2: {  	s30 =	simm.s32 $0x4;
	[sflag:s29] =	ssyncpa.u1 $0x1  }
0xd3: {  	s31 =	simm.s32 $0x3C;
	s2 =	stileid.u32;
	[sflag:s30] =	ssyncpa.u1 $0x1  }
0xd4: {  	p0 =	sne.s32 s2, $0x0;
	[sflag:s31] =	ssyncpa.u1 $0x1  }
0xd5: {  	s0 =	simm.s32 @p0 $0x1;
	_ =	sfence @p0  }
0xd6: {  	[sflag:s0] =	ssyncpa.u1 @p0 $0x1;
	s0 =	simm.s32 @p0 $0x2  }
0xd7: {  	[sflag:s0] =	ssyncpa.u1 @p0 $0x1  }
0xd8: {  	_ =	strace @p0 $0x90000047  }
0xd9: {  	[bflag:$0x2] =	sbarrier.arrive @p0 $0xFFFF  }
0xda: {  	_ =	shalt @p0  }
.LBB2_11:
0xdb: {  	_ =	sfence.stream.spmem;
	s0 =	simm.s32 $0x5  }
0xdc: {  	s2 =	simm.s32 $0x80;
	s3 =	simm.s32 $0xC0;
	[sflag:s0] =	ssyncpa.u1 $0x0  }
0xdd: {  	[tilespmem:s3], [sflag:$0x5] =	stream.linear.gather [spmem:s2], $0x20, $0x38;
	[tilespmem:$0x11A60] =	vst v63  }
0xde: {  	s2 =	simm.s32 $0x0;
	s3 =	simm.s32 $0xE0  }
0xdf: {  	[tilespmem:s3], [sflag:$0x5] =	stream.linear.gather [spmem:s2], $0x20, $0x38;
	[tilespmem:$0x11A60] =	vst v63  }
.Ltmp7:
0xe0: {  	_ = 	snop;
	(pc) =	sbr.rel .LBB2_12-.Ltmp7, $4  }
0xe1: {  	_ =	swait.ge [sflag:s0], $0x40  }
0xe2: {  	[sflag:s0] =	ssyncset.done $0x0  }
0xe3: {  	s31 =	simm.s32 $0x6;
	[sflag:s0] =	ssyncadd.s32 $0xFFFFFFC0  }
0xe4: {  	s4 =	simm.s32 $0x0;
	[sflag:s31] =	ssyncpa.u1 $0x0  }
.LBB2_17:
0xe5: {  	p0 =	sgt.u32 s5, $0x27FF  }
0xe6: {  	s0 =	sshrl.u32 @!p0 s5, $0x3  }
0xe7: {  	s5 =	sand.u32 @!p0 $0x7, s5;
	s6 =	simm.s32 @!p0 $0xB0;
	s0 =	sadd.s32 @!p0 s1, s0  }
0xe8: {  	[tilespmem:s6], [sflag:$0x6] =	stream.linear.gather @!p0 [hbm4b:s0+s5], $0x1, $0x38;
	[tilespmem:$0x11A60] =	vst v63  }
0xe9: {  	s0 =	simm.s32 @!p0 $0x6  }
0xea: {  	_ =	swait.ge @!p0 [sflag:s0], $0x1  }
0xeb: {  	[sflag:s0] =	ssyncset.done @!p0 $0x0  }
0xec: {  	[sflag:s0] =	ssyncadd.s32 @!p0 $0xFFFFFFFF  }
0xed: {  	v2 =	vmov @!p0 s4;
	v1 =	vld.msk @!p0 [tilespmem:$0xB0], $0x1;
	_ =	sdelay $0x3  }
0xee: {  	s0 =	simm.s32 @!p0 $0xE0  }
0xef: {  	[tilespmem:v2+s0+$0x0], v1 =	vst.idx.ret.add.f32.msk @!p0 $0x1, v1  }
0xf0: {  	[tilespmem:s2+$0xC0] =	vst.msk $0x1, v0  }
0xf1: {  	v0 =	vld.msk [tilespmem:s4+$0xE0], $0x1;
	_ =	sdelay $0x4  }
0xf2: {  	[tilespmem:s2+$0xE0] =	vst.msk $0x1, v0;
	s2 =	sadd.s32 $0x1, s2  }
.LBB2_19:
0xf3: {  	s4 =	sadd.s32 $0x1, s4  }
0xf4: {  	p0 =	sne.s32 s4, $0x20  }
.Ltmp8:
0xf5: {  	_ = 	snop;
	(pc) =	sbr.rel @!p0 .LBB2_20-.Ltmp8, $1  }
0xf6: {  	_ =	sdelay $0x3  }
.LBB2_12:
0xf7: {  	v0 =	vld.msk [tilespmem:s4+$0xC0], $0x1;
	_ =	sdelay $0x4  }
0xf8: {  	(v2sf) =	vpush v0, $0x0;
	_ =	sdelay $0xe  }
0xf9: {  	s5 =	spop (v2sf)  }
0xfa: {  	p0 =	seq.s32 s5, $0xFFFFFFFF  }
.Ltmp9:
0xfb: {  	_ = 	snop;
	(pc) =	sbr.rel @p0 .LBB2_19-.Ltmp9, $1  }
0xfc: {  	_ =	sdelay $0x3  }
0xfd: {  	p0 =	slt.s32 s2, $0x1  }
.Ltmp10:
0xfe: {  	_ = 	snop;
	(pc) =	sbr.rel @p0 .LBB2_17-.Ltmp10, $1  }
0xff: {  	_ =	sdelay $0x3  }
0x100: {  	s0 =	simm.s32 $0xC0;
	p0 =	por $0x0, $0x0  }
0x101: {  	v1 =	vld.msk @!p0 [tilespmem:s0+$0x0], $0x1;
	_ =	sdelay $0x4  }
0x102: {  	(v2sf) =	vpush @!p0 v1, $0x0;
	_ =	sdelay $0xd  }
0x103: {  	p2 =	sne.s32 s2, $0x1  }
.Ltmp11:
0x104: {  	s6 =	spop @!p0 (v2sf);
	(pc) =	sbr.rel @!p2 .LBB2_16-.Ltmp11, $4  }
0x105: {  	p1 =	seq.s32 @!p0 s5, s6  }
0x106: {  	s6 =	simm.s32 $0x0;
	p1 =	por !p1, p0  }
0x107: {  	s8 =	simm.s32 $0xFFFFFFFF;
	s6 =	simm.s32 @p1 $0xFFFFFFFF  }
0x108: {  	s7 =	simm.s32 $0x1;
	s6 =	smov.u32 @p0 s8  }
.LBB2_15:
0x109: {  	s8 =	smov.u32 s6;
	p0 =	sne.s32 s6, $0xFFFFFFFF  }
0x10a: {  	s0 =	sadd.s32 $0x1, s0;
	s6 =	smov.u32 s7;
	s7 =	sadd.s32 $0x1, s7  }
0x10b: {  	p1 =	sne.s32 s2, s7;
	v1 =	vld.msk @!p0 [tilespmem:s0+$0x0], $0x1;
	_ =	sdelay $0x4  }
0x10c: {  	(v2sf) =	vpush @!p0 v1, $0x0;
	_ =	sdelay $0xe  }
.Ltmp12:
0x10d: {  	s9 =	spop @!p0 (v2sf);
	(pc) =	sbr.rel @p1 .LBB2_15-.Ltmp12, $4  }
0x10e: {  	p2 =	seq.s32 @!p0 s5, s9  }
0x10f: {  	p2 =	por !p2, p0  }
0x110: {  	s6 =	simm.s32 @p2 $0xFFFFFFFF  }
0x111: {  	s6 =	smov.u32 @p0 s8  }
.LBB2_16:
0x112: {  	p0 =	sne.s32 s6, $0xFFFFFFFF  }
.Ltmp13:
0x113: {  	_ = 	snop;
	(pc) =	sbr.rel @!p0 .LBB2_17-.Ltmp13, $1  }
0x114: {  	_ =	sdelay $0x3  }
0x115: {  	v0 =	vld.msk [tilespmem:s4+$0xE0], $0x1;
	v1 =	vmov s6  }
.Ltmp14:
0x116: {  	_ = 	snop;
	(pc) =	sbr.rel .LBB2_19-.Ltmp14, $2  }
0x117: {  	_ =	sdelay $0x2  }
0x118: {  	[tilespmem:v1+s3+$0x0], v0 =	vst.idx.ret.add.f32.msk $0x1, v0  }
.LBB2_20:
0x119: {  	p0 =	slt.s32 s2, $0x1  }
.Ltmp15:
0x11a: {  	_ = 	snop;
	(pc) =	sbr.rel @p0 .LBB2_24-.Ltmp15, $3  }
0x11b: {  	_ =	sdelay $0x1  }
0x11c: {  	s0 =	simm.s32 $0x6  }
0x11d: {  	s3 =	simm.s32 $0x0;
	[sflag:s0] =	ssyncpa.u1 $0x1  }
0x11e: {  	s0 =	simm.s32 $0xC0  }
0x11f: {  	v0 =	vld.msk [tilespmem:s0+$0x0], $0x1;
	_ =	sdelay $0x4  }
0x120: {  	(v2sf) =	vpush v0, $0x0;
	_ =	sdelay $0xe  }
0x121: {  	s2 =	sadd.s32 $0xFFFFFFFF, s2;
	s4 =	spop (v2sf)  }
0x122: {  	p1 =	sne.s32 s2, $0x0;
	p0 =	sgt.u32 s4, $0x27FF  }
.Ltmp16:
0x123: {  	s5 =	sshrl.u32 @!p0 s4, $0x3;
	(pc) =	sbr.rel @!p1 .LBB2_23-.Ltmp16, $4  }
0x124: {  	s0 =	simm.s32 $0xE0;
	s4 =	sand.u32 @!p0 $0x7, s4;
	s5 =	sadd.s32 @!p0 s1, s5  }
0x125: {  	[hbm4b:s5+s4] =	stream.linear.scatter @!p0 [tilespmem:s0], [sflag:$0x5], $0x1, $0x38;
	[tilespmem:$0x11A60] =	vst v63  }
0x126: {  	s5 =	simm.s32 $0x0  }
0x127: {  	s4 =	simm.s32 $0xC1;
	s5 =	simm.s32 @!p0 $0x4  }
.LBB2_22:
0x128: {  	v0 =	vld.msk [tilespmem:s4+$0x0], $0x1;
	s2 =	sadd.s32 $0xFFFFFFFF, s2;
	s3 =	sadd.s32 s3, s5  }
0x129: {  	p0 =	sne.s32 s2, $0x0;
	_ =	sdelay $0x3  }
0x12a: {  	(v2sf) =	vpush v0, $0x0;
	_ =	sdelay $0xe  }
.Ltmp17:
0x12b: {  	s6 =	spop (v2sf);
	(pc) =	sbr.rel @p0 .LBB2_22-.Ltmp17, $4  }
0x12c: {  	s5 =	simm.s32 $0x0;
	p1 =	sgt.u32 s6, $0x27FF  }
0x12d: {  	s0 =	sadd.s32 $0x1, s0;
	s5 =	simm.s32 @!p1 $0x4;
	s7 =	sshrl.u32 @!p1 s6, $0x3  }
0x12e: {  	s4 =	sadd.s32 $0x1, s4;
	s6 =	sand.u32 @!p1 $0x7, s6;
	s7 =	sadd.s32 @!p1 s1, s7  }
0x12f: {  	[hbm4b:s7+s6] =	stream.linear.scatter @!p1 [tilespmem:s0], [sflag:$0x5], $0x1, $0x38;
	[tilespmem:$0x11A60] =	vst v63  }
.LBB2_23:
0x130: {  	s0 =	sadd.s32 s3, s5  }
0x131: {  	s3 =	sshrl.u32 s0, $0x2  }
.LBB2_24:
0x132: {  	s0 =	simm.s32 $0x5  }
0x133: {  	_ =	swait.ge [sflag:s0], s3  }
0x134: {  	s1 =	ssub.s32 $0x0, s3;
	[sflag:s0] =	ssyncset.done $0x0  }
0x135: {  	[sflag:s0] =	ssyncadd.s32 s1  }
0x136: {  	[sflag:s0] =	ssyncpa.u1 $0x1  }
0x137: {  	s29 =	simm.s32 $0x1;
	_ =	sfence  }
0x138: {  	s30 =	simm.s32 $0x2;
	[sflag:s29] =	ssyncpa.u1 $0x1  }
0x139: {  	[sflag:s30] =	ssyncpa.u1 $0x1  }
0x13a: {  	_ =	strace $0x90000047  }
0x13b: {  	[bflag:$0x2] =	sbarrier.arrive $0xFFFF  }
0x13c: {  	s31 =	rddreg [dreg:$0x2]  }
0x13d: {  	s0 =	sadd.s32 $0x100000, s31  }
0x13e: {  	[sflag:s0] =	ssyncadd.tile.s32 $0x1;
	_ =	shalt  }
.Lfunc_end2:
_tile_overlayer_lowered:
.L_overlay_start_2:
0x13f: {  	(tag) =	ssettag $0x2  }
0x140: {  	s0 =	rddreg [dreg:$0x0];
	s2 =	stileid.u32  }
0x141: {  	s1 =	rddreg [dreg:$0x1];
	p0 =	sne.s32 s2, $0x0  }
0x142: {  	s3 =	rddreg [dreg:$0x2];
	[bflag:$0x3] =	sbarrier.arrive $0xFFFF;
	s2 =	simm.s32 @!p0 $0x1C01  }
0x143: {  	[timem:s3], [sflag:s2] =	dma.local @!p0 [hbm:s0], s1  }
0x144: {  	s0 =	simm.s32 @!p0 $0x1  }
0x145: {  	_ =	swait.ge @!p0 [sflag:s0], s1  }
0x146: {  	s1 =	ssub.s32 @!p0 $0x0, s1;
	[sflag:s0] =	ssyncset.done @!p0 $0x0  }
0x147: {  	[sflag:s0] =	ssyncadd.s32 @!p0 s1  }
0x148: {  	[bflag:$0x3] =	sbarrier.arrive $0xFFFF  }
0x149: {  	_ =	shalt  }

// kernel: scatter_offload_async_start.2
scs
__scs_entry_jumppad:
0x0: {  	(pc) =	sbr.rel $0x88, $3  }
0x1: {  	(tag) =	ssettag $0x0;
	lr =	simm.s32 $0x1  }
0x2: {  	[smem:$0x3F76] =	sst lr;
	_ =	strace $0xD0000000  }
0x3: {  	_ = 	snop  }
0x4: {  	_ = 	snop  }
0x5: {  	_ = 	snop  }
0x6: {  	_ = 	snop  }
0x7: {  	_ = 	snop  }
__scs_overlays_trampoline_lowered:
0x8: {  	[smem:$0x3F85] =	sst s0  }
0x9: {  	[smem:$0x3F86] =	sst s1  }
0xa: {  	[smem:$0x3F87] =	sst s2  }
0xb: {  	[smem:$0x3F88] =	sst s3  }
0xc: {  	[smem:$0x3F89] =	sst s4  }
0xd: {  	[smem:$0x3F8A] =	sst s5  }
0xe: {  	[smem:$0x3F8B] =	sst s6  }
0xf: {  	[smem:$0x3F8C] =	sst s7  }
0x10: {  	[smem:$0x3F8D] =	sst s8  }
0x11: {  	[smem:$0x3F8E] =	sst s9;
	s0 =	simm.s32 @!p0 $0x0  }
0x12: {  	s1 =	sld [smem:$0x3F74];
	s0 =	simm.s32 @p0 $0x1  }
0x13: {  	[smem:$0x3F8F] =	sst s0;
	s0 =	simm.s32 @!p1 $0x0  }
0x14: {  	s2 =	sld [smem:$0x3F73];
	s0 =	simm.s32 @p1 $0x1  }
0x15: {  	[smem:$0x3F90] =	sst s0;
	s0 =	simm.s32 @!p2 $0x0  }
0x16: {  	s3 =	sld [smem:$0x3FDB];
	s0 =	simm.s32 @p2 $0x1  }
0x17: {  	s4 =	simm.s32 $0x1BF5;
	[smem:$0x3F92] =	sst s0  }
0x18: {  	s0 =	sld [smem:$0x3F75];
	_ =	swait.ge [sflag:s4], $0x0  }
0x19: {  	s7 =	sld [smem:$0x3F76]  }
0x1a: {  	s8 =	sadd.s32 $0xFFFFE003, lr  }
0x1b: {  	s9 =	sadd.s32 $0xFFFFFEF7, lr;
	s5 =	simm.s32 $0xFFFFFFFF;
	p2 =	slt.u32 s8, $0xFFFFF086  }
0x1c: {  	p1 =	slt.u32 s9, $0xF7A;
	s5 =	simm.s32 @!p2 $0x0  }
0x1d: {  	s5 =	simm.s32 @p1 $0x1;
	p0 =	seq.s32 s7, s2  }
0x1e: {  	s7 =	smul.u32 @!p0 $0xF7A, s2;
	p2 =	seq.s32 @!p0 s5, $0x0  }
0x1f: {  	s9 =	smul.u32 $0xF7A, s1;
	s8 =	simm.s32 @!p0 $0x1BF5;
	p2 =	por !p2, p0  }
0x20: {  	[sflag:s8] =	ssyncset.s32 @!p0 $0xFFFFF086;
	s6 =	sadd.s32 @!p0 s3, s7;
	s7 =	simm.s32 @!p0 $0x108  }
0x21: {  	s3 =	sadd.s32 s3, s9;
	s6 =	sadd.s32 @!p0 $0x88, s6;
	s7 =	simm.s32 @p2 $0x1082  }
0x22: {  	[simem:s7], [sflag:s8] =	dma.local @!p0 [hbm:s6], $0xF7A  }
0x23: {  	s9 =	sor.u32 $0xD0000000, s2;
	s6 =	simm.s32 $0x108;
	_ =	swait.ge @!p0 [sflag:s8], $0x0  }
0x24: {  	s3 =	sadd.s32 $0x88, s3;
	s6 =	simm.s32 @!p1 $0x1082;
	[sflag:s4] =	ssyncset.s32 $0xFFFFF086  }
0x25: {  	[simem:s6], [sflag:s4] =	dma.local [hbm:s3], $0xF7A  }
0x26: {  	[smem:$0x3F76] =	sst s1;
	(tag) =	ssettag s2;
	_ =	strace s9  }
0x27: {  	s1 =	sld [smem:$0x3F86]  }
0x28: {  	s2 =	sld [smem:$0x3F87]  }
0x29: {  	s4 =	sld [smem:$0x3F89]  }
0x2a: {  	p0 =	seq.s32 s5, $0x0;
	s5 =	sld [smem:$0x3F8A]  }
0x2b: {  	s6 =	sld [smem:$0x3F8B]  }
0x2c: {  	s7 =	sld [smem:$0x3F8C]  }
0x2d: {  	s3 =	simm.s32 $0x108;
	s8 =	sld [smem:$0x3F8D]  }
0x2e: {  	s3 =	simm.s32 @!p0 $0x1082;
	s9 =	sld [smem:$0x3F8E]  }
0x2f: {  	lr =	sadd.s32 s0, s3;
	s0 =	sld [smem:$0x3F85]  }
0x30: {  	s3 =	sld [smem:$0x3F88]  }
0x31: {  	[smem:$0x3F91] =	sst s10  }
0x32: {  	s10 =	sld [smem:$0x3F8F];
	_ =	sdelay $0x3  }
0x33: {  	p0 =	seq.s32 s10, $0x1;
	s10 =	sld [smem:$0x3F91];
	_ =	sdelay $0x3  }
0x34: {  	[smem:$0x3F91] =	sst s10  }
0x35: {  	s10 =	sld [smem:$0x3F90];
	_ =	sdelay $0x3  }
0x36: {  	p1 =	seq.s32 s10, $0x1;
	s10 =	sld [smem:$0x3F91];
	_ =	sdelay $0x3  }
0x37: {  	[smem:$0x3F91] =	sst s10  }
0x38: {  	s10 =	sld [smem:$0x3F92]  }
0x39: {  	_ = 	snop;
	(pc) =	sbr.ind lr, $3  }
0x3a: {  	_ = 	snop  }
0x3b: {  	_ = 	snop  }
0x3c: {  	p2 =	seq.s32 s10, $0x1;
	s10 =	sld [smem:$0x3F91]  }
0x3d: {  	_ =	shalt  }
0x3e: {  	_ =	shalt  }
0x3f: {  	_ =	shalt  }
0x40: {  	_ =	shalt  }
0x41: {  	_ =	shalt  }
0x42: {  	_ =	shalt  }
0x43: {  	_ =	shalt  }
0x44: {  	_ =	shalt  }
0x45: {  	_ =	shalt  }
0x46: {  	_ =	shalt  }
0x47: {  	_ =	shalt  }
0x48: {  	_ =	shalt  }
0x49: {  	_ =	shalt  }
0x4a: {  	_ =	shalt  }
0x4b: {  	_ =	shalt  }
0x4c: {  	_ =	shalt  }
0x4d: {  	_ =	shalt  }
0x4e: {  	_ =	shalt  }
0x4f: {  	_ =	shalt  }
0x50: {  	_ =	shalt  }
0x51: {  	_ =	shalt  }
0x52: {  	_ =	shalt  }
0x53: {  	_ =	shalt  }
0x54: {  	_ =	shalt  }
0x55: {  	_ =	shalt  }
0x56: {  	_ =	shalt  }
0x57: {  	_ =	shalt  }
0x58: {  	_ =	shalt  }
0x59: {  	_ =	shalt  }
0x5a: {  	_ =	shalt  }
0x5b: {  	_ =	shalt  }
0x5c: {  	_ =	shalt  }
0x5d: {  	_ =	shalt  }
0x5e: {  	_ =	shalt  }
0x5f: {  	_ =	shalt  }
0x60: {  	_ =	shalt  }
0x61: {  	_ =	shalt  }
0x62: {  	_ =	shalt  }
0x63: {  	_ =	shalt  }
0x64: {  	_ =	shalt  }
0x65: {  	_ =	shalt  }
0x66: {  	_ =	shalt  }
0x67: {  	_ =	shalt  }
0x68: {  	_ =	shalt  }
0x69: {  	_ =	shalt  }
0x6a: {  	_ =	shalt  }
0x6b: {  	_ =	shalt  }
0x6c: {  	_ =	shalt  }
0x6d: {  	_ =	shalt  }
0x6e: {  	_ =	shalt  }
0x6f: {  	_ =	shalt  }
0x70: {  	_ =	shalt  }
0x71: {  	_ =	shalt  }
0x72: {  	_ =	shalt  }
0x73: {  	_ =	shalt  }
0x74: {  	_ =	shalt  }
0x75: {  	_ =	shalt  }
0x76: {  	_ =	shalt  }
0x77: {  	_ =	shalt  }
0x78: {  	_ =	shalt  }
0x79: {  	_ =	shalt  }
0x7a: {  	_ =	shalt  }
0x7b: {  	_ =	shalt  }
0x7c: {  	_ =	shalt  }
0x7d: {  	_ =	shalt  }
0x7e: {  	_ =	shalt  }
0x7f: {  	_ =	shalt  }
0x80: {  	_ =	shalt  }
0x81: {  	_ =	shalt  }
0x82: {  	_ =	shalt  }
0x83: {  	_ =	shalt  }
0x84: {  	_ =	shalt  }
0x85: {  	_ =	shalt  }
0x86: {  	_ =	shalt  }
0x87: {  	_ =	shalt  }
.Lfunc_end0:
.L_simem_size_0:
called_computation.2_lowered:
.L_overlay_start_0:
0x88: {  	s2 =	sld [smem:$0x3FD9]  }
0x89: {  	s3 =	sld [smem:$0x3FFE];
	_ =	sdelay $0x1  }
0x8a: {  	s1 =	srdreg.scid  }
0x8b: {  	s0 =	sand.u32 $0x1, s1  }
0x8c: {  	s13 =	sshll.u32 s0, $0xA;
	s2 =	sadd.s32 s3, s2  }
0x8d: {  	s2 =	sadd.s32 s2, s13  }
0x8e: {  	[smem:$0x3F9D] =	sst s2  }
0x8f: {  	_ = 	snop  }
0x90: {  	s2 =	sld [smem:$0x3FD0];
	_ =	sdelay $0x2  }
0x91: {  	s14 =	simm.s32 $0xC;
	s4 =	simm.s32 $0x10  }
0x92: {  	[smem:s4], [sflag:s14] =	dma.local [hbm:s2], $0x1  }
0x93: {  	_ =	swait.eq [sflag:s14], $0x1  }
0x94: {  	[sflag:s14] =	ssyncset.done $0x0  }
0x95: {  	s5 =	sld [smem:$0x16];
	[sflag:s14] =	ssyncadd.s32 $0xFFFFFFFF  }
0x96: {  	s2 =	sadd.s32 $0x1, s2;
	s6 =	sld [smem:$0x17]  }
0x97: {  	[smem:s4], [sflag:s14] =	dma.local [hbm:s2], $0x1  }
0x98: {  	_ =	swait.eq [sflag:s14], $0x1  }
0x99: {  	[sflag:s14] =	ssyncset.done $0x0  }
0x9a: {  	[sflag:s14] =	ssyncadd.s32 $0xFFFFFFFF  }
0x9b: {  	s15 =	sld [smem:$0x10];
	(tm) =	ssettm $0x1  }
0x9c: {  	s16 =	sld [smem:$0x3FFB];
	_ =	sdelay $0x3  }
0x9d: {  	_ =	strace s16  }
0x9e: {  	s3 =	sld [smem:$0x3FFC];
	_ =	sdelay $0x3  }
0x9f: {  	_ =	strace s3  }
0xa0: {  	s3 =	sld [smem:$0x3FFD];
	_ =	sdelay $0x3  }
0xa1: {  	_ =	strace s3  }
0xa2: {  	_ =	strace $0x8FFFFFFF  }
0xa3: {  	s17 =	sld [smem:$0x3FDB];
	_ =	sdelay $0x1  }
0xa4: {  	s18 =	simm.s32 $_scs_section_size  }
0xa5: {  	s7 =	simm.s32 $_size__tile_overlayer_lowered;
	s8 =	simm.s32 $_tile_overlayer_lowered  }
0xa6: {  	s21 =	simm.s32 $0x1BFF;
	s20 =	sshll.u32 s8, $0x1;
	s3 =	sadd.s32 s18, s17  }
0xa7: {  	s9 =	simm.s32 $0x0;
	s19 =	sshll.u32 s7, $0x1;
	s7 =	sadd.s32 s20, s3  }
0xa8: {  	[timem:s9], [sflag:s21] =	dma.local [hbm:s7], s19  }
0xa9: {  	_ =	swait.ge [sflag:s21], s19  }
0xaa: {  	s4 =	ssub.s32 $0x0, s19;
	[sflag:s21] =	ssyncset.done $0x0  }
0xab: {  	[sflag:s21] =	ssyncadd.s32 s4;
	_ =	sdelay $0x1  }
0xac: {  	s22 =	simm.s32 $0x1B8B  }
0xad: {  	_ =	swait.ge [sflag:s22], $0x1  }
0xae: {  	[sflag:s22] =	ssyncset.done $0x0  }
0xaf: {  	s23 =	sld [smem:$0x3FFE];
	[sflag:s22] =	ssyncadd.s32 $0xFFFFFFFF  }
0xb0: {  	s25 =	simm.s32 $0x1B8E;
	s24 =	sld [smem:$0x0]  }
0xb1: {  	s26 =	simm.s32 $execute0_lowered;
	[smem:$0x3FD2] =	sst s25  }
0xb2: {  	s8 =	sshll.u32 s26, $0x1;
	_ =	strace $0x8000004F;
	[dreg:$0x1] =	wrdreg $0xFFFFFFFF  }
0xb3: {  	s28 =	simm.s32 $_size_execute0_lowered;
	s3 =	sadd.s32 s3, s8;
	[dreg:$0x0] =	wrdreg $0x0  }
0xb4: {  	s8 =	sshll.u32 s28, $0x1;
	[dreg:$0x2] =	wrdreg s3  }
0xb5: {  	[dreg:$0x3] =	wrdreg s8  }
0xb6: {  	[dreg:$0x4] =	wrdreg $0xC0  }
0xb7: {  	_ =	task [dreg:s9], $0x5FFFF  }
0xb8: {  	[dreg:$0x1] =	wrdreg $0xFFFFFFFF  }
0xb9: {  	[dreg:$0x0] =	wrdreg $0x60  }
0xba: {  	[dreg:$0x2] =	wrdreg s5  }
0xbb: {  	[dreg:$0x3] =	wrdreg s15  }
0xbc: {  	[dreg:$0x4] =	wrdreg s23  }
0xbd: {  	[dreg:$0x5] =	wrdreg s6  }
0xbe: {  	[dreg:$0x6] =	wrdreg s1  }
0xbf: {  	[dreg:$0x7] =	wrdreg s24  }
0xc0: {  	[dreg:$0x8] =	wrdreg $0x9  }
0xc1: {  	_ =	task.clear_ibuf [dreg:s9], $0x9FFFF;
	_ =	strace $0x9000004F  }
0xc2: {  	s29 =	simm.s32 $0x9;
	_ =	strace $0x80000051  }
0xc3: {  	_ =	swait.ge [sflag:s29], $0x1  }
0xc4: {  	[sflag:s29] =	ssyncadd.s32 $0xFFFFFFFF  }
0xc5: {  	_ =	strace $0x90000051  }
0xc6: {  	_ =	sfence  }
0xc7: {  	s30 =	sld [smem:$0x0];
	_ =	sdelay $0x2  }
0xc8: {  	s31 =	sshll.u32 s1, $0xD;
	s1 =	sshrl.u32 s1, $0x2  }
0xc9: {  	s3 =	sand.u32 $0x4000, s31;
	s1 =	sadd.s32 s1, s30  }
0xca: {  	s0 =	sor.u32 s3, s0;
	s1 =	sshll.u32 s1, $0x11  }
0xcb: {  	s0 =	sor.u32 s1, s0  }
0xcc: {  	s0 =	sadd.s32 $0x8F2B, s0  }
0xcd: {  	[sflag:s0] =	ssyncadd.remote.s32 $0x1  }
0xce: {  	_ =	sfence.sel $0xFFFF  }
0xcf: {  	[dreg:$0x0] =	wrdreg $0xFFFFFFFF;
	(pc) =	sbr.abs _section_cstart, $3  }
0xd0: {  	[dreg:$0x1] =	wrdreg $0xFFFFFFFF  }
0xd1: {  	_ =	task.clear_ibuf [dreg:s9], $0x2FFFF;
	_ =	strace $0x9FFFFFFF  }
0xd2: {  	(tm) =	ssettm $0x7FFFFFFF  }
0xd3: {  	_ =	shalt  }
tec
execute0_lowered:
.L_overlay_start_1:
0x0: {  	(tag) =	ssettag $0x1  }
0x1: {  	s1 =	rddreg [dreg:$0x0]  }
0x2: {  	s0 =	rddreg [dreg:$0x1]  }
0x3: {  	s4 =	rddreg [dreg:$0x2]  }
0x4: {  	s2 =	rddreg [dreg:$0x3]  }
0x5: {  	s5 =	rddreg [dreg:$0x4];
	_ =	strace $0x80000050;
	s3 =	simm.s32 $0x1  }
0x6: {  	v0 =	vimm.s32 $0x0;
	[sflag:s3] =	ssyncpa.u1 $0x0;
	s3 =	simm.s32 $0x88  }
0x7: {  	[tilespmem:s3+$0x30] =	vst v0  }
0x8: {  	[tilespmem:s3+$0x20] =	vst v0  }
0x9: {  	s6 =	sadd.s32 $0x1889C00, s4;
	s7 =	sand.u32 $0x1, s5;
	s4 =	simm.s32 $0x40;
	[tilespmem:s3+$0x10] =	vst v0  }
.LBB2_1:
0xa: {  	s4 =	sadd.s32 $0x40, s4  }
0xb: {  	[tilespmem:s3+$0x0] =	vst v0;
	s3 =	sadd.s32 $0x40, s3;
	p0 =	slt.u32 s4, $0x5040  }
.Ltmp0:
0xc: {  	(pc) =	sbr.rel @p0 .LBB2_1-.Ltmp0, $4  }
0xd: {  	_ = 	snop  }
0xe: {  	[tilespmem:s3+$0x30] =	vst v0  }
0xf: {  	[tilespmem:s3+$0x20] =	vst v0  }
0x10: {  	[tilespmem:s3+$0x10] =	vst v0  }
0x11: {  	s8 =	stileid.u32  }
0x12: {  	s4 =	smul.u32 $0x1F, s8  }
0x13: {  	s5 =	smin.u32 s8, $0x4  }
0x14: {  	s4 =	sadd.s32 s5, s4  }
0x15: {  	p0 =	slt.u32 s8, $0x4;
	s12 =	smul.u32 $0x140, s4;
	s4 =	simm.s32 $0x2800  }
0x16: {  	s4 =	simm.s32 @!p0 $0x26C0  }
0x17: {  	s25 =	simm.s32 $0x2;
	s4 =	sadd.s32 s4, s12  }
0x18: {  	s28 =	simm.s32 $0x9;
	s9 =	simm.s32 $0xA;
	s14 =	smin.u32 s4, $0x27100  }
0x19: {  	s30 =	simm.s32 $0xB;
	[dreg:$0x7] =	wrdreg s7;
	s4 =	ssub.s32 s14, s12  }
0x1a: {  	s31 =	smul.u32 $0x4E20, s7;
	s13 =	simm.s32 $0x1;
	p0 =	sgt.s32 s4, $0x0  }
0x1b: {  	s19 =	simm.s32 $0x0;
	s20 =	simm.s32 $0xA808;
	s4 =	simm.s32 @!p0 $0x0  }
0x1c: {  	s21 =	simm.s32 $0xFFFFFFFF;
	p1 =	por $0x0, $0x0;
	s26 =	smulhi.u32 $0x66666667, s4  }
0x1d: {  	[tilespmem:s3+$0x0] =	vst v0;
	s23 =	simm.s32 $0x0;
	[sflag:s25] =	ssyncpa.u1 $0x0;
	s18 =	sshll.u32 s8, $0x7  }
0x1e: {  	s0 =	sadd.s32 s31, s0;
	[dreg:$0xd] =	wrdreg s18;
	s3 =	sshrl.u32 s26, $0x7  }
0x1f: {  	v0 =	vimm.s32 $0xFFFFFFFF;
	s17 =	sadd.s32 s31, s2;
	[dreg:$0xc] =	wrdreg s0;
	s29 =	smul.u32 $0x140, s3  }
0x20: {  	s25 =	simm.s32 $0x0;
	[tilespmem:$0xA108] =	vst v0;
	[sflag:s28] =	ssyncpa.u1 $0x0;
	[dreg:$0xb] =	wrdreg s17  }
.Ltmp1:
0x21: {  	p0 =	sne.s32 s4, s29;
	s4 =	simm.s32 $0x1;
	(pc) =	sbr.rel .LBB2_3-.Ltmp1, $4  }
0x22: {  	[sflag:s9] =	ssyncpa.u1 $0x0;
	[dreg:$0x8] =	wrdreg s12;
	s4 =	simm.s32 @!p0 $0x0  }
0x23: {  	[sflag:s30] =	ssyncpa.u1 $0x0;
	[dreg:$0x9] =	wrdreg s14;
	s15 =	sadd.s32 s4, s3  }
0x24: {  	s24 =	smov.u32 s12;
	s22 =	sadd.s32 $0x1, s15;
	[dreg:$0xa] =	wrdreg s15  }
0x25: {  	v0 =	vlaneseq.u32;
	s26 =	simm.s32 $0x0;
	p0 =	por $0x1, $0x1;
	[dreg:$0xe] =	wrdreg s22  }
.LBB2_22:
0x26: {  	s0 =	sshrl.u32 s3, $0x2  }
.LBB2_24:
0x27: {  	s3 =	simm.s32 $0xC  }
0x28: {  	_ =	swait.ge [sflag:s3], s0  }
0x29: {  	s31 =	ssub.s32 $0x0, s0;
	v1 =	vmov s4;
	vm0 =	veq.s32 v0, $0x0;
	[sflag:s3] =	ssyncset.done $0x0  }
0x2a: {  	vm15 =	veq.s32 v0, $0x2;
	v1 =	vsel vm0, s2, v1;
	[sflag:s3] =	ssyncadd.s32 s31  }
0x2b: {  	v1 =	vsel vm15, s26, v1;
	[sflag:s3] =	ssyncpa.u1 $0x1  }
0x2c: {  	[tilespmem:$0xA108] =	vst v1  }
.LBB2_25:
0x2d: {  	s0 =	sadd.s32 $0x140, s24  }
0x2e: {  	s2 =	smov.u32 s12;
	p2 =	slt.s32 s0, s14  }
0x2f: {  	s2 =	smov.u32 @p2 s0;
	p2 =	sne.s32 s25, s22  }
.Ltmp2:
0x30: {  	_ = 	snop;
	(pc) =	sbr.rel @!p2 .LBB2_26-.Ltmp2, $4  }
0x31: {  	_ = 	snop  }
0x32: {  	s26 =	smov.u32 s23;
	s31 =	sadd.s32 $0x1, s25;
	p0 =	por !p0, !p0  }
0x33: {  	s23 =	smov.u32 s24;
	s20 =	sadd.s32 $0x140, s20;
	s21 =	sadd.s32 $0x1, s21  }
0x34: {  	p1 =	por !p1, !p1;
	s25 =	smov.u32 s31;
	s24 =	smov.u32 s2  }
.LBB2_3:
0x35: {  	p2 =	sge.u32 s25, s15  }
0x36: {  	s0 =	smulhi.u32 @!p2 $0xAAAAAAAB, s25  }
0x37: {  	s2 =	smov.u32 s24;
	p3 =	sgt.s32 @!p2 s24, $0x26FC0  }
0x38: {  	s3 =	sshra.s32 @!p2 s24, $0x1F;
	p3 =	por !p3, p2;
	s0 =	sshrl.u32 @!p2 s0, $0x1  }
0x39: {  	s3 =	sand.u32 @!p2 s3, s24;
	s2 =	simm.s32 @p3 $0x26FC0;
	s0 =	smul.u32 @!p2 $0x3, s0  }
0x3a: {  	s2 =	ssub.s32 @!p2 s2, s3  }
0x3b: {  	s2 =	sadd.s32 @!p2 $0xFFFD9040, s2;
	s0 =	ssub.s32 @!p2 s25, s0  }
0x3c: {  	s3 =	sshll.u32 @!p2 s2, $0x2;
	p3 =	sgt.s32 @!p2 s2, $0x13F;
	s0 =	smul.u32 @!p2 $0x500, s0  }
0x3d: {  	s4 =	sand.u32 @!p2 $0x7, s24;
	s2 =	ssub.s32 @!p2 $0x500, s3;
	p3 =	por !p3, p2  }
0x3e: {  	s3 =	sshrl.u32 @!p2 s24, $0x3;
	s2 =	sshrl.u32 @!p2 s2, $0x2;
	s0 =	sshrl.u32 @!p2 s0, $0x2  }
0x3f: {  	s3 =	sadd.s32 @!p2 s3, s17;
	s2 =	simm.s32 @!p3 $0x0;
	s0 =	sadd.s32 @!p2 $0xA948, s0  }
0x40: {  	[tilespmem:s0], [sflag:$0xA] =	stream.linear.gather @!p2 [hbm4b:s3+s4], s2, $0x38;
	[tilespmem:$0x1EF88] =	vst v63  }
0x41: {  	s0 =	sadd.s32 $0xFFFFFFFF, s25  }
0x42: {  	p2 =	sge.u32 s0, s15  }
.Ltmp3:
0x43: {  	_ = 	snop;
	(pc) =	sbr.rel @p2 .LBB2_7-.Ltmp3, $1  }
0x44: {  	_ =	sdelay $0x3  }
0x45: {  	p2 =	sgt.s32 s23, $0x26FC0;
	s2 =	smov.u32 s23;
	s3 =	sshra.s32 s23, $0x1F  }
0x46: {  	s2 =	simm.s32 @!p2 $0x26FC0;
	s3 =	sand.u32 s3, s23  }
0x47: {  	s17 =	smulhi.u32 $0xAAAAAAAB, s21;
	s2 =	ssub.s32 s2, s3  }
0x48: {  	s0 =	sand.u32 $0x1, s0;
	s2 =	sadd.s32 $0xFFFD9040, s2  }
0x49: {  	s5 =	simm.s32 $0xA;
	s3 =	sshrl.u32 s17, $0x1;
	s4 =	sshll.u32 s2, $0x2  }
0x4a: {  	s7 =	sshrl.u32 s23, $0x3;
	s3 =	smul.u32 $0xFFFFF100, s3;
	s4 =	ssub.s32 $0x500, s4  }
0x4b: {  	s18 =	smul.u32 $0x500, s0;
	p2 =	sgt.s32 s2, $0x13F;
	s2 =	sshrl.u32 s4, $0x2  }
0x4c: {  	s9 =	sand.u32 $0x7, s23;
	s3 =	sshra.s32 s3, $0x2;
	s2 =	simm.s32 @p2 $0x0  }
0x4d: {  	s0 =	sadd.s32 s3, s20;
	s4 =	sshrl.u32 s18, $0x2;
	_ =	swait.ge [sflag:s5], s2  }
0x4e: {  	s22 =	ssub.s32 $0x0, s2;
	[sflag:s5] =	ssyncset.done $0x0;
	s8 =	rddreg [dreg:$0xc]  }
0x4f: {  	s4 =	sadd.s32 $0xAD08, s4;
	[sflag:s5] =	ssyncadd.s32 s22;
	s3 =	sadd.s32 s7, s8  }
0x50: {  	[tilespmem:s4], [sflag:$0xB] =	stream.linear.gather [hbm4b:s3+s9], s2, $0x38;
	[tilespmem:$0x1EF88] =	vst v63  }
0x51: {  	v1 =	vld.msk [tilespmem:s0+$0x0], $0xffff;
	_ =	sdelay $0x4  }
0x52: {  	v1 =	vshll.u32 v1, $0x4  }
0x53: {  	(v2sf) =	vpush v1, $0x0  }
0x54: {  	(v2sf) =	vpush v1, $0x1  }
0x55: {  	(v2sf) =	vpush v1, $0x2;
	_ =	sdelay $0x3  }
0x56: {  	(v2sf) =	vpush v1, $0x3;
	_ =	sdelay $0x1  }
0x57: {  	(v2sf) =	vpush v1, $0x4  }
0x58: {  	s2 =	simm.s32 $0x1;
	(v2sf) =	vpush v1, $0x5  }
0x59: {  	s2 =	simm.s32 @!p0 $0x0  }
0x5a: {  	s2 =	smul.u32 $0x28000, s2;
	(v2sf) =	vpush v1, $0x6;
	_ =	sdelay $0x1  }
0x5b: {  	s2 =	sshrl.u32 s2, $0x2  }
0x5c: {  	s28 =	sadd.s32 $0xB708, s2  }
0x5d: {  	s12 =	sadd.s32 $0xFFFFF880, s28;
	s17 =	sadd.s32 $0xFFFFF900, s28;
	s10 =	spop (v2sf);
	(v2sf) =	vpush v1, $0x7  }
0x5e: {  	s18 =	sadd.s32 $0xFFFFF980, s28;
	s11 =	sand.u32 $0x1FFFFFF0, s10;
	s14 =	spop (v2sf)  }
0x5f: {  	(v2sf) =	vpush v1, $0x8;
	s2 =	sadd.s32 s6, s11;
	s15 =	sand.u32 $0x1FFFFFF0, s14;
	s16 =	spop (v2sf)  }
0x60: {  	[tilespmem:s12], [sflag:$0x9] =	stream.linear.gather [hbm4b:s2+s19], $0x40, $0x38;
	[tilespmem:$0x1EF88] =	vst v63  }
0x61: {  	s5 =	sadd.s32 $0xFFFFFA00, s28;
	s2 =	sadd.s32 s6, s15;
	s3 =	sand.u32 $0x1FFFFFF0, s16  }
0x62: {  	(v2sf) =	vpush v1, $0x9;
	[tilespmem:s17], [sflag:$0x9] =	stream.linear.gather [hbm4b:s2+s19], $0x40, $0x38;
	[tilespmem:$0x1EF88] =	vst v63  }
0x63: {  	s7 =	sadd.s32 $0xFFFFFA80, s28;
	s22 =	spop (v2sf);
	s3 =	sadd.s32 s6, s3  }
0x64: {  	(v2sf) =	vpush v1, $0xA;
	[tilespmem:s18], [sflag:$0x9] =	stream.linear.gather [hbm4b:s3+s19], $0x40, $0x38;
	[tilespmem:$0x1EF88] =	vst v63  }
0x65: {  	s11 =	sadd.s32 $0xFFFFFB00, s28;
	s4 =	spop (v2sf);
	(v2sf) =	vpush v1, $0xB;
	s3 =	sand.u32 $0x1FFFFFF0, s22  }
0x66: {  	s8 =	spop (v2sf);
	s2 =	sadd.s32 s6, s3;
	s3 =	sand.u32 $0x1FFFFFF0, s4  }
0x67: {  	(v2sf) =	vpush v1, $0xC;
	[tilespmem:s5], [sflag:$0x9] =	stream.linear.gather [hbm4b:s2+s19], $0x40, $0x38;
	[tilespmem:$0x1EF88] =	vst v63  }
0x68: {  	s9 =	sand.u32 $0x1FFFFFF0, s8;
	s10 =	spop (v2sf);
	s3 =	sadd.s32 s6, s3  }
0x69: {  	(v2sf) =	vpush v1, $0xD;
	[tilespmem:s7], [sflag:$0x9] =	stream.linear.gather [hbm4b:s3+s19], $0x40, $0x38;
	[tilespmem:$0x1EF88] =	vst v63  }
0x6a: {  	s12 =	sadd.s32 $0xFFFFFB80, s28;
	s2 =	sadd.s32 s6, s9;
	s3 =	sand.u32 $0x1FFFFFF0, s10  }
0x6b: {  	[tilespmem:s11], [sflag:$0x9] =	stream.linear.gather [hbm4b:s2+s19], $0x40, $0x38;
	[tilespmem:$0x1EF88] =	vst v63  }
0x6c: {  	s17 =	sadd.s32 $0xFFFFFC00, s28;
	s3 =	sadd.s32 s6, s3;
	s14 =	spop (v2sf)  }
0x6d: {  	[tilespmem:s12], [sflag:$0x9] =	stream.linear.gather [hbm4b:s3+s19], $0x40, $0x38;
	(v2sf) =	vpush v1, $0xE;
	[tilespmem:$0x1EF88] =	vst v63  }
0x6e: {  	s18 =	sadd.s32 $0xFFFFFC80, s28;
	s15 =	sand.u32 $0x1FFFFFF0, s14;
	s16 =	spop (v2sf)  }
0x6f: {  	s5 =	sadd.s32 $0xFFFFFD00, s28;
	(v2sf) =	vpush v1, $0xF;
	s2 =	sadd.s32 s6, s15;
	s3 =	sand.u32 $0x1FFFFFF0, s16  }
0x70: {  	[tilespmem:s17], [sflag:$0x9] =	stream.linear.gather [hbm4b:s2+s19], $0x40, $0x38;
	[tilespmem:$0x1EF88] =	vst v63  }
0x71: {  	s7 =	sadd.s32 $0xFFFFFD80, s28;
	s22 =	spop (v2sf);
	s3 =	sadd.s32 s6, s3  }
0x72: {  	[tilespmem:s18], [sflag:$0x9] =	stream.linear.gather [hbm4b:s3+s19], $0x40, $0x38;
	[tilespmem:$0x1EF88] =	vst v63  }
0x73: {  	s11 =	sadd.s32 $0xFFFFFE00, s28;
	s4 =	spop (v2sf);
	s3 =	sand.u32 $0x1FFFFFF0, s22  }
0x74: {  	s8 =	spop (v2sf);
	s2 =	sadd.s32 s6, s3;
	s3 =	sand.u32 $0x1FFFFFF0, s4  }
0x75: {  	[tilespmem:s5], [sflag:$0x9] =	stream.linear.gather [hbm4b:s2+s19], $0x40, $0x38;
	[tilespmem:$0x1EF88] =	vst v63  }
0x76: {  	s9 =	sand.u32 $0x1FFFFFF0, s8;
	s10 =	spop (v2sf);
	s3 =	sadd.s32 s6, s3  }
0x77: {  	[tilespmem:s7], [sflag:$0x9] =	stream.linear.gather [hbm4b:s3+s19], $0x40, $0x38;
	[tilespmem:$0x1EF88] =	vst v63  }
0x78: {  	s14 =	spop (v2sf);
	s2 =	sadd.s32 s6, s9;
	s3 =	sand.u32 $0x1FFFFFF0, s10  }
0x79: {  	[tilespmem:s11], [sflag:$0x9] =	stream.linear.gather [hbm4b:s2+s19], $0x40, $0x38;
	[tilespmem:$0x1EF88] =	vst v63  }
0x7a: {  	s12 =	sadd.s32 $0xFFFFFE80, s28;
	s15 =	sand.u32 $0x1FFFFFF0, s14;
	s3 =	sadd.s32 s6, s3  }
0x7b: {  	[tilespmem:s12], [sflag:$0x9] =	stream.linear.gather [hbm4b:s3+s19], $0x40, $0x38;
	[tilespmem:$0x1EF88] =	vst v63  }
0x7c: {  	s17 =	sadd.s32 $0xFFFFFF00, s28;
	s2 =	sadd.s32 s6, s15;
	s16 =	spop (v2sf)  }
0x7d: {  	[tilespmem:s17], [sflag:$0x9] =	stream.linear.gather [hbm4b:s2+s19], $0x40, $0x38;
	[tilespmem:$0x1EF88] =	vst v63  }
0x7e: {  	s29 =	simm.s32 $0x0;
	s3 =	sand.u32 $0x1FFFFFF0, s16;
	s18 =	spop (v2sf)  }
0x7f: {  	s22 =	sadd.s32 $0xFFFFFF80, s28;
	s3 =	sadd.s32 s6, s3;
	s2 =	sand.u32 $0x1FFFFFF0, s18  }
0x80: {  	[tilespmem:s22], [sflag:$0x9] =	stream.linear.gather [hbm4b:s3+s19], $0x40, $0x38;
	[tilespmem:$0x1EF88] =	vst v63  }
0x81: {  	s31 =	sadd.s32 $0x10, s0;
	s30 =	sadd.s32 $0x800, s28;
	s2 =	sadd.s32 s6, s2  }
.LBB2_5:
0x82: {  	[tilespmem:s28], [sflag:$0x9] =	stream.linear.gather [hbm4b:s2+s19], $0x40, $0x38;
	[tilespmem:$0x1EF88] =	vst v63  }
0x83: {  	s29 =	sadd.s32 $0x10, s29;
	s28 =	smov.u32 s30  }
0x84: {  	p2 =	slt.u32 s29, $0x130;
	v1 =	vld.msk [tilespmem:s31+$0x0], $0xffff;
	_ =	sdelay $0x4  }
0x85: {  	v1 =	vshll.u32 v1, $0x4  }
0x86: {  	(v2sf) =	vpush v1, $0x0  }
0x87: {  	(v2sf) =	vpush v1, $0x1  }
0x88: {  	(v2sf) =	vpush v1, $0x2;
	_ =	sdelay $0x1  }
0x89: {  	(v2sf) =	vpush v1, $0x3;
	_ =	sdelay $0x1  }
0x8a: {  	(v2sf) =	vpush v1, $0x4;
	_ =	sdelay $0x1  }
0x8b: {  	(v2sf) =	vpush v1, $0x5;
	_ =	sdelay $0x1  }
0x8c: {  	(v2sf) =	vpush v1, $0x6  }
0x8d: {  	s4 =	sadd.s32 $0xFFFFFE80, s30;
	s0 =	sadd.s32 $0xFFFFFF00, s30  }
0x8e: {  	s3 =	sadd.s32 $0xFFFFFD00, s30;
	s2 =	sadd.s32 $0xFFFFFD80, s30;
	s5 =	sadd.s32 $0xFFFFFE00, s30;
	(v2sf) =	vpush v1, $0x7  }
0x8f: {  	s10 =	sadd.s32 $0xFFFFFB80, s30;
	s9 =	sadd.s32 $0xFFFFFC00, s30;
	s16 =	sadd.s32 $0xFFFFFC80, s30  }
0x90: {  	s11 =	sadd.s32 $0xFFFFFA00, s30;
	s12 =	sadd.s32 $0xFFFFFA80, s30;
	s15 =	sadd.s32 $0xFFFFFB00, s30;
	(v2sf) =	vpush v1, $0x8  }
0x91: {  	s18 =	sadd.s32 $0xFFFFF900, s30;
	s7 =	sadd.s32 $0xFFFFF980, s30;
	s22 =	spop (v2sf)  }
0x92: {  	s8 =	sadd.s32 $0xFFFFF880, s30;
	s22 =	sand.u32 $0x1FFFFFF0, s22;
	s14 =	spop (v2sf);
	(v2sf) =	vpush v1, $0x9  }
0x93: {  	s22 =	sadd.s32 s6, s22;
	s14 =	sand.u32 $0x1FFFFFF0, s14;
	s17 =	spop (v2sf)  }
0x94: {  	[tilespmem:s8], [sflag:$0x9] =	stream.linear.gather [hbm4b:s22+s19], $0x40, $0x38;
	(v2sf) =	vpush v1, $0xA;
	[tilespmem:$0x1EF88] =	vst v63  }
0x95: {  	s8 =	sadd.s32 s6, s14;
	s14 =	sand.u32 $0x1FFFFFF0, s17;
	s17 =	spop (v2sf)  }
0x96: {  	[tilespmem:s18], [sflag:$0x9] =	stream.linear.gather [hbm4b:s8+s19], $0x40, $0x38;
	(v2sf) =	vpush v1, $0xB;
	[tilespmem:$0x1EF88] =	vst v63  }
0x97: {  	s8 =	sadd.s32 s6, s14;
	s14 =	sand.u32 $0x1FFFFFF0, s17;
	s17 =	spop (v2sf)  }
0x98: {  	[tilespmem:s7], [sflag:$0x9] =	stream.linear.gather [hbm4b:s8+s19], $0x40, $0x38;
	(v2sf) =	vpush v1, $0xC;
	[tilespmem:$0x1EF88] =	vst v63  }
0x99: {  	s7 =	sadd.s32 s6, s14;
	s8 =	sand.u32 $0x1FFFFFF0, s17;
	s14 =	spop (v2sf)  }
0x9a: {  	[tilespmem:s11], [sflag:$0x9] =	stream.linear.gather [hbm4b:s7+s19], $0x40, $0x38;
	(v2sf) =	vpush v1, $0xD;
	[tilespmem:$0x1EF88] =	vst v63  }
0x9b: {  	s7 =	sadd.s32 s6, s8;
	s8 =	sand.u32 $0x1FFFFFF0, s14;
	s11 =	spop (v2sf)  }
0x9c: {  	[tilespmem:s12], [sflag:$0x9] =	stream.linear.gather [hbm4b:s7+s19], $0x40, $0x38;
	(v2sf) =	vpush v1, $0xE;
	[tilespmem:$0x1EF88] =	vst v63  }
0x9d: {  	s7 =	sadd.s32 s6, s8;
	s8 =	sand.u32 $0x1FFFFFF0, s11;
	s11 =	spop (v2sf)  }
0x9e: {  	[tilespmem:s15], [sflag:$0x9] =	stream.linear.gather [hbm4b:s7+s19], $0x40, $0x38;
	(v2sf) =	vpush v1, $0xF;
	[tilespmem:$0x1EF88] =	vst v63  }
0x9f: {  	s7 =	sadd.s32 s6, s8;
	s8 =	sand.u32 $0x1FFFFFF0, s11;
	s11 =	spop (v2sf)  }
0xa0: {  	[tilespmem:s10], [sflag:$0x9] =	stream.linear.gather [hbm4b:s7+s19], $0x40, $0x38;
	[tilespmem:$0x1EF88] =	vst v63  }
0xa1: {  	s7 =	sadd.s32 s6, s8;
	s8 =	sand.u32 $0x1FFFFFF0, s11;
	s10 =	spop (v2sf)  }
0xa2: {  	[tilespmem:s9], [sflag:$0x9] =	stream.linear.gather [hbm4b:s7+s19], $0x40, $0x38;
	[tilespmem:$0x1EF88] =	vst v63  }
0xa3: {  	s7 =	sadd.s32 s6, s8;
	s8 =	sand.u32 $0x1FFFFFF0, s10;
	s9 =	spop (v2sf)  }
0xa4: {  	[tilespmem:s16], [sflag:$0x9] =	stream.linear.gather [hbm4b:s7+s19], $0x40, $0x38;
	[tilespmem:$0x1EF88] =	vst v63  }
0xa5: {  	s7 =	sadd.s32 s6, s8;
	s8 =	sand.u32 $0x1FFFFFF0, s9;
	s9 =	spop (v2sf)  }
0xa6: {  	[tilespmem:s3], [sflag:$0x9] =	stream.linear.gather [hbm4b:s7+s19], $0x40, $0x38;
	[tilespmem:$0x1EF88] =	vst v63  }
0xa7: {  	s3 =	sadd.s32 s6, s8;
	s7 =	sand.u32 $0x1FFFFFF0, s9;
	s8 =	spop (v2sf)  }
0xa8: {  	[tilespmem:s2], [sflag:$0x9] =	stream.linear.gather [hbm4b:s3+s19], $0x40, $0x38;
	[tilespmem:$0x1EF88] =	vst v63  }
0xa9: {  	s2 =	sadd.s32 s6, s7;
	s3 =	sand.u32 $0x1FFFFFF0, s8;
	s7 =	spop (v2sf)  }
0xaa: {  	[tilespmem:s5], [sflag:$0x9] =	stream.linear.gather [hbm4b:s2+s19], $0x40, $0x38;
	[tilespmem:$0x1EF88] =	vst v63  }
0xab: {  	s2 =	sadd.s32 s6, s3;
	s3 =	sand.u32 $0x1FFFFFF0, s7;
	s5 =	spop (v2sf)  }
0xac: {  	[tilespmem:s4], [sflag:$0x9] =	stream.linear.gather [hbm4b:s2+s19], $0x40, $0x38;
	[tilespmem:$0x1EF88] =	vst v63  }
0xad: {  	s2 =	sadd.s32 s6, s3  }
.Ltmp4:
0xae: {  	s3 =	sand.u32 $0x1FFFFFF0, s5;
	s4 =	spop (v2sf);
	(pc) =	sbr.rel @p2 .LBB2_5-.Ltmp4, $4  }
0xaf: {  	[tilespmem:s0], [sflag:$0x9] =	stream.linear.gather [hbm4b:s2+s19], $0x40, $0x38;
	[tilespmem:$0x1EF88] =	vst v63  }
0xb0: {  	s0 =	sadd.s32 s6, s3;
	s2 =	sadd.s32 $0xFFFFFF80, s30;
	s3 =	sand.u32 $0x1FFFFFF0, s4  }
0xb1: {  	[tilespmem:s2], [sflag:$0x9] =	stream.linear.gather [hbm4b:s0+s19], $0x40, $0x38;
	[tilespmem:$0x1EF88] =	vst v63  }
0xb2: {  	s31 =	sadd.s32 $0x10, s31;
	s30 =	sadd.s32 $0x800, s30;
	s2 =	sadd.s32 s6, s3  }
0xb3: {  	[tilespmem:s28], [sflag:$0x9] =	stream.linear.gather [hbm4b:s2+s19], $0x40, $0x38;
	[tilespmem:$0x1EF88] =	vst v63  }
0xb4: {  	s12 =	rddreg [dreg:$0x8]  }
0xb5: {  	s14 =	rddreg [dreg:$0x9]  }
0xb6: {  	s15 =	rddreg [dreg:$0xa]  }
0xb7: {  	s17 =	rddreg [dreg:$0xb]  }
0xb8: {  	s18 =	rddreg [dreg:$0xd]  }
0xb9: {  	s22 =	rddreg [dreg:$0xe]  }
.LBB2_7:
0xba: {  	p2 =	slt.u32 s25, $0x2  }
.Ltmp5:
0xbb: {  	_ = 	snop;
	(pc) =	sbr.rel @p2 .LBB2_25-.Ltmp5, $1  }
0xbc: {  	_ =	sdelay $0x3  }
0xbd: {  	p2 =	sgt.s32 s26, $0x26FC0;
	s0 =	smov.u32 s26;
	s2 =	sshra.s32 s26, $0x1F  }
0xbe: {  	s0 =	simm.s32 @!p2 $0x26FC0;
	s2 =	sand.u32 s2, s26  }
0xbf: {  	s0 =	ssub.s32 s0, s2  }
0xc0: {  	s0 =	sadd.s32 $0xFFFD9040, s0  }
0xc1: {  	s3 =	simm.s32 $0x9;
	s29 =	sshll.u32 s0, $0x2  }
0xc2: {  	_ =	swait.ge [sflag:s3], $0x5000;
	s2 =	ssub.s32 $0x500, s29  }
0xc3: {  	[sflag:s3] =	ssyncset.done $0x0;
	p2 =	sgt.s32 s0, $0x13F;
	s0 =	sshrl.u32 s2, $0x2  }
0xc4: {  	s30 =	simm.s32 $0xB;
	[sflag:s3] =	ssyncadd.s32 $0xFFFFB000;
	s0 =	simm.s32 @p2 $0x0  }
0xc5: {  	_ =	swait.ge [sflag:s30], s0  }
0xc6: {  	s0 =	ssub.s32 $0x0, s0;
	[sflag:s30] =	ssyncset.done $0x0  }
0xc7: {  	[sflag:s30] =	ssyncadd.s32 s0  }
0xc8: {  	v1 =	vld [tilespmem:$0xA108];
	_ =	sdelay $0x4  }
0xc9: {  	(v2sf) =	vpush v1, $0x0  }
0xca: {  	(v2sf) =	vpush v1, $0x1  }
0xcb: {  	(v2sf) =	vpush v1, $0x2;
	_ =	sdelay $0x3  }
0xcc: {  	s0 =	sadd.s32 $0x140, s26  }
0xcd: {  	s4 =	ssub.s32 $0x4E200, s26;
	p2 =	slt.s32 s14, s0  }
0xce: {  	s0 =	smov.u32 @p2 s14;
	p2 =	sgt.s32 s4, $0x0  }
0xcf: {  	s0 =	ssub.s32 s0, s26;
	s4 =	simm.s32 @!p2 $0x0  }
0xd0: {  	p2 =	slt.s32 s4, s0  }
0xd1: {  	s0 =	smov.u32 @p2 s4  }
0xd2: {  	s2 =	simm.s32 $0x1;
	p2 =	slt.s32 s0, $0x1  }
.Ltmp6:
0xd3: {  	s2 =	simm.s32 @!p1 $0x0;
	(pc) =	sbr.rel @p2 .LBB2_12-.Ltmp6, $4  }
0xd4: {  	s7 =	smul.u32 $0x500, s2  }
0xd5: {  	s3 =	spop (v2sf)  }
0xd6: {  	s31 =	sshrl.u32 s7, $0x2;
	s5 =	spop (v2sf)  }
0xd7: {  	s28 =	sadd.s32 $0xAD08, s31;
	s26 =	spop (v2sf)  }
0xd8: {  	s4 =	smin.u32 s0, $0x10  }
0xd9: {  	v1 =	vmov s4  }
0xda: {  	p3 =	sgt.s32 s0, $0x10;
	vm1 =	vgt.u32 v1, v0  }
.Ltmp7:
0xdb: {  	_ = 	snop;
	(pc) =	sbr.rel @!p3 .LBB2_11-.Ltmp7, $2  }
0xdc: {  	_ =	sdelay $0x2  }
0xdd: {  	s9 =	simm.s32 $0x10;
	s10 =	sadd.s32 $0xFFFFFFF0, s0;
	s4 =	smov.u32 s28;
	vm0 =	vmmov vm1  }
.LBB2_10:
0xde: {  	s7 =	smin.u32 s10, $0x10;
	s9 =	sadd.s32 $0x10, s9;
	v1 =	vld.msk [tilespmem:s4+$0x0 ss:$0x1], vm1  }
0xdf: {  	v2 =	vmov s7;
	p3 =	slt.s32 s9, s0  }
0xe0: {  	vm1 =	vgt.u32 v2, v0  }
.Ltmp8:
0xe1: {  	(pc) =	sbr.rel @p3 .LBB2_10-.Ltmp8, $3  }
0xe2: {  	_ =	sdelay $0x1  }
0xe3: {  	v1 =	vshll.u32 v1, $0x4  }
0xe4: {  	s10 =	sadd.s32 $0xFFFFFFF0, s10;
	[tilespmem:s4+$0x0] =	vst.msk vm0, v1;
	s4 =	sadd.s32 $0x10, s4;
	vm0 =	vmmov vm1  }
.LBB2_11:
0xe5: {  	_ =	sdelay $0x4  }
0xe6: {  	v1 =	vld.msk [tilespmem:s4+$0x0 ss:$0x1], vm1;
	_ =	sdelay $0x4  }
0xe7: {  	v1 =	vshll.u32 v1, $0x4  }
0xe8: {  	[tilespmem:s4+$0x0] =	vst.msk vm0, v1  }
.LBB2_12:
0xe9: {  	s4 =	sand.u32 $0x1, s25  }
0xea: {  	s4 =	smul.u32 $0x140, s4  }
0xeb: {  	p3 =	sne.s32 s5, $0xFFFFFFFF  }
0xec: {  	v1 =	vld.msk @!p3 [tilespmem:s4+$0xAD08], $0x1;
	_ =	sdelay $0x4  }
0xed: {  	(v2sf) =	vpush @!p3 v1, $0x0;
	_ =	sdelay $0xc  }
.Ltmp9:
0xee: {  	_ = 	snop;
	(pc) =	sbr.rel @p2 .LBB2_23-.Ltmp9, $4  }
0xef: {  	_ = 	snop  }
0xf0: {  	s29 =	spop @!p3 (v2sf)  }
0xf1: {  	s31 =	simm.s32 $0xC;
	s26 =	simm.s32 @!p3 $0x0;
	s4 =	smov.u32 s29  }
0xf2: {  	[sflag:s31] =	ssyncpa.u1 $0x0;
	s29 =	smov.u32 @p3 s3;
	s4 =	smov.u32 @p3 s5  }
0xf3: {  	v1 =	vld.msk [tilespmem:s28+$0x0], $0x1;
	_ =	sdelay $0x4  }
0xf4: {  	(v2sf) =	vpush v1, $0x0;
	_ =	sdelay $0xe  }
0xf5: {  	s2 =	smul.u32 $0x28000, s2;
	s5 =	spop (v2sf)  }
0xf6: {  	s31 =	ssub.s32 $0x0, s0;
	p2 =	seq.s32 s29, s5  }
0xf7: {  	s3 =	smov.u32 s29;
	s2 =	sshrl.u32 s2, $0x2;
	p3 =	sgt.s32 @!p2 s29, $0x0  }
0xf8: {  	s30 =	sadd.s32 $0xAFA8, s2;
	s2 =	sadd.s32 $0x1, s31;
	p3 =	por !p3, p2  }
0xf9: {  	s3 =	simm.s32 @p3 $0x0;
	p3 =	seq.s32 s2, $0x0  }
.Ltmp10:
0xfa: {  	_ = 	snop;
	(pc) =	sbr.rel @p3 .LBB2_15-.Ltmp10, $4  }
0xfb: {  	_ = 	snop  }
0xfc: {  	s0 =	simm.s32 $0x0;
	s9 =	simm.s32 @!p2 $0x1;
	s3 =	smin.u32 @!p2 s3, $0x270F8  }
0xfd: {  	s10 =	simm.s32 @!p2 $0x50C8;
	s9 =	smov.u32 @p2 s0;
	s7 =	sand.u32 @!p2 $0x3FFF8, s3  }
0xfe: {  	s16 =	sand.u32 @!p2 $0x7, s3;
	s3 =	sadd.s32 $0x1, s28;
	s11 =	sadd.s32 @!p2 s1, s7  }
.LBB2_14:
0xff: {  	s7 =	smov.u32 s9  }
0x100: {  	[tilespmem:s10], [sflag:$0x2] =	stream.linear.gather @!p2 [hbm4b:s11+s16], $0x40, $0x38;
	[tilespmem:$0x1EF88] =	vst v63  }
0x101: {  	s2 =	sadd.s32 $0x1, s2;
	s8 =	smov.u32 s5;
	v1 =	vld.msk [tilespmem:s3+$0x0], $0x1  }
0x102: {  	p3 =	seq.s32 s2, $0x0;
	_ =	sdelay $0x3  }
0x103: {  	(v2sf) =	vpush v1, $0x0;
	_ =	sdelay $0xe  }
0x104: {  	s5 =	spop (v2sf)  }
0x105: {  	p2 =	seq.s32 s8, s5  }
0x106: {  	p4 =	sgt.s32 @!p2 s8, $0x0;
	s10 =	sshll.u32 @!p2 s9, $0x8;
	s9 =	sadd.s32 @!p2 $0x1, s9  }
.Ltmp11:
0x107: {  	p4 =	por !p4, p2;
	s10 =	sshra.s32 @!p2 s10, $0x2;
	(pc) =	sbr.rel @!p3 .LBB2_14-.Ltmp11, $4  }
0x108: {  	s9 =	smov.u32 @p2 s7;
	s8 =	simm.s32 @p4 $0x0;
	s10 =	sadd.s32 @!p2 $0x50C8, s10  }
0x109: {  	s7 =	smin.u32 @!p2 s8, $0x270F8  }
0x10a: {  	s8 =	sand.u32 @!p2 $0x3FFF8, s7;
	s16 =	sand.u32 @!p2 $0x7, s7  }
0x10b: {  	s3 =	sadd.s32 $0x1, s3;
	s11 =	sadd.s32 @!p2 s1, s8  }
.LBB2_15:
0x10c: {  	[tilespmem:s10], [sflag:$0x2] =	stream.linear.gather @!p2 [hbm4b:s11+s16], $0x40, $0x38;
	[tilespmem:$0x1EF88] =	vst v63  }
.Ltmp12:
0x10d: {  	s2 =	sshll.u32 s9, $0x6;
	(pc) =	sbr.rel .LBB2_16-.Ltmp12, $4  }
0x10e: {  	s3 =	simm.s32 $0x2;
	s2 =	sand.u32 $0x3FFFFFC0, s2  }
0x10f: {  	_ =	swait.ge [sflag:s3], s2  }
0x110: {  	s2 =	ssub.s32 $0x0, s2;
	[sflag:s3] =	ssyncset.done $0x0  }
0x111: {  	[sflag:s3] =	ssyncadd.s32 s2;
	s3 =	simm.s32 $0x0  }
.LBB2_17:
0x112: {  	v1 =	vld [tilespmem:s30+$0xFFFFFFE0];
	_ =	sdelay $0x4  }
0x113: {  	[tilespmem:s5+$0x88] =	vst.add.f32.msk $0xffff, v1  }
0x114: {  	v1 =	vld [tilespmem:s30+$0xFFFFFFF0];
	_ =	sdelay $0x4  }
0x115: {  	[tilespmem:s5+$0x98] =	vst.add.f32.msk $0xffff, v1  }
0x116: {  	v1 =	vld [tilespmem:s30+$0x0];
	_ =	sdelay $0x4  }
0x117: {  	[tilespmem:s5+$0xA8] =	vst.add.f32.msk $0xffff, v1  }
0x118: {  	v1 =	vld [tilespmem:s30+$0x10];
	_ =	sdelay $0x4  }
0x119: {  	[tilespmem:s5+$0xB8] =	vst.add.f32.msk $0xffff, v1  }
.LBB2_21:
0x11a: {  	s31 =	sadd.s32 $0x1, s31  }
0x11b: {  	p2 =	seq.s32 s31, $0x0  }
.Ltmp13:
0x11c: {  	_ = 	snop;
	(pc) =	sbr.rel @p2 .LBB2_22-.Ltmp13, $2  }
0x11d: {  	_ =	sdelay $0x2  }
0x11e: {  	s30 =	sadd.s32 $0x80, s30;
	s28 =	sadd.s32 $0x1, s28;
	s29 =	smov.u32 s2  }
.LBB2_16:
0x11f: {  	v1 =	vld.msk [tilespmem:s28+$0x0], $0x1;
	_ =	sdelay $0x4  }
0x120: {  	(v2sf) =	vpush v1, $0x0;
	_ =	sdelay $0xe  }
0x121: {  	s2 =	spop (v2sf)  }
0x122: {  	p2 =	sne.s32 s29, s2  }
.Ltmp14:
0x123: {  	_ = 	snop;
	(pc) =	sbr.rel @!p2 .LBB2_17-.Ltmp14, $3  }
0x124: {  	_ =	sdelay $0x1  }
0x125: {  	s5 =	sshll.u32 s26, $0x8  }
0x126: {  	s5 =	sshra.s32 s5, $0x2  }
0x127: {  	p2 =	seq.s32 s29, s4  }
.Ltmp15:
0x128: {  	_ = 	snop;
	(pc) =	sbr.rel @!p2 .LBB2_19-.Ltmp15, $1  }
0x129: {  	_ =	sdelay $0x3  }
.Ltmp16:
0x12a: {  	s5 =	sadd.s32 $0x88, s5;
	(pc) =	sbr.rel .LBB2_20-.Ltmp16, $4  }
0x12b: {  	[spmem:s18] =	stream.linear.scatter [tilespmem:s5], [sflag:$0x1], $0x40, $0x38;
	[tilespmem:$0x1EF88] =	vst v63  }
0x12c: {  	_ =	swait.ge [sflag:s13], $0x40  }
0x12d: {  	[sflag:s13] =	ssyncset.done $0x0  }
0x12e: {  	[sflag:s13] =	ssyncadd.s32 $0xFFFFFFC0  }
.LBB2_19:
0x12f: {  	s7 =	sshll.u32 s0, $0x8  }
0x130: {  	s7 =	sshra.s32 s7, $0x2  }
0x131: {  	v1 =	vld [tilespmem:s7+$0x50C8];
	_ =	sdelay $0x4  }
0x132: {  	[tilespmem:s5+$0x88] =	vst.add.f32.msk $0xffff, v1  }
0x133: {  	v1 =	vld [tilespmem:s7+$0x50D8];
	_ =	sdelay $0x4  }
0x134: {  	[tilespmem:s5+$0x98] =	vst.add.f32.msk $0xffff, v1  }
0x135: {  	v1 =	vld [tilespmem:s7+$0x50E8];
	_ =	sdelay $0x4  }
0x136: {  	[tilespmem:s5+$0xA8] =	vst.add.f32.msk $0xffff, v1  }
0x137: {  	v1 =	vld [tilespmem:s7+$0x50F8];
	_ =	sdelay $0x2  }
0x138: {  	p2 =	sgt.u32 s29, $0x270F8  }
0x139: {  	s7 =	sand.u32 @!p2 $0x3FFF8, s29  }
0x13a: {  	s8 =	sadd.s32 $0x88, s5;
	[tilespmem:s5+$0xB8] =	vst.add.f32.msk $0xffff, v1;
	s5 =	sadd.s32 @!p2 s1, s7;
	s7 =	sand.u32 @!p2 $0x7, s29  }
0x13b: {  	[hbm4b:s5+s7] =	stream.linear.scatter @!p2 [tilespmem:s8], [sflag:$0xC], $0x40, $0x38;
	[tilespmem:$0x1EF88] =	vst v63  }
0x13c: {  	s5 =	simm.s32 $0x0  }
0x13d: {  	s5 =	simm.s32 @!p2 $0x100  }
0x13e: {  	s3 =	sadd.s32 s5, s3  }
.LBB2_20:
0x13f: {  	s5 =	sadd.s32 $0x1, s26  }
0x140: {  	s7 =	smulhi.u32 $0xCCCCCCCD, s5;
	_ =	sdelay $0x1  }
0x141: {  	v1 =	vld [tilespmem:s30+$0xFFFFFFE0];
	s7 =	sshrl.u32 s7, $0x8  }
0x142: {  	s7 =	smul.u32 $0x140, s7;
	_ =	sdelay $0x1  }
0x143: {  	s26 =	ssub.s32 s5, s7  }
0x144: {  	s5 =	sshll.u32 s26, $0x6  }
0x145: {  	[tilespmem:s5+$0x88] =	vst v1  }
0x146: {  	v1 =	vld [tilespmem:s30+$0xFFFFFFF0];
	_ =	sdelay $0x4  }
0x147: {  	[tilespmem:s5+$0x98] =	vst v1  }
0x148: {  	v1 =	vld [tilespmem:s30+$0x0];
	_ =	sdelay $0x4  }
0x149: {  	[tilespmem:s5+$0xA8] =	vst v1  }
0x14a: {  	v1 =	vld [tilespmem:s30+$0x10]  }
.Ltmp17:
0x14b: {  	_ = 	snop;
	(pc) =	sbr.rel .LBB2_21-.Ltmp17, $2  }
0x14c: {  	_ =	sdelay $0x2  }
0x14d: {  	s0 =	sadd.s32 $0x1, s0;
	[tilespmem:s5+$0xB8] =	vst v1  }
.LBB2_23:
.Ltmp18:
0x14e: {  	(pc) =	sbr.rel .LBB2_24-.Ltmp18, $4  }
0x14f: {  	_ = 	snop  }
0x150: {  	s0 =	simm.s32 $0x2  }
0x151: {  	_ =	swait.ge [sflag:s0], $0x0  }
0x152: {  	s2 =	smov.u32 s29;
	[sflag:s0] =	ssyncset.done $0x0;
	s0 =	simm.s32 $0x0  }
.LBB2_26:
0x153: {  	_ =	sfence.sel $0x180000  }
0x154: {  	s0 =	simm.s32 $0x9;
	[bflag:$0x0] =	sbarrier.arrive $0xFFFF  }
0x155: {  	s24 =	simm.s32 $0xA;
	[sflag:s0] =	ssyncpa.u1 $0x1  }
0x156: {  	s25 =	simm.s32 $0xB;
	[sflag:s24] =	ssyncpa.u1 $0x1  }
0x157: {  	s26 =	simm.s32 $0x2;
	[sflag:s25] =	ssyncpa.u1 $0x1  }
0x158: {  	[sflag:s26] =	ssyncpa.u1 $0x1  }
0x159: {  	v0 =	vld [tilespmem:$0xA108];
	_ =	sdelay $0x4  }
0x15a: {  	(v2sf) =	vpush v0, $0x0  }
0x15b: {  	(v2sf) =	vpush v0, $0x1;
	_ =	sdelay $0x1  }
0x15c: {  	(v2sf) =	vpush v0, $0x2;
	_ =	sdelay $0xb  }
0x15d: {  	s0 =	spop (v2sf)  }
0x15e: {  	s2 =	spop (v2sf)  }
0x15f: {  	s3 =	smov.u32 s0;
	p0 =	sne.s32 s0, s2  }
0x160: {  	s4 =	spop (v2sf);
	s3 =	simm.s32 @!p0 $0xFFFFFFFF  }
0x161: {  	v2 =	vimm.s32 $0x1;
	v3 =	vlaneseq.u32;
	p0 =	seq.s32 s4, $0xFFFFFFFF;
	v1 =	vmov s3  }
0x162: {  	s14 =	stileid.u32;
	v0 =	vperm.xlane v0, v2;
	p1 =	sne.s32 @!p0 s0, s2;
	v1 =	vperm.xlane v1, v3  }
0x163: {  	vm0 =	vcmask $0x3F04;
	s6 =	simm.s32 $0xA108;
	s0 =	simm.s32 @!p0 $0x1;
	p1 =	por !p1, p0  }
0x164: {  	s3 =	sshll.u32 s14, $0x1;
	s2 =	sshll.u32 @!p0 s4, $0x8;
	s0 =	simm.s32 @p1 $0x0;
	v0 =	vsel vm0, v1, v0  }
0x165: {  	s5 =	sor.u32 $0x800, s3;
	s2 =	sshra.s32 @!p0 s2, $0x2;
	s0 =	sor.u32 @!p0 s0, s3;
	[tilespmem:$0xA108] =	vst v0  }
0x166: {  	[spmem:s5] =	stream.linear.scatter [tilespmem:s6], [sflag:$0x1], $0x2, $0x38;
	[tilespmem:$0x1EF88] =	vst v63  }
0x167: {  	s2 =	sadd.s32 @!p0 $0x88, s2;
	s0 =	sshll.u32 @!p0 s0, $0x6  }
0x168: {  	[spmem:s0] =	stream.linear.scatter @!p0 [tilespmem:s2], [sflag:$0x1], $0x40, $0x38;
	[tilespmem:$0x1EF88] =	vst v63  }
0x169: {  	s0 =	simm.s32 @!p0 $0x42  }
0x16a: {  	s28 =	simm.s32 $0x1;
	s0 =	simm.s32 @p0 $0x2  }
0x16b: {  	_ =	swait.ge [sflag:s28], s0  }
0x16c: {  	s0 =	ssub.s32 $0x0, s0;
	[sflag:s28] =	ssyncset.done $0x0  }
0x16d: {  	p0 =	sne.s32 s14, $0x0;
	[sflag:s28] =	ssyncadd.s32 s0  }
.Ltmp19:
0x16e: {  	_ =	sfence.stream.spmem;
	(pc) =	sbr.rel @p0 .LBB2_43-.Ltmp19, $4  }
0x16f: {  	s29 =	simm.s32 $0x3;
	[bflag:$0x0] =	sbarrier.arrive $0xFFFF  }
0x170: {  	s30 =	simm.s32 $0x4;
	[sflag:s29] =	ssyncpa.u1 $0x1  }
0x171: {  	s31 =	simm.s32 $0x3C;
	[sflag:s30] =	ssyncpa.u1 $0x1  }
0x172: {  	s13 =	rddreg [dreg:$0x7];
	[sflag:s31] =	ssyncpa.u1 $0x1  }
0x173: {  	_ =	sfence.stream.spmem;
	s0 =	simm.s32 $0x5  }
0x174: {  	s2 =	simm.s32 $0x800;
	s3 =	simm.s32 $0xA118;
	[sflag:s0] =	ssyncpa.u1 $0x0  }
0x175: {  	[tilespmem:s3], [sflag:$0x5] =	stream.linear.gather [spmem:s2], $0x20, $0x38;
	[tilespmem:$0x1EF88] =	vst v63  }
0x176: {  	s26 =	simm.s32 $0x0;
	s28 =	simm.s32 $0xA138  }
0x177: {  	[tilespmem:s28], [sflag:$0x5] =	stream.linear.gather [spmem:s26], $0x800, $0x38;
	[tilespmem:$0x1EF88] =	vst v63  }
0x178: {  	_ =	swait.ge [sflag:s0], $0x820  }
0x179: {  	[sflag:s0] =	ssyncset.done $0x0  }
0x17a: {  	s29 =	simm.s32 $0x0;
	[sflag:s0] =	ssyncadd.s32 $0xFFFFF7E0  }
0x17b: {  	v0 =	vld.msk [tilespmem:s29+$0xA118], $0x1;
	_ =	sdelay $0x1  }
0x17c: {  	s30 =	simm.s32 $0x1  }
0x17d: {  	v1 =	vld.msk [tilespmem:s30+$0xA118], $0x1;
	_ =	sdelay $0x1  }
0x17e: {  	(v2sf) =	vpush v0, $0x0;
	_ =	sdelay $0x2  }
0x17f: {  	(v2sf) =	vpush v1, $0x0;
	_ =	sdelay $0x2  }
0x180: {  	s31 =	simm.s32 $0x2  }
0x181: {  	v0 =	vld.msk [tilespmem:s31+$0xA118], $0x1;
	_ =	sdelay $0x2  }
0x182: {  	s2 =	simm.s32 $0xFFFFFFFF;
	s3 =	simm.s32 $0xFFFFFFFF;
	s0 =	simm.s32 $0xC  }
.LBB2_28:
0x183: {  	s4 =	smov.u32 s3;
	s5 =	smov.u32 s2  }
0x184: {  	s2 =	sshra.s32 s0, $0x2;
	p1 =	sne.s32 s0, $0x7C;
	s0 =	sadd.s32 $0x4, s0;
	(v2sf) =	vpush v0, $0x0  }
0x185: {  	v0 =	vld.msk [tilespmem:s2+$0xA118], $0x1  }
.Ltmp20:
0x186: {  	(pc) =	sbr.rel @p1 .LBB2_28-.Ltmp20, $4  }
0x187: {  	s3 =	spop (v2sf)  }
0x188: {  	p2 =	sne.s32 s5, $0xFFFFFFFF;
	s2 =	smov.u32 s3  }
0x189: {  	p3 =	seq.s32 s3, $0xFFFFFFFF;
	s2 =	smov.u32 @p2 s5  }
0x18a: {  	s3 =	smov.u32 @p3 s4;
	s2 =	smov.u32 @p3 s5  }
0x18b: {  	(v2sf) =	vpush v0, $0x0;
	_ =	sdelay $0x8  }
0x18c: {  	s0 =	spop (v2sf)  }
0x18d: {  	p1 =	sne.s32 s2, $0xFFFFFFFF;
	s4 =	smov.u32 s0  }
0x18e: {  	s6 =	simm.s32 $0x0;
	p2 =	seq.s32 s0, $0xFFFFFFFF;
	s4 =	smov.u32 @p1 s2  }
0x18f: {  	s9 =	simm.s32 $0xA0C8;
	s4 =	smov.u32 @p2 s2;
	s2 =	spop (v2sf)  }
0x190: {  	s0 =	smov.u32 @p2 s3;
	p1 =	sne.s32 s4, $0xFFFFFFFF;
	s5 =	smov.u32 s2  }
.Ltmp21:
0x191: {  	p2 =	seq.s32 s2, $0xFFFFFFFF;
	s5 =	smov.u32 @p1 s4;
	(pc) =	sbr.rel .LBB2_30-.Ltmp21, $4  }
0x192: {  	s10 =	simm.s32 $0x0;
	s5 =	smov.u32 @p2 s4;
	s7 =	spop (v2sf)  }
0x193: {  	s2 =	smov.u32 @p2 s0;
	p1 =	sne.s32 s5, $0xFFFFFFFF;
	s8 =	smov.u32 s7  }
0x194: {  	s0 =	simm.s32 $0x6;
	p2 =	seq.s32 s7, $0xFFFFFFFF;
	s8 =	smov.u32 @p1 s5  }
0x195: {  	[sflag:s0] =	ssyncpa.u1 $0x0;
	s7 =	smov.u32 @p2 s2;
	s8 =	smov.u32 @p2 s5  }
.LBB2_36:
0x196: {  	p1 =	sgt.u32 s2, $0x270F8  }
0x197: {  	p2 =	seq.s32 @!p1 s2, s8  }
0x198: {  	p1 =	por p1, p2  }
0x199: {  	p2 =	sne.s32 @!p1 s2, s7  }
0x19a: {  	p1 =	por p1, !p2  }
0x19b: {  	s2 =	sshll.u32 @p1 s10, $0x8  }
0x19c: {  	s3 =	sand.u32 @!p1 $0x3FFF8, s2  }
0x19d: {  	s2 =	sand.u32 @!p1 $0x7, s2;
	s3 =	sadd.s32 @!p1 s1, s3  }
0x19e: {  	[tilespmem:s9], [sflag:$0x6] =	stream.linear.gather @!p1 [hbm4b:s3+s2], $0x40, $0x38;
	[tilespmem:$0x1EF88] =	vst v63  }
0x19f: {  	_ =	swait.ge @!p1 [sflag:s0], $0x40  }
0x1a0: {  	[sflag:s0] =	ssyncset.done @!p1 $0x0  }
0x1a1: {  	[sflag:s0] =	ssyncadd.s32 @!p1 $0xFFFFFFC0  }
0x1a2: {  	v1 =	vld @!p1 [tilespmem:$0xA0C8];
	_ =	sdelay $0x2  }
0x1a3: {  	s2 =	sshll.u32 @!p1 s10, $0x8  }
0x1a4: {  	s3 =	sshrl.u32 @!p1 s2, $0x2  }
0x1a5: {  	[tilespmem:s3+$0xA138] =	vst.add.f32.msk @!p1 $0xffff, v1  }
0x1a6: {  	v1 =	vld @!p1 [tilespmem:$0xA0D8];
	_ =	sdelay $0x4  }
0x1a7: {  	[tilespmem:s3+$0xA148] =	vst.add.f32.msk @!p1 $0xffff, v1  }
0x1a8: {  	v1 =	vld @!p1 [tilespmem:$0xA0E8];
	_ =	sdelay $0x4  }
0x1a9: {  	[tilespmem:s3+$0xA158] =	vst.add.f32.msk @!p1 $0xffff, v1  }
0x1aa: {  	v1 =	vld @!p1 [tilespmem:$0xA0F8];
	_ =	sdelay $0x4  }
0x1ab: {  	[tilespmem:s3+$0xA168] =	vst.add.f32.msk @!p1 $0xffff, v1  }
0x1ac: {  	s2 =	sshrl.u32 s2, $0x2;
	[tilespmem:s6+$0xA118] =	vst.msk $0x1, v0  }
0x1ad: {  	v0 =	vld [tilespmem:s2+$0xA138];
	_ =	sdelay $0x2  }
0x1ae: {  	s31 =	sshll.u32 s6, $0x8  }
0x1af: {  	s3 =	sshra.s32 s31, $0x2  }
0x1b0: {  	[tilespmem:s3+$0xA138] =	vst v0  }
0x1b1: {  	v0 =	vld [tilespmem:s2+$0xA148];
	_ =	sdelay $0x4  }
0x1b2: {  	[tilespmem:s3+$0xA148] =	vst v0  }
0x1b3: {  	v0 =	vld [tilespmem:s2+$0xA158];
	_ =	sdelay $0x4  }
0x1b4: {  	[tilespmem:s3+$0xA158] =	vst v0  }
0x1b5: {  	v0 =	vld [tilespmem:s2+$0xA168];
	_ =	sdelay $0x4  }
0x1b6: {  	s6 =	sadd.s32 $0x1, s6;
	[tilespmem:s3+$0xA168] =	vst v0  }
.LBB2_37:
0x1b7: {  	s10 =	sadd.s32 $0x1, s10  }
0x1b8: {  	p1 =	sne.s32 s10, $0x20  }
.Ltmp22:
0x1b9: {  	_ = 	snop;
	(pc) =	sbr.rel @!p1 .LBB2_38-.Ltmp22, $1  }
0x1ba: {  	_ =	sdelay $0x3  }
.LBB2_30:
0x1bb: {  	v0 =	vld.msk [tilespmem:s10+$0xA118], $0x1;
	_ =	sdelay $0x4  }
0x1bc: {  	(v2sf) =	vpush v0, $0x0;
	_ =	sdelay $0xe  }
0x1bd: {  	s2 =	spop (v2sf)  }
0x1be: {  	p1 =	seq.s32 s2, $0xFFFFFFFF  }
.Ltmp23:
0x1bf: {  	_ = 	snop;
	(pc) =	sbr.rel @p1 .LBB2_37-.Ltmp23, $1  }
0x1c0: {  	_ =	sdelay $0x3  }
0x1c1: {  	p1 =	slt.s32 s6, $0x1  }
.Ltmp24:
0x1c2: {  	_ = 	snop;
	(pc) =	sbr.rel @p1 .LBB2_36-.Ltmp24, $1  }
0x1c3: {  	_ =	sdelay $0x3  }
0x1c4: {  	s3 =	simm.s32 $0xA118;
	p1 =	por $0x0, $0x0  }
0x1c5: {  	v1 =	vld.msk @!p1 [tilespmem:s3+$0x0], $0x1;
	_ =	sdelay $0x4  }
0x1c6: {  	(v2sf) =	vpush @!p1 v1, $0x0;
	_ =	sdelay $0xd  }
0x1c7: {  	p3 =	sne.s32 s6, $0x1  }
.Ltmp25:
0x1c8: {  	s4 =	spop @!p1 (v2sf);
	(pc) =	sbr.rel @!p3 .LBB2_34-.Ltmp25, $4  }
0x1c9: {  	p2 =	seq.s32 @!p1 s2, s4  }
0x1ca: {  	s4 =	simm.s32 $0x0;
	p2 =	por !p2, p1  }
0x1cb: {  	s11 =	simm.s32 $0xFFFFFFFF;
	s4 =	simm.s32 @p2 $0xFFFFFFFF  }
0x1cc: {  	s5 =	simm.s32 $0x1;
	s4 =	smov.u32 @p1 s11  }
.LBB2_33:
0x1cd: {  	s11 =	smov.u32 s4;
	p1 =	sne.s32 s4, $0xFFFFFFFF  }
0x1ce: {  	s3 =	sadd.s32 $0x1, s3;
	s4 =	smov.u32 s5;
	s5 =	sadd.s32 $0x1, s5  }
0x1cf: {  	p2 =	sne.s32 s6, s5;
	v1 =	vld.msk @!p1 [tilespmem:s3+$0x0], $0x1;
	_ =	sdelay $0x4  }
0x1d0: {  	(v2sf) =	vpush @!p1 v1, $0x0;
	_ =	sdelay $0xe  }
.Ltmp26:
0x1d1: {  	s12 =	spop @!p1 (v2sf);
	(pc) =	sbr.rel @p2 .LBB2_33-.Ltmp26, $4  }
0x1d2: {  	p3 =	seq.s32 @!p1 s2, s12  }
0x1d3: {  	p3 =	por !p3, p1  }
0x1d4: {  	s4 =	simm.s32 @p3 $0xFFFFFFFF  }
0x1d5: {  	s4 =	smov.u32 @p1 s11  }
.LBB2_34:
0x1d6: {  	p1 =	seq.s32 s4, $0xFFFFFFFF  }
.Ltmp27:
0x1d7: {  	_ = 	snop;
	(pc) =	sbr.rel @p1 .LBB2_36-.Ltmp27, $1  }
0x1d8: {  	_ =	sdelay $0x3  }
0x1d9: {  	s2 =	sshll.u32 s10, $0x6  }
0x1da: {  	s2 =	sand.u32 $0x3FFFFFC0, s2  }
0x1db: {  	v0 =	vld [tilespmem:s2+$0xA138];
	_ =	sdelay $0x2  }
0x1dc: {  	s3 =	sshll.u32 s4, $0x8  }
0x1dd: {  	s3 =	sshra.s32 s3, $0x2  }
0x1de: {  	[tilespmem:s3+$0xA138] =	vst.add.f32.msk $0xffff, v0  }
0x1df: {  	v0 =	vld [tilespmem:s2+$0xA148];
	_ =	sdelay $0x4  }
0x1e0: {  	[tilespmem:s3+$0xA148] =	vst.add.f32.msk $0xffff, v0  }
0x1e1: {  	v0 =	vld [tilespmem:s2+$0xA158];
	_ =	sdelay $0x4  }
0x1e2: {  	[tilespmem:s3+$0xA158] =	vst.add.f32.msk $0xffff, v0  }
0x1e3: {  	v0 =	vld [tilespmem:s2+$0xA168]  }
.Ltmp28:
0x1e4: {  	_ = 	snop;
	(pc) =	sbr.rel .LBB2_37-.Ltmp28, $2  }
0x1e5: {  	_ =	sdelay $0x2  }
0x1e6: {  	[tilespmem:s3+$0xA168] =	vst.add.f32.msk $0xffff, v0  }
.LBB2_38:
0x1e7: {  	s0 =	simm.s32 $0x6;
	p1 =	seq.s32 s6, $0x0  }
0x1e8: {  	[sflag:s0] =	ssyncpa.u1 $0x1;
	v0 =	vimm.s32 @p1 $0xFFFFFFFF  }
0x1e9: {  	s0 =	sadd.s32 $0xFFFFFFFF, s6;
	[tilespmem:$0xA938] =	vst @p1 v0  }
0x1ea: {  	v0 =	vld.msk @!p1 [tilespmem:s0+$0xA118], $0x1;
	_ =	sdelay $0x1  }
0x1eb: {  	v1 =	vld.msk @!p1 [tilespmem:$0xA118], $0x1;
	_ =	sdelay $0x2  }
0x1ec: {  	p2 =	seq.s32 @!p1 s0, $0x0;
	v0 =	vbroadcast @!p1 v0, $0x0  }
0x1ed: {  	vm0 =	vmmov @!p1 $0x1;
	p2 =	por !p2, p1  }
0x1ee: {  	v1 =	vnsel @!p1 vm0, $0xFFFFFFFF, v1;
	vm0 =	vcmask @!p1 $0x308;
	v0 =	vpsel !p2, $0xFFFFFFFF, v0  }
0x1ef: {  	p2 =	sne.s32 @!p1 s8, s7;
	v0 =	vsel @!p1 vm0, v1, v0  }
0x1f0: {  	s2 =	simm.s32 @!p1 $0xA138;
	s3 =	simm.s32 @!p1 $0x0;
	p3 =	por !p2, p1;
	[tilespmem:$0xA938] =	vst @!p1 v0  }
0x1f1: {  	[spmem:s3] =	stream.linear.scatter @!p1 [tilespmem:s2], [sflag:$0x1], $0x40, $0x38;
	[tilespmem:$0x1EF88] =	vst v63  }
0x1f2: {  	s2 =	sshll.u32 @!p3 s0, $0x8  }
0x1f3: {  	s2 =	sshra.s32 @!p3 s2, $0x2  }
0x1f4: {  	s3 =	simm.s32 @!p3 $0x40;
	s2 =	sadd.s32 @!p3 $0xA138, s2  }
0x1f5: {  	[spmem:s3] =	stream.linear.scatter @!p3 [tilespmem:s2], [sflag:$0x1], $0x40, $0x38;
	[tilespmem:$0x1EF88] =	vst v63  }
0x1f6: {  	s2 =	simm.s32 @!p3 $0x1  }
0x1f7: {  	_ =	swait.ge @!p3 [sflag:s2], $0x80  }
0x1f8: {  	p1 =	por p2, p1;
	[sflag:s2] =	ssyncset.done @!p3 $0x0  }
0x1f9: {  	[sflag:s2] =	ssyncadd.s32 @!p3 $0xFFFFFF80;
	s2 =	simm.s32 @!p1 $0x1  }
0x1fa: {  	_ =	swait.ge @!p1 [sflag:s2], $0x40  }
0x1fb: {  	s29 =	simm.s32 $0xA938;
	[sflag:s2] =	ssyncset.done @!p1 $0x0  }
0x1fc: {  	s30 =	simm.s32 $0x800;
	s31 =	simm.s32 $0x1;
	[sflag:s2] =	ssyncadd.s32 @!p1 $0xFFFFFFC0  }
0x1fd: {  	[spmem:s30] =	stream.linear.scatter [tilespmem:s29], [sflag:$0x1], $0x10, $0x38;
	[tilespmem:$0x1EF88] =	vst v63  }
0x1fe: {  	_ =	swait.ge [sflag:s31], $0x10  }
0x1ff: {  	[sflag:s31] =	ssyncset.done $0x0  }
0x200: {  	p1 =	seq.s32 s13, $0x0;
	s9 =	rddreg [dreg:$0x4];
	[sflag:s31] =	ssyncadd.s32 $0xFFFFFFF0  }
0x201: {  	s3 =	sshll.u32 @p1 s9, $0xE;
	s8 =	rddreg [dreg:$0x5]  }
0x202: {  	s2 =	sadd.s32 @p1 $0x15C3C, s3;
	s3 =	sshll.u32 @p1 s8, $0x11  }
0x203: {  	_ =	sfence.stream.spmem;
	s2 =	sor.u32 @p1 s3, s2  }
0x204: {  	[sflag:s2] =	ssyncadd.remote.s32 @p1 $0x1;
	s2 =	simm.s32 @p1 $0x4  }
0x205: {  	s4 =	simm.s32 @!p1 $0x3C;
	s3 =	sand.u32 $0xFFFFFFFE, s9;
	_ =	swait.ge @p1 [sflag:s2], $0x12  }
0x206: {  	s5 =	simm.s32 @!p1 $0x0;
	s3 =	sadd.s32 @!p1 $0x4, s3;
	[sflag:s2] =	ssyncset.done @p1 $0x0  }
0x207: {  	s7 =	simm.s32 @!p1 $0x80;
	[sflag:s2] =	ssyncadd.s32 @p1 $0xFFFFFFEE;
	s2 =	sshll.u32 @!p1 s3, $0x1A  }
0x208: {  	s3 =	sshll.u32 @!p1 s3, $0xD;
	s2 =	sor.u32 @!p1 s2, s8;
	_ =	swait.eq @!p1 [sflag:s4], $0x1  }
0x209: {  	s3 =	sor.u32 @!p1 $0x1C04, s3;
	s4 =	simm.s32 @!p1 $0x1C03;
	s2 =	sor.u32 @!p1 $0x80004000, s2  }
0x20a: {  	[spmem:s7], [sflag:s3] =	dma.general @!p1 [spmem:s5], [sflag:s4], length:$0x10, [dreg:$0x0], stride_count:$0x0, ici_dest:s2, dma_misc:DstOpCode:WRITE  }
0x20b: {  	p2 =	slt.s32 s0, $0x2;
	s5 =	simm.s32 @!p1 $0x100;
	s7 =	simm.s32 @!p1 $0x102  }
0x20c: {  	[spmem:s7], [sflag:s3] =	dma.general @!p1 [spmem:s5], [sflag:s4], length:$0x2, [dreg:$0x0], stride_count:$0x0, ici_dest:s2, dma_misc:DstOpCode:WRITE  }
.Ltmp29:
0x20d: {  	s2 =	simm.s32 @!p1 $0x3;
	(pc) =	sbr.rel @p2 .LBB2_42-.Ltmp29, $4  }
0x20e: {  	s3 =	sshll.u32 @!p1 s9, $0xE;
	_ =	swait.ge @!p1 [sflag:s2], $0x12  }
0x20f: {  	s4 =	sshll.u32 @!p1 s8, $0x11;
	s3 =	sadd.s32 @!p1 $0x11C3C, s3;
	[sflag:s2] =	ssyncset.done @!p1 $0x0  }
0x210: {  	[sflag:s2] =	ssyncadd.s32 @!p1 $0xFFFFFFEE;
	s2 =	sor.u32 @!p1 s4, s3  }
0x211: {  	s0 =	simm.s32 $0x0;
	[sflag:s2] =	ssyncadd.remote.s32 @!p1 $0xFFFFFFFF  }
0x212: {  	s0 =	simm.s32 $0xA119  }
0x213: {  	v0 =	vld.msk [tilespmem:s0+$0x0], $0x1;
	_ =	sdelay $0x4  }
0x214: {  	(v2sf) =	vpush v0, $0x0;
	_ =	sdelay $0xc  }
0x215: {  	s2 =	sadd.s32 $0xFFFFFFFE, s6  }
0x216: {  	s2 =	sadd.s32 $0xFFFFFFFF, s2  }
0x217: {  	p2 =	sne.s32 s2, $0x0;
	s3 =	spop (v2sf)  }
.Ltmp30:
0x218: {  	p1 =	sgt.u32 s3, $0x270F8;
	(pc) =	sbr.rel @!p2 .LBB2_41-.Ltmp30, $4  }
0x219: {  	s5 =	simm.s32 $0x0;
	s4 =	sand.u32 @!p1 $0x3FFF8, s3  }
0x21a: {  	s0 =	simm.s32 $0xA178;
	s3 =	sand.u32 @!p1 $0x7, s3;
	s4 =	sadd.s32 @!p1 s1, s4  }
0x21b: {  	[hbm4b:s4+s3] =	stream.linear.scatter @!p1 [tilespmem:s0], [sflag:$0x5], $0x40, $0x38;
	[tilespmem:$0x1EF88] =	vst v63  }
0x21c: {  	s5 =	simm.s32 @!p1 $0x100;
	s3 =	simm.s32 $0x0;
	s4 =	simm.s32 $0xA11A  }
.LBB2_40:
0x21d: {  	v0 =	vld.msk [tilespmem:s4+$0x0], $0x1;
	s2 =	sadd.s32 $0xFFFFFFFF, s2;
	s3 =	sadd.s32 s3, s5  }
0x21e: {  	p1 =	sne.s32 s2, $0x0;
	_ =	sdelay $0x3  }
0x21f: {  	(v2sf) =	vpush v0, $0x0;
	_ =	sdelay $0xe  }
.Ltmp31:
0x220: {  	s6 =	spop (v2sf);
	(pc) =	sbr.rel @p1 .LBB2_40-.Ltmp31, $4  }
0x221: {  	s5 =	simm.s32 $0x0;
	p2 =	sgt.u32 s6, $0x270F8  }
0x222: {  	s0 =	sadd.s32 $0x40, s0;
	s5 =	simm.s32 @!p2 $0x100;
	s7 =	sand.u32 @!p2 $0x3FFF8, s6  }
0x223: {  	s4 =	sadd.s32 $0x1, s4;
	s6 =	sand.u32 @!p2 $0x7, s6;
	s7 =	sadd.s32 @!p2 s1, s7  }
0x224: {  	[hbm4b:s7+s6] =	stream.linear.scatter @!p2 [tilespmem:s0], [sflag:$0x5], $0x40, $0x38;
	[tilespmem:$0x1EF88] =	vst v63  }
.LBB2_41:
0x225: {  	s0 =	sadd.s32 s3, s5  }
0x226: {  	s0 =	sshrl.u32 s0, $0x2  }
.LBB2_42:
0x227: {  	s2 =	simm.s32 $0x5  }
0x228: {  	_ =	swait.ge [sflag:s2], s0  }
0x229: {  	s31 =	ssub.s32 $0x0, s0;
	[sflag:s2] =	ssyncset.done $0x0  }
0x22a: {  	[sflag:s2] =	ssyncadd.s32 s31  }
0x22b: {  	[sflag:s2] =	ssyncpa.u1 $0x1  }
.LBB2_43:
0x22c: {  	s0 =	sor.u32 s13, s14  }
0x22d: {  	p1 =	sne.s32 s0, $0x0  }
.Ltmp32:
0x22e: {  	_ = 	snop;
	(pc) =	sbr.rel @p1 .LBB2_58-.Ltmp32, $3  }
0x22f: {  	_ =	sdelay $0x1  }
0x230: {  	[bflag:$0x0] =	sbarrier.arrive $0xFFFF  }
0x231: {  	_ =	sfence  }
0x232: {  	s2 =	simm.s32 $0x7  }
0x233: {  	s0 =	simm.s32 $0x800;
	s3 =	simm.s32 $0xA118;
	[sflag:s2] =	ssyncpa.u1 $0x0  }
0x234: {  	[tilespmem:s3], [sflag:$0x7] =	stream.linear.gather [spmem:s0], $0x20, $0x38;
	[tilespmem:$0x1EF88] =	vst v63  }
0x235: {  	s30 =	simm.s32 $0xA138;
	s0 =	simm.s32 $0x0  }
0x236: {  	[tilespmem:s30], [sflag:$0x7] =	stream.linear.gather [spmem:s0], $0x800, $0x38;
	[tilespmem:$0x1EF88] =	vst v63  }
.Ltmp33:
0x237: {  	_ = 	snop;
	(pc) =	sbr.rel .LBB2_45-.Ltmp33, $4  }
0x238: {  	_ =	swait.ge [sflag:s2], $0x820  }
0x239: {  	[sflag:s2] =	ssyncset.done $0x0  }
0x23a: {  	s31 =	simm.s32 $0x8;
	[sflag:s2] =	ssyncadd.s32 $0xFFFFF7E0  }
0x23b: {  	s2 =	simm.s32 $0x0;
	[sflag:s31] =	ssyncpa.u1 $0x0  }
.LBB2_51:
0x23c: {  	p1 =	slt.u32 s3, $0x270F9  }
0x23d: {  	s4 =	sand.u32 @p1 $0x3FFF8, s3  }
0x23e: {  	s3 =	sand.u32 @p1 $0x7, s3;
	s5 =	simm.s32 @p1 $0xA0C8;
	s4 =	sadd.s32 @p1 s1, s4  }
0x23f: {  	[tilespmem:s5], [sflag:$0x8] =	stream.linear.gather @p1 [hbm4b:s4+s3], $0x40, $0x38;
	[tilespmem:$0x1EF88] =	vst v63  }
0x240: {  	s3 =	simm.s32 @p1 $0x8  }
0x241: {  	_ =	swait.ge @p1 [sflag:s3], $0x40  }
0x242: {  	[sflag:s3] =	ssyncset.done @p1 $0x0  }
0x243: {  	[sflag:s3] =	ssyncadd.s32 @p1 $0xFFFFFFC0  }
0x244: {  	v1 =	vld @p1 [tilespmem:$0xA0C8];
	_ =	sdelay $0x2  }
0x245: {  	s3 =	sshll.u32 @p1 s2, $0x8  }
0x246: {  	s4 =	sshrl.u32 @p1 s3, $0x2  }
0x247: {  	[tilespmem:s4+$0xA138] =	vst.add.f32.msk @p1 $0xffff, v1  }
0x248: {  	v1 =	vld @p1 [tilespmem:$0xA0D8];
	_ =	sdelay $0x4  }
0x249: {  	[tilespmem:s4+$0xA148] =	vst.add.f32.msk @p1 $0xffff, v1  }
0x24a: {  	v1 =	vld @p1 [tilespmem:$0xA0E8];
	_ =	sdelay $0x4  }
0x24b: {  	[tilespmem:s4+$0xA158] =	vst.add.f32.msk @p1 $0xffff, v1  }
0x24c: {  	v1 =	vld @p1 [tilespmem:$0xA0F8];
	_ =	sdelay $0x3  }
0x24d: {  	s5 =	sshll.u32 @!p1 s2, $0x8  }
0x24e: {  	s5 =	smov.u32 @p1 s3;
	[tilespmem:s4+$0xA168] =	vst.add.f32.msk @p1 $0xffff, v1  }
0x24f: {  	s3 =	sshrl.u32 s5, $0x2;
	[tilespmem:s0+$0xA118] =	vst.msk $0x1, v0  }
0x250: {  	v0 =	vld [tilespmem:s3+$0xA138];
	_ =	sdelay $0x2  }
0x251: {  	s31 =	sshll.u32 s0, $0x8  }
0x252: {  	s4 =	sshra.s32 s31, $0x2  }
0x253: {  	[tilespmem:s4+$0xA138] =	vst v0  }
0x254: {  	v0 =	vld [tilespmem:s3+$0xA148];
	_ =	sdelay $0x4  }
0x255: {  	[tilespmem:s4+$0xA148] =	vst v0  }
0x256: {  	v0 =	vld [tilespmem:s3+$0xA158];
	_ =	sdelay $0x4  }
0x257: {  	[tilespmem:s4+$0xA158] =	vst v0  }
0x258: {  	v0 =	vld [tilespmem:s3+$0xA168];
	_ =	sdelay $0x4  }
0x259: {  	s0 =	sadd.s32 $0x1, s0;
	[tilespmem:s4+$0xA168] =	vst v0  }
.LBB2_52:
0x25a: {  	s2 =	sadd.s32 $0x1, s2  }
0x25b: {  	p1 =	sne.s32 s2, $0x20  }
.Ltmp34:
0x25c: {  	_ = 	snop;
	(pc) =	sbr.rel @!p1 .LBB2_53-.Ltmp34, $1  }
0x25d: {  	_ =	sdelay $0x3  }
.LBB2_45:
0x25e: {  	v0 =	vld.msk [tilespmem:s2+$0xA118], $0x1;
	_ =	sdelay $0x4  }
0x25f: {  	(v2sf) =	vpush v0, $0x0;
	_ =	sdelay $0xe  }
0x260: {  	s3 =	spop (v2sf)  }
0x261: {  	p1 =	seq.s32 s3, $0xFFFFFFFF  }
.Ltmp35:
0x262: {  	_ = 	snop;
	(pc) =	sbr.rel @p1 .LBB2_52-.Ltmp35, $1  }
0x263: {  	_ =	sdelay $0x3  }
0x264: {  	p1 =	slt.s32 s0, $0x1  }
.Ltmp36:
0x265: {  	_ = 	snop;
	(pc) =	sbr.rel @p1 .LBB2_51-.Ltmp36, $1  }
0x266: {  	_ =	sdelay $0x3  }
0x267: {  	s4 =	simm.s32 $0xA118;
	p1 =	por $0x0, $0x0  }
0x268: {  	v1 =	vld.msk @!p1 [tilespmem:s4+$0x0], $0x1;
	_ =	sdelay $0x4  }
0x269: {  	(v2sf) =	vpush @!p1 v1, $0x0;
	_ =	sdelay $0xd  }
0x26a: {  	p3 =	sne.s32 s0, $0x1  }
.Ltmp37:
0x26b: {  	s5 =	spop @!p1 (v2sf);
	(pc) =	sbr.rel @!p3 .LBB2_49-.Ltmp37, $4  }
0x26c: {  	p2 =	seq.s32 @!p1 s3, s5  }
0x26d: {  	s5 =	simm.s32 $0x0;
	p2 =	por !p2, p1  }
0x26e: {  	s7 =	simm.s32 $0xFFFFFFFF;
	s5 =	simm.s32 @p2 $0xFFFFFFFF  }
0x26f: {  	s6 =	simm.s32 $0x1;
	s5 =	smov.u32 @p1 s7  }
.LBB2_48:
0x270: {  	s7 =	smov.u32 s5;
	p1 =	sne.s32 s5, $0xFFFFFFFF  }
0x271: {  	s4 =	sadd.s32 $0x1, s4;
	s5 =	smov.u32 s6;
	s6 =	sadd.s32 $0x1, s6  }
0x272: {  	p2 =	sne.s32 s0, s6;
	v1 =	vld.msk @!p1 [tilespmem:s4+$0x0], $0x1;
	_ =	sdelay $0x4  }
0x273: {  	(v2sf) =	vpush @!p1 v1, $0x0;
	_ =	sdelay $0xe  }
.Ltmp38:
0x274: {  	s8 =	spop @!p1 (v2sf);
	(pc) =	sbr.rel @p2 .LBB2_48-.Ltmp38, $4  }
0x275: {  	p3 =	seq.s32 @!p1 s3, s8  }
0x276: {  	p3 =	por !p3, p1  }
0x277: {  	s5 =	simm.s32 @p3 $0xFFFFFFFF  }
0x278: {  	s5 =	smov.u32 @p1 s7  }
.LBB2_49:
0x279: {  	p1 =	seq.s32 s5, $0xFFFFFFFF  }
.Ltmp39:
0x27a: {  	_ = 	snop;
	(pc) =	sbr.rel @p1 .LBB2_51-.Ltmp39, $1  }
0x27b: {  	_ =	sdelay $0x3  }
0x27c: {  	s3 =	sshll.u32 s2, $0x6  }
0x27d: {  	s3 =	sand.u32 $0x3FFFFFC0, s3  }
0x27e: {  	v0 =	vld [tilespmem:s3+$0xA138];
	_ =	sdelay $0x2  }
0x27f: {  	s4 =	sshll.u32 s5, $0x8  }
0x280: {  	s4 =	sshra.s32 s4, $0x2  }
0x281: {  	[tilespmem:s4+$0xA138] =	vst.add.f32.msk $0xffff, v0  }
0x282: {  	v0 =	vld [tilespmem:s3+$0xA148];
	_ =	sdelay $0x4  }
0x283: {  	[tilespmem:s4+$0xA148] =	vst.add.f32.msk $0xffff, v0  }
0x284: {  	v0 =	vld [tilespmem:s3+$0xA158];
	_ =	sdelay $0x4  }
0x285: {  	[tilespmem:s4+$0xA158] =	vst.add.f32.msk $0xffff, v0  }
0x286: {  	v0 =	vld [tilespmem:s3+$0xA168]  }
.Ltmp40:
0x287: {  	_ = 	snop;
	(pc) =	sbr.rel .LBB2_52-.Ltmp40, $2  }
0x288: {  	_ =	sdelay $0x2  }
0x289: {  	[tilespmem:s4+$0xA168] =	vst.add.f32.msk $0xffff, v0  }
.LBB2_53:
0x28a: {  	p1 =	slt.s32 s0, $0x1  }
.Ltmp41:
0x28b: {  	_ = 	snop;
	(pc) =	sbr.rel @p1 .LBB2_57-.Ltmp41, $3  }
0x28c: {  	_ =	sdelay $0x1  }
0x28d: {  	s2 =	simm.s32 $0x8  }
0x28e: {  	[sflag:s2] =	ssyncpa.u1 $0x1;
	s2 =	simm.s32 $0x0  }
0x28f: {  	s3 =	simm.s32 $0xA118  }
0x290: {  	v0 =	vld.msk [tilespmem:s3+$0x0], $0x1;
	_ =	sdelay $0x4  }
0x291: {  	(v2sf) =	vpush v0, $0x0;
	_ =	sdelay $0xe  }
0x292: {  	s0 =	sadd.s32 $0xFFFFFFFF, s0;
	s4 =	spop (v2sf)  }
0x293: {  	p2 =	sne.s32 s0, $0x0;
	p1 =	sgt.u32 s4, $0x270F8  }
.Ltmp42:
0x294: {  	s5 =	sand.u32 @!p1 $0x3FFF8, s4;
	(pc) =	sbr.rel @!p2 .LBB2_56-.Ltmp42, $4  }
0x295: {  	s3 =	simm.s32 $0xA138;
	s4 =	sand.u32 @!p1 $0x7, s4;
	s5 =	sadd.s32 @!p1 s1, s5  }
0x296: {  	[hbm4b:s5+s4] =	stream.linear.scatter @!p1 [tilespmem:s3], [sflag:$0x7], $0x40, $0x38;
	[tilespmem:$0x1EF88] =	vst v63  }
0x297: {  	s5 =	simm.s32 $0x0  }
0x298: {  	s4 =	simm.s32 $0xA119;
	s5 =	simm.s32 @!p1 $0x100  }
.LBB2_55:
0x299: {  	v0 =	vld.msk [tilespmem:s4+$0x0], $0x1;
	s0 =	sadd.s32 $0xFFFFFFFF, s0;
	s2 =	sadd.s32 s2, s5  }
0x29a: {  	p1 =	sne.s32 s0, $0x0;
	_ =	sdelay $0x3  }
0x29b: {  	(v2sf) =	vpush v0, $0x0;
	_ =	sdelay $0xe  }
.Ltmp43:
0x29c: {  	s6 =	spop (v2sf);
	(pc) =	sbr.rel @p1 .LBB2_55-.Ltmp43, $4  }
0x29d: {  	s5 =	simm.s32 $0x0;
	p2 =	sgt.u32 s6, $0x270F8  }
0x29e: {  	s3 =	sadd.s32 $0x40, s3;
	s5 =	simm.s32 @!p2 $0x100;
	s7 =	sand.u32 @!p2 $0x3FFF8, s6  }
0x29f: {  	s4 =	sadd.s32 $0x1, s4;
	s6 =	sand.u32 @!p2 $0x7, s6;
	s7 =	sadd.s32 @!p2 s1, s7  }
0x2a0: {  	[hbm4b:s7+s6] =	stream.linear.scatter @!p2 [tilespmem:s3], [sflag:$0x7], $0x40, $0x38;
	[tilespmem:$0x1EF88] =	vst v63  }
.LBB2_56:
0x2a1: {  	s0 =	sadd.s32 s2, s5  }
0x2a2: {  	s2 =	sshrl.u32 s0, $0x2  }
.LBB2_57:
0x2a3: {  	s0 =	simm.s32 $0x7  }
0x2a4: {  	_ =	swait.ge [sflag:s0], s2  }
0x2a5: {  	s1 =	ssub.s32 $0x0, s2;
	[sflag:s0] =	ssyncset.done $0x0  }
0x2a6: {  	[sflag:s0] =	ssyncadd.s32 s1  }
0x2a7: {  	[sflag:s0] =	ssyncpa.u1 $0x1  }
.LBB2_58:
0x2a8: {  	_ =	sfence;
	s0 =	simm.s32 $0x1  }
0x2a9: {  	[sflag:s0] =	ssyncpa.u1 $0x1  }
0x2aa: {  	_ =	strace $0x90000050  }
0x2ab: {  	[bflag:$0x2] =	sbarrier.arrive $0xFFFF  }
0x2ac: {  	s0 =	rddreg [dreg:$0x6]  }
0x2ad: {  	s0 =	sadd.s32 @!p0 $0x100000, s0  }
0x2ae: {  	[sflag:s0] =	ssyncadd.tile.s32 @!p0 $0x1;
	_ =	shalt  }
.Lfunc_end2:
_tile_overlayer_lowered:
.L_overlay_start_2:
0x2af: {  	(tag) =	ssettag $0x2  }
0x2b0: {  	s0 =	rddreg [dreg:$0x0];
	s2 =	stileid.u32  }
0x2b1: {  	s1 =	rddreg [dreg:$0x1];
	p0 =	sne.s32 s2, $0x0  }
0x2b2: {  	s3 =	rddreg [dreg:$0x2];
	[bflag:$0x3] =	sbarrier.arrive $0xFFFF;
	s2 =	simm.s32 @!p0 $0x1C01  }
0x2b3: {  	[timem:s3], [sflag:s2] =	dma.local @!p0 [hbm:s0], s1  }
0x2b4: {  	s0 =	simm.s32 @!p0 $0x1  }
0x2b5: {  	_ =	swait.ge @!p0 [sflag:s0], s1  }
0x2b6: {  	s1 =	ssub.s32 @!p0 $0x0, s1;
	[sflag:s0] =	ssyncset.done @!p0 $0x0  }
0x2b7: {  	[sflag:s0] =	ssyncadd.s32 @!p0 s1  }
0x2b8: {  	[bflag:$0x3] =	sbarrier.arrive $0xFFFF  }
0x2b9: {  	_ =	shalt  }

// kernel: scatter_offload_async_start.3
scs
__scs_entry_jumppad:
0x0: {  	(pc) =	sbr.rel $0x88, $3  }
0x1: {  	(tag) =	ssettag $0x0;
	lr =	simm.s32 $0x1  }
0x2: {  	[smem:$0x3F76] =	sst lr;
	_ =	strace $0xD0000000  }
0x3: {  	_ = 	snop  }
0x4: {  	_ = 	snop  }
0x5: {  	_ = 	snop  }
0x6: {  	_ = 	snop  }
0x7: {  	_ = 	snop  }
__scs_overlays_trampoline_lowered:
0x8: {  	[smem:$0x3F85] =	sst s0  }
0x9: {  	[smem:$0x3F86] =	sst s1  }
0xa: {  	[smem:$0x3F87] =	sst s2  }
0xb: {  	[smem:$0x3F88] =	sst s3  }
0xc: {  	[smem:$0x3F89] =	sst s4  }
0xd: {  	[smem:$0x3F8A] =	sst s5  }
0xe: {  	[smem:$0x3F8B] =	sst s6  }
0xf: {  	[smem:$0x3F8C] =	sst s7  }
0x10: {  	[smem:$0x3F8D] =	sst s8  }
0x11: {  	[smem:$0x3F8E] =	sst s9;
	s0 =	simm.s32 @!p0 $0x0  }
0x12: {  	s1 =	sld [smem:$0x3F74];
	s0 =	simm.s32 @p0 $0x1  }
0x13: {  	[smem:$0x3F8F] =	sst s0;
	s0 =	simm.s32 @!p1 $0x0  }
0x14: {  	s2 =	sld [smem:$0x3F73];
	s0 =	simm.s32 @p1 $0x1  }
0x15: {  	[smem:$0x3F90] =	sst s0;
	s0 =	simm.s32 @!p2 $0x0  }
0x16: {  	s3 =	sld [smem:$0x3FDB];
	s0 =	simm.s32 @p2 $0x1  }
0x17: {  	s4 =	simm.s32 $0x1BF5;
	[smem:$0x3F92] =	sst s0  }
0x18: {  	s0 =	sld [smem:$0x3F75];
	_ =	swait.ge [sflag:s4], $0x0  }
0x19: {  	s7 =	sld [smem:$0x3F76]  }
0x1a: {  	s8 =	sadd.s32 $0xFFFFE003, lr  }
0x1b: {  	s9 =	sadd.s32 $0xFFFFFEF7, lr;
	s5 =	simm.s32 $0xFFFFFFFF;
	p2 =	slt.u32 s8, $0xFFFFF086  }
0x1c: {  	p1 =	slt.u32 s9, $0xF7A;
	s5 =	simm.s32 @!p2 $0x0  }
0x1d: {  	s5 =	simm.s32 @p1 $0x1;
	p0 =	seq.s32 s7, s2  }
0x1e: {  	s7 =	smul.u32 @!p0 $0xF7A, s2;
	p2 =	seq.s32 @!p0 s5, $0x0  }
0x1f: {  	s9 =	smul.u32 $0xF7A, s1;
	s8 =	simm.s32 @!p0 $0x1BF5;
	p2 =	por !p2, p0  }
0x20: {  	[sflag:s8] =	ssyncset.s32 @!p0 $0xFFFFF086;
	s6 =	sadd.s32 @!p0 s3, s7;
	s7 =	simm.s32 @!p0 $0x108  }
0x21: {  	s3 =	sadd.s32 s3, s9;
	s6 =	sadd.s32 @!p0 $0x88, s6;
	s7 =	simm.s32 @p2 $0x1082  }
0x22: {  	[simem:s7], [sflag:s8] =	dma.local @!p0 [hbm:s6], $0xF7A  }
0x23: {  	s9 =	sor.u32 $0xD0000000, s2;
	s6 =	simm.s32 $0x108;
	_ =	swait.ge @!p0 [sflag:s8], $0x0  }
0x24: {  	s3 =	sadd.s32 $0x88, s3;
	s6 =	simm.s32 @!p1 $0x1082;
	[sflag:s4] =	ssyncset.s32 $0xFFFFF086  }
0x25: {  	[simem:s6], [sflag:s4] =	dma.local [hbm:s3], $0xF7A  }
0x26: {  	[smem:$0x3F76] =	sst s1;
	(tag) =	ssettag s2;
	_ =	strace s9  }
0x27: {  	s1 =	sld [smem:$0x3F86]  }
0x28: {  	s2 =	sld [smem:$0x3F87]  }
0x29: {  	s4 =	sld [smem:$0x3F89]  }
0x2a: {  	p0 =	seq.s32 s5, $0x0;
	s5 =	sld [smem:$0x3F8A]  }
0x2b: {  	s6 =	sld [smem:$0x3F8B]  }
0x2c: {  	s7 =	sld [smem:$0x3F8C]  }
0x2d: {  	s3 =	simm.s32 $0x108;
	s8 =	sld [smem:$0x3F8D]  }
0x2e: {  	s3 =	simm.s32 @!p0 $0x1082;
	s9 =	sld [smem:$0x3F8E]  }
0x2f: {  	lr =	sadd.s32 s0, s3;
	s0 =	sld [smem:$0x3F85]  }
0x30: {  	s3 =	sld [smem:$0x3F88]  }
0x31: {  	[smem:$0x3F91] =	sst s10  }
0x32: {  	s10 =	sld [smem:$0x3F8F];
	_ =	sdelay $0x3  }
0x33: {  	p0 =	seq.s32 s10, $0x1;
	s10 =	sld [smem:$0x3F91];
	_ =	sdelay $0x3  }
0x34: {  	[smem:$0x3F91] =	sst s10  }
0x35: {  	s10 =	sld [smem:$0x3F90];
	_ =	sdelay $0x3  }
0x36: {  	p1 =	seq.s32 s10, $0x1;
	s10 =	sld [smem:$0x3F91];
	_ =	sdelay $0x3  }
0x37: {  	[smem:$0x3F91] =	sst s10  }
0x38: {  	s10 =	sld [smem:$0x3F92]  }
0x39: {  	_ = 	snop;
	(pc) =	sbr.ind lr, $3  }
0x3a: {  	_ = 	snop  }
0x3b: {  	_ = 	snop  }
0x3c: {  	p2 =	seq.s32 s10, $0x1;
	s10 =	sld [smem:$0x3F91]  }
0x3d: {  	_ =	shalt  }
0x3e: {  	_ =	shalt  }
0x3f: {  	_ =	shalt  }
0x40: {  	_ =	shalt  }
0x41: {  	_ =	shalt  }
0x42: {  	_ =	shalt  }
0x43: {  	_ =	shalt  }
0x44: {  	_ =	shalt  }
0x45: {  	_ =	shalt  }
0x46: {  	_ =	shalt  }
0x47: {  	_ =	shalt  }
0x48: {  	_ =	shalt  }
0x49: {  	_ =	shalt  }
0x4a: {  	_ =	shalt  }
0x4b: {  	_ =	shalt  }
0x4c: {  	_ =	shalt  }
0x4d: {  	_ =	shalt  }
0x4e: {  	_ =	shalt  }
0x4f: {  	_ =	shalt  }
0x50: {  	_ =	shalt  }
0x51: {  	_ =	shalt  }
0x52: {  	_ =	shalt  }
0x53: {  	_ =	shalt  }
0x54: {  	_ =	shalt  }
0x55: {  	_ =	shalt  }
0x56: {  	_ =	shalt  }
0x57: {  	_ =	shalt  }
0x58: {  	_ =	shalt  }
0x59: {  	_ =	shalt  }
0x5a: {  	_ =	shalt  }
0x5b: {  	_ =	shalt  }
0x5c: {  	_ =	shalt  }
0x5d: {  	_ =	shalt  }
0x5e: {  	_ =	shalt  }
0x5f: {  	_ =	shalt  }
0x60: {  	_ =	shalt  }
0x61: {  	_ =	shalt  }
0x62: {  	_ =	shalt  }
0x63: {  	_ =	shalt  }
0x64: {  	_ =	shalt  }
0x65: {  	_ =	shalt  }
0x66: {  	_ =	shalt  }
0x67: {  	_ =	shalt  }
0x68: {  	_ =	shalt  }
0x69: {  	_ =	shalt  }
0x6a: {  	_ =	shalt  }
0x6b: {  	_ =	shalt  }
0x6c: {  	_ =	shalt  }
0x6d: {  	_ =	shalt  }
0x6e: {  	_ =	shalt  }
0x6f: {  	_ =	shalt  }
0x70: {  	_ =	shalt  }
0x71: {  	_ =	shalt  }
0x72: {  	_ =	shalt  }
0x73: {  	_ =	shalt  }
0x74: {  	_ =	shalt  }
0x75: {  	_ =	shalt  }
0x76: {  	_ =	shalt  }
0x77: {  	_ =	shalt  }
0x78: {  	_ =	shalt  }
0x79: {  	_ =	shalt  }
0x7a: {  	_ =	shalt  }
0x7b: {  	_ =	shalt  }
0x7c: {  	_ =	shalt  }
0x7d: {  	_ =	shalt  }
0x7e: {  	_ =	shalt  }
0x7f: {  	_ =	shalt  }
0x80: {  	_ =	shalt  }
0x81: {  	_ =	shalt  }
0x82: {  	_ =	shalt  }
0x83: {  	_ =	shalt  }
0x84: {  	_ =	shalt  }
0x85: {  	_ =	shalt  }
0x86: {  	_ =	shalt  }
0x87: {  	_ =	shalt  }
.Lfunc_end0:
.L_simem_size_0:
called_computation.3_lowered:
.L_overlay_start_0:
0x88: {  	s2 =	sld [smem:$0x3FD9]  }
0x89: {  	s3 =	sld [smem:$0x3FFE];
	_ =	sdelay $0x1  }
0x8a: {  	s1 =	srdreg.scid  }
0x8b: {  	s0 =	sand.u32 $0x1, s1  }
0x8c: {  	s13 =	sshll.u32 s0, $0xA;
	s2 =	sadd.s32 s3, s2  }
0x8d: {  	s2 =	sadd.s32 s2, s13  }
0x8e: {  	[smem:$0x3F9D] =	sst s2  }
0x8f: {  	_ = 	snop  }
0x90: {  	s2 =	sld [smem:$0x3FD0];
	_ =	sdelay $0x2  }
0x91: {  	s14 =	simm.s32 $0xC;
	s4 =	simm.s32 $0x10  }
0x92: {  	[smem:s4], [sflag:s14] =	dma.local [hbm:s2], $0x1  }
0x93: {  	_ =	swait.eq [sflag:s14], $0x1  }
0x94: {  	[sflag:s14] =	ssyncset.done $0x0  }
0x95: {  	[sflag:s14] =	ssyncadd.s32 $0xFFFFFFFF  }
0x96: {  	s2 =	sadd.s32 $0x1, s2;
	s5 =	sld [smem:$0x17]  }
0x97: {  	[smem:s4], [sflag:s14] =	dma.local [hbm:s2], $0x1  }
0x98: {  	_ =	swait.eq [sflag:s14], $0x1  }
0x99: {  	[sflag:s14] =	ssyncset.done $0x0  }
0x9a: {  	[sflag:s14] =	ssyncadd.s32 $0xFFFFFFFF  }
0x9b: {  	s15 =	sld [smem:$0x10];
	(tm) =	ssettm $0x1  }
0x9c: {  	s16 =	sld [smem:$0x3FFB];
	_ =	sdelay $0x3  }
0x9d: {  	_ =	strace s16  }
0x9e: {  	s3 =	sld [smem:$0x3FFC];
	_ =	sdelay $0x3  }
0x9f: {  	_ =	strace s3  }
0xa0: {  	s3 =	sld [smem:$0x3FFD];
	_ =	sdelay $0x3  }
0xa1: {  	_ =	strace s3  }
0xa2: {  	_ =	strace $0x8FFFFFFF  }
0xa3: {  	s17 =	sld [smem:$0x3FDB];
	_ =	sdelay $0x1  }
0xa4: {  	s18 =	simm.s32 $_scs_section_size  }
0xa5: {  	s6 =	simm.s32 $_size__tile_overlayer_lowered;
	s7 =	simm.s32 $_tile_overlayer_lowered  }
0xa6: {  	s21 =	simm.s32 $0x1BFF;
	s20 =	sshll.u32 s7, $0x1;
	s3 =	sadd.s32 s18, s17  }
0xa7: {  	s8 =	simm.s32 $0x0;
	s19 =	sshll.u32 s6, $0x1;
	s6 =	sadd.s32 s20, s3  }
0xa8: {  	[timem:s8], [sflag:s21] =	dma.local [hbm:s6], s19  }
0xa9: {  	_ =	swait.ge [sflag:s21], s19  }
0xaa: {  	s4 =	ssub.s32 $0x0, s19;
	[sflag:s21] =	ssyncset.done $0x0  }
0xab: {  	[sflag:s21] =	ssyncadd.s32 s4;
	_ =	sdelay $0x1  }
0xac: {  	s22 =	simm.s32 $0x1B8B  }
0xad: {  	_ =	swait.ge [sflag:s22], $0x1  }
0xae: {  	[sflag:s22] =	ssyncset.done $0x0  }
0xaf: {  	s23 =	sld [smem:$0x3FFE];
	[sflag:s22] =	ssyncadd.s32 $0xFFFFFFFF  }
0xb0: {  	s25 =	simm.s32 $0x1B8E;
	s24 =	sld [smem:$0x0]  }
0xb1: {  	s26 =	simm.s32 $execute0_lowered;
	[smem:$0x3FD2] =	sst s25  }
0xb2: {  	s7 =	sshll.u32 s26, $0x1;
	_ =	strace $0x80000052;
	[dreg:$0x1] =	wrdreg $0xFFFFFFFF  }
0xb3: {  	s28 =	simm.s32 $_size_execute0_lowered;
	s3 =	sadd.s32 s3, s7;
	[dreg:$0x0] =	wrdreg $0x0  }
0xb4: {  	s7 =	sshll.u32 s28, $0x1;
	[dreg:$0x2] =	wrdreg s3  }
0xb5: {  	[dreg:$0x3] =	wrdreg s7  }
0xb6: {  	[dreg:$0x4] =	wrdreg $0xC0  }
0xb7: {  	_ =	task [dreg:s8], $0x5FFFF  }
0xb8: {  	[dreg:$0x1] =	wrdreg $0xFFFFFFFF  }
0xb9: {  	[dreg:$0x0] =	wrdreg $0x60  }
0xba: {  	[dreg:$0x2] =	wrdreg s23  }
0xbb: {  	[dreg:$0x3] =	wrdreg s15  }
0xbc: {  	[dreg:$0x4] =	wrdreg s5  }
0xbd: {  	[dreg:$0x5] =	wrdreg s1  }
0xbe: {  	[dreg:$0x6] =	wrdreg s24  }
0xbf: {  	[dreg:$0x7] =	wrdreg $0x9  }
0xc0: {  	_ =	task.clear_ibuf [dreg:s8], $0x8FFFF;
	_ =	strace $0x90000052  }
0xc1: {  	s29 =	simm.s32 $0x9;
	_ =	strace $0x80000054  }
0xc2: {  	_ =	swait.ge [sflag:s29], $0x1  }
0xc3: {  	[sflag:s29] =	ssyncadd.s32 $0xFFFFFFFF  }
0xc4: {  	_ =	strace $0x90000054  }
0xc5: {  	_ =	sfence  }
0xc6: {  	s30 =	sld [smem:$0x0];
	_ =	sdelay $0x2  }
0xc7: {  	s31 =	sshll.u32 s1, $0xD;
	s1 =	sshrl.u32 s1, $0x2  }
0xc8: {  	s3 =	sand.u32 $0x4000, s31;
	s1 =	sadd.s32 s1, s30  }
0xc9: {  	s0 =	sor.u32 s3, s0;
	s1 =	sshll.u32 s1, $0x11  }
0xca: {  	s0 =	sor.u32 s1, s0  }
0xcb: {  	s0 =	sadd.s32 $0x8F2B, s0  }
0xcc: {  	[sflag:s0] =	ssyncadd.remote.s32 $0x1  }
0xcd: {  	_ =	sfence.sel $0xFFFF  }
0xce: {  	[dreg:$0x0] =	wrdreg $0xFFFFFFFF;
	(pc) =	sbr.abs _section_cstart, $3  }
0xcf: {  	[dreg:$0x1] =	wrdreg $0xFFFFFFFF  }
0xd0: {  	_ =	task.clear_ibuf [dreg:s8], $0x2FFFF;
	_ =	strace $0x9FFFFFFF  }
0xd1: {  	(tm) =	ssettm $0x7FFFFFFF  }
tec
execute0_lowered:
.L_overlay_start_1:
0x0: {  	(tag) =	ssettag $0x1  }
0x1: {  	s9 =	rddreg [dreg:$0x0]  }
0x2: {  	s7 =	rddreg [dreg:$0x1]  }
0x3: {  	s8 =	rddreg [dreg:$0x2]  }
0x4: {  	s6 =	rddreg [dreg:$0x3];
	_ =	strace $0x80000053;
	s3 =	simm.s32 $0x1  }
0x5: {  	v0 =	vimm.s32 $0x0;
	[sflag:s3] =	ssyncpa.u1 $0x0  }
0x6: {  	[tilespmem:$0x48] =	vst v0  }
0x7: {  	[tilespmem:$0x58] =	vst v0  }
0x8: {  	[tilespmem:$0x68] =	vst v0  }
0x9: {  	[tilespmem:$0x78] =	vst v0  }
0xa: {  	[tilespmem:$0x88] =	vst v0  }
0xb: {  	[tilespmem:$0x98] =	vst v0  }
0xc: {  	[tilespmem:$0xA8] =	vst v0  }
0xd: {  	[tilespmem:$0xB8] =	vst v0  }
0xe: {  	[tilespmem:$0xC8] =	vst v0  }
0xf: {  	[tilespmem:$0xD8] =	vst v0  }
0x10: {  	[tilespmem:$0xE8] =	vst v0  }
0x11: {  	[tilespmem:$0xF8] =	vst v0  }
0x12: {  	[tilespmem:$0x108] =	vst v0  }
0x13: {  	[tilespmem:$0x118] =	vst v0  }
0x14: {  	[tilespmem:$0x128] =	vst v0  }
0x15: {  	[tilespmem:$0x138] =	vst v0  }
0x16: {  	[tilespmem:$0x148] =	vst v0  }
0x17: {  	[tilespmem:$0x158] =	vst v0  }
0x18: {  	[tilespmem:$0x168] =	vst v0  }
0x19: {  	[tilespmem:$0x178] =	vst v0  }
0x1a: {  	[tilespmem:$0x188] =	vst v0  }
0x1b: {  	[tilespmem:$0x198] =	vst v0  }
0x1c: {  	[tilespmem:$0x1A8] =	vst v0  }
0x1d: {  	[tilespmem:$0x1B8] =	vst v0  }
0x1e: {  	[tilespmem:$0x1C8] =	vst v0  }
0x1f: {  	[tilespmem:$0x1D8] =	vst v0  }
0x20: {  	[tilespmem:$0x1E8] =	vst v0  }
0x21: {  	[tilespmem:$0x1F8] =	vst v0  }
0x22: {  	[tilespmem:$0x208] =	vst v0  }
0x23: {  	[tilespmem:$0x218] =	vst v0  }
0x24: {  	[tilespmem:$0x228] =	vst v0  }
0x25: {  	[tilespmem:$0x238] =	vst v0  }
0x26: {  	[tilespmem:$0x248] =	vst v0  }
0x27: {  	[tilespmem:$0x258] =	vst v0  }
0x28: {  	[tilespmem:$0x268] =	vst v0  }
0x29: {  	[tilespmem:$0x278] =	vst v0  }
0x2a: {  	[tilespmem:$0x288] =	vst v0  }
0x2b: {  	[tilespmem:$0x298] =	vst v0  }
0x2c: {  	[tilespmem:$0x2A8] =	vst v0  }
0x2d: {  	[tilespmem:$0x2B8] =	vst v0  }
0x2e: {  	[tilespmem:$0x2C8] =	vst v0  }
0x2f: {  	[tilespmem:$0x2D8] =	vst v0  }
0x30: {  	[tilespmem:$0x2E8] =	vst v0  }
0x31: {  	[tilespmem:$0x2F8] =	vst v0  }
0x32: {  	[tilespmem:$0x308] =	vst v0  }
0x33: {  	[tilespmem:$0x318] =	vst v0  }
0x34: {  	[tilespmem:$0x328] =	vst v0  }
0x35: {  	[tilespmem:$0x338] =	vst v0  }
0x36: {  	[tilespmem:$0x348] =	vst v0  }
0x37: {  	[tilespmem:$0x358] =	vst v0  }
0x38: {  	[tilespmem:$0x368] =	vst v0  }
0x39: {  	[tilespmem:$0x378] =	vst v0  }
0x3a: {  	[tilespmem:$0x388] =	vst v0  }
0x3b: {  	[tilespmem:$0x398] =	vst v0  }
0x3c: {  	[tilespmem:$0x3A8] =	vst v0  }
0x3d: {  	[tilespmem:$0x3B8] =	vst v0  }
0x3e: {  	[tilespmem:$0x3C8] =	vst v0  }
0x3f: {  	[tilespmem:$0x3D8] =	vst v0  }
0x40: {  	[tilespmem:$0x3E8] =	vst v0  }
0x41: {  	[tilespmem:$0x3F8] =	vst v0  }
0x42: {  	[tilespmem:$0x408] =	vst v0  }
0x43: {  	[tilespmem:$0x418] =	vst v0  }
0x44: {  	[tilespmem:$0x428] =	vst v0  }
0x45: {  	[tilespmem:$0x438] =	vst v0  }
0x46: {  	[tilespmem:$0x448] =	vst v0  }
0x47: {  	[tilespmem:$0x458] =	vst v0  }
0x48: {  	[tilespmem:$0x468] =	vst v0  }
0x49: {  	[tilespmem:$0x478] =	vst v0  }
0x4a: {  	[tilespmem:$0x488] =	vst v0  }
0x4b: {  	[tilespmem:$0x498] =	vst v0  }
0x4c: {  	[tilespmem:$0x4A8] =	vst v0  }
0x4d: {  	[tilespmem:$0x4B8] =	vst v0  }
0x4e: {  	[tilespmem:$0x4C8] =	vst v0  }
0x4f: {  	[tilespmem:$0x4D8] =	vst v0  }
0x50: {  	[tilespmem:$0x4E8] =	vst v0  }
0x51: {  	[tilespmem:$0x4F8] =	vst v0  }
0x52: {  	[tilespmem:$0x508] =	vst v0  }
0x53: {  	[tilespmem:$0x518] =	vst v0  }
0x54: {  	[tilespmem:$0x528] =	vst v0  }
0x55: {  	[tilespmem:$0x538] =	vst v0  }
0x56: {  	[tilespmem:$0x548] =	vst v0  }
0x57: {  	[tilespmem:$0x558] =	vst v0  }
0x58: {  	[tilespmem:$0x568] =	vst v0  }
0x59: {  	[tilespmem:$0x578] =	vst v0  }
0x5a: {  	[tilespmem:$0x588] =	vst v0  }
0x5b: {  	[tilespmem:$0x598] =	vst v0  }
0x5c: {  	[tilespmem:$0x5A8] =	vst v0  }
0x5d: {  	[tilespmem:$0x5B8] =	vst v0  }
0x5e: {  	[tilespmem:$0x5C8] =	vst v0  }
0x5f: {  	[tilespmem:$0x5D8] =	vst v0  }
0x60: {  	[tilespmem:$0x5E8] =	vst v0  }
0x61: {  	[tilespmem:$0x5F8] =	vst v0  }
0x62: {  	[tilespmem:$0x608] =	vst v0  }
0x63: {  	[tilespmem:$0x618] =	vst v0  }
0x64: {  	[tilespmem:$0x628] =	vst v0  }
0x65: {  	[tilespmem:$0x638] =	vst v0  }
0x66: {  	[tilespmem:$0x648] =	vst v0  }
0x67: {  	[tilespmem:$0x658] =	vst v0  }
0x68: {  	[tilespmem:$0x668] =	vst v0  }
0x69: {  	[tilespmem:$0x678] =	vst v0  }
0x6a: {  	[tilespmem:$0x688] =	vst v0  }
0x6b: {  	[tilespmem:$0x698] =	vst v0  }
0x6c: {  	[tilespmem:$0x6A8] =	vst v0  }
0x6d: {  	[tilespmem:$0x6B8] =	vst v0  }
0x6e: {  	[tilespmem:$0x6C8] =	vst v0  }
0x6f: {  	[tilespmem:$0x6D8] =	vst v0  }
0x70: {  	[tilespmem:$0x6E8] =	vst v0  }
0x71: {  	[tilespmem:$0x6F8] =	vst v0  }
0x72: {  	[tilespmem:$0x708] =	vst v0  }
0x73: {  	[tilespmem:$0x718] =	vst v0  }
0x74: {  	[tilespmem:$0x728] =	vst v0  }
0x75: {  	[tilespmem:$0x738] =	vst v0  }
0x76: {  	[tilespmem:$0x748] =	vst v0  }
0x77: {  	[tilespmem:$0x758] =	vst v0  }
0x78: {  	[tilespmem:$0x768] =	vst v0  }
0x79: {  	[tilespmem:$0x778] =	vst v0  }
0x7a: {  	[tilespmem:$0x788] =	vst v0  }
0x7b: {  	[tilespmem:$0x798] =	vst v0  }
0x7c: {  	[tilespmem:$0x7A8] =	vst v0  }
0x7d: {  	[tilespmem:$0x7B8] =	vst v0  }
0x7e: {  	[tilespmem:$0x7C8] =	vst v0  }
0x7f: {  	[tilespmem:$0x7D8] =	vst v0  }
0x80: {  	[tilespmem:$0x7E8] =	vst v0  }
0x81: {  	[tilespmem:$0x7F8] =	vst v0  }
0x82: {  	[tilespmem:$0x808] =	vst v0  }
0x83: {  	[tilespmem:$0x818] =	vst v0  }
0x84: {  	[tilespmem:$0x828] =	vst v0  }
0x85: {  	[tilespmem:$0x838] =	vst v0  }
0x86: {  	[tilespmem:$0x848] =	vst v0  }
0x87: {  	[tilespmem:$0x858] =	vst v0  }
0x88: {  	[tilespmem:$0x868] =	vst v0  }
0x89: {  	[tilespmem:$0x878] =	vst v0  }
0x8a: {  	[tilespmem:$0x888] =	vst v0  }
0x8b: {  	[tilespmem:$0x898] =	vst v0  }
0x8c: {  	[tilespmem:$0x8A8] =	vst v0  }
0x8d: {  	[tilespmem:$0x8B8] =	vst v0  }
0x8e: {  	[tilespmem:$0x8C8] =	vst v0  }
0x8f: {  	[tilespmem:$0x8D8] =	vst v0  }
0x90: {  	[tilespmem:$0x8E8] =	vst v0  }
0x91: {  	[tilespmem:$0x8F8] =	vst v0  }
0x92: {  	[tilespmem:$0x908] =	vst v0  }
0x93: {  	[tilespmem:$0x918] =	vst v0  }
0x94: {  	[tilespmem:$0x928] =	vst v0  }
0x95: {  	[tilespmem:$0x938] =	vst v0  }
0x96: {  	[tilespmem:$0x948] =	vst v0  }
0x97: {  	[tilespmem:$0x958] =	vst v0  }
0x98: {  	[tilespmem:$0x968] =	vst v0  }
0x99: {  	[tilespmem:$0x978] =	vst v0  }
0x9a: {  	[tilespmem:$0x988] =	vst v0  }
0x9b: {  	[tilespmem:$0x998] =	vst v0  }
0x9c: {  	[tilespmem:$0x9A8] =	vst v0  }
0x9d: {  	[tilespmem:$0x9B8] =	vst v0  }
0x9e: {  	[tilespmem:$0x9C8] =	vst v0  }
0x9f: {  	[tilespmem:$0x9D8] =	vst v0  }
0xa0: {  	[tilespmem:$0x9E8] =	vst v0  }
0xa1: {  	[tilespmem:$0x9F8] =	vst v0  }
0xa2: {  	[tilespmem:$0xA08] =	vst v0  }
0xa3: {  	[tilespmem:$0xA18] =	vst v0  }
0xa4: {  	[tilespmem:$0xA28] =	vst v0  }
0xa5: {  	[tilespmem:$0xA38] =	vst v0  }
0xa6: {  	[tilespmem:$0xA48] =	vst v0  }
0xa7: {  	[tilespmem:$0xA58] =	vst v0  }
0xa8: {  	[tilespmem:$0xA68] =	vst v0  }
0xa9: {  	[tilespmem:$0xA78] =	vst v0  }
0xaa: {  	[tilespmem:$0xA88] =	vst v0  }
0xab: {  	[tilespmem:$0xA98] =	vst v0  }
0xac: {  	[tilespmem:$0xAA8] =	vst v0  }
0xad: {  	[tilespmem:$0xAB8] =	vst v0  }
0xae: {  	[tilespmem:$0xAC8] =	vst v0  }
0xaf: {  	[tilespmem:$0xAD8] =	vst v0  }
0xb0: {  	[tilespmem:$0xAE8] =	vst v0  }
0xb1: {  	[tilespmem:$0xAF8] =	vst v0  }
0xb2: {  	[tilespmem:$0xB08] =	vst v0  }
0xb3: {  	[tilespmem:$0xB18] =	vst v0  }
0xb4: {  	[tilespmem:$0xB28] =	vst v0  }
0xb5: {  	[tilespmem:$0xB38] =	vst v0  }
0xb6: {  	[tilespmem:$0xB48] =	vst v0  }
0xb7: {  	[tilespmem:$0xB58] =	vst v0  }
0xb8: {  	[tilespmem:$0xB68] =	vst v0  }
0xb9: {  	[tilespmem:$0xB78] =	vst v0  }
0xba: {  	[tilespmem:$0xB88] =	vst v0  }
0xbb: {  	[tilespmem:$0xB98] =	vst v0  }
0xbc: {  	[tilespmem:$0xBA8] =	vst v0  }
0xbd: {  	[tilespmem:$0xBB8] =	vst v0  }
0xbe: {  	[tilespmem:$0xBC8] =	vst v0  }
0xbf: {  	[tilespmem:$0xBD8] =	vst v0  }
0xc0: {  	[tilespmem:$0xBE8] =	vst v0  }
0xc1: {  	[tilespmem:$0xBF8] =	vst v0  }
0xc2: {  	[tilespmem:$0xC08] =	vst v0  }
0xc3: {  	[tilespmem:$0xC18] =	vst v0  }
0xc4: {  	[tilespmem:$0xC28] =	vst v0  }
0xc5: {  	[tilespmem:$0xC38] =	vst v0  }
0xc6: {  	[tilespmem:$0xC48] =	vst v0  }
0xc7: {  	[tilespmem:$0xC58] =	vst v0  }
0xc8: {  	[tilespmem:$0xC68] =	vst v0  }
0xc9: {  	[tilespmem:$0xC78] =	vst v0  }
0xca: {  	[tilespmem:$0xC88] =	vst v0  }
0xcb: {  	[tilespmem:$0xC98] =	vst v0  }
0xcc: {  	[tilespmem:$0xCA8] =	vst v0  }
0xcd: {  	[tilespmem:$0xCB8] =	vst v0  }
0xce: {  	[tilespmem:$0xCC8] =	vst v0  }
0xcf: {  	[tilespmem:$0xCD8] =	vst v0  }
0xd0: {  	[tilespmem:$0xCE8] =	vst v0  }
0xd1: {  	[tilespmem:$0xCF8] =	vst v0  }
0xd2: {  	[tilespmem:$0xD08] =	vst v0  }
0xd3: {  	[tilespmem:$0xD18] =	vst v0  }
0xd4: {  	[tilespmem:$0xD28] =	vst v0  }
0xd5: {  	[tilespmem:$0xD38] =	vst v0  }
0xd6: {  	[tilespmem:$0xD48] =	vst v0  }
0xd7: {  	[tilespmem:$0xD58] =	vst v0  }
0xd8: {  	[tilespmem:$0xD68] =	vst v0  }
0xd9: {  	[tilespmem:$0xD78] =	vst v0  }
0xda: {  	[tilespmem:$0xD88] =	vst v0  }
0xdb: {  	[tilespmem:$0xD98] =	vst v0  }
0xdc: {  	[tilespmem:$0xDA8] =	vst v0  }
0xdd: {  	[tilespmem:$0xDB8] =	vst v0  }
0xde: {  	[tilespmem:$0xDC8] =	vst v0  }
0xdf: {  	[tilespmem:$0xDD8] =	vst v0  }
0xe0: {  	[tilespmem:$0xDE8] =	vst v0  }
0xe1: {  	[tilespmem:$0xDF8] =	vst v0  }
0xe2: {  	[tilespmem:$0xE08] =	vst v0  }
0xe3: {  	[tilespmem:$0xE18] =	vst v0  }
0xe4: {  	[tilespmem:$0xE28] =	vst v0  }
0xe5: {  	[tilespmem:$0xE38] =	vst v0  }
0xe6: {  	[tilespmem:$0xE48] =	vst v0  }
0xe7: {  	[tilespmem:$0xE58] =	vst v0  }
0xe8: {  	[tilespmem:$0xE68] =	vst v0  }
0xe9: {  	[tilespmem:$0xE78] =	vst v0  }
0xea: {  	[tilespmem:$0xE88] =	vst v0  }
0xeb: {  	[tilespmem:$0xE98] =	vst v0  }
0xec: {  	[tilespmem:$0xEA8] =	vst v0  }
0xed: {  	[tilespmem:$0xEB8] =	vst v0  }
0xee: {  	[tilespmem:$0xEC8] =	vst v0  }
0xef: {  	[tilespmem:$0xED8] =	vst v0  }
0xf0: {  	[tilespmem:$0xEE8] =	vst v0  }
0xf1: {  	[tilespmem:$0xEF8] =	vst v0  }
0xf2: {  	[tilespmem:$0xF08] =	vst v0  }
0xf3: {  	[tilespmem:$0xF18] =	vst v0  }
0xf4: {  	[tilespmem:$0xF28] =	vst v0  }
0xf5: {  	[tilespmem:$0xF38] =	vst v0  }
0xf6: {  	[tilespmem:$0xF48] =	vst v0  }
0xf7: {  	[tilespmem:$0xF58] =	vst v0  }
0xf8: {  	[tilespmem:$0xF68] =	vst v0  }
0xf9: {  	[tilespmem:$0xF78] =	vst v0  }
0xfa: {  	[tilespmem:$0xF88] =	vst v0  }
0xfb: {  	[tilespmem:$0xF98] =	vst v0  }
0xfc: {  	[tilespmem:$0xFA8] =	vst v0  }
0xfd: {  	[tilespmem:$0xFB8] =	vst v0  }
0xfe: {  	[tilespmem:$0xFC8] =	vst v0  }
0xff: {  	[tilespmem:$0xFD8] =	vst v0  }
0x100: {  	[tilespmem:$0xFE8] =	vst v0  }
0x101: {  	[tilespmem:$0xFF8] =	vst v0  }
0x102: {  	[tilespmem:$0x1008] =	vst v0  }
0x103: {  	[tilespmem:$0x1018] =	vst v0  }
0x104: {  	[tilespmem:$0x1028] =	vst v0  }
0x105: {  	[tilespmem:$0x1168] =	vst v0  }
0x106: {  	[tilespmem:$0x1038] =	vst v0  }
0x107: {  	[tilespmem:$0x1048] =	vst v0  }
0x108: {  	[tilespmem:$0x1058] =	vst v0  }
0x109: {  	[tilespmem:$0x1068] =	vst v0  }
0x10a: {  	[tilespmem:$0x1078] =	vst v0  }
0x10b: {  	[tilespmem:$0x1088] =	vst v0  }
0x10c: {  	[tilespmem:$0x1098] =	vst v0  }
0x10d: {  	[tilespmem:$0x10A8] =	vst v0  }
0x10e: {  	[tilespmem:$0x10B8] =	vst v0  }
0x10f: {  	[tilespmem:$0x10C8] =	vst v0  }
0x110: {  	[tilespmem:$0x10D8] =	vst v0  }
0x111: {  	[tilespmem:$0x10E8] =	vst v0  }
0x112: {  	[tilespmem:$0x10F8] =	vst v0  }
0x113: {  	[tilespmem:$0x1108] =	vst v0  }
0x114: {  	[tilespmem:$0x1118] =	vst v0  }
0x115: {  	[tilespmem:$0x1128] =	vst v0  }
0x116: {  	[tilespmem:$0x1138] =	vst v0  }
0x117: {  	[tilespmem:$0x1148] =	vst v0  }
0x118: {  	[tilespmem:$0x1158] =	vst v0  }
0x119: {  	[tilespmem:$0x1178] =	vst v0  }
0x11a: {  	[tilespmem:$0x1188] =	vst v0  }
0x11b: {  	[tilespmem:$0x1198] =	vst v0  }
0x11c: {  	[tilespmem:$0x11A8] =	vst v0  }
0x11d: {  	[tilespmem:$0x11B8] =	vst v0  }
0x11e: {  	[tilespmem:$0x11C8] =	vst v0  }
0x11f: {  	[tilespmem:$0x11D8] =	vst v0  }
0x120: {  	[tilespmem:$0x11E8] =	vst v0  }
0x121: {  	[tilespmem:$0x11F8] =	vst v0  }
0x122: {  	[tilespmem:$0x1208] =	vst v0  }
0x123: {  	[tilespmem:$0x1218] =	vst v0  }
0x124: {  	[tilespmem:$0x1228] =	vst v0  }
0x125: {  	[tilespmem:$0x1238] =	vst v0  }
0x126: {  	[tilespmem:$0x1248] =	vst v0  }
0x127: {  	[tilespmem:$0x1258] =	vst v0  }
0x128: {  	[tilespmem:$0x1268] =	vst v0  }
0x129: {  	[tilespmem:$0x1278] =	vst v0  }
0x12a: {  	[tilespmem:$0x1288] =	vst v0  }
0x12b: {  	[tilespmem:$0x1298] =	vst v0  }
0x12c: {  	[tilespmem:$0x12A8] =	vst v0  }
0x12d: {  	[tilespmem:$0x12B8] =	vst v0  }
0x12e: {  	[tilespmem:$0x12C8] =	vst v0  }
0x12f: {  	[tilespmem:$0x12D8] =	vst v0  }
0x130: {  	[tilespmem:$0x12E8] =	vst v0  }
0x131: {  	[tilespmem:$0x12F8] =	vst v0  }
0x132: {  	[tilespmem:$0x1308] =	vst v0  }
0x133: {  	[tilespmem:$0x1318] =	vst v0  }
0x134: {  	[tilespmem:$0x1328] =	vst v0  }
0x135: {  	[tilespmem:$0x1338] =	vst v0  }
0x136: {  	[tilespmem:$0x1348] =	vst v0  }
0x137: {  	[tilespmem:$0x1358] =	vst v0  }
0x138: {  	[tilespmem:$0x1368] =	vst v0  }
0x139: {  	[tilespmem:$0x1378] =	vst v0  }
0x13a: {  	[tilespmem:$0x1388] =	vst v0  }
0x13b: {  	[tilespmem:$0x1398] =	vst v0  }
0x13c: {  	[tilespmem:$0x13A8] =	vst v0  }
0x13d: {  	[tilespmem:$0x13B8] =	vst v0  }
0x13e: {  	[tilespmem:$0x13C8] =	vst v0  }
0x13f: {  	[tilespmem:$0x13D8] =	vst v0  }
0x140: {  	[tilespmem:$0x13E8] =	vst v0  }
0x141: {  	[tilespmem:$0x13F8] =	vst v0  }
0x142: {  	[tilespmem:$0x1408] =	vst v0  }
0x143: {  	[tilespmem:$0x1418] =	vst v0  }
0x144: {  	[tilespmem:$0x1428] =	vst v0  }
0x145: {  	[tilespmem:$0x1438] =	vst v0  }
0x146: {  	[tilespmem:$0x1448] =	vst v0  }
0x147: {  	[tilespmem:$0x1458] =	vst v0  }
0x148: {  	[tilespmem:$0x1468] =	vst v0  }
0x149: {  	[tilespmem:$0x1478] =	vst v0  }
0x14a: {  	[tilespmem:$0x1488] =	vst v0  }
0x14b: {  	[tilespmem:$0x1498] =	vst v0  }
0x14c: {  	[tilespmem:$0x14A8] =	vst v0  }
0x14d: {  	[tilespmem:$0x14B8] =	vst v0  }
0x14e: {  	[tilespmem:$0x14C8] =	vst v0  }
0x14f: {  	[tilespmem:$0x14D8] =	vst v0  }
0x150: {  	[tilespmem:$0x14E8] =	vst v0  }
0x151: {  	[tilespmem:$0x14F8] =	vst v0  }
0x152: {  	[tilespmem:$0x1508] =	vst v0  }
0x153: {  	[tilespmem:$0x1518] =	vst v0  }
0x154: {  	[tilespmem:$0x1528] =	vst v0  }
0x155: {  	[tilespmem:$0x1538] =	vst v0  }
0x156: {  	[tilespmem:$0x1548] =	vst v0  }
0x157: {  	[tilespmem:$0x1558] =	vst v0  }
0x158: {  	[tilespmem:$0x1568] =	vst v0  }
0x159: {  	[tilespmem:$0x1578] =	vst v0  }
0x15a: {  	[tilespmem:$0x1588] =	vst v0  }
0x15b: {  	[tilespmem:$0x1598] =	vst v0  }
0x15c: {  	[tilespmem:$0x15A8] =	vst v0  }
0x15d: {  	[tilespmem:$0x15B8] =	vst v0  }
0x15e: {  	[tilespmem:$0x15C8] =	vst v0  }
0x15f: {  	[tilespmem:$0x15D8] =	vst v0  }
0x160: {  	[tilespmem:$0x15E8] =	vst v0  }
0x161: {  	[tilespmem:$0x15F8] =	vst v0  }
0x162: {  	[tilespmem:$0x1608] =	vst v0  }
0x163: {  	[tilespmem:$0x1618] =	vst v0  }
0x164: {  	[tilespmem:$0x1628] =	vst v0  }
0x165: {  	[tilespmem:$0x1638] =	vst v0  }
0x166: {  	[tilespmem:$0x1648] =	vst v0  }
0x167: {  	[tilespmem:$0x1658] =	vst v0  }
0x168: {  	[tilespmem:$0x1668] =	vst v0  }
0x169: {  	[tilespmem:$0x1678] =	vst v0  }
0x16a: {  	[tilespmem:$0x1688] =	vst v0  }
0x16b: {  	[tilespmem:$0x1698] =	vst v0  }
0x16c: {  	[tilespmem:$0x16A8] =	vst v0  }
0x16d: {  	[tilespmem:$0x16B8] =	vst v0  }
0x16e: {  	[tilespmem:$0x16C8] =	vst v0  }
0x16f: {  	[tilespmem:$0x16D8] =	vst v0  }
0x170: {  	[tilespmem:$0x16E8] =	vst v0  }
0x171: {  	[tilespmem:$0x16F8] =	vst v0  }
0x172: {  	[tilespmem:$0x1708] =	vst v0  }
0x173: {  	[tilespmem:$0x1718] =	vst v0  }
0x174: {  	[tilespmem:$0x1728] =	vst v0  }
0x175: {  	[tilespmem:$0x1738] =	vst v0  }
0x176: {  	[tilespmem:$0x1748] =	vst v0  }
0x177: {  	[tilespmem:$0x1758] =	vst v0  }
0x178: {  	[tilespmem:$0x1768] =	vst v0  }
0x179: {  	[tilespmem:$0x1778] =	vst v0  }
0x17a: {  	[tilespmem:$0x1788] =	vst v0  }
0x17b: {  	[tilespmem:$0x1798] =	vst v0  }
0x17c: {  	[tilespmem:$0x17A8] =	vst v0  }
0x17d: {  	[tilespmem:$0x17B8] =	vst v0  }
0x17e: {  	[tilespmem:$0x17C8] =	vst v0  }
0x17f: {  	[tilespmem:$0x17D8] =	vst v0  }
0x180: {  	[tilespmem:$0x17E8] =	vst v0  }
0x181: {  	[tilespmem:$0x17F8] =	vst v0  }
0x182: {  	[tilespmem:$0x1808] =	vst v0  }
0x183: {  	[tilespmem:$0x1818] =	vst v0  }
0x184: {  	[tilespmem:$0x1828] =	vst v0  }
0x185: {  	[tilespmem:$0x1838] =	vst v0  }
0x186: {  	[tilespmem:$0x1848] =	vst v0  }
0x187: {  	[tilespmem:$0x1858] =	vst v0  }
0x188: {  	[tilespmem:$0x1868] =	vst v0  }
0x189: {  	[tilespmem:$0x1878] =	vst v0  }
0x18a: {  	[tilespmem:$0x1888] =	vst v0  }
0x18b: {  	[tilespmem:$0x1898] =	vst v0  }
0x18c: {  	[tilespmem:$0x18A8] =	vst v0  }
0x18d: {  	[tilespmem:$0x18B8] =	vst v0  }
0x18e: {  	[tilespmem:$0x18C8] =	vst v0  }
0x18f: {  	[tilespmem:$0x18D8] =	vst v0  }
0x190: {  	[tilespmem:$0x18E8] =	vst v0  }
0x191: {  	[tilespmem:$0x18F8] =	vst v0  }
0x192: {  	[tilespmem:$0x1908] =	vst v0  }
0x193: {  	[tilespmem:$0x1918] =	vst v0  }
0x194: {  	[tilespmem:$0x1928] =	vst v0  }
0x195: {  	[tilespmem:$0x1938] =	vst v0  }
0x196: {  	[tilespmem:$0x1948] =	vst v0  }
0x197: {  	[tilespmem:$0x1958] =	vst v0  }
0x198: {  	[tilespmem:$0x1968] =	vst v0  }
0x199: {  	[tilespmem:$0x1978] =	vst v0  }
0x19a: {  	[tilespmem:$0x1988] =	vst v0  }
0x19b: {  	[tilespmem:$0x1998] =	vst v0  }
0x19c: {  	[tilespmem:$0x19A8] =	vst v0  }
0x19d: {  	[tilespmem:$0x19B8] =	vst v0  }
0x19e: {  	[tilespmem:$0x19C8] =	vst v0  }
0x19f: {  	[tilespmem:$0x19D8] =	vst v0  }
0x1a0: {  	[tilespmem:$0x19E8] =	vst v0  }
0x1a1: {  	[tilespmem:$0x19F8] =	vst v0  }
0x1a2: {  	[tilespmem:$0x1A08] =	vst v0  }
0x1a3: {  	[tilespmem:$0x1A18] =	vst v0  }
0x1a4: {  	[tilespmem:$0x1A28] =	vst v0  }
0x1a5: {  	[tilespmem:$0x1A38] =	vst v0  }
0x1a6: {  	[tilespmem:$0x1A48] =	vst v0  }
0x1a7: {  	[tilespmem:$0x1A58] =	vst v0  }
0x1a8: {  	[tilespmem:$0x1A68] =	vst v0  }
0x1a9: {  	[tilespmem:$0x1A78] =	vst v0  }
0x1aa: {  	[tilespmem:$0x1A88] =	vst v0  }
0x1ab: {  	[tilespmem:$0x1A98] =	vst v0  }
0x1ac: {  	[tilespmem:$0x1AA8] =	vst v0  }
0x1ad: {  	[tilespmem:$0x1AB8] =	vst v0  }
0x1ae: {  	[tilespmem:$0x1AC8] =	vst v0  }
0x1af: {  	[tilespmem:$0x1AD8] =	vst v0  }
0x1b0: {  	[tilespmem:$0x1AE8] =	vst v0  }
0x1b1: {  	[tilespmem:$0x1AF8] =	vst v0  }
0x1b2: {  	[tilespmem:$0x1B08] =	vst v0  }
0x1b3: {  	[tilespmem:$0x1B18] =	vst v0  }
0x1b4: {  	[tilespmem:$0x1B28] =	vst v0  }
0x1b5: {  	[tilespmem:$0x1B38] =	vst v0  }
0x1b6: {  	[tilespmem:$0x1B48] =	vst v0  }
0x1b7: {  	[tilespmem:$0x1B58] =	vst v0  }
0x1b8: {  	[tilespmem:$0x1B68] =	vst v0  }
0x1b9: {  	[tilespmem:$0x1B78] =	vst v0  }
0x1ba: {  	[tilespmem:$0x1B88] =	vst v0  }
0x1bb: {  	[tilespmem:$0x1B98] =	vst v0  }
0x1bc: {  	[tilespmem:$0x1BA8] =	vst v0  }
0x1bd: {  	[tilespmem:$0x1BB8] =	vst v0  }
0x1be: {  	[tilespmem:$0x1BC8] =	vst v0  }
0x1bf: {  	[tilespmem:$0x1BD8] =	vst v0  }
0x1c0: {  	[tilespmem:$0x1BE8] =	vst v0  }
0x1c1: {  	[tilespmem:$0x1BF8] =	vst v0  }
0x1c2: {  	[tilespmem:$0x1C08] =	vst v0  }
0x1c3: {  	[tilespmem:$0x1C18] =	vst v0  }
0x1c4: {  	[tilespmem:$0x1C28] =	vst v0  }
0x1c5: {  	[tilespmem:$0x1C38] =	vst v0  }
0x1c6: {  	[tilespmem:$0x1C48] =	vst v0  }
0x1c7: {  	[tilespmem:$0x1C58] =	vst v0  }
0x1c8: {  	[tilespmem:$0x1C68] =	vst v0  }
0x1c9: {  	[tilespmem:$0x1C78] =	vst v0  }
0x1ca: {  	[tilespmem:$0x1C88] =	vst v0  }
0x1cb: {  	[tilespmem:$0x1C98] =	vst v0  }
0x1cc: {  	[tilespmem:$0x1CA8] =	vst v0  }
0x1cd: {  	[tilespmem:$0x1CB8] =	vst v0  }
0x1ce: {  	[tilespmem:$0x1CC8] =	vst v0  }
0x1cf: {  	[tilespmem:$0x1CD8] =	vst v0  }
0x1d0: {  	[tilespmem:$0x1CE8] =	vst v0  }
0x1d1: {  	[tilespmem:$0x1CF8] =	vst v0  }
0x1d2: {  	[tilespmem:$0x1D08] =	vst v0  }
0x1d3: {  	[tilespmem:$0x1D18] =	vst v0  }
0x1d4: {  	[tilespmem:$0x1D28] =	vst v0  }
0x1d5: {  	[tilespmem:$0x1D38] =	vst v0  }
0x1d6: {  	[tilespmem:$0x1D48] =	vst v0  }
0x1d7: {  	[tilespmem:$0x1D58] =	vst v0  }
0x1d8: {  	[tilespmem:$0x1D68] =	vst v0  }
0x1d9: {  	[tilespmem:$0x1D78] =	vst v0  }
0x1da: {  	[tilespmem:$0x1D88] =	vst v0  }
0x1db: {  	[tilespmem:$0x1D98] =	vst v0  }
0x1dc: {  	[tilespmem:$0x1DA8] =	vst v0  }
0x1dd: {  	[tilespmem:$0x1DB8] =	vst v0  }
0x1de: {  	[tilespmem:$0x1DC8] =	vst v0  }
0x1df: {  	[tilespmem:$0x1DD8] =	vst v0  }
0x1e0: {  	[tilespmem:$0x1DE8] =	vst v0  }
0x1e1: {  	[tilespmem:$0x1DF8] =	vst v0  }
0x1e2: {  	[tilespmem:$0x1E08] =	vst v0  }
0x1e3: {  	[tilespmem:$0x1E18] =	vst v0  }
0x1e4: {  	[tilespmem:$0x1E28] =	vst v0  }
0x1e5: {  	[tilespmem:$0x1E38] =	vst v0  }
0x1e6: {  	[tilespmem:$0x1E48] =	vst v0  }
0x1e7: {  	[tilespmem:$0x1E58] =	vst v0  }
0x1e8: {  	[tilespmem:$0x1E68] =	vst v0  }
0x1e9: {  	[tilespmem:$0x1E78] =	vst v0  }
0x1ea: {  	[tilespmem:$0x1E88] =	vst v0  }
0x1eb: {  	[tilespmem:$0x1E98] =	vst v0  }
0x1ec: {  	[tilespmem:$0x1EA8] =	vst v0  }
0x1ed: {  	[tilespmem:$0x1EB8] =	vst v0  }
0x1ee: {  	[tilespmem:$0x1EC8] =	vst v0  }
0x1ef: {  	[tilespmem:$0x1ED8] =	vst v0  }
0x1f0: {  	[tilespmem:$0x1EE8] =	vst v0  }
0x1f1: {  	[tilespmem:$0x1EF8] =	vst v0  }
0x1f2: {  	[tilespmem:$0x1F08] =	vst v0  }
0x1f3: {  	[tilespmem:$0x1F18] =	vst v0  }
0x1f4: {  	[tilespmem:$0x1F28] =	vst v0  }
0x1f5: {  	[tilespmem:$0x1F38] =	vst v0  }
0x1f6: {  	[tilespmem:$0x1F48] =	vst v0  }
0x1f7: {  	[tilespmem:$0x1F58] =	vst v0  }
0x1f8: {  	[tilespmem:$0x1F68] =	vst v0  }
0x1f9: {  	[tilespmem:$0x1F78] =	vst v0  }
0x1fa: {  	[tilespmem:$0x1F88] =	vst v0  }
0x1fb: {  	[tilespmem:$0x1F98] =	vst v0  }
0x1fc: {  	[tilespmem:$0x1FA8] =	vst v0  }
0x1fd: {  	[tilespmem:$0x1FB8] =	vst v0  }
0x1fe: {  	[tilespmem:$0x1FC8] =	vst v0  }
0x1ff: {  	[tilespmem:$0x1FD8] =	vst v0  }
0x200: {  	[tilespmem:$0x1FE8] =	vst v0  }
0x201: {  	[tilespmem:$0x1FF8] =	vst v0  }
0x202: {  	[tilespmem:$0x2008] =	vst v0  }
0x203: {  	[tilespmem:$0x2018] =	vst v0  }
0x204: {  	[tilespmem:$0x2028] =	vst v0  }
0x205: {  	[tilespmem:$0x2038] =	vst v0  }
0x206: {  	[tilespmem:$0x2048] =	vst v0  }
0x207: {  	[tilespmem:$0x2058] =	vst v0  }
0x208: {  	[tilespmem:$0x2068] =	vst v0  }
0x209: {  	[tilespmem:$0x2078] =	vst v0  }
0x20a: {  	[tilespmem:$0x2088] =	vst v0  }
0x20b: {  	[tilespmem:$0x2098] =	vst v0  }
0x20c: {  	[tilespmem:$0x20A8] =	vst v0  }
0x20d: {  	[tilespmem:$0x20B8] =	vst v0  }
0x20e: {  	[tilespmem:$0x20C8] =	vst v0  }
0x20f: {  	[tilespmem:$0x20D8] =	vst v0  }
0x210: {  	[tilespmem:$0x20E8] =	vst v0  }
0x211: {  	[tilespmem:$0x20F8] =	vst v0  }
0x212: {  	[tilespmem:$0x2108] =	vst v0  }
0x213: {  	[tilespmem:$0x2118] =	vst v0  }
0x214: {  	[tilespmem:$0x2128] =	vst v0  }
0x215: {  	[tilespmem:$0x2138] =	vst v0  }
0x216: {  	[tilespmem:$0x2148] =	vst v0  }
0x217: {  	[tilespmem:$0x2158] =	vst v0  }
0x218: {  	[tilespmem:$0x2168] =	vst v0  }
0x219: {  	[tilespmem:$0x2218] =	vst v0  }
0x21a: {  	[tilespmem:$0x3058] =	vst v0  }
0x21b: {  	[tilespmem:$0x3048] =	vst v0  }
0x21c: {  	[tilespmem:$0x3038] =	vst v0  }
0x21d: {  	[tilespmem:$0x3028] =	vst v0  }
0x21e: {  	[tilespmem:$0x3018] =	vst v0  }
0x21f: {  	[tilespmem:$0x3008] =	vst v0  }
0x220: {  	[tilespmem:$0x2FF8] =	vst v0  }
0x221: {  	[tilespmem:$0x2FE8] =	vst v0  }
0x222: {  	[tilespmem:$0x2FD8] =	vst v0  }
0x223: {  	[tilespmem:$0x2FC8] =	vst v0  }
0x224: {  	[tilespmem:$0x2FB8] =	vst v0  }
0x225: {  	[tilespmem:$0x2FA8] =	vst v0  }
0x226: {  	[tilespmem:$0x2F98] =	vst v0  }
0x227: {  	[tilespmem:$0x2F88] =	vst v0  }
0x228: {  	[tilespmem:$0x2F78] =	vst v0  }
0x229: {  	[tilespmem:$0x2F68] =	vst v0  }
0x22a: {  	[tilespmem:$0x2F58] =	vst v0  }
0x22b: {  	[tilespmem:$0x2F48] =	vst v0  }
0x22c: {  	[tilespmem:$0x2F38] =	vst v0  }
0x22d: {  	[tilespmem:$0x2F28] =	vst v0  }
0x22e: {  	[tilespmem:$0x2F18] =	vst v0  }
0x22f: {  	[tilespmem:$0x2F08] =	vst v0  }
0x230: {  	[tilespmem:$0x2EF8] =	vst v0  }
0x231: {  	[tilespmem:$0x2EE8] =	vst v0  }
0x232: {  	[tilespmem:$0x2ED8] =	vst v0  }
0x233: {  	[tilespmem:$0x2EC8] =	vst v0  }
0x234: {  	[tilespmem:$0x2EB8] =	vst v0  }
0x235: {  	[tilespmem:$0x2EA8] =	vst v0  }
0x236: {  	[tilespmem:$0x2E98] =	vst v0  }
0x237: {  	[tilespmem:$0x2E88] =	vst v0  }
0x238: {  	[tilespmem:$0x2E78] =	vst v0  }
0x239: {  	[tilespmem:$0x2E68] =	vst v0  }
0x23a: {  	[tilespmem:$0x2E58] =	vst v0  }
0x23b: {  	[tilespmem:$0x2E48] =	vst v0  }
0x23c: {  	[tilespmem:$0x2E38] =	vst v0  }
0x23d: {  	[tilespmem:$0x2E28] =	vst v0  }
0x23e: {  	[tilespmem:$0x2E18] =	vst v0  }
0x23f: {  	[tilespmem:$0x2E08] =	vst v0  }
0x240: {  	[tilespmem:$0x2DF8] =	vst v0  }
0x241: {  	[tilespmem:$0x2DE8] =	vst v0  }
0x242: {  	[tilespmem:$0x2DD8] =	vst v0  }
0x243: {  	[tilespmem:$0x2DC8] =	vst v0  }
0x244: {  	[tilespmem:$0x2DB8] =	vst v0  }
0x245: {  	[tilespmem:$0x2DA8] =	vst v0  }
0x246: {  	[tilespmem:$0x2D98] =	vst v0  }
0x247: {  	[tilespmem:$0x2D88] =	vst v0  }
0x248: {  	[tilespmem:$0x2D78] =	vst v0  }
0x249: {  	[tilespmem:$0x2D68] =	vst v0  }
0x24a: {  	[tilespmem:$0x2D58] =	vst v0  }
0x24b: {  	[tilespmem:$0x2D48] =	vst v0  }
0x24c: {  	[tilespmem:$0x2D38] =	vst v0  }
0x24d: {  	[tilespmem:$0x2D28] =	vst v0  }
0x24e: {  	[tilespmem:$0x2D18] =	vst v0  }
0x24f: {  	[tilespmem:$0x2D08] =	vst v0  }
0x250: {  	[tilespmem:$0x2CF8] =	vst v0  }
0x251: {  	[tilespmem:$0x2CE8] =	vst v0  }
0x252: {  	[tilespmem:$0x2CD8] =	vst v0  }
0x253: {  	[tilespmem:$0x2CC8] =	vst v0  }
0x254: {  	[tilespmem:$0x2CB8] =	vst v0  }
0x255: {  	[tilespmem:$0x2CA8] =	vst v0  }
0x256: {  	[tilespmem:$0x2C98] =	vst v0  }
0x257: {  	[tilespmem:$0x2C88] =	vst v0  }
0x258: {  	[tilespmem:$0x2C78] =	vst v0  }
0x259: {  	[tilespmem:$0x2C68] =	vst v0  }
0x25a: {  	[tilespmem:$0x2C58] =	vst v0  }
0x25b: {  	[tilespmem:$0x2C48] =	vst v0  }
0x25c: {  	[tilespmem:$0x2C38] =	vst v0  }
0x25d: {  	[tilespmem:$0x2C28] =	vst v0  }
0x25e: {  	[tilespmem:$0x2C18] =	vst v0  }
0x25f: {  	[tilespmem:$0x2C08] =	vst v0  }
0x260: {  	[tilespmem:$0x2BF8] =	vst v0  }
0x261: {  	[tilespmem:$0x2BE8] =	vst v0  }
0x262: {  	[tilespmem:$0x2BD8] =	vst v0  }
0x263: {  	[tilespmem:$0x2BC8] =	vst v0  }
0x264: {  	[tilespmem:$0x2BB8] =	vst v0  }
0x265: {  	[tilespmem:$0x2BA8] =	vst v0  }
0x266: {  	[tilespmem:$0x2B98] =	vst v0  }
0x267: {  	[tilespmem:$0x2B88] =	vst v0  }
0x268: {  	[tilespmem:$0x2B78] =	vst v0  }
0x269: {  	[tilespmem:$0x2B68] =	vst v0  }
0x26a: {  	[tilespmem:$0x2B58] =	vst v0  }
0x26b: {  	[tilespmem:$0x2B48] =	vst v0  }
0x26c: {  	[tilespmem:$0x2B38] =	vst v0  }
0x26d: {  	[tilespmem:$0x2B28] =	vst v0  }
0x26e: {  	[tilespmem:$0x2B18] =	vst v0  }
0x26f: {  	[tilespmem:$0x2B08] =	vst v0  }
0x270: {  	[tilespmem:$0x2AF8] =	vst v0  }
0x271: {  	[tilespmem:$0x2AE8] =	vst v0  }
0x272: {  	[tilespmem:$0x2AD8] =	vst v0  }
0x273: {  	[tilespmem:$0x2AC8] =	vst v0  }
0x274: {  	[tilespmem:$0x2AB8] =	vst v0  }
0x275: {  	[tilespmem:$0x2AA8] =	vst v0  }
0x276: {  	[tilespmem:$0x2A98] =	vst v0  }
0x277: {  	[tilespmem:$0x2A88] =	vst v0  }
0x278: {  	[tilespmem:$0x2A78] =	vst v0  }
0x279: {  	[tilespmem:$0x2A68] =	vst v0  }
0x27a: {  	[tilespmem:$0x2A58] =	vst v0  }
0x27b: {  	[tilespmem:$0x2A48] =	vst v0  }
0x27c: {  	[tilespmem:$0x2A38] =	vst v0  }
0x27d: {  	[tilespmem:$0x2A28] =	vst v0  }
0x27e: {  	[tilespmem:$0x2A18] =	vst v0  }
0x27f: {  	[tilespmem:$0x2A08] =	vst v0  }
0x280: {  	[tilespmem:$0x29F8] =	vst v0  }
0x281: {  	[tilespmem:$0x29E8] =	vst v0  }
0x282: {  	[tilespmem:$0x29D8] =	vst v0  }
0x283: {  	[tilespmem:$0x29C8] =	vst v0  }
0x284: {  	[tilespmem:$0x29B8] =	vst v0  }
0x285: {  	[tilespmem:$0x29A8] =	vst v0  }
0x286: {  	[tilespmem:$0x2998] =	vst v0  }
0x287: {  	[tilespmem:$0x2988] =	vst v0  }
0x288: {  	[tilespmem:$0x2978] =	vst v0  }
0x289: {  	[tilespmem:$0x2968] =	vst v0  }
0x28a: {  	[tilespmem:$0x2958] =	vst v0  }
0x28b: {  	[tilespmem:$0x2948] =	vst v0  }
0x28c: {  	[tilespmem:$0x2938] =	vst v0  }
0x28d: {  	[tilespmem:$0x2928] =	vst v0  }
0x28e: {  	[tilespmem:$0x2918] =	vst v0  }
0x28f: {  	[tilespmem:$0x2908] =	vst v0  }
0x290: {  	[tilespmem:$0x28F8] =	vst v0  }
0x291: {  	[tilespmem:$0x28E8] =	vst v0  }
0x292: {  	[tilespmem:$0x28D8] =	vst v0  }
0x293: {  	[tilespmem:$0x28C8] =	vst v0  }
0x294: {  	[tilespmem:$0x28B8] =	vst v0  }
0x295: {  	[tilespmem:$0x28A8] =	vst v0  }
0x296: {  	[tilespmem:$0x2898] =	vst v0  }
0x297: {  	[tilespmem:$0x2888] =	vst v0  }
0x298: {  	[tilespmem:$0x2878] =	vst v0  }
0x299: {  	[tilespmem:$0x2868] =	vst v0  }
0x29a: {  	[tilespmem:$0x2858] =	vst v0  }
0x29b: {  	[tilespmem:$0x2848] =	vst v0  }
0x29c: {  	[tilespmem:$0x2838] =	vst v0  }
0x29d: {  	[tilespmem:$0x2828] =	vst v0  }
0x29e: {  	[tilespmem:$0x2818] =	vst v0  }
0x29f: {  	[tilespmem:$0x2808] =	vst v0  }
0x2a0: {  	[tilespmem:$0x27F8] =	vst v0  }
0x2a1: {  	[tilespmem:$0x27E8] =	vst v0  }
0x2a2: {  	[tilespmem:$0x27D8] =	vst v0  }
0x2a3: {  	[tilespmem:$0x27C8] =	vst v0  }
0x2a4: {  	[tilespmem:$0x27B8] =	vst v0  }
0x2a5: {  	[tilespmem:$0x27A8] =	vst v0  }
0x2a6: {  	[tilespmem:$0x2798] =	vst v0  }
0x2a7: {  	[tilespmem:$0x2788] =	vst v0  }
0x2a8: {  	[tilespmem:$0x2778] =	vst v0  }
0x2a9: {  	[tilespmem:$0x2768] =	vst v0  }
0x2aa: {  	[tilespmem:$0x2758] =	vst v0  }
0x2ab: {  	[tilespmem:$0x2748] =	vst v0  }
0x2ac: {  	[tilespmem:$0x2738] =	vst v0  }
0x2ad: {  	[tilespmem:$0x2728] =	vst v0  }
0x2ae: {  	[tilespmem:$0x2718] =	vst v0  }
0x2af: {  	[tilespmem:$0x2708] =	vst v0  }
0x2b0: {  	[tilespmem:$0x26F8] =	vst v0  }
0x2b1: {  	[tilespmem:$0x26E8] =	vst v0  }
0x2b2: {  	[tilespmem:$0x26D8] =	vst v0  }
0x2b3: {  	[tilespmem:$0x26C8] =	vst v0  }
0x2b4: {  	[tilespmem:$0x26B8] =	vst v0  }
0x2b5: {  	[tilespmem:$0x26A8] =	vst v0  }
0x2b6: {  	[tilespmem:$0x2698] =	vst v0  }
0x2b7: {  	[tilespmem:$0x2688] =	vst v0  }
0x2b8: {  	[tilespmem:$0x2678] =	vst v0  }
0x2b9: {  	[tilespmem:$0x2668] =	vst v0  }
0x2ba: {  	[tilespmem:$0x2658] =	vst v0  }
0x2bb: {  	[tilespmem:$0x2648] =	vst v0  }
0x2bc: {  	[tilespmem:$0x2638] =	vst v0  }
0x2bd: {  	[tilespmem:$0x2628] =	vst v0  }
0x2be: {  	[tilespmem:$0x2618] =	vst v0  }
0x2bf: {  	[tilespmem:$0x2608] =	vst v0  }
0x2c0: {  	[tilespmem:$0x25F8] =	vst v0  }
0x2c1: {  	[tilespmem:$0x25E8] =	vst v0  }
0x2c2: {  	[tilespmem:$0x25D8] =	vst v0  }
0x2c3: {  	[tilespmem:$0x25C8] =	vst v0  }
0x2c4: {  	[tilespmem:$0x25B8] =	vst v0  }
0x2c5: {  	[tilespmem:$0x25A8] =	vst v0  }
0x2c6: {  	[tilespmem:$0x2598] =	vst v0  }
0x2c7: {  	[tilespmem:$0x2588] =	vst v0  }
0x2c8: {  	[tilespmem:$0x2578] =	vst v0  }
0x2c9: {  	[tilespmem:$0x2568] =	vst v0  }
0x2ca: {  	[tilespmem:$0x2558] =	vst v0  }
0x2cb: {  	[tilespmem:$0x2548] =	vst v0  }
0x2cc: {  	[tilespmem:$0x2538] =	vst v0  }
0x2cd: {  	[tilespmem:$0x2528] =	vst v0  }
0x2ce: {  	[tilespmem:$0x2518] =	vst v0  }
0x2cf: {  	[tilespmem:$0x2508] =	vst v0  }
0x2d0: {  	[tilespmem:$0x24F8] =	vst v0  }
0x2d1: {  	[tilespmem:$0x24E8] =	vst v0  }
0x2d2: {  	[tilespmem:$0x24D8] =	vst v0  }
0x2d3: {  	[tilespmem:$0x24C8] =	vst v0  }
0x2d4: {  	[tilespmem:$0x24B8] =	vst v0  }
0x2d5: {  	[tilespmem:$0x24A8] =	vst v0  }
0x2d6: {  	[tilespmem:$0x2498] =	vst v0  }
0x2d7: {  	[tilespmem:$0x2488] =	vst v0  }
0x2d8: {  	[tilespmem:$0x2478] =	vst v0  }
0x2d9: {  	[tilespmem:$0x2468] =	vst v0  }
0x2da: {  	[tilespmem:$0x2458] =	vst v0  }
0x2db: {  	[tilespmem:$0x2448] =	vst v0  }
0x2dc: {  	[tilespmem:$0x2438] =	vst v0  }
0x2dd: {  	[tilespmem:$0x2428] =	vst v0  }
0x2de: {  	[tilespmem:$0x2418] =	vst v0  }
0x2df: {  	[tilespmem:$0x2408] =	vst v0  }
0x2e0: {  	[tilespmem:$0x23F8] =	vst v0  }
0x2e1: {  	[tilespmem:$0x23E8] =	vst v0  }
0x2e2: {  	[tilespmem:$0x23D8] =	vst v0  }
0x2e3: {  	[tilespmem:$0x23C8] =	vst v0  }
0x2e4: {  	[tilespmem:$0x23B8] =	vst v0  }
0x2e5: {  	[tilespmem:$0x23A8] =	vst v0  }
0x2e6: {  	[tilespmem:$0x2398] =	vst v0  }
0x2e7: {  	[tilespmem:$0x2388] =	vst v0  }
0x2e8: {  	[tilespmem:$0x2378] =	vst v0  }
0x2e9: {  	[tilespmem:$0x2368] =	vst v0  }
0x2ea: {  	[tilespmem:$0x2358] =	vst v0  }
0x2eb: {  	[tilespmem:$0x2348] =	vst v0  }
0x2ec: {  	[tilespmem:$0x2338] =	vst v0  }
0x2ed: {  	[tilespmem:$0x2328] =	vst v0  }
0x2ee: {  	[tilespmem:$0x2318] =	vst v0  }
0x2ef: {  	[tilespmem:$0x2308] =	vst v0  }
0x2f0: {  	[tilespmem:$0x22F8] =	vst v0  }
0x2f1: {  	[tilespmem:$0x22E8] =	vst v0  }
0x2f2: {  	[tilespmem:$0x22D8] =	vst v0  }
0x2f3: {  	[tilespmem:$0x22C8] =	vst v0  }
0x2f4: {  	[tilespmem:$0x22B8] =	vst v0  }
0x2f5: {  	[tilespmem:$0x22A8] =	vst v0  }
0x2f6: {  	[tilespmem:$0x2298] =	vst v0  }
0x2f7: {  	s12 =	stileid.u32;
	[tilespmem:$0x2288] =	vst v0  }
0x2f8: {  	s0 =	simm.s32 $0x1;
	p0 =	sne.s32 s12, $0x0;
	s1 =	smul.u32 $0x1A, s12;
	[tilespmem:$0x2278] =	vst v0  }
0x2f9: {  	s0 =	simm.s32 @!p0 $0x0;
	[tilespmem:$0x2268] =	vst v0  }
0x2fa: {  	[tilespmem:$0x2258] =	vst v0;
	s0 =	sor.u32 s0, s1  }
0x2fb: {  	p1 =	seq.s32 s12, $0x0;
	[tilespmem:$0x2248] =	vst v0;
	s1 =	simm.s32 $0x2880;
	s10 =	smul.u32 $0x180, s0  }
0x2fc: {  	s1 =	simm.s32 @!p1 $0x2700;
	[tilespmem:$0x2238] =	vst v0  }
0x2fd: {  	[tilespmem:$0x2228] =	vst v0;
	s0 =	sadd.s32 s1, s10  }
0x2fe: {  	[tilespmem:$0x21F8] =	vst v0;
	s11 =	smin.u32 s0, $0x27100  }
0x2ff: {  	[tilespmem:$0x2208] =	vst v0;
	s0 =	ssub.s32 s11, s10  }
0x300: {  	s2 =	simm.s32 $0x2;
	[tilespmem:$0x21E8] =	vst v0;
	p1 =	sgt.s32 s0, $0x0  }
0x301: {  	s29 =	simm.s32 $0x9;
	s30 =	simm.s32 $0xA;
	[tilespmem:$0x2188] =	vst v0;
	s0 =	simm.s32 @!p1 $0x0  }
0x302: {  	s14 =	simm.s32 $0xB;
	s18 =	simm.s32 $0x0;
	[tilespmem:$0x21D8] =	vst v0;
	s28 =	smulhi.u32 $0x2AAAAAAB, s0  }
0x303: {  	p2 =	por $0x0, $0x0;
	s19 =	simm.s32 $0xC;
	s23 =	simm.s32 $0x0;
	[tilespmem:$0x21C8] =	vst v0  }
0x304: {  	s20 =	simm.s32 $0x0;
	s22 =	simm.s32 $0x0;
	[tilespmem:$0x21B8] =	vst v0;
	s1 =	sshrl.u32 s28, $0x6  }
0x305: {  	s4 =	sadd.s32 $0x13ECA00, s9;
	s6 =	sand.u32 $0x1, s6;
	s5 =	smul.u32 $0x180, s1;
	[tilespmem:$0x21A8] =	vst v0  }
0x306: {  	s9 =	sadd.s32 $0x1D6BC00, s9;
	s16 =	sshll.u32 s12, $0x6;
	[tilespmem:$0x2198] =	vst v0;
	s31 =	smul.u32 $0x4E20, s6  }
.Ltmp0:
0x307: {  	[tilespmem:$0x2178] =	vst v0;
	[sflag:s2] =	ssyncpa.u1 $0x0;
	v0 =	vimm.s32 $0xFFFFFFFF;
	[dreg:$0x6] =	wrdreg s6;
	(pc) =	sbr.rel .LBB2_1-.Ltmp0, $4  }
0x308: {  	[tilespmem:$0x6088] =	vst v0;
	[sflag:s29] =	ssyncpa.u1 $0x0;
	p1 =	sne.s32 s0, s5;
	s0 =	simm.s32 $0x1  }
0x309: {  	[sflag:s30] =	ssyncpa.u1 $0x0;
	s8 =	sadd.s32 s31, s8;
	s0 =	simm.s32 @!p1 $0x0  }
0x30a: {  	s7 =	sadd.s32 s31, s7;
	[sflag:s14] =	ssyncpa.u1 $0x0;
	s15 =	sadd.s32 s0, s1  }
0x30b: {  	v0 =	vlaneseq.u32;
	s21 =	smov.u32 s10;
	p1 =	por $0x1, $0x1;
	s17 =	sadd.s32 $0x1, s15  }
.LBB2_22:
0x30c: {  	s0 =	sshrl.u32 s0, $0x2  }
.LBB2_24:
0x30d: {  	_ =	swait.ge [sflag:s19], s0  }
0x30e: {  	s30 =	ssub.s32 $0x0, s0;
	v1 =	vmov s25;
	vm0 =	veq.s32 v0, $0x0;
	[sflag:s19] =	ssyncset.done $0x0  }
0x30f: {  	vm15 =	veq.s32 v0, $0x2;
	v1 =	vsel vm0, s31, v1;
	[sflag:s19] =	ssyncadd.s32 s30  }
0x310: {  	v1 =	vsel vm15, s23, v1;
	[sflag:s19] =	ssyncpa.u1 $0x1  }
0x311: {  	[tilespmem:$0x6088] =	vst v1  }
.LBB2_25:
0x312: {  	s0 =	sadd.s32 $0x180, s21  }
0x313: {  	s1 =	smov.u32 s10;
	p3 =	slt.s32 s0, s11  }
0x314: {  	s1 =	smov.u32 @p3 s0;
	p3 =	sne.s32 s22, s17  }
.Ltmp1:
0x315: {  	_ = 	snop;
	(pc) =	sbr.rel @!p3 .LBB2_26-.Ltmp1, $4  }
0x316: {  	_ = 	snop  }
0x317: {  	s23 =	smov.u32 s20  }
0x318: {  	s31 =	sadd.s32 $0x1, s22;
	s20 =	smov.u32 s21;
	p1 =	por !p1, !p1  }
0x319: {  	p2 =	por !p2, !p2;
	s22 =	smov.u32 s31;
	s21 =	smov.u32 s1  }
.LBB2_1:
0x31a: {  	p3 =	sge.u32 s22, s15  }
0x31b: {  	s0 =	smulhi.u32 @!p3 $0xAAAAAAAB, s22  }
0x31c: {  	s1 =	smov.u32 s21;
	p4 =	sgt.s32 @!p3 s21, $0x26F80  }
0x31d: {  	s2 =	sshra.s32 @!p3 s21, $0x1F;
	p4 =	por !p4, p3;
	s0 =	sshrl.u32 @!p3 s0, $0x1  }
0x31e: {  	s2 =	sand.u32 @!p3 s2, s21;
	s1 =	simm.s32 @p4 $0x26F80;
	s0 =	smul.u32 @!p3 $0x3, s0  }
0x31f: {  	s1 =	ssub.s32 @!p3 s1, s2  }
0x320: {  	s1 =	sadd.s32 @!p3 $0xFFFD9080, s1;
	s0 =	ssub.s32 @!p3 s22, s0  }
0x321: {  	s2 =	sshll.u32 @!p3 s1, $0x2;
	p4 =	sgt.s32 @!p3 s1, $0x17F;
	s0 =	smul.u32 @!p3 $0x600, s0  }
0x322: {  	s5 =	sand.u32 @!p3 $0x7, s21;
	s1 =	ssub.s32 @!p3 $0x600, s2;
	p4 =	por !p4, p3  }
0x323: {  	s2 =	sshrl.u32 @!p3 s21, $0x3;
	s1 =	sshrl.u32 @!p3 s1, $0x2;
	s0 =	sshrl.u32 @!p3 s0, $0x2  }
0x324: {  	s2 =	sadd.s32 @!p3 s2, s8;
	s1 =	simm.s32 @!p4 $0x0;
	s0 =	sadd.s32 @!p3 $0x64C8, s0  }
0x325: {  	[tilespmem:s0], [sflag:$0xA] =	stream.linear.gather @!p3 [hbm4b:s2+s5], s1, $0x38;
	[tilespmem:$0x1EC48] =	vst v63  }
0x326: {  	s1 =	sadd.s32 $0xFFFFFFFF, s22  }
0x327: {  	p3 =	sge.u32 s1, s15  }
0x328: {  	p4 =	sgt.s32 @!p3 s20, $0x26F80  }
0x329: {  	s0 =	smov.u32 s20;
	s2 =	sshra.s32 @!p3 s20, $0x1F;
	p4 =	por !p4, p3  }
0x32a: {  	s2 =	sand.u32 @!p3 s2, s20;
	s0 =	simm.s32 @p4 $0x26F80  }
0x32b: {  	s0 =	ssub.s32 @!p3 s0, s2  }
0x32c: {  	s0 =	sadd.s32 @!p3 $0xFFFD9080, s0  }
0x32d: {  	s2 =	sshll.u32 @!p3 s0, $0x2  }
0x32e: {  	p4 =	sgt.s32 @!p3 s0, $0x17F;
	s0 =	ssub.s32 @!p3 $0x600, s2  }
0x32f: {  	p4 =	por !p4, p3;
	s0 =	sshrl.u32 @!p3 s0, $0x2  }
0x330: {  	s5 =	simm.s32 @!p3 $0xA;
	s2 =	sand.u32 @!p3 $0x1, s1;
	s0 =	simm.s32 @!p4 $0x0  }
0x331: {  	s2 =	smul.u32 @!p3 $0x600, s2;
	_ =	swait.ge @!p3 [sflag:s5], s0  }
0x332: {  	s6 =	ssub.s32 @!p3 $0x0, s0;
	[sflag:s5] =	ssyncset.done @!p3 $0x0  }
0x333: {  	s2 =	sshrl.u32 @!p3 s2, $0x2;
	[sflag:s5] =	ssyncadd.s32 @!p3 s6;
	s5 =	sshrl.u32 @!p3 s20, $0x3  }
0x334: {  	s2 =	sadd.s32 @!p3 $0x6948, s2;
	s6 =	sand.u32 @!p3 $0x7, s20;
	s5 =	sadd.s32 @!p3 s5, s7  }
0x335: {  	[tilespmem:s2], [sflag:$0xB] =	stream.linear.gather @!p3 [hbm4b:s5+s6], s0, $0x38;
	[tilespmem:$0x1EC48] =	vst v63  }
0x336: {  	s0 =	ssub.s32 @!p3 $0x27100, s20  }
0x337: {  	p4 =	slt.s32 @!p3 s0, $0x1  }
0x338: {  	p4 =	por p3, p4  }
.Ltmp2:
0x339: {  	_ = 	snop;
	(pc) =	sbr.rel @p4 .LBB2_7-.Ltmp2, $1  }
0x33a: {  	_ =	sdelay $0x3  }
0x33b: {  	s2 =	smulhi.u32 $0xAAAAAAAB, s1;
	_ =	sdelay $0x1  }
0x33c: {  	s2 =	sshrl.u32 s2, $0x1  }
0x33d: {  	s2 =	smul.u32 $0x3, s2;
	_ =	sdelay $0x1  }
0x33e: {  	s29 =	ssub.s32 s1, s2  }
0x33f: {  	s5 =	simm.s32 $0x1;
	s1 =	smul.u32 $0x600, s29  }
.Ltmp3:
0x340: {  	s5 =	simm.s32 @!p1 $0x0;
	(pc) =	sbr.rel .LBB2_4-.Ltmp3, $4  }
0x341: {  	s30 =	smul.u32 $0x30000, s5  }
0x342: {  	p4 =	slt.s32 @!p3 s0, $0x180;
	s1 =	sshrl.u32 s1, $0x2  }
0x343: {  	p3 =	por !p4, p3;
	s2 =	sshrl.u32 s30, $0x2;
	s31 =	sadd.s32 $0x64C8, s1  }
0x344: {  	s24 =	simm.s32 $0x0;
	s0 =	simm.s32 @p3 $0x180;
	s1 =	sadd.s32 $0x6C48, s2;
	v1 =	vmov s31  }
.LBB2_3:
0x345: {  	p3 =	sge.s32 s24, s0  }
.Ltmp4:
0x346: {  	_ = 	snop;
	(pc) =	sbr.rel @p3 .LBB2_7-.Ltmp4, $2  }
0x347: {  	_ =	sdelay $0x2  }
0x348: {  	s1 =	sadd.s32 $0x800, s1  }
.LBB2_4:
0x349: {  	p3 =	sle.s32 s0, s24  }
.Ltmp5:
0x34a: {  	_ = 	snop;
	(pc) =	sbr.rel @p3 .LBB2_3-.Ltmp5, $2  }
0x34b: {  	_ =	sdelay $0x2  }
0x34c: {  	s2 =	smov.u32 s24;
	s24 =	sadd.s32 $0x10, s24  }
0x34d: {  	s5 =	ssub.s32 s0, s2  }
0x34e: {  	p3 =	slt.s32 s5, $0x10  }
0x34f: {  	s5 =	simm.s32 @!p3 $0x10  }
0x350: {  	v2 =	vmov s5  }
0x351: {  	vm0 =	vgt.s32 v2, v0;
	_ =	sdelay $0x5  }
0x352: {  	v2 =	vld.idx.msk [tilespmem:v1+s2+$0x0 ss:$0x1], vm0;
	_ =	sdelay $0x2  }
0x353: {  	p3 =	slt.s32 s24, s0;
	s5 =	smov.u32 s0  }
0x354: {  	s6 =	smov.u32 s1;
	s25 =	simm.s32 $0x0;
	s5 =	smov.u32 @p3 s24  }
.LBB2_6:
0x355: {  	(v2sf) =	vpush v2, s25;
	_ =	sdelay $0xc  }
0x356: {  	s25 =	sadd.s32 $0x1, s25  }
0x357: {  	s31 =	sadd.s32 s25, s2  }
0x358: {  	p3 =	slt.s32 s31, s5;
	s12 =	spop (v2sf)  }
.Ltmp6:
0x359: {  	s12 =	sshll.u32 s12, $0x4;
	(pc) =	sbr.rel @p3 .LBB2_6-.Ltmp6, $4  }
0x35a: {  	s12 =	sand.u32 $0x1FFFFFF0, s12  }
0x35b: {  	s12 =	sadd.s32 s9, s12  }
0x35c: {  	[tilespmem:s6], [sflag:$0x9] =	stream.linear.gather [hbm4b:s12+s18], $0x20, $0x38;
	[tilespmem:$0x1EC48] =	vst v63  }
0x35d: {  	s6 =	sadd.s32 $0x80, s6  }
.Ltmp7:
0x35e: {  	_ = 	snop;
	(pc) =	sbr.rel .LBB2_3-.Ltmp7, $1  }
0x35f: {  	_ =	sdelay $0x3  }
.LBB2_7:
0x360: {  	p3 =	slt.u32 s22, $0x2  }
.Ltmp8:
0x361: {  	_ = 	snop;
	(pc) =	sbr.rel @p3 .LBB2_25-.Ltmp8, $1  }
0x362: {  	_ =	sdelay $0x3  }
0x363: {  	p3 =	sgt.s32 s23, $0x26F80  }
0x364: {  	s0 =	smov.u32 s23;
	s1 =	sshra.s32 s23, $0x1F;
	s2 =	ssub.s32 $0x27100, s23  }
0x365: {  	s0 =	simm.s32 @!p3 $0x26F80;
	s1 =	sand.u32 s1, s23;
	p3 =	slt.s32 s2, $0x180  }
0x366: {  	s0 =	ssub.s32 s0, s1;
	s2 =	simm.s32 @!p3 $0x180  }
0x367: {  	s0 =	sadd.s32 $0xFFFD9080, s0;
	s13 =	sshll.u32 s2, $0x5  }
0x368: {  	s26 =	simm.s32 $0x9;
	s24 =	sshll.u32 s0, $0x2;
	s1 =	sand.u32 $0x3FFFFFE0, s13  }
0x369: {  	p3 =	sgt.s32 s0, $0x17F;
	s25 =	ssub.s32 $0x600, s24;
	_ =	swait.ge [sflag:s26], s1  }
0x36a: {  	s1 =	ssub.s32 $0x0, s1;
	[sflag:s26] =	ssyncset.done $0x0;
	s0 =	sshrl.u32 s25, $0x2  }
0x36b: {  	[sflag:s26] =	ssyncadd.s32 s1;
	s0 =	simm.s32 @p3 $0x0  }
0x36c: {  	_ =	swait.ge [sflag:s14], s0  }
0x36d: {  	s0 =	ssub.s32 $0x0, s0;
	[sflag:s14] =	ssyncset.done $0x0  }
0x36e: {  	[sflag:s14] =	ssyncadd.s32 s0  }
0x36f: {  	v1 =	vld [tilespmem:$0x6088];
	_ =	sdelay $0x4  }
0x370: {  	(v2sf) =	vpush v1, $0x0  }
0x371: {  	(v2sf) =	vpush v1, $0x1  }
0x372: {  	(v2sf) =	vpush v1, $0x2;
	_ =	sdelay $0x3  }
0x373: {  	s0 =	sadd.s32 $0x180, s23  }
0x374: {  	s1 =	ssub.s32 $0x4E200, s23;
	p3 =	slt.s32 s11, s0  }
0x375: {  	s0 =	smov.u32 @p3 s11;
	p3 =	sgt.s32 s1, $0x0  }
0x376: {  	s28 =	ssub.s32 s0, s23;
	s1 =	simm.s32 @!p3 $0x0  }
0x377: {  	p3 =	slt.s32 s1, s28  }
0x378: {  	s28 =	smov.u32 @p3 s1  }
0x379: {  	s26 =	simm.s32 $0x1;
	p3 =	slt.s32 s28, $0x1  }
.Ltmp9:
0x37a: {  	s26 =	simm.s32 @!p2 $0x0;
	(pc) =	sbr.rel @p3 .LBB2_12-.Ltmp9, $4  }
0x37b: {  	s30 =	smul.u32 $0x600, s26  }
0x37c: {  	s0 =	spop (v2sf)  }
0x37d: {  	s31 =	sshrl.u32 s30, $0x2;
	s29 =	spop (v2sf)  }
0x37e: {  	s24 =	sadd.s32 $0x6948, s31;
	s23 =	spop (v2sf)  }
0x37f: {  	s1 =	smin.u32 s28, $0x10  }
0x380: {  	v1 =	vmov s1  }
0x381: {  	p4 =	sgt.s32 s28, $0x10;
	vm1 =	vgt.u32 v1, v0  }
.Ltmp10:
0x382: {  	_ = 	snop;
	(pc) =	sbr.rel @!p4 .LBB2_11-.Ltmp10, $2  }
0x383: {  	_ =	sdelay $0x2  }
0x384: {  	s2 =	simm.s32 $0x10;
	s25 =	sadd.s32 $0xFFFFFFF0, s28;
	s1 =	smov.u32 s24;
	vm0 =	vmmov vm1  }
.LBB2_10:
0x385: {  	s5 =	smin.u32 s25, $0x10;
	s2 =	sadd.s32 $0x10, s2;
	v1 =	vld.msk [tilespmem:s1+$0x0 ss:$0x1], vm1  }
0x386: {  	v2 =	vmov s5;
	p4 =	slt.s32 s2, s28  }
0x387: {  	vm1 =	vgt.u32 v2, v0  }
.Ltmp11:
0x388: {  	(pc) =	sbr.rel @p4 .LBB2_10-.Ltmp11, $3  }
0x389: {  	_ =	sdelay $0x1  }
0x38a: {  	v1 =	vshll.u32 v1, $0x4  }
0x38b: {  	s25 =	sadd.s32 $0xFFFFFFF0, s25;
	[tilespmem:s1+$0x0] =	vst.msk vm0, v1;
	s1 =	sadd.s32 $0x10, s1;
	vm0 =	vmmov vm1  }
.LBB2_11:
0x38c: {  	_ =	sdelay $0x4  }
0x38d: {  	v1 =	vld.msk [tilespmem:s1+$0x0 ss:$0x1], vm1;
	_ =	sdelay $0x4  }
0x38e: {  	v1 =	vshll.u32 v1, $0x4  }
0x38f: {  	[tilespmem:s1+$0x0] =	vst.msk vm0, v1  }
.LBB2_12:
0x390: {  	s1 =	sand.u32 $0x1, s22  }
0x391: {  	s1 =	smul.u32 $0x180, s1  }
0x392: {  	p4 =	sne.s32 s29, $0xFFFFFFFF  }
0x393: {  	v1 =	vld.msk @!p4 [tilespmem:s1+$0x6948], $0x1;
	_ =	sdelay $0x4  }
0x394: {  	(v2sf) =	vpush @!p4 v1, $0x0;
	_ =	sdelay $0xc  }
.Ltmp12:
0x395: {  	_ = 	snop;
	(pc) =	sbr.rel @p3 .LBB2_23-.Ltmp12, $4  }
0x396: {  	_ = 	snop  }
0x397: {  	s30 =	spop @!p4 (v2sf)  }
0x398: {  	s23 =	simm.s32 @!p4 $0x0;
	s25 =	smov.u32 s30  }
0x399: {  	[sflag:s19] =	ssyncpa.u1 $0x0;
	s30 =	smov.u32 @p4 s0;
	s25 =	smov.u32 @p4 s29  }
0x39a: {  	v1 =	vld.msk [tilespmem:s24+$0x0], $0x1;
	_ =	sdelay $0x4  }
0x39b: {  	(v2sf) =	vpush v1, $0x0;
	_ =	sdelay $0xe  }
0x39c: {  	s0 =	smul.u32 $0x30000, s26;
	s1 =	spop (v2sf)  }
0x39d: {  	s28 =	ssub.s32 $0x0, s28;
	p3 =	seq.s32 s30, s1  }
0x39e: {  	s31 =	sadd.s32 $0x1, s28;
	s0 =	sshrl.u32 s0, $0x2;
	p4 =	sgt.s32 @!p3 s30, $0x0  }
0x39f: {  	s26 =	sadd.s32 $0x6C58, s0;
	s0 =	smov.u32 s30;
	p4 =	por !p4, p3  }
0x3a0: {  	s0 =	simm.s32 @p4 $0x0;
	p4 =	seq.s32 s31, $0x0  }
.Ltmp13:
0x3a1: {  	_ = 	snop;
	(pc) =	sbr.rel @p4 .LBB2_15-.Ltmp13, $4  }
0x3a2: {  	_ = 	snop  }
0x3a3: {  	s29 =	simm.s32 $0x0;
	s2 =	simm.s32 @!p3 $0x1;
	s0 =	smin.u32 @!p3 s0, $0x270FC  }
0x3a4: {  	s5 =	simm.s32 @!p3 $0x3068;
	s2 =	smov.u32 @p3 s29;
	s12 =	sand.u32 @!p3 $0x3FFF8, s0  }
0x3a5: {  	s6 =	sand.u32 @!p3 $0x7, s0;
	s0 =	sadd.s32 $0x1, s24;
	s12 =	sadd.s32 @!p3 s4, s12  }
.LBB2_14:
0x3a6: {  	s13 =	smov.u32 s2  }
0x3a7: {  	[tilespmem:s5], [sflag:$0x2] =	stream.linear.gather @!p3 [hbm4b:s12+s6], $0x20, $0x38;
	[tilespmem:$0x1EC48] =	vst v63  }
0x3a8: {  	s31 =	sadd.s32 $0x1, s31;
	s6 =	smov.u32 s1;
	v1 =	vld.msk [tilespmem:s0+$0x0], $0x1  }
0x3a9: {  	p4 =	seq.s32 s31, $0x0;
	_ =	sdelay $0x3  }
0x3aa: {  	(v2sf) =	vpush v1, $0x0;
	_ =	sdelay $0xe  }
0x3ab: {  	s1 =	spop (v2sf)  }
0x3ac: {  	p3 =	seq.s32 s6, s1  }
0x3ad: {  	p5 =	sgt.s32 @!p3 s6, $0x0;
	s5 =	sshll.u32 @!p3 s2, $0x7;
	s2 =	sadd.s32 @!p3 $0x1, s2  }
.Ltmp14:
0x3ae: {  	p5 =	por !p5, p3;
	s5 =	sshra.s32 @!p3 s5, $0x2;
	(pc) =	sbr.rel @!p4 .LBB2_14-.Ltmp14, $4  }
0x3af: {  	s2 =	smov.u32 @p3 s13;
	s6 =	simm.s32 @p5 $0x0;
	s5 =	sadd.s32 @!p3 $0x3068, s5  }
0x3b0: {  	s6 =	smin.u32 @!p3 s6, $0x270FC  }
0x3b1: {  	s12 =	sand.u32 @!p3 $0x3FFF8, s6;
	s6 =	sand.u32 @!p3 $0x7, s6  }
0x3b2: {  	s0 =	sadd.s32 $0x1, s0;
	s12 =	sadd.s32 @!p3 s4, s12  }
.LBB2_15:
0x3b3: {  	[tilespmem:s5], [sflag:$0x2] =	stream.linear.gather @!p3 [hbm4b:s12+s6], $0x20, $0x38;
	[tilespmem:$0x1EC48] =	vst v63  }
.Ltmp15:
0x3b4: {  	s0 =	sshll.u32 s2, $0x5;
	(pc) =	sbr.rel .LBB2_16-.Ltmp15, $4  }
0x3b5: {  	s1 =	simm.s32 $0x2;
	s0 =	sand.u32 $0x3FFFFFE0, s0  }
0x3b6: {  	_ =	swait.ge [sflag:s1], s0  }
0x3b7: {  	s0 =	ssub.s32 $0x0, s0;
	[sflag:s1] =	ssyncset.done $0x0  }
0x3b8: {  	[sflag:s1] =	ssyncadd.s32 s0;
	s0 =	simm.s32 $0x0  }
.LBB2_17:
0x3b9: {  	v1 =	vld [tilespmem:s26+$0xFFFFFFF0];
	_ =	sdelay $0x4  }
0x3ba: {  	[tilespmem:s1+$0x48] =	vst.add.f32.msk $0xffff, v1  }
0x3bb: {  	v1 =	vld [tilespmem:s26+$0x0];
	_ =	sdelay $0x4  }
0x3bc: {  	[tilespmem:s1+$0x58] =	vst.add.f32.msk $0xffff, v1  }
.LBB2_21:
0x3bd: {  	s28 =	sadd.s32 $0x1, s28  }
0x3be: {  	p3 =	seq.s32 s28, $0x0  }
.Ltmp16:
0x3bf: {  	_ = 	snop;
	(pc) =	sbr.rel @p3 .LBB2_22-.Ltmp16, $2  }
0x3c0: {  	_ =	sdelay $0x2  }
0x3c1: {  	s26 =	sadd.s32 $0x80, s26;
	s24 =	sadd.s32 $0x1, s24;
	s30 =	smov.u32 s31  }
.LBB2_16:
0x3c2: {  	v1 =	vld.msk [tilespmem:s24+$0x0], $0x1;
	_ =	sdelay $0x4  }
0x3c3: {  	(v2sf) =	vpush v1, $0x0;
	_ =	sdelay $0xe  }
0x3c4: {  	s31 =	spop (v2sf)  }
0x3c5: {  	p3 =	sne.s32 s30, s31  }
.Ltmp17:
0x3c6: {  	_ = 	snop;
	(pc) =	sbr.rel @!p3 .LBB2_17-.Ltmp17, $3  }
0x3c7: {  	_ =	sdelay $0x1  }
0x3c8: {  	s1 =	sshll.u32 s23, $0x7  }
0x3c9: {  	s1 =	sshra.s32 s1, $0x2  }
0x3ca: {  	p3 =	seq.s32 s30, s25  }
.Ltmp18:
0x3cb: {  	_ = 	snop;
	(pc) =	sbr.rel @!p3 .LBB2_19-.Ltmp18, $1  }
0x3cc: {  	_ =	sdelay $0x3  }
.Ltmp19:
0x3cd: {  	s1 =	sadd.s32 $0x48, s1;
	(pc) =	sbr.rel .LBB2_20-.Ltmp19, $4  }
0x3ce: {  	[spmem:s16] =	stream.linear.scatter [tilespmem:s1], [sflag:$0x1], $0x20, $0x38;
	[tilespmem:$0x1EC48] =	vst v63  }
0x3cf: {  	_ =	swait.ge [sflag:s3], $0x20  }
0x3d0: {  	[sflag:s3] =	ssyncset.done $0x0  }
0x3d1: {  	[sflag:s3] =	ssyncadd.s32 $0xFFFFFFE0  }
.LBB2_19:
0x3d2: {  	s2 =	sshll.u32 s29, $0x7  }
0x3d3: {  	s2 =	sshra.s32 s2, $0x2  }
0x3d4: {  	v1 =	vld [tilespmem:s2+$0x3068];
	_ =	sdelay $0x4  }
0x3d5: {  	[tilespmem:s1+$0x48] =	vst.add.f32.msk $0xffff, v1  }
0x3d6: {  	v1 =	vld [tilespmem:s2+$0x3078];
	_ =	sdelay $0x2  }
0x3d7: {  	p3 =	sgt.u32 s30, $0x270FC  }
0x3d8: {  	s2 =	sand.u32 @!p3 $0x3FFF8, s30  }
0x3d9: {  	s5 =	sadd.s32 $0x48, s1;
	[tilespmem:s1+$0x58] =	vst.add.f32.msk $0xffff, v1;
	s1 =	sadd.s32 @!p3 s4, s2;
	s2 =	sand.u32 @!p3 $0x7, s30  }
0x3da: {  	[hbm4b:s1+s2] =	stream.linear.scatter @!p3 [tilespmem:s5], [sflag:$0xC], $0x20, $0x38;
	[tilespmem:$0x1EC48] =	vst v63  }
0x3db: {  	s1 =	simm.s32 $0x0  }
0x3dc: {  	s1 =	simm.s32 @!p3 $0x80  }
0x3dd: {  	s0 =	sadd.s32 s1, s0  }
.LBB2_20:
0x3de: {  	s1 =	sadd.s32 $0x1, s23  }
0x3df: {  	s2 =	smulhi.u32 $0xAAAAAAAB, s1;
	_ =	sdelay $0x1  }
0x3e0: {  	v1 =	vld [tilespmem:s26+$0xFFFFFFF0];
	s2 =	sshrl.u32 s2, $0x8  }
0x3e1: {  	s2 =	smul.u32 $0x180, s2;
	_ =	sdelay $0x1  }
0x3e2: {  	s23 =	ssub.s32 s1, s2  }
0x3e3: {  	s1 =	sshll.u32 s23, $0x5  }
0x3e4: {  	[tilespmem:s1+$0x48] =	vst v1  }
0x3e5: {  	v1 =	vld [tilespmem:s26+$0x0]  }
.Ltmp20:
0x3e6: {  	_ = 	snop;
	(pc) =	sbr.rel .LBB2_21-.Ltmp20, $2  }
0x3e7: {  	_ =	sdelay $0x2  }
0x3e8: {  	s29 =	sadd.s32 $0x1, s29;
	[tilespmem:s1+$0x58] =	vst v1  }
.LBB2_23:
.Ltmp21:
0x3e9: {  	(pc) =	sbr.rel .LBB2_24-.Ltmp21, $4  }
0x3ea: {  	_ = 	snop  }
0x3eb: {  	s0 =	simm.s32 $0x2  }
0x3ec: {  	_ =	swait.ge [sflag:s0], $0x0  }
0x3ed: {  	s31 =	smov.u32 s30;
	[sflag:s0] =	ssyncset.done $0x0;
	s0 =	simm.s32 $0x0  }
.LBB2_26:
0x3ee: {  	_ =	sfence.sel $0x180000  }
0x3ef: {  	s0 =	simm.s32 $0x9;
	[bflag:$0x0] =	sbarrier.arrive $0xFFFF  }
0x3f0: {  	s24 =	simm.s32 $0xA;
	[sflag:s0] =	ssyncpa.u1 $0x1  }
0x3f1: {  	s25 =	simm.s32 $0xB;
	[sflag:s24] =	ssyncpa.u1 $0x1  }
0x3f2: {  	s26 =	simm.s32 $0x2;
	[sflag:s25] =	ssyncpa.u1 $0x1  }
0x3f3: {  	[sflag:s26] =	ssyncpa.u1 $0x1  }
0x3f4: {  	v0 =	vld [tilespmem:$0x6088];
	_ =	sdelay $0x4  }
0x3f5: {  	(v2sf) =	vpush v0, $0x0  }
0x3f6: {  	(v2sf) =	vpush v0, $0x1;
	_ =	sdelay $0x1  }
0x3f7: {  	(v2sf) =	vpush v0, $0x2;
	_ =	sdelay $0xb  }
0x3f8: {  	s0 =	spop (v2sf)  }
0x3f9: {  	s1 =	spop (v2sf)  }
0x3fa: {  	s2 =	smov.u32 s0;
	p1 =	sne.s32 s0, s1  }
0x3fb: {  	s3 =	spop (v2sf);
	s2 =	simm.s32 @!p1 $0xFFFFFFFF  }
0x3fc: {  	v2 =	vimm.s32 $0x1;
	v3 =	vlaneseq.u32;
	p1 =	seq.s32 s3, $0xFFFFFFFF;
	v1 =	vmov s2  }
0x3fd: {  	s14 =	stileid.u32;
	v0 =	vperm.xlane v0, v2;
	p2 =	sne.s32 @!p1 s0, s1;
	v1 =	vperm.xlane v1, v3  }
0x3fe: {  	vm0 =	vcmask $0x3F04;
	s6 =	simm.s32 $0x6088;
	s0 =	simm.s32 @!p1 $0x1;
	p2 =	por !p2, p1  }
0x3ff: {  	s2 =	sshll.u32 s14, $0x1;
	s1 =	sshll.u32 @!p1 s3, $0x7;
	s0 =	simm.s32 @p2 $0x0;
	v0 =	vsel vm0, v1, v0  }
0x400: {  	s5 =	sor.u32 $0x400, s2;
	s1 =	sshra.s32 @!p1 s1, $0x2;
	s0 =	sor.u32 @!p1 s0, s2;
	[tilespmem:$0x6088] =	vst v0  }
0x401: {  	[spmem:s5] =	stream.linear.scatter [tilespmem:s6], [sflag:$0x1], $0x2, $0x38;
	[tilespmem:$0x1EC48] =	vst v63  }
0x402: {  	s1 =	sadd.s32 @!p1 $0x48, s1;
	s0 =	sshll.u32 @!p1 s0, $0x5  }
0x403: {  	[spmem:s0] =	stream.linear.scatter @!p1 [tilespmem:s1], [sflag:$0x1], $0x20, $0x38;
	[tilespmem:$0x1EC48] =	vst v63  }
0x404: {  	s0 =	simm.s32 @!p1 $0x22  }
0x405: {  	s28 =	simm.s32 $0x1;
	s0 =	simm.s32 @p1 $0x2  }
0x406: {  	_ =	swait.ge [sflag:s28], s0  }
0x407: {  	s0 =	ssub.s32 $0x0, s0;
	[sflag:s28] =	ssyncset.done $0x0  }
0x408: {  	[sflag:s28] =	ssyncadd.s32 s0  }
.Ltmp22:
0x409: {  	_ =	sfence.stream.spmem;
	(pc) =	sbr.rel @p0 .LBB2_43-.Ltmp22, $4  }
0x40a: {  	s29 =	simm.s32 $0x3;
	[bflag:$0x0] =	sbarrier.arrive $0xFFFF  }
0x40b: {  	s30 =	simm.s32 $0x4;
	[sflag:s29] =	ssyncpa.u1 $0x1  }
0x40c: {  	s31 =	simm.s32 $0x3C;
	[sflag:s30] =	ssyncpa.u1 $0x1  }
0x40d: {  	s15 =	rddreg [dreg:$0x6];
	[sflag:s31] =	ssyncpa.u1 $0x1  }
0x40e: {  	_ =	sfence.stream.spmem;
	s0 =	simm.s32 $0x5  }
0x40f: {  	s1 =	simm.s32 $0x400;
	s2 =	simm.s32 $0x6098;
	[sflag:s0] =	ssyncpa.u1 $0x0  }
0x410: {  	[tilespmem:s2], [sflag:$0x5] =	stream.linear.gather [spmem:s1], $0x20, $0x38;
	[tilespmem:$0x1EC48] =	vst v63  }
0x411: {  	s26 =	simm.s32 $0x0;
	s28 =	simm.s32 $0x60B8  }
0x412: {  	[tilespmem:s28], [sflag:$0x5] =	stream.linear.gather [spmem:s26], $0x400, $0x38;
	[tilespmem:$0x1EC48] =	vst v63  }
0x413: {  	_ =	swait.ge [sflag:s0], $0x420  }
0x414: {  	[sflag:s0] =	ssyncset.done $0x0  }
0x415: {  	s29 =	simm.s32 $0x0;
	[sflag:s0] =	ssyncadd.s32 $0xFFFFFBE0  }
0x416: {  	v0 =	vld.msk [tilespmem:s29+$0x6098], $0x1;
	_ =	sdelay $0x1  }
0x417: {  	s30 =	simm.s32 $0x1  }
0x418: {  	v1 =	vld.msk [tilespmem:s30+$0x6098], $0x1;
	_ =	sdelay $0x1  }
0x419: {  	(v2sf) =	vpush v0, $0x0;
	_ =	sdelay $0x2  }
0x41a: {  	(v2sf) =	vpush v1, $0x0;
	_ =	sdelay $0x2  }
0x41b: {  	s31 =	simm.s32 $0x2  }
0x41c: {  	v0 =	vld.msk [tilespmem:s31+$0x6098], $0x1;
	_ =	sdelay $0x2  }
0x41d: {  	s1 =	simm.s32 $0xFFFFFFFF;
	s2 =	simm.s32 $0xFFFFFFFF;
	s0 =	simm.s32 $0xC  }
.LBB2_28:
0x41e: {  	s3 =	smov.u32 s2;
	s5 =	smov.u32 s1  }
0x41f: {  	s1 =	sshra.s32 s0, $0x2;
	p1 =	sne.s32 s0, $0x7C;
	s0 =	sadd.s32 $0x4, s0;
	(v2sf) =	vpush v0, $0x0  }
0x420: {  	v0 =	vld.msk [tilespmem:s1+$0x6098], $0x1  }
.Ltmp23:
0x421: {  	(pc) =	sbr.rel @p1 .LBB2_28-.Ltmp23, $4  }
0x422: {  	s2 =	spop (v2sf)  }
0x423: {  	p2 =	sne.s32 s5, $0xFFFFFFFF;
	s1 =	smov.u32 s2  }
0x424: {  	p3 =	seq.s32 s2, $0xFFFFFFFF;
	s1 =	smov.u32 @p2 s5  }
0x425: {  	s2 =	smov.u32 @p3 s3;
	s1 =	smov.u32 @p3 s5  }
0x426: {  	(v2sf) =	vpush v0, $0x0;
	_ =	sdelay $0x8  }
0x427: {  	s0 =	spop (v2sf)  }
0x428: {  	p1 =	sne.s32 s1, $0xFFFFFFFF;
	s3 =	smov.u32 s0  }
0x429: {  	s9 =	simm.s32 $0x6;
	p2 =	seq.s32 s0, $0xFFFFFFFF;
	s3 =	smov.u32 @p1 s1  }
0x42a: {  	s10 =	simm.s32 $0x6068;
	s3 =	smov.u32 @p2 s1;
	s1 =	spop (v2sf)  }
0x42b: {  	s0 =	smov.u32 @p2 s2;
	p1 =	sne.s32 s3, $0xFFFFFFFF;
	s5 =	smov.u32 s1  }
.Ltmp24:
0x42c: {  	p2 =	seq.s32 s1, $0xFFFFFFFF;
	s5 =	smov.u32 @p1 s3;
	(pc) =	sbr.rel .LBB2_30-.Ltmp24, $4  }
0x42d: {  	s11 =	simm.s32 $0x0;
	s5 =	smov.u32 @p2 s3;
	s7 =	spop (v2sf)  }
0x42e: {  	[sflag:s9] =	ssyncpa.u1 $0x0;
	p1 =	sne.s32 s5, $0xFFFFFFFF;
	s8 =	smov.u32 s7  }
0x42f: {  	s1 =	smov.u32 @p2 s0;
	p2 =	seq.s32 s7, $0xFFFFFFFF;
	s8 =	smov.u32 @p1 s5  }
0x430: {  	s3 =	simm.s32 $0x0;
	s7 =	smov.u32 @p2 s1;
	s8 =	smov.u32 @p2 s5  }
.LBB2_36:
0x431: {  	p1 =	sgt.u32 s12, $0x270FC  }
0x432: {  	p2 =	seq.s32 @!p1 s12, s8  }
0x433: {  	p1 =	por p1, p2  }
0x434: {  	p2 =	sne.s32 @!p1 s12, s7  }
0x435: {  	p1 =	por p1, !p2  }
0x436: {  	s0 =	sshll.u32 @p1 s11, $0x7  }
0x437: {  	s0 =	sand.u32 @!p1 $0x3FFF8, s12  }
0x438: {  	s1 =	sand.u32 @!p1 $0x7, s12;
	s0 =	sadd.s32 @!p1 s4, s0  }
0x439: {  	[tilespmem:s10], [sflag:$0x6] =	stream.linear.gather @!p1 [hbm4b:s0+s1], $0x20, $0x38;
	[tilespmem:$0x1EC48] =	vst v63  }
0x43a: {  	_ =	swait.ge @!p1 [sflag:s9], $0x20  }
0x43b: {  	[sflag:s9] =	ssyncset.done @!p1 $0x0  }
0x43c: {  	[sflag:s9] =	ssyncadd.s32 @!p1 $0xFFFFFFE0  }
0x43d: {  	v1 =	vld @!p1 [tilespmem:$0x6068];
	_ =	sdelay $0x2  }
0x43e: {  	s0 =	sshll.u32 @!p1 s11, $0x7  }
0x43f: {  	s1 =	sshrl.u32 @!p1 s0, $0x2  }
0x440: {  	[tilespmem:s1+$0x60B8] =	vst.add.f32.msk @!p1 $0xffff, v1  }
0x441: {  	v1 =	vld @!p1 [tilespmem:$0x6078];
	_ =	sdelay $0x4  }
0x442: {  	[tilespmem:s1+$0x60C8] =	vst.add.f32.msk @!p1 $0xffff, v1  }
0x443: {  	s0 =	sshrl.u32 s0, $0x2;
	[tilespmem:s3+$0x6098] =	vst.msk $0x1, v0  }
0x444: {  	v0 =	vld [tilespmem:s0+$0x60B8];
	_ =	sdelay $0x2  }
0x445: {  	s31 =	sshll.u32 s3, $0x7  }
0x446: {  	s1 =	sshra.s32 s31, $0x2  }
0x447: {  	[tilespmem:s1+$0x60B8] =	vst v0  }
0x448: {  	v0 =	vld [tilespmem:s0+$0x60C8];
	_ =	sdelay $0x4  }
0x449: {  	s3 =	sadd.s32 $0x1, s3;
	[tilespmem:s1+$0x60C8] =	vst v0  }
.LBB2_37:
0x44a: {  	s11 =	sadd.s32 $0x1, s11  }
0x44b: {  	p1 =	sne.s32 s11, $0x20  }
.Ltmp25:
0x44c: {  	_ = 	snop;
	(pc) =	sbr.rel @!p1 .LBB2_38-.Ltmp25, $1  }
0x44d: {  	_ =	sdelay $0x3  }
.LBB2_30:
0x44e: {  	v0 =	vld.msk [tilespmem:s11+$0x6098], $0x1;
	_ =	sdelay $0x4  }
0x44f: {  	(v2sf) =	vpush v0, $0x0;
	_ =	sdelay $0xe  }
0x450: {  	s12 =	spop (v2sf)  }
0x451: {  	p1 =	seq.s32 s12, $0xFFFFFFFF  }
.Ltmp26:
0x452: {  	_ = 	snop;
	(pc) =	sbr.rel @p1 .LBB2_37-.Ltmp26, $1  }
0x453: {  	_ =	sdelay $0x3  }
0x454: {  	p1 =	slt.s32 s3, $0x1  }
.Ltmp27:
0x455: {  	_ = 	snop;
	(pc) =	sbr.rel @p1 .LBB2_36-.Ltmp27, $1  }
0x456: {  	_ =	sdelay $0x3  }
0x457: {  	s0 =	simm.s32 $0x6098;
	p1 =	por $0x0, $0x0  }
0x458: {  	v1 =	vld.msk @!p1 [tilespmem:s0+$0x0], $0x1;
	_ =	sdelay $0x4  }
0x459: {  	(v2sf) =	vpush @!p1 v1, $0x0;
	_ =	sdelay $0xd  }
0x45a: {  	p3 =	sne.s32 s3, $0x1  }
.Ltmp28:
0x45b: {  	s1 =	spop @!p1 (v2sf);
	(pc) =	sbr.rel @!p3 .LBB2_34-.Ltmp28, $4  }
0x45c: {  	p2 =	seq.s32 @!p1 s12, s1  }
0x45d: {  	s13 =	simm.s32 $0x0;
	p2 =	por !p2, p1  }
0x45e: {  	s2 =	simm.s32 $0xFFFFFFFF;
	s13 =	simm.s32 @p2 $0xFFFFFFFF  }
0x45f: {  	s1 =	simm.s32 $0x1;
	s13 =	smov.u32 @p1 s2  }
.LBB2_33:
0x460: {  	s2 =	smov.u32 s13;
	p1 =	sne.s32 s13, $0xFFFFFFFF  }
0x461: {  	s0 =	sadd.s32 $0x1, s0;
	s13 =	smov.u32 s1;
	s1 =	sadd.s32 $0x1, s1  }
0x462: {  	p2 =	sne.s32 s3, s1;
	v1 =	vld.msk @!p1 [tilespmem:s0+$0x0], $0x1;
	_ =	sdelay $0x4  }
0x463: {  	(v2sf) =	vpush @!p1 v1, $0x0;
	_ =	sdelay $0xe  }
.Ltmp29:
0x464: {  	s5 =	spop @!p1 (v2sf);
	(pc) =	sbr.rel @p2 .LBB2_33-.Ltmp29, $4  }
0x465: {  	p3 =	seq.s32 @!p1 s12, s5  }
0x466: {  	p3 =	por !p3, p1  }
0x467: {  	s13 =	simm.s32 @p3 $0xFFFFFFFF  }
0x468: {  	s13 =	smov.u32 @p1 s2  }
.LBB2_34:
0x469: {  	p1 =	seq.s32 s13, $0xFFFFFFFF  }
.Ltmp30:
0x46a: {  	_ = 	snop;
	(pc) =	sbr.rel @p1 .LBB2_36-.Ltmp30, $1  }
0x46b: {  	_ =	sdelay $0x3  }
0x46c: {  	s0 =	sshll.u32 s11, $0x5  }
0x46d: {  	s0 =	sand.u32 $0x3FFFFFE0, s0  }
0x46e: {  	v0 =	vld [tilespmem:s0+$0x60B8];
	_ =	sdelay $0x2  }
0x46f: {  	s1 =	sshll.u32 s13, $0x7  }
0x470: {  	s1 =	sshra.s32 s1, $0x2  }
0x471: {  	[tilespmem:s1+$0x60B8] =	vst.add.f32.msk $0xffff, v0  }
0x472: {  	v0 =	vld [tilespmem:s0+$0x60C8]  }
.Ltmp31:
0x473: {  	_ = 	snop;
	(pc) =	sbr.rel .LBB2_37-.Ltmp31, $2  }
0x474: {  	_ =	sdelay $0x2  }
0x475: {  	[tilespmem:s1+$0x60C8] =	vst.add.f32.msk $0xffff, v0  }
.LBB2_38:
0x476: {  	s0 =	simm.s32 $0x6;
	p1 =	seq.s32 s3, $0x0  }
0x477: {  	[sflag:s0] =	ssyncpa.u1 $0x1;
	v0 =	vimm.s32 @p1 $0xFFFFFFFF  }
0x478: {  	s9 =	sadd.s32 $0xFFFFFFFF, s3;
	[tilespmem:$0x64B8] =	vst @p1 v0  }
0x479: {  	v0 =	vld.msk @!p1 [tilespmem:s9+$0x6098], $0x1;
	_ =	sdelay $0x1  }
0x47a: {  	v1 =	vld.msk @!p1 [tilespmem:$0x6098], $0x1;
	_ =	sdelay $0x2  }
0x47b: {  	p2 =	seq.s32 @!p1 s9, $0x0;
	v0 =	vbroadcast @!p1 v0, $0x0  }
0x47c: {  	vm0 =	vmmov @!p1 $0x1;
	p2 =	por !p2, p1  }
0x47d: {  	v1 =	vnsel @!p1 vm0, $0xFFFFFFFF, v1;
	vm0 =	vcmask @!p1 $0x308;
	v0 =	vpsel !p2, $0xFFFFFFFF, v0  }
0x47e: {  	p2 =	sne.s32 @!p1 s8, s7;
	v0 =	vsel @!p1 vm0, v1, v0  }
0x47f: {  	s0 =	simm.s32 @!p1 $0x60B8;
	s1 =	simm.s32 @!p1 $0x0;
	p3 =	por !p2, p1;
	[tilespmem:$0x64B8] =	vst @!p1 v0  }
0x480: {  	[spmem:s1] =	stream.linear.scatter @!p1 [tilespmem:s0], [sflag:$0x1], $0x20, $0x38;
	[tilespmem:$0x1EC48] =	vst v63  }
0x481: {  	s0 =	sshll.u32 @!p3 s9, $0x7  }
0x482: {  	s0 =	sshra.s32 @!p3 s0, $0x2  }
0x483: {  	s1 =	simm.s32 @!p3 $0x20;
	s0 =	sadd.s32 @!p3 $0x60B8, s0  }
0x484: {  	[spmem:s1] =	stream.linear.scatter @!p3 [tilespmem:s0], [sflag:$0x1], $0x20, $0x38;
	[tilespmem:$0x1EC48] =	vst v63  }
0x485: {  	s0 =	simm.s32 @!p3 $0x1  }
0x486: {  	_ =	swait.ge @!p3 [sflag:s0], $0x40  }
0x487: {  	p1 =	por p2, p1;
	[sflag:s0] =	ssyncset.done @!p3 $0x0  }
0x488: {  	[sflag:s0] =	ssyncadd.s32 @!p3 $0xFFFFFFC0;
	s0 =	simm.s32 @!p1 $0x1  }
0x489: {  	_ =	swait.ge @!p1 [sflag:s0], $0x20  }
0x48a: {  	s29 =	simm.s32 $0x64B8;
	[sflag:s0] =	ssyncset.done @!p1 $0x0  }
0x48b: {  	s30 =	simm.s32 $0x400;
	s31 =	simm.s32 $0x1;
	[sflag:s0] =	ssyncadd.s32 @!p1 $0xFFFFFFE0  }
0x48c: {  	[spmem:s30] =	stream.linear.scatter [tilespmem:s29], [sflag:$0x1], $0x10, $0x38;
	[tilespmem:$0x1EC48] =	vst v63  }
0x48d: {  	_ =	swait.ge [sflag:s31], $0x10  }
0x48e: {  	[sflag:s31] =	ssyncset.done $0x0  }
0x48f: {  	p1 =	seq.s32 s15, $0x0;
	s8 =	rddreg [dreg:$0x3];
	[sflag:s31] =	ssyncadd.s32 $0xFFFFFFF0  }
0x490: {  	s1 =	sshll.u32 @p1 s8, $0xE;
	s7 =	rddreg [dreg:$0x4]  }
0x491: {  	s0 =	sadd.s32 @p1 $0x15C3C, s1;
	s1 =	sshll.u32 @p1 s7, $0x11  }
0x492: {  	_ =	sfence.stream.spmem;
	s0 =	sor.u32 @p1 s1, s0  }
0x493: {  	[sflag:s0] =	ssyncadd.remote.s32 @p1 $0x1;
	s0 =	simm.s32 @p1 $0x4  }
0x494: {  	s2 =	simm.s32 @!p1 $0x3C;
	s1 =	sand.u32 $0xFFFFFFFE, s8;
	_ =	swait.ge @p1 [sflag:s0], $0xA  }
0x495: {  	s5 =	simm.s32 @!p1 $0x0;
	s1 =	sadd.s32 @!p1 $0x4, s1;
	[sflag:s0] =	ssyncset.done @p1 $0x0  }
0x496: {  	s6 =	simm.s32 @!p1 $0x40;
	[sflag:s0] =	ssyncadd.s32 @p1 $0xFFFFFFF6;
	s0 =	sshll.u32 @!p1 s1, $0x1A  }
0x497: {  	s1 =	sshll.u32 @!p1 s1, $0xD;
	s0 =	sor.u32 @!p1 s0, s7;
	_ =	swait.eq @!p1 [sflag:s2], $0x1  }
0x498: {  	s1 =	sor.u32 @!p1 $0x1C04, s1;
	s2 =	simm.s32 @!p1 $0x1C03;
	s0 =	sor.u32 @!p1 $0x80004000, s0  }
0x499: {  	[spmem:s6], [sflag:s1] =	dma.general @!p1 [spmem:s5], [sflag:s2], length:$0x8, [dreg:$0x0], stride_count:$0x0, ici_dest:s0, dma_misc:DstOpCode:WRITE  }
0x49a: {  	p2 =	slt.s32 s9, $0x2;
	s5 =	simm.s32 @!p1 $0x80;
	s6 =	simm.s32 @!p1 $0x82  }
0x49b: {  	[spmem:s6], [sflag:s1] =	dma.general @!p1 [spmem:s5], [sflag:s2], length:$0x2, [dreg:$0x0], stride_count:$0x0, ici_dest:s0, dma_misc:DstOpCode:WRITE  }
.Ltmp32:
0x49c: {  	s0 =	simm.s32 @!p1 $0x3;
	(pc) =	sbr.rel @p2 .LBB2_42-.Ltmp32, $4  }
0x49d: {  	s1 =	sshll.u32 @!p1 s8, $0xE;
	_ =	swait.ge @!p1 [sflag:s0], $0xA  }
0x49e: {  	s2 =	sshll.u32 @!p1 s7, $0x11;
	s1 =	sadd.s32 @!p1 $0x11C3C, s1;
	[sflag:s0] =	ssyncset.done @!p1 $0x0  }
0x49f: {  	[sflag:s0] =	ssyncadd.s32 @!p1 $0xFFFFFFF6;
	s0 =	sor.u32 @!p1 s2, s1  }
0x4a0: {  	[sflag:s0] =	ssyncadd.remote.s32 @!p1 $0xFFFFFFFF;
	s0 =	simm.s32 $0x0  }
0x4a1: {  	s0 =	simm.s32 $0x6099  }
0x4a2: {  	v0 =	vld.msk [tilespmem:s0+$0x0], $0x1;
	_ =	sdelay $0x4  }
0x4a3: {  	(v2sf) =	vpush v0, $0x0;
	_ =	sdelay $0xc  }
0x4a4: {  	s1 =	sadd.s32 $0xFFFFFFFE, s3  }
0x4a5: {  	s1 =	sadd.s32 $0xFFFFFFFF, s1  }
0x4a6: {  	p2 =	sne.s32 s1, $0x0;
	s2 =	spop (v2sf)  }
.Ltmp33:
0x4a7: {  	p1 =	sgt.u32 s2, $0x270FC;
	(pc) =	sbr.rel @!p2 .LBB2_41-.Ltmp33, $4  }
0x4a8: {  	s5 =	simm.s32 $0x0;
	s3 =	sand.u32 @!p1 $0x3FFF8, s2  }
0x4a9: {  	s0 =	simm.s32 $0x60D8;
	s2 =	sand.u32 @!p1 $0x7, s2;
	s3 =	sadd.s32 @!p1 s4, s3  }
0x4aa: {  	[hbm4b:s3+s2] =	stream.linear.scatter @!p1 [tilespmem:s0], [sflag:$0x5], $0x20, $0x38;
	[tilespmem:$0x1EC48] =	vst v63  }
0x4ab: {  	s5 =	simm.s32 @!p1 $0x80;
	s2 =	simm.s32 $0x0;
	s3 =	simm.s32 $0x609A  }
.LBB2_40:
0x4ac: {  	v0 =	vld.msk [tilespmem:s3+$0x0], $0x1;
	s1 =	sadd.s32 $0xFFFFFFFF, s1;
	s2 =	sadd.s32 s2, s5  }
0x4ad: {  	p1 =	sne.s32 s1, $0x0;
	_ =	sdelay $0x3  }
0x4ae: {  	(v2sf) =	vpush v0, $0x0;
	_ =	sdelay $0xe  }
.Ltmp34:
0x4af: {  	s6 =	spop (v2sf);
	(pc) =	sbr.rel @p1 .LBB2_40-.Ltmp34, $4  }
0x4b0: {  	s5 =	simm.s32 $0x0;
	p2 =	sgt.u32 s6, $0x270FC  }
0x4b1: {  	s0 =	sadd.s32 $0x20, s0;
	s5 =	simm.s32 @!p2 $0x80;
	s7 =	sand.u32 @!p2 $0x3FFF8, s6  }
0x4b2: {  	s3 =	sadd.s32 $0x1, s3;
	s6 =	sand.u32 @!p2 $0x7, s6;
	s7 =	sadd.s32 @!p2 s4, s7  }
0x4b3: {  	[hbm4b:s7+s6] =	stream.linear.scatter @!p2 [tilespmem:s0], [sflag:$0x5], $0x20, $0x38;
	[tilespmem:$0x1EC48] =	vst v63  }
.LBB2_41:
0x4b4: {  	s0 =	sadd.s32 s2, s5  }
0x4b5: {  	s0 =	sshrl.u32 s0, $0x2  }
.LBB2_42:
0x4b6: {  	s1 =	simm.s32 $0x5  }
0x4b7: {  	_ =	swait.ge [sflag:s1], s0  }
0x4b8: {  	s31 =	ssub.s32 $0x0, s0;
	[sflag:s1] =	ssyncset.done $0x0  }
0x4b9: {  	[sflag:s1] =	ssyncadd.s32 s31  }
0x4ba: {  	[sflag:s1] =	ssyncpa.u1 $0x1  }
.LBB2_43:
0x4bb: {  	s0 =	sor.u32 s15, s14  }
0x4bc: {  	p1 =	sne.s32 s0, $0x0  }
.Ltmp35:
0x4bd: {  	_ = 	snop;
	(pc) =	sbr.rel @p1 .LBB2_58-.Ltmp35, $3  }
0x4be: {  	_ =	sdelay $0x1  }
0x4bf: {  	[bflag:$0x0] =	sbarrier.arrive $0xFFFF  }
0x4c0: {  	_ =	sfence  }
0x4c1: {  	s0 =	simm.s32 $0x7  }
0x4c2: {  	s1 =	simm.s32 $0x400;
	s2 =	simm.s32 $0x6098;
	[sflag:s0] =	ssyncpa.u1 $0x0  }
0x4c3: {  	[tilespmem:s2], [sflag:$0x7] =	stream.linear.gather [spmem:s1], $0x20, $0x38;
	[tilespmem:$0x1EC48] =	vst v63  }
0x4c4: {  	s30 =	simm.s32 $0x60B8;
	s1 =	simm.s32 $0x0  }
0x4c5: {  	[tilespmem:s30], [sflag:$0x7] =	stream.linear.gather [spmem:s1], $0x400, $0x38;
	[tilespmem:$0x1EC48] =	vst v63  }
.Ltmp36:
0x4c6: {  	_ = 	snop;
	(pc) =	sbr.rel .LBB2_45-.Ltmp36, $4  }
0x4c7: {  	_ =	swait.ge [sflag:s0], $0x420  }
0x4c8: {  	[sflag:s0] =	ssyncset.done $0x0  }
0x4c9: {  	s31 =	simm.s32 $0x8;
	[sflag:s0] =	ssyncadd.s32 $0xFFFFFBE0  }
0x4ca: {  	s2 =	simm.s32 $0x0;
	[sflag:s31] =	ssyncpa.u1 $0x0  }
.LBB2_51:
0x4cb: {  	p1 =	slt.u32 s3, $0x270FD  }
0x4cc: {  	s0 =	sand.u32 @p1 $0x3FFF8, s3  }
0x4cd: {  	s3 =	sand.u32 @p1 $0x7, s3;
	s5 =	simm.s32 @p1 $0x6068;
	s0 =	sadd.s32 @p1 s4, s0  }
0x4ce: {  	[tilespmem:s5], [sflag:$0x8] =	stream.linear.gather @p1 [hbm4b:s0+s3], $0x20, $0x38;
	[tilespmem:$0x1EC48] =	vst v63  }
0x4cf: {  	s0 =	simm.s32 @p1 $0x8  }
0x4d0: {  	_ =	swait.ge @p1 [sflag:s0], $0x20  }
0x4d1: {  	[sflag:s0] =	ssyncset.done @p1 $0x0  }
0x4d2: {  	[sflag:s0] =	ssyncadd.s32 @p1 $0xFFFFFFE0  }
0x4d3: {  	v1 =	vld @p1 [tilespmem:$0x6068];
	_ =	sdelay $0x2  }
0x4d4: {  	s0 =	sshll.u32 @p1 s2, $0x7  }
0x4d5: {  	s3 =	sshrl.u32 @p1 s0, $0x2  }
0x4d6: {  	[tilespmem:s3+$0x60B8] =	vst.add.f32.msk @p1 $0xffff, v1  }
0x4d7: {  	v1 =	vld @p1 [tilespmem:$0x6078];
	_ =	sdelay $0x3  }
0x4d8: {  	s5 =	sshll.u32 @!p1 s2, $0x7  }
0x4d9: {  	s5 =	smov.u32 @p1 s0;
	[tilespmem:s3+$0x60C8] =	vst.add.f32.msk @p1 $0xffff, v1  }
0x4da: {  	s0 =	sshrl.u32 s5, $0x2;
	[tilespmem:s1+$0x6098] =	vst.msk $0x1, v0  }
0x4db: {  	v0 =	vld [tilespmem:s0+$0x60B8];
	_ =	sdelay $0x2  }
0x4dc: {  	s31 =	sshll.u32 s1, $0x7  }
0x4dd: {  	s3 =	sshra.s32 s31, $0x2  }
0x4de: {  	[tilespmem:s3+$0x60B8] =	vst v0  }
0x4df: {  	v0 =	vld [tilespmem:s0+$0x60C8];
	_ =	sdelay $0x4  }
0x4e0: {  	s1 =	sadd.s32 $0x1, s1;
	[tilespmem:s3+$0x60C8] =	vst v0  }
.LBB2_52:
0x4e1: {  	s2 =	sadd.s32 $0x1, s2  }
0x4e2: {  	p1 =	sne.s32 s2, $0x20  }
.Ltmp37:
0x4e3: {  	_ = 	snop;
	(pc) =	sbr.rel @!p1 .LBB2_53-.Ltmp37, $1  }
0x4e4: {  	_ =	sdelay $0x3  }
.LBB2_45:
0x4e5: {  	v0 =	vld.msk [tilespmem:s2+$0x6098], $0x1;
	_ =	sdelay $0x4  }
0x4e6: {  	(v2sf) =	vpush v0, $0x0;
	_ =	sdelay $0xe  }
0x4e7: {  	s3 =	spop (v2sf)  }
0x4e8: {  	p1 =	seq.s32 s3, $0xFFFFFFFF  }
.Ltmp38:
0x4e9: {  	_ = 	snop;
	(pc) =	sbr.rel @p1 .LBB2_52-.Ltmp38, $1  }
0x4ea: {  	_ =	sdelay $0x3  }
0x4eb: {  	p1 =	slt.s32 s1, $0x1  }
.Ltmp39:
0x4ec: {  	_ = 	snop;
	(pc) =	sbr.rel @p1 .LBB2_51-.Ltmp39, $1  }
0x4ed: {  	_ =	sdelay $0x3  }
0x4ee: {  	s0 =	simm.s32 $0x6098;
	p1 =	por $0x0, $0x0  }
0x4ef: {  	v1 =	vld.msk @!p1 [tilespmem:s0+$0x0], $0x1;
	_ =	sdelay $0x4  }
0x4f0: {  	(v2sf) =	vpush @!p1 v1, $0x0;
	_ =	sdelay $0xd  }
0x4f1: {  	p3 =	sne.s32 s1, $0x1  }
.Ltmp40:
0x4f2: {  	s5 =	spop @!p1 (v2sf);
	(pc) =	sbr.rel @!p3 .LBB2_49-.Ltmp40, $4  }
0x4f3: {  	p2 =	seq.s32 @!p1 s3, s5  }
0x4f4: {  	s5 =	simm.s32 $0x0;
	p2 =	por !p2, p1  }
0x4f5: {  	s7 =	simm.s32 $0xFFFFFFFF;
	s5 =	simm.s32 @p2 $0xFFFFFFFF  }
0x4f6: {  	s6 =	simm.s32 $0x1;
	s5 =	smov.u32 @p1 s7  }
.LBB2_48:
0x4f7: {  	s7 =	smov.u32 s5;
	p1 =	sne.s32 s5, $0xFFFFFFFF  }
0x4f8: {  	s0 =	sadd.s32 $0x1, s0;
	s5 =	smov.u32 s6;
	s6 =	sadd.s32 $0x1, s6  }
0x4f9: {  	p2 =	sne.s32 s1, s6;
	v1 =	vld.msk @!p1 [tilespmem:s0+$0x0], $0x1;
	_ =	sdelay $0x4  }
0x4fa: {  	(v2sf) =	vpush @!p1 v1, $0x0;
	_ =	sdelay $0xe  }
.Ltmp41:
0x4fb: {  	s8 =	spop @!p1 (v2sf);
	(pc) =	sbr.rel @p2 .LBB2_48-.Ltmp41, $4  }
0x4fc: {  	p3 =	seq.s32 @!p1 s3, s8  }
0x4fd: {  	p3 =	por !p3, p1  }
0x4fe: {  	s5 =	simm.s32 @p3 $0xFFFFFFFF  }
0x4ff: {  	s5 =	smov.u32 @p1 s7  }
.LBB2_49:
0x500: {  	p1 =	seq.s32 s5, $0xFFFFFFFF  }
.Ltmp42:
0x501: {  	_ = 	snop;
	(pc) =	sbr.rel @p1 .LBB2_51-.Ltmp42, $1  }
0x502: {  	_ =	sdelay $0x3  }
0x503: {  	s0 =	sshll.u32 s2, $0x5  }
0x504: {  	s0 =	sand.u32 $0x3FFFFFE0, s0  }
0x505: {  	v0 =	vld [tilespmem:s0+$0x60B8];
	_ =	sdelay $0x2  }
0x506: {  	s3 =	sshll.u32 s5, $0x7  }
0x507: {  	s3 =	sshra.s32 s3, $0x2  }
0x508: {  	[tilespmem:s3+$0x60B8] =	vst.add.f32.msk $0xffff, v0  }
0x509: {  	v0 =	vld [tilespmem:s0+$0x60C8]  }
.Ltmp43:
0x50a: {  	_ = 	snop;
	(pc) =	sbr.rel .LBB2_52-.Ltmp43, $2  }
0x50b: {  	_ =	sdelay $0x2  }
0x50c: {  	[tilespmem:s3+$0x60C8] =	vst.add.f32.msk $0xffff, v0  }
.LBB2_53:
0x50d: {  	p1 =	slt.s32 s1, $0x1  }
.Ltmp44:
0x50e: {  	_ = 	snop;
	(pc) =	sbr.rel @p1 .LBB2_57-.Ltmp44, $3  }
0x50f: {  	_ =	sdelay $0x1  }
0x510: {  	s0 =	simm.s32 $0x8  }
0x511: {  	s2 =	simm.s32 $0x0;
	[sflag:s0] =	ssyncpa.u1 $0x1  }
0x512: {  	s0 =	simm.s32 $0x6098  }
0x513: {  	v0 =	vld.msk [tilespmem:s0+$0x0], $0x1;
	_ =	sdelay $0x4  }
0x514: {  	(v2sf) =	vpush v0, $0x0;
	_ =	sdelay $0xe  }
0x515: {  	s1 =	sadd.s32 $0xFFFFFFFF, s1;
	s3 =	spop (v2sf)  }
0x516: {  	p2 =	sne.s32 s1, $0x0;
	p1 =	sgt.u32 s3, $0x270FC  }
.Ltmp45:
0x517: {  	s5 =	sand.u32 @!p1 $0x3FFF8, s3;
	(pc) =	sbr.rel @!p2 .LBB2_56-.Ltmp45, $4  }
0x518: {  	s0 =	simm.s32 $0x60B8;
	s3 =	sand.u32 @!p1 $0x7, s3;
	s5 =	sadd.s32 @!p1 s4, s5  }
0x519: {  	[hbm4b:s5+s3] =	stream.linear.scatter @!p1 [tilespmem:s0], [sflag:$0x7], $0x20, $0x38;
	[tilespmem:$0x1EC48] =	vst v63  }
0x51a: {  	s5 =	simm.s32 $0x0  }
0x51b: {  	s3 =	simm.s32 $0x6099;
	s5 =	simm.s32 @!p1 $0x80  }
.LBB2_55:
0x51c: {  	v0 =	vld.msk [tilespmem:s3+$0x0], $0x1;
	s1 =	sadd.s32 $0xFFFFFFFF, s1;
	s2 =	sadd.s32 s2, s5  }
0x51d: {  	p1 =	sne.s32 s1, $0x0;
	_ =	sdelay $0x3  }
0x51e: {  	(v2sf) =	vpush v0, $0x0;
	_ =	sdelay $0xe  }
.Ltmp46:
0x51f: {  	s6 =	spop (v2sf);
	(pc) =	sbr.rel @p1 .LBB2_55-.Ltmp46, $4  }
0x520: {  	s5 =	simm.s32 $0x0;
	p2 =	sgt.u32 s6, $0x270FC  }
0x521: {  	s0 =	sadd.s32 $0x20, s0;
	s5 =	simm.s32 @!p2 $0x80;
	s7 =	sand.u32 @!p2 $0x3FFF8, s6  }
0x522: {  	s3 =	sadd.s32 $0x1, s3;
	s6 =	sand.u32 @!p2 $0x7, s6;
	s7 =	sadd.s32 @!p2 s4, s7  }
0x523: {  	[hbm4b:s7+s6] =	stream.linear.scatter @!p2 [tilespmem:s0], [sflag:$0x7], $0x20, $0x38;
	[tilespmem:$0x1EC48] =	vst v63  }
.LBB2_56:
0x524: {  	s0 =	sadd.s32 s2, s5  }
0x525: {  	s2 =	sshrl.u32 s0, $0x2  }
.LBB2_57:
0x526: {  	s0 =	simm.s32 $0x7  }
0x527: {  	_ =	swait.ge [sflag:s0], s2  }
0x528: {  	s1 =	ssub.s32 $0x0, s2;
	[sflag:s0] =	ssyncset.done $0x0  }
0x529: {  	[sflag:s0] =	ssyncadd.s32 s1  }
0x52a: {  	[sflag:s0] =	ssyncpa.u1 $0x1  }
.LBB2_58:
0x52b: {  	_ =	sfence;
	s0 =	simm.s32 $0x1  }
0x52c: {  	[sflag:s0] =	ssyncpa.u1 $0x1  }
0x52d: {  	_ =	strace $0x90000053  }
0x52e: {  	[bflag:$0x2] =	sbarrier.arrive $0xFFFF  }
0x52f: {  	s0 =	rddreg [dreg:$0x5]  }
0x530: {  	s0 =	sadd.s32 @!p0 $0x100000, s0  }
0x531: {  	[sflag:s0] =	ssyncadd.tile.s32 @!p0 $0x1;
	_ =	shalt  }
.Lfunc_end2:
_tile_overlayer_lowered:
.L_overlay_start_2:
0x532: {  	(tag) =	ssettag $0x2  }
0x533: {  	s0 =	rddreg [dreg:$0x0];
	s2 =	stileid.u32  }
0x534: {  	s1 =	rddreg [dreg:$0x1];
	p0 =	sne.s32 s2, $0x0  }
0x535: {  	s3 =	rddreg [dreg:$0x2];
	[bflag:$0x3] =	sbarrier.arrive $0xFFFF;
	s2 =	simm.s32 @!p0 $0x1C01  }
0x536: {  	[timem:s3], [sflag:s2] =	dma.local @!p0 [hbm:s0], s1  }
0x537: {  	s0 =	simm.s32 @!p0 $0x1  }
0x538: {  	_ =	swait.ge @!p0 [sflag:s0], s1  }
0x539: {  	s1 =	ssub.s32 @!p0 $0x0, s1;
	[sflag:s0] =	ssyncset.done @!p0 $0x0  }
0x53a: {  	[sflag:s0] =	ssyncadd.s32 @!p0 s1  }
0x53b: {  	[bflag:$0x3] =	sbarrier.arrive $0xFFFF  }
0x53c: {  	_ =	shalt  }

// kernel: scatter_offload_async_start
scs
__scs_entry_jumppad:
0x0: {  	(pc) =	sbr.rel $0x88, $3  }
0x1: {  	(tag) =	ssettag $0x0;
	lr =	simm.s32 $0x1  }
0x2: {  	[smem:$0x3F76] =	sst lr;
	_ =	strace $0xD0000000  }
0x3: {  	_ = 	snop  }
0x4: {  	_ = 	snop  }
0x5: {  	_ = 	snop  }
0x6: {  	_ = 	snop  }
0x7: {  	_ = 	snop  }
__scs_overlays_trampoline_lowered:
0x8: {  	[smem:$0x3F85] =	sst s0  }
0x9: {  	[smem:$0x3F86] =	sst s1  }
0xa: {  	[smem:$0x3F87] =	sst s2  }
0xb: {  	[smem:$0x3F88] =	sst s3  }
0xc: {  	[smem:$0x3F89] =	sst s4  }
0xd: {  	[smem:$0x3F8A] =	sst s5  }
0xe: {  	[smem:$0x3F8B] =	sst s6  }
0xf: {  	[smem:$0x3F8C] =	sst s7  }
0x10: {  	[smem:$0x3F8D] =	sst s8  }
0x11: {  	[smem:$0x3F8E] =	sst s9;
	s0 =	simm.s32 @!p0 $0x0  }
0x12: {  	s1 =	sld [smem:$0x3F74];
	s0 =	simm.s32 @p0 $0x1  }
0x13: {  	[smem:$0x3F8F] =	sst s0;
	s0 =	simm.s32 @!p1 $0x0  }
0x14: {  	s2 =	sld [smem:$0x3F73];
	s0 =	simm.s32 @p1 $0x1  }
0x15: {  	[smem:$0x3F90] =	sst s0;
	s0 =	simm.s32 @!p2 $0x0  }
0x16: {  	s3 =	sld [smem:$0x3FDB];
	s0 =	simm.s32 @p2 $0x1  }
0x17: {  	s4 =	simm.s32 $0x1BF5;
	[smem:$0x3F92] =	sst s0  }
0x18: {  	s0 =	sld [smem:$0x3F75];
	_ =	swait.ge [sflag:s4], $0x0  }
0x19: {  	s7 =	sld [smem:$0x3F76]  }
0x1a: {  	s8 =	sadd.s32 $0xFFFFE003, lr  }
0x1b: {  	s9 =	sadd.s32 $0xFFFFFEF7, lr;
	s5 =	simm.s32 $0xFFFFFFFF;
	p2 =	slt.u32 s8, $0xFFFFF086  }
0x1c: {  	p1 =	slt.u32 s9, $0xF7A;
	s5 =	simm.s32 @!p2 $0x0  }
0x1d: {  	s5 =	simm.s32 @p1 $0x1;
	p0 =	seq.s32 s7, s2  }
0x1e: {  	s7 =	smul.u32 @!p0 $0xF7A, s2;
	p2 =	seq.s32 @!p0 s5, $0x0  }
0x1f: {  	s9 =	smul.u32 $0xF7A, s1;
	s8 =	simm.s32 @!p0 $0x1BF5;
	p2 =	por !p2, p0  }
0x20: {  	[sflag:s8] =	ssyncset.s32 @!p0 $0xFFFFF086;
	s6 =	sadd.s32 @!p0 s3, s7;
	s7 =	simm.s32 @!p0 $0x108  }
0x21: {  	s3 =	sadd.s32 s3, s9;
	s6 =	sadd.s32 @!p0 $0x88, s6;
	s7 =	simm.s32 @p2 $0x1082  }
0x22: {  	[simem:s7], [sflag:s8] =	dma.local @!p0 [hbm:s6], $0xF7A  }
0x23: {  	s9 =	sor.u32 $0xD0000000, s2;
	s6 =	simm.s32 $0x108;
	_ =	swait.ge @!p0 [sflag:s8], $0x0  }
0x24: {  	s3 =	sadd.s32 $0x88, s3;
	s6 =	simm.s32 @!p1 $0x1082;
	[sflag:s4] =	ssyncset.s32 $0xFFFFF086  }
0x25: {  	[simem:s6], [sflag:s4] =	dma.local [hbm:s3], $0xF7A  }
0x26: {  	[smem:$0x3F76] =	sst s1;
	(tag) =	ssettag s2;
	_ =	strace s9  }
0x27: {  	s1 =	sld [smem:$0x3F86]  }
0x28: {  	s2 =	sld [smem:$0x3F87]  }
0x29: {  	s4 =	sld [smem:$0x3F89]  }
0x2a: {  	p0 =	seq.s32 s5, $0x0;
	s5 =	sld [smem:$0x3F8A]  }
0x2b: {  	s6 =	sld [smem:$0x3F8B]  }
0x2c: {  	s7 =	sld [smem:$0x3F8C]  }
0x2d: {  	s3 =	simm.s32 $0x108;
	s8 =	sld [smem:$0x3F8D]  }
0x2e: {  	s3 =	simm.s32 @!p0 $0x1082;
	s9 =	sld [smem:$0x3F8E]  }
0x2f: {  	lr =	sadd.s32 s0, s3;
	s0 =	sld [smem:$0x3F85]  }
0x30: {  	s3 =	sld [smem:$0x3F88]  }
0x31: {  	[smem:$0x3F91] =	sst s10  }
0x32: {  	s10 =	sld [smem:$0x3F8F];
	_ =	sdelay $0x3  }
0x33: {  	p0 =	seq.s32 s10, $0x1;
	s10 =	sld [smem:$0x3F91];
	_ =	sdelay $0x3  }
0x34: {  	[smem:$0x3F91] =	sst s10  }
0x35: {  	s10 =	sld [smem:$0x3F90];
	_ =	sdelay $0x3  }
0x36: {  	p1 =	seq.s32 s10, $0x1;
	s10 =	sld [smem:$0x3F91];
	_ =	sdelay $0x3  }
0x37: {  	[smem:$0x3F91] =	sst s10  }
0x38: {  	s10 =	sld [smem:$0x3F92]  }
0x39: {  	_ = 	snop;
	(pc) =	sbr.ind lr, $3  }
0x3a: {  	_ = 	snop  }
0x3b: {  	_ = 	snop  }
0x3c: {  	p2 =	seq.s32 s10, $0x1;
	s10 =	sld [smem:$0x3F91]  }
0x3d: {  	_ =	shalt  }
0x3e: {  	_ =	shalt  }
0x3f: {  	_ =	shalt  }
0x40: {  	_ =	shalt  }
0x41: {  	_ =	shalt  }
0x42: {  	_ =	shalt  }
0x43: {  	_ =	shalt  }
0x44: {  	_ =	shalt  }
0x45: {  	_ =	shalt  }
0x46: {  	_ =	shalt  }
0x47: {  	_ =	shalt  }
0x48: {  	_ =	shalt  }
0x49: {  	_ =	shalt  }
0x4a: {  	_ =	shalt  }
0x4b: {  	_ =	shalt  }
0x4c: {  	_ =	shalt  }
0x4d: {  	_ =	shalt  }
0x4e: {  	_ =	shalt  }
0x4f: {  	_ =	shalt  }
0x50: {  	_ =	shalt  }
0x51: {  	_ =	shalt  }
0x52: {  	_ =	shalt  }
0x53: {  	_ =	shalt  }
0x54: {  	_ =	shalt  }
0x55: {  	_ =	shalt  }
0x56: {  	_ =	shalt  }
0x57: {  	_ =	shalt  }
0x58: {  	_ =	shalt  }
0x59: {  	_ =	shalt  }
0x5a: {  	_ =	shalt  }
0x5b: {  	_ =	shalt  }
0x5c: {  	_ =	shalt  }
0x5d: {  	_ =	shalt  }
0x5e: {  	_ =	shalt  }
0x5f: {  	_ =	shalt  }
0x60: {  	_ =	shalt  }
0x61: {  	_ =	shalt  }
0x62: {  	_ =	shalt  }
0x63: {  	_ =	shalt  }
0x64: {  	_ =	shalt  }
0x65: {  	_ =	shalt  }
0x66: {  	_ =	shalt  }
0x67: {  	_ =	shalt  }
0x68: {  	_ =	shalt  }
0x69: {  	_ =	shalt  }
0x6a: {  	_ =	shalt  }
0x6b: {  	_ =	shalt  }
0x6c: {  	_ =	shalt  }
0x6d: {  	_ =	shalt  }
0x6e: {  	_ =	shalt  }
0x6f: {  	_ =	shalt  }
0x70: {  	_ =	shalt  }
0x71: {  	_ =	shalt  }
0x72: {  	_ =	shalt  }
0x73: {  	_ =	shalt  }
0x74: {  	_ =	shalt  }
0x75: {  	_ =	shalt  }
0x76: {  	_ =	shalt  }
0x77: {  	_ =	shalt  }
0x78: {  	_ =	shalt  }
0x79: {  	_ =	shalt  }
0x7a: {  	_ =	shalt  }
0x7b: {  	_ =	shalt  }
0x7c: {  	_ =	shalt  }
0x7d: {  	_ =	shalt  }
0x7e: {  	_ =	shalt  }
0x7f: {  	_ =	shalt  }
0x80: {  	_ =	shalt  }
0x81: {  	_ =	shalt  }
0x82: {  	_ =	shalt  }
0x83: {  	_ =	shalt  }
0x84: {  	_ =	shalt  }
0x85: {  	_ =	shalt  }
0x86: {  	_ =	shalt  }
0x87: {  	_ =	shalt  }
.Lfunc_end0:
.L_simem_size_0:
called_computation_lowered:
.L_overlay_start_0:
0x88: {  	s2 =	sld [smem:$0x3FD9]  }
0x89: {  	s3 =	sld [smem:$0x3FFE];
	_ =	sdelay $0x1  }
0x8a: {  	s1 =	srdreg.scid  }
0x8b: {  	s0 =	sand.u32 $0x1, s1  }
0x8c: {  	s29 =	sshll.u32 s0, $0xA;
	s2 =	sadd.s32 s3, s2  }
0x8d: {  	s2 =	sadd.s32 s2, s29  }
0x8e: {  	[smem:$0x3F9D] =	sst s2  }
0x8f: {  	_ = 	snop  }
0x90: {  	s2 =	sld [smem:$0x3FD0];
	_ =	sdelay $0x2  }
0x91: {  	s4 =	simm.s32 $0xC;
	s6 =	simm.s32 $0x10  }
0x92: {  	[smem:s6], [sflag:s4] =	dma.local [hbm:s2], $0x1  }
0x93: {  	_ =	swait.eq [sflag:s4], $0x1  }
0x94: {  	[sflag:s4] =	ssyncset.done $0x0  }
0x95: {  	s5 =	sld [smem:$0x16];
	[sflag:s4] =	ssyncadd.s32 $0xFFFFFFFF  }
0x96: {  	s2 =	sadd.s32 $0x1, s2;
	s30 =	sld [smem:$0x17]  }
0x97: {  	[smem:s6], [sflag:s4] =	dma.local [hbm:s2], $0x1  }
0x98: {  	_ =	swait.eq [sflag:s4], $0x1  }
0x99: {  	[sflag:s4] =	ssyncset.done $0x0  }
0x9a: {  	[sflag:s4] =	ssyncadd.s32 $0xFFFFFFFF  }
0x9b: {  	s31 =	sld [smem:$0x10];
	(tm) =	ssettm $0x1  }
0x9c: {  	s13 =	sld [smem:$0x3FFB];
	_ =	sdelay $0x3  }
0x9d: {  	_ =	strace s13  }
0x9e: {  	s2 =	sld [smem:$0x3FFC];
	_ =	sdelay $0x3  }
0x9f: {  	_ =	strace s2  }
0xa0: {  	s2 =	sld [smem:$0x3FFD];
	_ =	sdelay $0x3  }
0xa1: {  	_ =	strace s2  }
0xa2: {  	_ =	strace $0x8FFFFFFF  }
0xa3: {  	s14 =	sld [smem:$0x3FDB];
	_ =	sdelay $0x1  }
0xa4: {  	s15 =	simm.s32 $_scs_section_size  }
0xa5: {  	s7 =	simm.s32 $_size__tile_overlayer_lowered;
	s8 =	simm.s32 $_tile_overlayer_lowered  }
0xa6: {  	s19 =	simm.s32 $0x1BFF;
	s17 =	sshll.u32 s8, $0x1;
	s9 =	sadd.s32 s15, s14  }
0xa7: {  	s20 =	simm.s32 $0x0;
	s16 =	sshll.u32 s7, $0x1;
	s18 =	sadd.s32 s17, s9  }
0xa8: {  	[timem:s20], [sflag:s19] =	dma.local [hbm:s18], s16  }
0xa9: {  	_ =	swait.ge [sflag:s19], s16  }
0xaa: {  	s6 =	ssub.s32 $0x0, s16;
	[sflag:s19] =	ssyncset.done $0x0  }
0xab: {  	[sflag:s19] =	ssyncadd.s32 s6;
	_ =	sdelay $0x1  }
0xac: {  	s21 =	simm.s32 $0x1B8B  }
0xad: {  	_ =	swait.ge [sflag:s21], $0x1  }
0xae: {  	[sflag:s21] =	ssyncset.done $0x0  }
0xaf: {  	[sflag:s21] =	ssyncadd.s32 $0xFFFFFFFF  }
0xb0: {  	s6 =	sld [smem:$0x0]  }
0xb1: {  	s7 =	sand.u32 $0xFFFFFFFE, s1  }
0xb2: {  	p0 =	sne.s32 s1, s7  }
0xb3: {  	s7 =	sshll.u32 @p0 s7, $0xE  }
0xb4: {  	s8 =	sadd.s32 @p0 $0x11B8D, s7;
	s10 =	sshll.u32 @p0 s6, $0x11  }
0xb5: {  	s8 =	sor.u32 @p0 s10, s8  }
0xb6: {  	[sflag:s8] =	ssyncadd.remote.s32 @p0 $0x1;
	_ =	sdelay $0x1  }
0xb7: {  	s8 =	simm.s32 @p0 $0x1B8D  }
0xb8: {  	_ =	swait.eq @p0 [sflag:s8], $0x1  }
0xb9: {  	[sflag:s8] =	ssyncadd.s32 @p0 $0xFFFFFFFF  }
0xba: {  	s10 =	sshll.u32 @!p0 s1, $0xE  }
0xbb: {  	s10 =	sor.u32 @!p0 $0x4000, s10;
	s8 =	simm.s32 @!p0 $0x1B8D  }
0xbc: {  	s12 =	sshll.u32 @!p0 s6, $0x11;
	s11 =	sadd.s32 @!p0 $0x11B8D, s10;
	_ =	swait.eq @!p0 [sflag:s8], $0x1  }
0xbd: {  	[sflag:s8] =	ssyncadd.s32 @!p0 $0xFFFFFFFF;
	s8 =	sor.u32 @!p0 s12, s11  }
0xbe: {  	s23 =	simm.s32 $0x1B8E;
	s22 =	sld [smem:$0x3FFE];
	[sflag:s8] =	ssyncadd.remote.s32 @!p0 $0x1  }
0xbf: {  	s24 =	simm.s32 $execute0_lowered;
	[smem:$0x3FD2] =	sst s23  }
0xc0: {  	s11 =	sshll.u32 s24, $0x1;
	_ =	strace $0x80000049;
	[dreg:$0x1] =	wrdreg $0xFFFFFFFF  }
0xc1: {  	s25 =	simm.s32 $_size_execute0_lowered;
	s11 =	sadd.s32 s9, s11;
	[dreg:$0x0] =	wrdreg $0x0  }
0xc2: {  	s12 =	sshll.u32 s25, $0x1;
	[dreg:$0x2] =	wrdreg s11  }
0xc3: {  	[dreg:$0x3] =	wrdreg s12  }
0xc4: {  	[dreg:$0x4] =	wrdreg $0xC0  }
0xc5: {  	s26 =	simm.s32 $execute1_lowered;
	_ =	task [dreg:s20], $0x5FFFF  }
0xc6: {  	s11 =	sshll.u32 s26, $0x1;
	[dreg:$0x1] =	wrdreg $0xFFFFFFFF  }
0xc7: {  	s9 =	sadd.s32 s9, s11;
	[dreg:$0x0] =	wrdreg $0x60  }
0xc8: {  	[dreg:$0x2] =	wrdreg s9  }
0xc9: {  	[dreg:$0x3] =	wrdreg s5  }
0xca: {  	[dreg:$0x4] =	wrdreg s22  }
0xcb: {  	[dreg:$0x5] =	wrdreg $0x9  }
0xcc: {  	_ =	task.clear_ibuf [dreg:s20], $0x6FFFF;
	_ =	strace $0x90000049  }
0xcd: {  	s28 =	simm.s32 $0x9;
	_ =	strace $0x8000004B  }
0xce: {  	_ =	swait.ge [sflag:s28], $0x1  }
0xcf: {  	[sflag:s28] =	ssyncadd.s32 $0xFFFFFFFF  }
0xd0: {  	_ =	strace $0x9000004B  }
0xd1: {  	s5 =	sld [smem:$0x0];
	_ =	sdelay $0x3  }
0xd2: {  	s7 =	sadd.s32 @p0 $0x11BF3, s7;
	s9 =	sshll.u32 @p0 s5, $0x11  }
0xd3: {  	s7 =	sor.u32 @p0 s9, s7  }
0xd4: {  	[sflag:s7] =	ssyncadd.remote.s32 @p0 $0x1;
	_ =	sdelay $0x1  }
0xd5: {  	s7 =	simm.s32 @p0 $0x1BF3  }
0xd6: {  	_ =	swait.eq @p0 [sflag:s7], $0x1  }
0xd7: {  	[sflag:s7] =	ssyncadd.s32 @p0 $0xFFFFFFFF;
	_ =	sdelay $0x1  }
0xd8: {  	s7 =	simm.s32 @!p0 $0x1BF3  }
0xd9: {  	s5 =	sshll.u32 @!p0 s5, $0x11;
	s9 =	sadd.s32 @!p0 $0x11BF3, s10;
	_ =	swait.eq @!p0 [sflag:s7], $0x1  }
0xda: {  	s5 =	sor.u32 @!p0 s5, s9;
	[sflag:s7] =	ssyncadd.s32 @!p0 $0xFFFFFFFF  }
0xdb: {  	[sflag:s5] =	ssyncadd.remote.s32 @!p0 $0x1  }
0xdc: {  	_ =	strace $0x8000004C;
	[dreg:$0x1] =	wrdreg $0xFFFFFFFF  }
0xdd: {  	[dreg:$0x0] =	wrdreg $0x2030  }
0xde: {  	[dreg:$0x2] =	wrdreg s22  }
0xdf: {  	[dreg:$0x3] =	wrdreg s31  }
0xe0: {  	[dreg:$0x4] =	wrdreg s30  }
0xe1: {  	[dreg:$0x5] =	wrdreg s1  }
0xe2: {  	[dreg:$0x6] =	wrdreg s6  }
0xe3: {  	[dreg:$0x7] =	wrdreg $0xA  }
0xe4: {  	_ =	task.clear_ibuf [dreg:s20], $0x8FFFF;
	_ =	strace $0x9000004C  }
0xe5: {  	s29 =	simm.s32 $0xA;
	_ =	strace $0x8000004E  }
0xe6: {  	_ =	swait.ge [sflag:s29], $0x1  }
0xe7: {  	[sflag:s29] =	ssyncadd.s32 $0xFFFFFFFF  }
0xe8: {  	_ =	strace $0x9000004E  }
0xe9: {  	_ =	sfence  }
0xea: {  	s30 =	sld [smem:$0x0];
	_ =	sdelay $0x2  }
0xeb: {  	s31 =	sshll.u32 s1, $0xD;
	s1 =	sshrl.u32 s1, $0x2  }
0xec: {  	s4 =	sand.u32 $0x4000, s31;
	s1 =	sadd.s32 s1, s30  }
0xed: {  	s0 =	sor.u32 s4, s0;
	s1 =	sshll.u32 s1, $0x11  }
0xee: {  	s0 =	sor.u32 s1, s0  }
0xef: {  	s0 =	sadd.s32 $0x8F2B, s0  }
0xf0: {  	[sflag:s0] =	ssyncadd.remote.s32 $0x1  }
0xf1: {  	_ =	sfence.sel $0xFFFF  }
0xf2: {  	[dreg:$0x0] =	wrdreg $0xFFFFFFFF;
	(pc) =	sbr.abs _section_cstart, $3  }
0xf3: {  	[dreg:$0x1] =	wrdreg $0xFFFFFFFF  }
0xf4: {  	_ =	task.clear_ibuf [dreg:s20], $0x2FFFF;
	_ =	strace $0x9FFFFFFF  }
0xf5: {  	(tm) =	ssettm $0x7FFFFFFF  }
tec
execute0_lowered:
.L_overlay_start_1:
0x0: {  	(tag) =	ssettag $0x1  }
0x1: {  	s3 =	rddreg [dreg:$0x0]  }
0x2: {  	s2 =	rddreg [dreg:$0x1]  }
0x3: {  	s5 =	rddreg [dreg:$0x2]  }
0x4: {  	s0 =	rddreg [dreg:$0x3];
	s4 =	stileid.u32  }
0x5: {  	[bflag:$0x3] =	sbarrier.arrive $0xFFFF;
	s1 =	simm.s32 $_size_execute1_lowered;
	s29 =	srdreg.scid  }
0x6: {  	s30 =	simm.s32 $0x2;
	s13 =	simm.s32 $0x0;
	p0 =	sne.s32 s4, $0x0  }
0x7: {  	s1 =	sshll.u32 s1, $0x1;
	s6 =	simm.s32 @!p0 $0x1C3F;
	s7 =	simm.s32 @!p0 $0x4060  }
0x8: {  	[timem:s7], [sflag:s6] =	dma.local @!p0 [hbm:s3], s1  }
0x9: {  	s8 =	simm.s32 $0x40;
	s9 =	simm.s32 $0x80;
	s3 =	sshll.u32 s29, $0x8  }
.Ltmp0:
0xa: {  	s4 =	sshll.u32 s4, $0x9;
	s3 =	sand.u32 $0x100, s3;
	(pc) =	sbr.rel .LBB2_1-.Ltmp0, $4  }
0xb: {  	s11 =	simm.s32 $0x0;
	s12 =	simm.s32 $0x0;
	s3 =	sor.u32 s4, s3  }
0xc: {  	_ =	strace $0x8000004A;
	s4 =	simm.s32 $0x1;
	s31 =	ssub.s32 $0x2700, s3  }
0xd: {  	s5 =	sadd.s32 $0x16400, s5;
	[sflag:s4] =	ssyncpa.u1 $0x0;
	s6 =	sshrl.u32 s31, $0xD  }
0xe: {  	s10 =	smov.u32 s3;
	[sflag:s30] =	ssyncpa.u1 $0x0;
	s7 =	sor.u32 $0x2, s6  }
.LBB2_5:
0xf: {  	_ =	sdelay $0x3  }
0x10: {  	[tilespmem:v3+s18+$0x0 ss:$0x1] =	vst.idx.msk $0xffff, v1  }
0x11: {  	[tilespmem:v3+s17+$0x0 ss:$0x1] =	vst.idx.msk $0xffff, v2  }
0x12: {  	[tilespmem:v3+s16+$0x0 ss:$0x1] =	vst.idx.msk $0xffff, v4  }
0x13: {  	[tilespmem:v3+s19+$0x0 ss:$0x1] =	vst.idx.msk $0xffff, v5  }
.LBB2_6:
0x14: {  	s16 =	sand.u32 $0x1FFFFFF, s11  }
0x15: {  	s17 =	smulhi.u32 $0x1A36E2F, s16;
	_ =	sdelay $0x1  }
0x16: {  	s17 =	sshrl.u32 s17, $0x6  }
0x17: {  	s17 =	smul.u32 $0x2710, s17;
	_ =	sdelay $0x1  }
0x18: {  	s16 =	ssub.s32 s16, s17  }
0x19: {  	s16 =	sshll.u32 s16, $0x4  }
0x1a: {  	s16 =	sadd.s32 s5, s16  }
0x1b: {  	[hbm4b:s16+s8] =	stream.strided.scatter [tilespmem:s15], [sflag:$0x2], s14, s9, s8, $0x38;
	[tilespmem:$0x10000] =	vst v63  }
.LBB2_7:
0x1c: {  	p1 =	slt.u32 s12, $0x2  }
0x1d: {  	p2 =	sgt.s32 @!p1 s13, $0x2610  }
0x1e: {  	s14 =	smov.u32 s13;
	s15 =	sshra.s32 @!p1 s13, $0x1F;
	p2 =	por !p2, p1  }
0x1f: {  	s13 =	sand.u32 @!p1 s15, s13;
	s14 =	simm.s32 @p2 $0x2610  }
0x20: {  	s13 =	ssub.s32 @!p1 s14, s13  }
0x21: {  	s13 =	sadd.s32 @!p1 $0xFFFFD9F0, s13  }
0x22: {  	s14 =	sshll.u32 @!p1 s13, $0x8  }
0x23: {  	p2 =	sgt.s32 @!p1 s13, $0xFF;
	s13 =	ssub.s32 @!p1 $0x10000, s14  }
0x24: {  	s15 =	sadd.s32 $0x2000, s10;
	p2 =	por !p2, p1;
	s13 =	sshrl.u32 @!p1 s13, $0x2  }
0x25: {  	s13 =	simm.s32 @!p2 $0x0;
	p2 =	sgt.s32 s15, $0x270F  }
0x26: {  	s15 =	smov.u32 @p2 s3;
	p2 =	sne.s32 s12, s7  }
.Ltmp1:
0x27: {  	_ = 	snop;
	(pc) =	sbr.rel @!p2 .LBB2_8-.Ltmp1, $4  }
0x28: {  	s14 =	simm.s32 @!p1 $0x2  }
0x29: {  	_ =	swait.ge @!p1 [sflag:s14], s13;
	s16 =	ssub.s32 @!p1 $0x0, s13  }
0x2a: {  	s13 =	smov.u32 s11;
	s12 =	sadd.s32 $0x1, s12;
	[sflag:s14] =	ssyncset.done @!p1 $0x0  }
0x2b: {  	s11 =	smov.u32 s10;
	s10 =	smov.u32 s15;
	[sflag:s14] =	ssyncadd.s32 @!p1 s16  }
.LBB2_1:
0x2c: {  	p1 =	sgt.u32 s12, s6  }
0x2d: {  	s15 =	smov.u32 s10;
	p2 =	sgt.s32 @!p1 s10, $0x2610  }
0x2e: {  	s14 =	sand.u32 @!p1 $0x1FFFFFF, s10;
	s16 =	sshra.s32 @!p1 s10, $0x1F;
	p2 =	por !p2, p1  }
0x2f: {  	s17 =	smulhi.u32 @!p1 $0x1A36E2F, s14;
	s16 =	sand.u32 @!p1 s16, s10;
	s15 =	simm.s32 @p2 $0x2610  }
0x30: {  	s15 =	ssub.s32 @!p1 s15, s16  }
0x31: {  	s16 =	sshrl.u32 @!p1 s17, $0x6;
	s15 =	sadd.s32 @!p1 $0xFFFFD9F0, s15  }
0x32: {  	s17 =	sxor.u32 @!p1 $0xFFFFFFFF, s12;
	s16 =	smul.u32 @!p1 $0x2710, s16;
	s18 =	sshll.u32 @!p1 s15, $0x8  }
0x33: {  	s17 =	sshll.u32 @!p1 s17, $0xE;
	p2 =	sgt.s32 @!p1 s15, $0xFF;
	s15 =	ssub.s32 @!p1 $0x10000, s18  }
0x34: {  	s14 =	ssub.s32 @!p1 s14, s16;
	p2 =	por !p2, p1;
	s16 =	sand.u32 @!p1 $0x4000, s17  }
0x35: {  	s17 =	simm.s32 @!p1 $0x40;
	s15 =	sshrl.u32 @!p1 s15, $0x2;
	s14 =	sshll.u32 @!p1 s14, $0x4  }
0x36: {  	s18 =	simm.s32 @!p1 $0x80;
	s15 =	simm.s32 @!p2 $0x0;
	s14 =	sadd.s32 @!p1 s2, s14  }
0x37: {  	[tilespmem:s16], [sflag:$0x1] =	stream.strided.gather @!p1 [hbm4b:s14+s17], s15, s18, s17, $0x38;
	[tilespmem:$0x10000] =	vst v63  }
0x38: {  	p1 =	seq.s32 s12, $0x0  }
0x39: {  	p2 =	sge.u32 @!p1 s12, s7  }
0x3a: {  	p1 =	por p1, p2  }
.Ltmp2:
0x3b: {  	_ = 	snop;
	(pc) =	sbr.rel @p1 .LBB2_7-.Ltmp2, $1  }
0x3c: {  	_ =	sdelay $0x3  }
0x3d: {  	p1 =	sgt.s32 s11, $0x2610;
	s14 =	smov.u32 s11;
	s15 =	sshra.s32 s11, $0x1F  }
0x3e: {  	s14 =	simm.s32 @!p1 $0x2610;
	s15 =	sand.u32 s15, s11  }
0x3f: {  	s14 =	ssub.s32 s14, s15  }
0x40: {  	s14 =	sadd.s32 $0xFFFFD9F0, s14  }
0x41: {  	s31 =	sshll.u32 s14, $0x8  }
0x42: {  	s15 =	ssub.s32 $0x10000, s31  }
0x43: {  	p1 =	sgt.s32 s14, $0xFF;
	s14 =	sshrl.u32 s15, $0x2;
	s15 =	sadd.s32 $0x100, s11  }
0x44: {  	s14 =	simm.s32 @p1 $0x0;
	p1 =	slt.s32 s15, $0x2710  }
0x45: {  	s15 =	simm.s32 @!p1 $0x2710  }
0x46: {  	s20 =	ssub.s32 s15, s11  }
0x47: {  	p1 =	slt.s32 s20, $0x1  }
.Ltmp3:
0x48: {  	_ = 	snop;
	(pc) =	sbr.rel @p1 .LBB2_6-.Ltmp3, $4  }
0x49: {  	_ = 	snop  }
0x4a: {  	s16 =	sshll.u32 s12, $0xE;
	_ =	swait.ge [sflag:s4], s14  }
0x4b: {  	s16 =	sand.u32 $0x4000, s16;
	s17 =	ssub.s32 $0x0, s14;
	[sflag:s4] =	ssyncset.done $0x0  }
0x4c: {  	s15 =	sor.u32 $0x8000, s16;
	[sflag:s4] =	ssyncadd.s32 s17  }
0x4d: {  	v0 =	vmov s16;
	_ =	sdelay $0x2  }
0x4e: {  	s31 =	simm.s32 $0x0;
	p1 =	sne.s32 s20, $0x1  }
.Ltmp4:
0x4f: {  	s18 =	sand.u32 $0x3FC0, s31;
	(pc) =	sbr.rel @!p1 .LBB2_5-.Ltmp4, $4  }
0x50: {  	s17 =	sor.u32 $0x30, s18;
	v1 =	vld.idx.msk [tilespmem:v0+s18+$0x0 ss:$0x1], $0xffff  }
0x51: {  	v3 =	vmov s15;
	s16 =	sor.u32 $0x10, s18;
	v2 =	vld.idx.msk [tilespmem:v0+s17+$0x0 ss:$0x1], $0xffff  }
0x52: {  	s19 =	sor.u32 $0x20, s18;
	v4 =	vld.idx.msk [tilespmem:v0+s16+$0x0 ss:$0x1], $0xffff  }
0x53: {  	s20 =	sadd.s32 $0xFFFFFFFF, s20;
	s21 =	simm.s32 $0x40;
	v5 =	vld.idx.msk [tilespmem:v0+s19+$0x0 ss:$0x1], $0xffff  }
.LBB2_4:
0x54: {  	s22 =	sand.u32 $0x3FC0, s21  }
0x55: {  	p1 =	sne.s32 s20, $0x1;
	s20 =	sadd.s32 $0xFFFFFFFF, s20;
	s23 =	sor.u32 $0x10, s22  }
.Ltmp5:
0x56: {  	s24 =	sor.u32 $0x20, s22;
	s25 =	sor.u32 $0x30, s22;
	[tilespmem:v3+s18+$0x0 ss:$0x1] =	vst.idx.msk $0xffff, v1;
	v1 =	vld.idx.msk [tilespmem:v0+s22+$0x0 ss:$0x1], $0xffff;
	(pc) =	sbr.rel @p1 .LBB2_4-.Ltmp5, $4  }
0x57: {  	s18 =	smov.u32 s22;
	[tilespmem:v3+s17+$0x0 ss:$0x1] =	vst.idx.msk $0xffff, v2;
	v2 =	vld.idx.msk [tilespmem:v0+s25+$0x0 ss:$0x1], $0xffff;
	s17 =	smov.u32 s25  }
0x58: {  	[tilespmem:v3+s16+$0x0 ss:$0x1] =	vst.idx.msk $0xffff, v4;
	v4 =	vld.idx.msk [tilespmem:v0+s23+$0x0 ss:$0x1], $0xffff;
	s16 =	smov.u32 s23  }
0x59: {  	[tilespmem:v3+s19+$0x0 ss:$0x1] =	vst.idx.msk $0xffff, v5;
	v5 =	vld.idx.msk [tilespmem:v0+s24+$0x0 ss:$0x1], $0xffff;
	s19 =	smov.u32 s24  }
0x5a: {  	s21 =	sadd.s32 $0x40, s21  }
.Ltmp6:
0x5b: {  	_ = 	snop;
	(pc) =	sbr.rel .LBB2_5-.Ltmp6, $1  }
0x5c: {  	_ =	sdelay $0x3  }
.LBB2_8:
0x5d: {  	_ =	sfence.sel $0x180000  }
0x5e: {  	s2 =	simm.s32 $0x1;
	[bflag:$0x0] =	sbarrier.arrive $0xFFFF  }
0x5f: {  	s31 =	simm.s32 $0x2;
	[sflag:s2] =	ssyncpa.u1 $0x1  }
0x60: {  	[sflag:s31] =	ssyncpa.u1 $0x1  }
0x61: {  	_ =	strace $0x9000004A  }
0x62: {  	s0 =	sadd.s32 @!p0 $0x100000, s0;
	[bflag:$0x2] =	sbarrier.arrive $0xFFFF  }
0x63: {  	[sflag:s0] =	ssyncadd.tile.s32 @!p0 $0x1;
	s0 =	simm.s32 @!p0 $0x3F  }
0x64: {  	_ =	swait.ge @!p0 [sflag:s0], s1  }
0x65: {  	s1 =	ssub.s32 @!p0 $0x0, s1;
	[sflag:s0] =	ssyncset.done @!p0 $0x0  }
0x66: {  	[sflag:s0] =	ssyncadd.s32 @!p0 s1  }
0x67: {  	[bflag:$0x3] =	sbarrier.arrive $0xFFFF  }
0x68: {  	_ =	shalt  }
.Lfunc_end2:
execute1_lowered:
.L_overlay_start_2:
0x69: {  	(tag) =	ssettag $0x2  }
0x6a: {  	s4 =	rddreg [dreg:$0x0]  }
0x6b: {  	s0 =	rddreg [dreg:$0x1]  }
0x6c: {  	s2 =	rddreg [dreg:$0x2]  }
0x6d: {  	s5 =	rddreg [dreg:$0x3];
	_ =	strace $0x8000004D;
	s1 =	simm.s32 $0x1  }
0x6e: {  	s3 =	simm.s32 $0x88;
	v0 =	vimm.s32 $0x0;
	[sflag:s1] =	ssyncpa.u1 $0x0  }
0x6f: {  	[tilespmem:s3+$0x30] =	vst v0  }
0x70: {  	s1 =	sadd.s32 $0x16400, s4;
	[tilespmem:s3+$0x20] =	vst v0  }
0x71: {  	s6 =	sadd.s32 $0xEC5C00, s4;
	s7 =	sand.u32 $0x1, s5;
	s4 =	simm.s32 $0x40;
	[tilespmem:s3+$0x10] =	vst v0  }
.LBB3_1:
0x72: {  	s4 =	sadd.s32 $0x40, s4  }
0x73: {  	[tilespmem:s3+$0x0] =	vst v0;
	s3 =	sadd.s32 $0x40, s3;
	p0 =	slt.u32 s4, $0x5040  }
.Ltmp7:
0x74: {  	(pc) =	sbr.rel @p0 .LBB3_1-.Ltmp7, $4  }
0x75: {  	_ = 	snop  }
0x76: {  	[tilespmem:s3+$0x30] =	vst v0  }
0x77: {  	[tilespmem:s3+$0x20] =	vst v0  }
0x78: {  	[tilespmem:s3+$0x10] =	vst v0  }
0x79: {  	s8 =	stileid.u32  }
0x7a: {  	s4 =	smul.u32 $0x1F, s8  }
0x7b: {  	s5 =	smin.u32 s8, $0x4  }
0x7c: {  	s4 =	sadd.s32 s5, s4  }
0x7d: {  	p0 =	slt.u32 s8, $0x4;
	s12 =	smul.u32 $0x140, s4;
	s4 =	simm.s32 $0x2800  }
0x7e: {  	s4 =	simm.s32 @!p0 $0x26C0  }
0x7f: {  	s25 =	simm.s32 $0x2;
	s4 =	sadd.s32 s4, s12  }
0x80: {  	s28 =	simm.s32 $0x9;
	s9 =	simm.s32 $0xA;
	s14 =	smin.u32 s4, $0x27100  }
0x81: {  	s30 =	simm.s32 $0xB;
	[dreg:$0x6] =	wrdreg s7;
	s4 =	ssub.s32 s14, s12  }
0x82: {  	s31 =	smul.u32 $0x4E20, s7;
	s13 =	simm.s32 $0x1;
	p0 =	sgt.s32 s4, $0x0  }
0x83: {  	s19 =	simm.s32 $0x0;
	s20 =	simm.s32 $0xA808;
	s4 =	simm.s32 @!p0 $0x0  }
0x84: {  	s21 =	simm.s32 $0xFFFFFFFF;
	p1 =	por $0x0, $0x0;
	s26 =	smulhi.u32 $0x66666667, s4  }
0x85: {  	[tilespmem:s3+$0x0] =	vst v0;
	s23 =	simm.s32 $0x0;
	[sflag:s25] =	ssyncpa.u1 $0x0;
	s18 =	sshll.u32 s8, $0x7  }
0x86: {  	s0 =	sadd.s32 s31, s0;
	[dreg:$0xc] =	wrdreg s18;
	s3 =	sshrl.u32 s26, $0x7  }
0x87: {  	v0 =	vimm.s32 $0xFFFFFFFF;
	s17 =	sadd.s32 s31, s2;
	[dreg:$0xb] =	wrdreg s0;
	s29 =	smul.u32 $0x140, s3  }
0x88: {  	s25 =	simm.s32 $0x0;
	[tilespmem:$0xA108] =	vst v0;
	[sflag:s28] =	ssyncpa.u1 $0x0;
	[dreg:$0xa] =	wrdreg s17  }
.Ltmp8:
0x89: {  	p0 =	sne.s32 s4, s29;
	s4 =	simm.s32 $0x1;
	(pc) =	sbr.rel .LBB3_3-.Ltmp8, $4  }
0x8a: {  	[sflag:s9] =	ssyncpa.u1 $0x0;
	[dreg:$0x7] =	wrdreg s12;
	s4 =	simm.s32 @!p0 $0x0  }
0x8b: {  	[sflag:s30] =	ssyncpa.u1 $0x0;
	[dreg:$0x8] =	wrdreg s14;
	s15 =	sadd.s32 s4, s3  }
0x8c: {  	s24 =	smov.u32 s12;
	s22 =	sadd.s32 $0x1, s15;
	[dreg:$0x9] =	wrdreg s15  }
0x8d: {  	v0 =	vlaneseq.u32;
	s26 =	simm.s32 $0x0;
	p0 =	por $0x1, $0x1;
	[dreg:$0xd] =	wrdreg s22  }
.LBB3_22:
0x8e: {  	s0 =	sshrl.u32 s3, $0x2  }
.LBB3_24:
0x8f: {  	s3 =	simm.s32 $0xC  }
0x90: {  	_ =	swait.ge [sflag:s3], s0  }
0x91: {  	s31 =	ssub.s32 $0x0, s0;
	v1 =	vmov s4;
	vm0 =	veq.s32 v0, $0x0;
	[sflag:s3] =	ssyncset.done $0x0  }
0x92: {  	vm15 =	veq.s32 v0, $0x2;
	v1 =	vsel vm0, s2, v1;
	[sflag:s3] =	ssyncadd.s32 s31  }
0x93: {  	v1 =	vsel vm15, s26, v1;
	[sflag:s3] =	ssyncpa.u1 $0x1  }
0x94: {  	[tilespmem:$0xA108] =	vst v1  }
.LBB3_25:
0x95: {  	s0 =	sadd.s32 $0x140, s24  }
0x96: {  	s2 =	smov.u32 s12;
	p2 =	slt.s32 s0, s14  }
0x97: {  	s2 =	smov.u32 @p2 s0;
	p2 =	sne.s32 s25, s22  }
.Ltmp9:
0x98: {  	_ = 	snop;
	(pc) =	sbr.rel @!p2 .LBB3_26-.Ltmp9, $4  }
0x99: {  	_ = 	snop  }
0x9a: {  	s26 =	smov.u32 s23;
	s31 =	sadd.s32 $0x1, s25;
	p0 =	por !p0, !p0  }
0x9b: {  	s23 =	smov.u32 s24;
	s20 =	sadd.s32 $0x140, s20;
	s21 =	sadd.s32 $0x1, s21  }
0x9c: {  	p1 =	por !p1, !p1;
	s25 =	smov.u32 s31;
	s24 =	smov.u32 s2  }
.LBB3_3:
0x9d: {  	p2 =	sge.u32 s25, s15  }
0x9e: {  	s0 =	smulhi.u32 @!p2 $0xAAAAAAAB, s25  }
0x9f: {  	s2 =	smov.u32 s24;
	p3 =	sgt.s32 @!p2 s24, $0x26FC0  }
0xa0: {  	s3 =	sshra.s32 @!p2 s24, $0x1F;
	p3 =	por !p3, p2;
	s0 =	sshrl.u32 @!p2 s0, $0x1  }
0xa1: {  	s3 =	sand.u32 @!p2 s3, s24;
	s2 =	simm.s32 @p3 $0x26FC0;
	s0 =	smul.u32 @!p2 $0x3, s0  }
0xa2: {  	s2 =	ssub.s32 @!p2 s2, s3  }
0xa3: {  	s2 =	sadd.s32 @!p2 $0xFFFD9040, s2;
	s0 =	ssub.s32 @!p2 s25, s0  }
0xa4: {  	s3 =	sshll.u32 @!p2 s2, $0x2;
	p3 =	sgt.s32 @!p2 s2, $0x13F;
	s0 =	smul.u32 @!p2 $0x500, s0  }
0xa5: {  	s4 =	sand.u32 @!p2 $0x7, s24;
	s2 =	ssub.s32 @!p2 $0x500, s3;
	p3 =	por !p3, p2  }
0xa6: {  	s3 =	sshrl.u32 @!p2 s24, $0x3;
	s2 =	sshrl.u32 @!p2 s2, $0x2;
	s0 =	sshrl.u32 @!p2 s0, $0x2  }
0xa7: {  	s3 =	sadd.s32 @!p2 s3, s17;
	s2 =	simm.s32 @!p3 $0x0;
	s0 =	sadd.s32 @!p2 $0xA948, s0  }
0xa8: {  	[tilespmem:s0], [sflag:$0xA] =	stream.linear.gather @!p2 [hbm4b:s3+s4], s2, $0x38;
	[tilespmem:$0x1EF88] =	vst v63  }
0xa9: {  	s0 =	sadd.s32 $0xFFFFFFFF, s25  }
0xaa: {  	p2 =	sge.u32 s0, s15  }
.Ltmp10:
0xab: {  	_ = 	snop;
	(pc) =	sbr.rel @p2 .LBB3_7-.Ltmp10, $1  }
0xac: {  	_ =	sdelay $0x3  }
0xad: {  	p2 =	sgt.s32 s23, $0x26FC0;
	s2 =	smov.u32 s23;
	s3 =	sshra.s32 s23, $0x1F  }
0xae: {  	s2 =	simm.s32 @!p2 $0x26FC0;
	s3 =	sand.u32 s3, s23  }
0xaf: {  	s17 =	smulhi.u32 $0xAAAAAAAB, s21;
	s2 =	ssub.s32 s2, s3  }
0xb0: {  	s0 =	sand.u32 $0x1, s0;
	s2 =	sadd.s32 $0xFFFD9040, s2  }
0xb1: {  	s5 =	simm.s32 $0xA;
	s3 =	sshrl.u32 s17, $0x1;
	s4 =	sshll.u32 s2, $0x2  }
0xb2: {  	s7 =	sshrl.u32 s23, $0x3;
	s3 =	smul.u32 $0xFFFFF100, s3;
	s4 =	ssub.s32 $0x500, s4  }
0xb3: {  	s18 =	smul.u32 $0x500, s0;
	p2 =	sgt.s32 s2, $0x13F;
	s2 =	sshrl.u32 s4, $0x2  }
0xb4: {  	s9 =	sand.u32 $0x7, s23;
	s3 =	sshra.s32 s3, $0x2;
	s2 =	simm.s32 @p2 $0x0  }
0xb5: {  	s0 =	sadd.s32 s3, s20;
	s4 =	sshrl.u32 s18, $0x2;
	_ =	swait.ge [sflag:s5], s2  }
0xb6: {  	s22 =	ssub.s32 $0x0, s2;
	[sflag:s5] =	ssyncset.done $0x0;
	s8 =	rddreg [dreg:$0xb]  }
0xb7: {  	s4 =	sadd.s32 $0xAD08, s4;
	[sflag:s5] =	ssyncadd.s32 s22;
	s3 =	sadd.s32 s7, s8  }
0xb8: {  	[tilespmem:s4], [sflag:$0xB] =	stream.linear.gather [hbm4b:s3+s9], s2, $0x38;
	[tilespmem:$0x1EF88] =	vst v63  }
0xb9: {  	v1 =	vld.msk [tilespmem:s0+$0x0], $0xffff;
	_ =	sdelay $0x4  }
0xba: {  	v1 =	vshll.u32 v1, $0x4  }
0xbb: {  	(v2sf) =	vpush v1, $0x0  }
0xbc: {  	(v2sf) =	vpush v1, $0x1  }
0xbd: {  	(v2sf) =	vpush v1, $0x2;
	_ =	sdelay $0x3  }
0xbe: {  	(v2sf) =	vpush v1, $0x3;
	_ =	sdelay $0x1  }
0xbf: {  	(v2sf) =	vpush v1, $0x4  }
0xc0: {  	s2 =	simm.s32 $0x1;
	(v2sf) =	vpush v1, $0x5  }
0xc1: {  	s2 =	simm.s32 @!p0 $0x0  }
0xc2: {  	s2 =	smul.u32 $0x28000, s2;
	(v2sf) =	vpush v1, $0x6;
	_ =	sdelay $0x1  }
0xc3: {  	s2 =	sshrl.u32 s2, $0x2  }
0xc4: {  	s28 =	sadd.s32 $0xB708, s2  }
0xc5: {  	s12 =	sadd.s32 $0xFFFFF880, s28;
	s17 =	sadd.s32 $0xFFFFF900, s28;
	s10 =	spop (v2sf);
	(v2sf) =	vpush v1, $0x7  }
0xc6: {  	s18 =	sadd.s32 $0xFFFFF980, s28;
	s11 =	sand.u32 $0x1FFFFFF0, s10;
	s14 =	spop (v2sf)  }
0xc7: {  	(v2sf) =	vpush v1, $0x8;
	s2 =	sadd.s32 s6, s11;
	s15 =	sand.u32 $0x1FFFFFF0, s14;
	s16 =	spop (v2sf)  }
0xc8: {  	[tilespmem:s12], [sflag:$0x9] =	stream.linear.gather [hbm4b:s2+s19], $0x40, $0x38;
	[tilespmem:$0x1EF88] =	vst v63  }
0xc9: {  	s5 =	sadd.s32 $0xFFFFFA00, s28;
	s2 =	sadd.s32 s6, s15;
	s3 =	sand.u32 $0x1FFFFFF0, s16  }
0xca: {  	(v2sf) =	vpush v1, $0x9;
	[tilespmem:s17], [sflag:$0x9] =	stream.linear.gather [hbm4b:s2+s19], $0x40, $0x38;
	[tilespmem:$0x1EF88] =	vst v63  }
0xcb: {  	s7 =	sadd.s32 $0xFFFFFA80, s28;
	s22 =	spop (v2sf);
	s3 =	sadd.s32 s6, s3  }
0xcc: {  	(v2sf) =	vpush v1, $0xA;
	[tilespmem:s18], [sflag:$0x9] =	stream.linear.gather [hbm4b:s3+s19], $0x40, $0x38;
	[tilespmem:$0x1EF88] =	vst v63  }
0xcd: {  	s11 =	sadd.s32 $0xFFFFFB00, s28;
	s4 =	spop (v2sf);
	(v2sf) =	vpush v1, $0xB;
	s3 =	sand.u32 $0x1FFFFFF0, s22  }
0xce: {  	s8 =	spop (v2sf);
	s2 =	sadd.s32 s6, s3;
	s3 =	sand.u32 $0x1FFFFFF0, s4  }
0xcf: {  	(v2sf) =	vpush v1, $0xC;
	[tilespmem:s5], [sflag:$0x9] =	stream.linear.gather [hbm4b:s2+s19], $0x40, $0x38;
	[tilespmem:$0x1EF88] =	vst v63  }
0xd0: {  	s9 =	sand.u32 $0x1FFFFFF0, s8;
	s10 =	spop (v2sf);
	s3 =	sadd.s32 s6, s3  }
0xd1: {  	(v2sf) =	vpush v1, $0xD;
	[tilespmem:s7], [sflag:$0x9] =	stream.linear.gather [hbm4b:s3+s19], $0x40, $0x38;
	[tilespmem:$0x1EF88] =	vst v63  }
0xd2: {  	s12 =	sadd.s32 $0xFFFFFB80, s28;
	s2 =	sadd.s32 s6, s9;
	s3 =	sand.u32 $0x1FFFFFF0, s10  }
0xd3: {  	[tilespmem:s11], [sflag:$0x9] =	stream.linear.gather [hbm4b:s2+s19], $0x40, $0x38;
	[tilespmem:$0x1EF88] =	vst v63  }
0xd4: {  	s17 =	sadd.s32 $0xFFFFFC00, s28;
	s3 =	sadd.s32 s6, s3;
	s14 =	spop (v2sf)  }
0xd5: {  	[tilespmem:s12], [sflag:$0x9] =	stream.linear.gather [hbm4b:s3+s19], $0x40, $0x38;
	(v2sf) =	vpush v1, $0xE;
	[tilespmem:$0x1EF88] =	vst v63  }
0xd6: {  	s18 =	sadd.s32 $0xFFFFFC80, s28;
	s15 =	sand.u32 $0x1FFFFFF0, s14;
	s16 =	spop (v2sf)  }
0xd7: {  	s5 =	sadd.s32 $0xFFFFFD00, s28;
	(v2sf) =	vpush v1, $0xF;
	s2 =	sadd.s32 s6, s15;
	s3 =	sand.u32 $0x1FFFFFF0, s16  }
0xd8: {  	[tilespmem:s17], [sflag:$0x9] =	stream.linear.gather [hbm4b:s2+s19], $0x40, $0x38;
	[tilespmem:$0x1EF88] =	vst v63  }
0xd9: {  	s7 =	sadd.s32 $0xFFFFFD80, s28;
	s22 =	spop (v2sf);
	s3 =	sadd.s32 s6, s3  }
0xda: {  	[tilespmem:s18], [sflag:$0x9] =	stream.linear.gather [hbm4b:s3+s19], $0x40, $0x38;
	[tilespmem:$0x1EF88] =	vst v63  }
0xdb: {  	s11 =	sadd.s32 $0xFFFFFE00, s28;
	s4 =	spop (v2sf);
	s3 =	sand.u32 $0x1FFFFFF0, s22  }
0xdc: {  	s8 =	spop (v2sf);
	s2 =	sadd.s32 s6, s3;
	s3 =	sand.u32 $0x1FFFFFF0, s4  }
0xdd: {  	[tilespmem:s5], [sflag:$0x9] =	stream.linear.gather [hbm4b:s2+s19], $0x40, $0x38;
	[tilespmem:$0x1EF88] =	vst v63  }
0xde: {  	s9 =	sand.u32 $0x1FFFFFF0, s8;
	s10 =	spop (v2sf);
	s3 =	sadd.s32 s6, s3  }
0xdf: {  	[tilespmem:s7], [sflag:$0x9] =	stream.linear.gather [hbm4b:s3+s19], $0x40, $0x38;
	[tilespmem:$0x1EF88] =	vst v63  }
0xe0: {  	s14 =	spop (v2sf);
	s2 =	sadd.s32 s6, s9;
	s3 =	sand.u32 $0x1FFFFFF0, s10  }
0xe1: {  	[tilespmem:s11], [sflag:$0x9] =	stream.linear.gather [hbm4b:s2+s19], $0x40, $0x38;
	[tilespmem:$0x1EF88] =	vst v63  }
0xe2: {  	s12 =	sadd.s32 $0xFFFFFE80, s28;
	s15 =	sand.u32 $0x1FFFFFF0, s14;
	s3 =	sadd.s32 s6, s3  }
0xe3: {  	[tilespmem:s12], [sflag:$0x9] =	stream.linear.gather [hbm4b:s3+s19], $0x40, $0x38;
	[tilespmem:$0x1EF88] =	vst v63  }
0xe4: {  	s17 =	sadd.s32 $0xFFFFFF00, s28;
	s2 =	sadd.s32 s6, s15;
	s16 =	spop (v2sf)  }
0xe5: {  	[tilespmem:s17], [sflag:$0x9] =	stream.linear.gather [hbm4b:s2+s19], $0x40, $0x38;
	[tilespmem:$0x1EF88] =	vst v63  }
0xe6: {  	s29 =	simm.s32 $0x0;
	s3 =	sand.u32 $0x1FFFFFF0, s16;
	s18 =	spop (v2sf)  }
0xe7: {  	s22 =	sadd.s32 $0xFFFFFF80, s28;
	s3 =	sadd.s32 s6, s3;
	s2 =	sand.u32 $0x1FFFFFF0, s18  }
0xe8: {  	[tilespmem:s22], [sflag:$0x9] =	stream.linear.gather [hbm4b:s3+s19], $0x40, $0x38;
	[tilespmem:$0x1EF88] =	vst v63  }
0xe9: {  	s31 =	sadd.s32 $0x10, s0;
	s30 =	sadd.s32 $0x800, s28;
	s2 =	sadd.s32 s6, s2  }
.LBB3_5:
0xea: {  	[tilespmem:s28], [sflag:$0x9] =	stream.linear.gather [hbm4b:s2+s19], $0x40, $0x38;
	[tilespmem:$0x1EF88] =	vst v63  }
0xeb: {  	s29 =	sadd.s32 $0x10, s29;
	s28 =	smov.u32 s30  }
0xec: {  	p2 =	slt.u32 s29, $0x130;
	v1 =	vld.msk [tilespmem:s31+$0x0], $0xffff;
	_ =	sdelay $0x4  }
0xed: {  	v1 =	vshll.u32 v1, $0x4  }
0xee: {  	(v2sf) =	vpush v1, $0x0  }
0xef: {  	(v2sf) =	vpush v1, $0x1  }
0xf0: {  	(v2sf) =	vpush v1, $0x2;
	_ =	sdelay $0x1  }
0xf1: {  	(v2sf) =	vpush v1, $0x3;
	_ =	sdelay $0x1  }
0xf2: {  	(v2sf) =	vpush v1, $0x4;
	_ =	sdelay $0x1  }
0xf3: {  	(v2sf) =	vpush v1, $0x5;
	_ =	sdelay $0x1  }
0xf4: {  	(v2sf) =	vpush v1, $0x6  }
0xf5: {  	s4 =	sadd.s32 $0xFFFFFE80, s30;
	s0 =	sadd.s32 $0xFFFFFF00, s30  }
0xf6: {  	s3 =	sadd.s32 $0xFFFFFD00, s30;
	s2 =	sadd.s32 $0xFFFFFD80, s30;
	s5 =	sadd.s32 $0xFFFFFE00, s30;
	(v2sf) =	vpush v1, $0x7  }
0xf7: {  	s10 =	sadd.s32 $0xFFFFFB80, s30;
	s9 =	sadd.s32 $0xFFFFFC00, s30;
	s16 =	sadd.s32 $0xFFFFFC80, s30  }
0xf8: {  	s11 =	sadd.s32 $0xFFFFFA00, s30;
	s12 =	sadd.s32 $0xFFFFFA80, s30;
	s15 =	sadd.s32 $0xFFFFFB00, s30;
	(v2sf) =	vpush v1, $0x8  }
0xf9: {  	s18 =	sadd.s32 $0xFFFFF900, s30;
	s7 =	sadd.s32 $0xFFFFF980, s30;
	s22 =	spop (v2sf)  }
0xfa: {  	s8 =	sadd.s32 $0xFFFFF880, s30;
	s22 =	sand.u32 $0x1FFFFFF0, s22;
	s14 =	spop (v2sf);
	(v2sf) =	vpush v1, $0x9  }
0xfb: {  	s22 =	sadd.s32 s6, s22;
	s14 =	sand.u32 $0x1FFFFFF0, s14;
	s17 =	spop (v2sf)  }
0xfc: {  	[tilespmem:s8], [sflag:$0x9] =	stream.linear.gather [hbm4b:s22+s19], $0x40, $0x38;
	(v2sf) =	vpush v1, $0xA;
	[tilespmem:$0x1EF88] =	vst v63  }
0xfd: {  	s8 =	sadd.s32 s6, s14;
	s14 =	sand.u32 $0x1FFFFFF0, s17;
	s17 =	spop (v2sf)  }
0xfe: {  	[tilespmem:s18], [sflag:$0x9] =	stream.linear.gather [hbm4b:s8+s19], $0x40, $0x38;
	(v2sf) =	vpush v1, $0xB;
	[tilespmem:$0x1EF88] =	vst v63  }
0xff: {  	s8 =	sadd.s32 s6, s14;
	s14 =	sand.u32 $0x1FFFFFF0, s17;
	s17 =	spop (v2sf)  }
0x100: {  	[tilespmem:s7], [sflag:$0x9] =	stream.linear.gather [hbm4b:s8+s19], $0x40, $0x38;
	(v2sf) =	vpush v1, $0xC;
	[tilespmem:$0x1EF88] =	vst v63  }
0x101: {  	s7 =	sadd.s32 s6, s14;
	s8 =	sand.u32 $0x1FFFFFF0, s17;
	s14 =	spop (v2sf)  }
0x102: {  	[tilespmem:s11], [sflag:$0x9] =	stream.linear.gather [hbm4b:s7+s19], $0x40, $0x38;
	(v2sf) =	vpush v1, $0xD;
	[tilespmem:$0x1EF88] =	vst v63  }
0x103: {  	s7 =	sadd.s32 s6, s8;
	s8 =	sand.u32 $0x1FFFFFF0, s14;
	s11 =	spop (v2sf)  }
0x104: {  	[tilespmem:s12], [sflag:$0x9] =	stream.linear.gather [hbm4b:s7+s19], $0x40, $0x38;
	(v2sf) =	vpush v1, $0xE;
	[tilespmem:$0x1EF88] =	vst v63  }
0x105: {  	s7 =	sadd.s32 s6, s8;
	s8 =	sand.u32 $0x1FFFFFF0, s11;
	s11 =	spop (v2sf)  }
0x106: {  	[tilespmem:s15], [sflag:$0x9] =	stream.linear.gather [hbm4b:s7+s19], $0x40, $0x38;
	(v2sf) =	vpush v1, $0xF;
	[tilespmem:$0x1EF88] =	vst v63  }
0x107: {  	s7 =	sadd.s32 s6, s8;
	s8 =	sand.u32 $0x1FFFFFF0, s11;
	s11 =	spop (v2sf)  }
0x108: {  	[tilespmem:s10], [sflag:$0x9] =	stream.linear.gather [hbm4b:s7+s19], $0x40, $0x38;
	[tilespmem:$0x1EF88] =	vst v63  }
0x109: {  	s7 =	sadd.s32 s6, s8;
	s8 =	sand.u32 $0x1FFFFFF0, s11;
	s10 =	spop (v2sf)  }
0x10a: {  	[tilespmem:s9], [sflag:$0x9] =	stream.linear.gather [hbm4b:s7+s19], $0x40, $0x38;
	[tilespmem:$0x1EF88] =	vst v63  }
0x10b: {  	s7 =	sadd.s32 s6, s8;
	s8 =	sand.u32 $0x1FFFFFF0, s10;
	s9 =	spop (v2sf)  }
0x10c: {  	[tilespmem:s16], [sflag:$0x9] =	stream.linear.gather [hbm4b:s7+s19], $0x40, $0x38;
	[tilespmem:$0x1EF88] =	vst v63  }
0x10d: {  	s7 =	sadd.s32 s6, s8;
	s8 =	sand.u32 $0x1FFFFFF0, s9;
	s9 =	spop (v2sf)  }
0x10e: {  	[tilespmem:s3], [sflag:$0x9] =	stream.linear.gather [hbm4b:s7+s19], $0x40, $0x38;
	[tilespmem:$0x1EF88] =	vst v63  }
0x10f: {  	s3 =	sadd.s32 s6, s8;
	s7 =	sand.u32 $0x1FFFFFF0, s9;
	s8 =	spop (v2sf)  }
0x110: {  	[tilespmem:s2], [sflag:$0x9] =	stream.linear.gather [hbm4b:s3+s19], $0x40, $0x38;
	[tilespmem:$0x1EF88] =	vst v63  }
0x111: {  	s2 =	sadd.s32 s6, s7;
	s3 =	sand.u32 $0x1FFFFFF0, s8;
	s7 =	spop (v2sf)  }
0x112: {  	[tilespmem:s5], [sflag:$0x9] =	stream.linear.gather [hbm4b:s2+s19], $0x40, $0x38;
	[tilespmem:$0x1EF88] =	vst v63  }
0x113: {  	s2 =	sadd.s32 s6, s3;
	s3 =	sand.u32 $0x1FFFFFF0, s7;
	s5 =	spop (v2sf)  }
0x114: {  	[tilespmem:s4], [sflag:$0x9] =	stream.linear.gather [hbm4b:s2+s19], $0x40, $0x38;
	[tilespmem:$0x1EF88] =	vst v63  }
0x115: {  	s2 =	sadd.s32 s6, s3  }
.Ltmp11:
0x116: {  	s3 =	sand.u32 $0x1FFFFFF0, s5;
	s4 =	spop (v2sf);
	(pc) =	sbr.rel @p2 .LBB3_5-.Ltmp11, $4  }
0x117: {  	[tilespmem:s0], [sflag:$0x9] =	stream.linear.gather [hbm4b:s2+s19], $0x40, $0x38;
	[tilespmem:$0x1EF88] =	vst v63  }
0x118: {  	s0 =	sadd.s32 s6, s3;
	s2 =	sadd.s32 $0xFFFFFF80, s30;
	s3 =	sand.u32 $0x1FFFFFF0, s4  }
0x119: {  	[tilespmem:s2], [sflag:$0x9] =	stream.linear.gather [hbm4b:s0+s19], $0x40, $0x38;
	[tilespmem:$0x1EF88] =	vst v63  }
0x11a: {  	s31 =	sadd.s32 $0x10, s31;
	s30 =	sadd.s32 $0x800, s30;
	s2 =	sadd.s32 s6, s3  }
0x11b: {  	[tilespmem:s28], [sflag:$0x9] =	stream.linear.gather [hbm4b:s2+s19], $0x40, $0x38;
	[tilespmem:$0x1EF88] =	vst v63  }
0x11c: {  	s12 =	rddreg [dreg:$0x7]  }
0x11d: {  	s14 =	rddreg [dreg:$0x8]  }
0x11e: {  	s15 =	rddreg [dreg:$0x9]  }
0x11f: {  	s17 =	rddreg [dreg:$0xa]  }
0x120: {  	s18 =	rddreg [dreg:$0xc]  }
0x121: {  	s22 =	rddreg [dreg:$0xd]  }
.LBB3_7:
0x122: {  	p2 =	slt.u32 s25, $0x2  }
.Ltmp12:
0x123: {  	_ = 	snop;
	(pc) =	sbr.rel @p2 .LBB3_25-.Ltmp12, $1  }
0x124: {  	_ =	sdelay $0x3  }
0x125: {  	p2 =	sgt.s32 s26, $0x26FC0;
	s0 =	smov.u32 s26;
	s2 =	sshra.s32 s26, $0x1F  }
0x126: {  	s0 =	simm.s32 @!p2 $0x26FC0;
	s2 =	sand.u32 s2, s26  }
0x127: {  	s0 =	ssub.s32 s0, s2  }
0x128: {  	s0 =	sadd.s32 $0xFFFD9040, s0  }
0x129: {  	s3 =	simm.s32 $0x9;
	s29 =	sshll.u32 s0, $0x2  }
0x12a: {  	_ =	swait.ge [sflag:s3], $0x5000;
	s2 =	ssub.s32 $0x500, s29  }
0x12b: {  	[sflag:s3] =	ssyncset.done $0x0;
	p2 =	sgt.s32 s0, $0x13F;
	s0 =	sshrl.u32 s2, $0x2  }
0x12c: {  	s30 =	simm.s32 $0xB;
	[sflag:s3] =	ssyncadd.s32 $0xFFFFB000;
	s0 =	simm.s32 @p2 $0x0  }
0x12d: {  	_ =	swait.ge [sflag:s30], s0  }
0x12e: {  	s0 =	ssub.s32 $0x0, s0;
	[sflag:s30] =	ssyncset.done $0x0  }
0x12f: {  	[sflag:s30] =	ssyncadd.s32 s0  }
0x130: {  	v1 =	vld [tilespmem:$0xA108];
	_ =	sdelay $0x4  }
0x131: {  	(v2sf) =	vpush v1, $0x0  }
0x132: {  	(v2sf) =	vpush v1, $0x1  }
0x133: {  	(v2sf) =	vpush v1, $0x2;
	_ =	sdelay $0x3  }
0x134: {  	s0 =	sadd.s32 $0x140, s26  }
0x135: {  	s4 =	ssub.s32 $0x4E200, s26;
	p2 =	slt.s32 s14, s0  }
0x136: {  	s0 =	smov.u32 @p2 s14;
	p2 =	sgt.s32 s4, $0x0  }
0x137: {  	s0 =	ssub.s32 s0, s26;
	s4 =	simm.s32 @!p2 $0x0  }
0x138: {  	p2 =	slt.s32 s4, s0  }
0x139: {  	s0 =	smov.u32 @p2 s4  }
0x13a: {  	s2 =	simm.s32 $0x1;
	p2 =	slt.s32 s0, $0x1  }
.Ltmp13:
0x13b: {  	s2 =	simm.s32 @!p1 $0x0;
	(pc) =	sbr.rel @p2 .LBB3_12-.Ltmp13, $4  }
0x13c: {  	s7 =	smul.u32 $0x500, s2  }
0x13d: {  	s3 =	spop (v2sf)  }
0x13e: {  	s31 =	sshrl.u32 s7, $0x2;
	s5 =	spop (v2sf)  }
0x13f: {  	s28 =	sadd.s32 $0xAD08, s31;
	s26 =	spop (v2sf)  }
0x140: {  	s4 =	smin.u32 s0, $0x10  }
0x141: {  	v1 =	vmov s4  }
0x142: {  	p3 =	sgt.s32 s0, $0x10;
	vm1 =	vgt.u32 v1, v0  }
.Ltmp14:
0x143: {  	_ = 	snop;
	(pc) =	sbr.rel @!p3 .LBB3_11-.Ltmp14, $2  }
0x144: {  	_ =	sdelay $0x2  }
0x145: {  	s9 =	simm.s32 $0x10;
	s10 =	sadd.s32 $0xFFFFFFF0, s0;
	s4 =	smov.u32 s28;
	vm0 =	vmmov vm1  }
.LBB3_10:
0x146: {  	s7 =	smin.u32 s10, $0x10;
	s9 =	sadd.s32 $0x10, s9;
	v1 =	vld.msk [tilespmem:s4+$0x0 ss:$0x1], vm1  }
0x147: {  	v2 =	vmov s7;
	p3 =	slt.s32 s9, s0  }
0x148: {  	vm1 =	vgt.u32 v2, v0  }
.Ltmp15:
0x149: {  	(pc) =	sbr.rel @p3 .LBB3_10-.Ltmp15, $3  }
0x14a: {  	_ =	sdelay $0x1  }
0x14b: {  	v1 =	vshll.u32 v1, $0x4  }
0x14c: {  	s10 =	sadd.s32 $0xFFFFFFF0, s10;
	[tilespmem:s4+$0x0] =	vst.msk vm0, v1;
	s4 =	sadd.s32 $0x10, s4;
	vm0 =	vmmov vm1  }
.LBB3_11:
0x14d: {  	_ =	sdelay $0x4  }
0x14e: {  	v1 =	vld.msk [tilespmem:s4+$0x0 ss:$0x1], vm1;
	_ =	sdelay $0x4  }
0x14f: {  	v1 =	vshll.u32 v1, $0x4  }
0x150: {  	[tilespmem:s4+$0x0] =	vst.msk vm0, v1  }
.LBB3_12:
0x151: {  	s4 =	sand.u32 $0x1, s25  }
0x152: {  	s4 =	smul.u32 $0x140, s4  }
0x153: {  	p3 =	sne.s32 s5, $0xFFFFFFFF  }
0x154: {  	v1 =	vld.msk @!p3 [tilespmem:s4+$0xAD08], $0x1;
	_ =	sdelay $0x4  }
0x155: {  	(v2sf) =	vpush @!p3 v1, $0x0;
	_ =	sdelay $0xc  }
.Ltmp16:
0x156: {  	_ = 	snop;
	(pc) =	sbr.rel @p2 .LBB3_23-.Ltmp16, $4  }
0x157: {  	_ = 	snop  }
0x158: {  	s29 =	spop @!p3 (v2sf)  }
0x159: {  	s31 =	simm.s32 $0xC;
	s26 =	simm.s32 @!p3 $0x0;
	s4 =	smov.u32 s29  }
0x15a: {  	[sflag:s31] =	ssyncpa.u1 $0x0;
	s29 =	smov.u32 @p3 s3;
	s4 =	smov.u32 @p3 s5  }
0x15b: {  	v1 =	vld.msk [tilespmem:s28+$0x0], $0x1;
	_ =	sdelay $0x4  }
0x15c: {  	(v2sf) =	vpush v1, $0x0;
	_ =	sdelay $0xe  }
0x15d: {  	s2 =	smul.u32 $0x28000, s2;
	s5 =	spop (v2sf)  }
0x15e: {  	s31 =	ssub.s32 $0x0, s0;
	p2 =	seq.s32 s29, s5  }
0x15f: {  	s3 =	smov.u32 s29;
	s2 =	sshrl.u32 s2, $0x2;
	p3 =	sgt.s32 @!p2 s29, $0x0  }
0x160: {  	s30 =	sadd.s32 $0xAFA8, s2;
	s2 =	sadd.s32 $0x1, s31;
	p3 =	por !p3, p2  }
0x161: {  	s3 =	simm.s32 @p3 $0x0;
	p3 =	seq.s32 s2, $0x0  }
.Ltmp17:
0x162: {  	_ = 	snop;
	(pc) =	sbr.rel @p3 .LBB3_15-.Ltmp17, $4  }
0x163: {  	_ = 	snop  }
0x164: {  	s0 =	simm.s32 $0x0;
	s9 =	simm.s32 @!p2 $0x1;
	s3 =	smin.u32 @!p2 s3, $0x270F8  }
0x165: {  	s10 =	simm.s32 @!p2 $0x50C8;
	s9 =	smov.u32 @p2 s0;
	s7 =	sand.u32 @!p2 $0x3FFF8, s3  }
0x166: {  	s16 =	sand.u32 @!p2 $0x7, s3;
	s3 =	sadd.s32 $0x1, s28;
	s11 =	sadd.s32 @!p2 s1, s7  }
.LBB3_14:
0x167: {  	s7 =	smov.u32 s9  }
0x168: {  	[tilespmem:s10], [sflag:$0x2] =	stream.linear.gather @!p2 [hbm4b:s11+s16], $0x40, $0x38;
	[tilespmem:$0x1EF88] =	vst v63  }
0x169: {  	s2 =	sadd.s32 $0x1, s2;
	s8 =	smov.u32 s5;
	v1 =	vld.msk [tilespmem:s3+$0x0], $0x1  }
0x16a: {  	p3 =	seq.s32 s2, $0x0;
	_ =	sdelay $0x3  }
0x16b: {  	(v2sf) =	vpush v1, $0x0;
	_ =	sdelay $0xe  }
0x16c: {  	s5 =	spop (v2sf)  }
0x16d: {  	p2 =	seq.s32 s8, s5  }
0x16e: {  	p4 =	sgt.s32 @!p2 s8, $0x0;
	s10 =	sshll.u32 @!p2 s9, $0x8;
	s9 =	sadd.s32 @!p2 $0x1, s9  }
.Ltmp18:
0x16f: {  	p4 =	por !p4, p2;
	s10 =	sshra.s32 @!p2 s10, $0x2;
	(pc) =	sbr.rel @!p3 .LBB3_14-.Ltmp18, $4  }
0x170: {  	s9 =	smov.u32 @p2 s7;
	s8 =	simm.s32 @p4 $0x0;
	s10 =	sadd.s32 @!p2 $0x50C8, s10  }
0x171: {  	s7 =	smin.u32 @!p2 s8, $0x270F8  }
0x172: {  	s8 =	sand.u32 @!p2 $0x3FFF8, s7;
	s16 =	sand.u32 @!p2 $0x7, s7  }
0x173: {  	s3 =	sadd.s32 $0x1, s3;
	s11 =	sadd.s32 @!p2 s1, s8  }
.LBB3_15:
0x174: {  	[tilespmem:s10], [sflag:$0x2] =	stream.linear.gather @!p2 [hbm4b:s11+s16], $0x40, $0x38;
	[tilespmem:$0x1EF88] =	vst v63  }
.Ltmp19:
0x175: {  	s2 =	sshll.u32 s9, $0x6;
	(pc) =	sbr.rel .LBB3_16-.Ltmp19, $4  }
0x176: {  	s3 =	simm.s32 $0x2;
	s2 =	sand.u32 $0x3FFFFFC0, s2  }
0x177: {  	_ =	swait.ge [sflag:s3], s2  }
0x178: {  	s2 =	ssub.s32 $0x0, s2;
	[sflag:s3] =	ssyncset.done $0x0  }
0x179: {  	[sflag:s3] =	ssyncadd.s32 s2;
	s3 =	simm.s32 $0x0  }
.LBB3_17:
0x17a: {  	v1 =	vld [tilespmem:s30+$0xFFFFFFE0];
	_ =	sdelay $0x4  }
0x17b: {  	[tilespmem:s5+$0x88] =	vst.add.f32.msk $0xffff, v1  }
0x17c: {  	v1 =	vld [tilespmem:s30+$0xFFFFFFF0];
	_ =	sdelay $0x4  }
0x17d: {  	[tilespmem:s5+$0x98] =	vst.add.f32.msk $0xffff, v1  }
0x17e: {  	v1 =	vld [tilespmem:s30+$0x0];
	_ =	sdelay $0x4  }
0x17f: {  	[tilespmem:s5+$0xA8] =	vst.add.f32.msk $0xffff, v1  }
0x180: {  	v1 =	vld [tilespmem:s30+$0x10];
	_ =	sdelay $0x4  }
0x181: {  	[tilespmem:s5+$0xB8] =	vst.add.f32.msk $0xffff, v1  }
.LBB3_21:
0x182: {  	s31 =	sadd.s32 $0x1, s31  }
0x183: {  	p2 =	seq.s32 s31, $0x0  }
.Ltmp20:
0x184: {  	_ = 	snop;
	(pc) =	sbr.rel @p2 .LBB3_22-.Ltmp20, $2  }
0x185: {  	_ =	sdelay $0x2  }
0x186: {  	s30 =	sadd.s32 $0x80, s30;
	s28 =	sadd.s32 $0x1, s28;
	s29 =	smov.u32 s2  }
.LBB3_16:
0x187: {  	v1 =	vld.msk [tilespmem:s28+$0x0], $0x1;
	_ =	sdelay $0x4  }
0x188: {  	(v2sf) =	vpush v1, $0x0;
	_ =	sdelay $0xe  }
0x189: {  	s2 =	spop (v2sf)  }
0x18a: {  	p2 =	sne.s32 s29, s2  }
.Ltmp21:
0x18b: {  	_ = 	snop;
	(pc) =	sbr.rel @!p2 .LBB3_17-.Ltmp21, $3  }
0x18c: {  	_ =	sdelay $0x1  }
0x18d: {  	s5 =	sshll.u32 s26, $0x8  }
0x18e: {  	s5 =	sshra.s32 s5, $0x2  }
0x18f: {  	p2 =	seq.s32 s29, s4  }
.Ltmp22:
0x190: {  	_ = 	snop;
	(pc) =	sbr.rel @!p2 .LBB3_19-.Ltmp22, $1  }
0x191: {  	_ =	sdelay $0x3  }
.Ltmp23:
0x192: {  	s5 =	sadd.s32 $0x88, s5;
	(pc) =	sbr.rel .LBB3_20-.Ltmp23, $4  }
0x193: {  	[spmem:s18] =	stream.linear.scatter [tilespmem:s5], [sflag:$0x1], $0x40, $0x38;
	[tilespmem:$0x1EF88] =	vst v63  }
0x194: {  	_ =	swait.ge [sflag:s13], $0x40  }
0x195: {  	[sflag:s13] =	ssyncset.done $0x0  }
0x196: {  	[sflag:s13] =	ssyncadd.s32 $0xFFFFFFC0  }
.LBB3_19:
0x197: {  	s7 =	sshll.u32 s0, $0x8  }
0x198: {  	s7 =	sshra.s32 s7, $0x2  }
0x199: {  	v1 =	vld [tilespmem:s7+$0x50C8];
	_ =	sdelay $0x4  }
0x19a: {  	[tilespmem:s5+$0x88] =	vst.add.f32.msk $0xffff, v1  }
0x19b: {  	v1 =	vld [tilespmem:s7+$0x50D8];
	_ =	sdelay $0x4  }
0x19c: {  	[tilespmem:s5+$0x98] =	vst.add.f32.msk $0xffff, v1  }
0x19d: {  	v1 =	vld [tilespmem:s7+$0x50E8];
	_ =	sdelay $0x4  }
0x19e: {  	[tilespmem:s5+$0xA8] =	vst.add.f32.msk $0xffff, v1  }
0x19f: {  	v1 =	vld [tilespmem:s7+$0x50F8];
	_ =	sdelay $0x2  }
0x1a0: {  	p2 =	sgt.u32 s29, $0x270F8  }
0x1a1: {  	s7 =	sand.u32 @!p2 $0x3FFF8, s29  }
0x1a2: {  	s8 =	sadd.s32 $0x88, s5;
	[tilespmem:s5+$0xB8] =	vst.add.f32.msk $0xffff, v1;
	s5 =	sadd.s32 @!p2 s1, s7;
	s7 =	sand.u32 @!p2 $0x7, s29  }
0x1a3: {  	[hbm4b:s5+s7] =	stream.linear.scatter @!p2 [tilespmem:s8], [sflag:$0xC], $0x40, $0x38;
	[tilespmem:$0x1EF88] =	vst v63  }
0x1a4: {  	s5 =	simm.s32 $0x0  }
0x1a5: {  	s5 =	simm.s32 @!p2 $0x100  }
0x1a6: {  	s3 =	sadd.s32 s5, s3  }
.LBB3_20:
0x1a7: {  	s5 =	sadd.s32 $0x1, s26  }
0x1a8: {  	s7 =	smulhi.u32 $0xCCCCCCCD, s5;
	_ =	sdelay $0x1  }
0x1a9: {  	v1 =	vld [tilespmem:s30+$0xFFFFFFE0];
	s7 =	sshrl.u32 s7, $0x8  }
0x1aa: {  	s7 =	smul.u32 $0x140, s7;
	_ =	sdelay $0x1  }
0x1ab: {  	s26 =	ssub.s32 s5, s7  }
0x1ac: {  	s5 =	sshll.u32 s26, $0x6  }
0x1ad: {  	[tilespmem:s5+$0x88] =	vst v1  }
0x1ae: {  	v1 =	vld [tilespmem:s30+$0xFFFFFFF0];
	_ =	sdelay $0x4  }
0x1af: {  	[tilespmem:s5+$0x98] =	vst v1  }
0x1b0: {  	v1 =	vld [tilespmem:s30+$0x0];
	_ =	sdelay $0x4  }
0x1b1: {  	[tilespmem:s5+$0xA8] =	vst v1  }
0x1b2: {  	v1 =	vld [tilespmem:s30+$0x10]  }
.Ltmp24:
0x1b3: {  	_ = 	snop;
	(pc) =	sbr.rel .LBB3_21-.Ltmp24, $2  }
0x1b4: {  	_ =	sdelay $0x2  }
0x1b5: {  	s0 =	sadd.s32 $0x1, s0;
	[tilespmem:s5+$0xB8] =	vst v1  }
.LBB3_23:
.Ltmp25:
0x1b6: {  	(pc) =	sbr.rel .LBB3_24-.Ltmp25, $4  }
0x1b7: {  	_ = 	snop  }
0x1b8: {  	s0 =	simm.s32 $0x2  }
0x1b9: {  	_ =	swait.ge [sflag:s0], $0x0  }
0x1ba: {  	s2 =	smov.u32 s29;
	[sflag:s0] =	ssyncset.done $0x0;
	s0 =	simm.s32 $0x0  }
.LBB3_26:
0x1bb: {  	_ =	sfence.sel $0x180000  }
0x1bc: {  	s0 =	simm.s32 $0x9;
	[bflag:$0x0] =	sbarrier.arrive $0xFFFF  }
0x1bd: {  	s24 =	simm.s32 $0xA;
	[sflag:s0] =	ssyncpa.u1 $0x1  }
0x1be: {  	s25 =	simm.s32 $0xB;
	[sflag:s24] =	ssyncpa.u1 $0x1  }
0x1bf: {  	s26 =	simm.s32 $0x2;
	[sflag:s25] =	ssyncpa.u1 $0x1  }
0x1c0: {  	[sflag:s26] =	ssyncpa.u1 $0x1  }
0x1c1: {  	v0 =	vld [tilespmem:$0xA108];
	_ =	sdelay $0x4  }
0x1c2: {  	(v2sf) =	vpush v0, $0x0  }
0x1c3: {  	(v2sf) =	vpush v0, $0x1;
	_ =	sdelay $0x1  }
0x1c4: {  	(v2sf) =	vpush v0, $0x2;
	_ =	sdelay $0xb  }
0x1c5: {  	s0 =	spop (v2sf)  }
0x1c6: {  	s2 =	spop (v2sf)  }
0x1c7: {  	s3 =	smov.u32 s0;
	p0 =	sne.s32 s0, s2  }
0x1c8: {  	s4 =	spop (v2sf);
	s3 =	simm.s32 @!p0 $0xFFFFFFFF  }
0x1c9: {  	v2 =	vimm.s32 $0x1;
	v3 =	vlaneseq.u32;
	p0 =	seq.s32 s4, $0xFFFFFFFF;
	v1 =	vmov s3  }
0x1ca: {  	s14 =	stileid.u32;
	v0 =	vperm.xlane v0, v2;
	p1 =	sne.s32 @!p0 s0, s2;
	v1 =	vperm.xlane v1, v3  }
0x1cb: {  	vm0 =	vcmask $0x3F04;
	s6 =	simm.s32 $0xA108;
	s0 =	simm.s32 @!p0 $0x1;
	p1 =	por !p1, p0  }
0x1cc: {  	s3 =	sshll.u32 s14, $0x1;
	s2 =	sshll.u32 @!p0 s4, $0x8;
	s0 =	simm.s32 @p1 $0x0;
	v0 =	vsel vm0, v1, v0  }
0x1cd: {  	s5 =	sor.u32 $0x800, s3;
	s2 =	sshra.s32 @!p0 s2, $0x2;
	s0 =	sor.u32 @!p0 s0, s3;
	[tilespmem:$0xA108] =	vst v0  }
0x1ce: {  	[spmem:s5] =	stream.linear.scatter [tilespmem:s6], [sflag:$0x1], $0x2, $0x38;
	[tilespmem:$0x1EF88] =	vst v63  }
0x1cf: {  	s2 =	sadd.s32 @!p0 $0x88, s2;
	s0 =	sshll.u32 @!p0 s0, $0x6  }
0x1d0: {  	[spmem:s0] =	stream.linear.scatter @!p0 [tilespmem:s2], [sflag:$0x1], $0x40, $0x38;
	[tilespmem:$0x1EF88] =	vst v63  }
0x1d1: {  	s0 =	simm.s32 @!p0 $0x42  }
0x1d2: {  	s28 =	simm.s32 $0x1;
	s0 =	simm.s32 @p0 $0x2  }
0x1d3: {  	_ =	swait.ge [sflag:s28], s0  }
0x1d4: {  	s0 =	ssub.s32 $0x0, s0;
	[sflag:s28] =	ssyncset.done $0x0  }
0x1d5: {  	p0 =	sne.s32 s14, $0x0;
	[sflag:s28] =	ssyncadd.s32 s0  }
.Ltmp26:
0x1d6: {  	_ =	sfence.stream.spmem;
	(pc) =	sbr.rel @p0 .LBB3_43-.Ltmp26, $4  }
0x1d7: {  	s29 =	simm.s32 $0x3;
	[bflag:$0x0] =	sbarrier.arrive $0xFFFF  }
0x1d8: {  	s30 =	simm.s32 $0x4;
	[sflag:s29] =	ssyncpa.u1 $0x1  }
0x1d9: {  	s31 =	simm.s32 $0x3C;
	[sflag:s30] =	ssyncpa.u1 $0x1  }
0x1da: {  	s13 =	rddreg [dreg:$0x6];
	[sflag:s31] =	ssyncpa.u1 $0x1  }
0x1db: {  	_ =	sfence.stream.spmem;
	s0 =	simm.s32 $0x5  }
0x1dc: {  	s2 =	simm.s32 $0x800;
	s3 =	simm.s32 $0xA118;
	[sflag:s0] =	ssyncpa.u1 $0x0  }
0x1dd: {  	[tilespmem:s3], [sflag:$0x5] =	stream.linear.gather [spmem:s2], $0x20, $0x38;
	[tilespmem:$0x1EF88] =	vst v63  }
0x1de: {  	s26 =	simm.s32 $0x0;
	s28 =	simm.s32 $0xA138  }
0x1df: {  	[tilespmem:s28], [sflag:$0x5] =	stream.linear.gather [spmem:s26], $0x800, $0x38;
	[tilespmem:$0x1EF88] =	vst v63  }
0x1e0: {  	_ =	swait.ge [sflag:s0], $0x820  }
0x1e1: {  	[sflag:s0] =	ssyncset.done $0x0  }
0x1e2: {  	s29 =	simm.s32 $0x0;
	[sflag:s0] =	ssyncadd.s32 $0xFFFFF7E0  }
0x1e3: {  	v0 =	vld.msk [tilespmem:s29+$0xA118], $0x1;
	_ =	sdelay $0x1  }
0x1e4: {  	s30 =	simm.s32 $0x1  }
0x1e5: {  	v1 =	vld.msk [tilespmem:s30+$0xA118], $0x1;
	_ =	sdelay $0x1  }
0x1e6: {  	(v2sf) =	vpush v0, $0x0;
	_ =	sdelay $0x2  }
0x1e7: {  	(v2sf) =	vpush v1, $0x0;
	_ =	sdelay $0x2  }
0x1e8: {  	s31 =	simm.s32 $0x2  }
0x1e9: {  	v0 =	vld.msk [tilespmem:s31+$0xA118], $0x1;
	_ =	sdelay $0x2  }
0x1ea: {  	s2 =	simm.s32 $0xFFFFFFFF;
	s3 =	simm.s32 $0xFFFFFFFF;
	s0 =	simm.s32 $0xC  }
.LBB3_28:
0x1eb: {  	s4 =	smov.u32 s3;
	s5 =	smov.u32 s2  }
0x1ec: {  	s2 =	sshra.s32 s0, $0x2;
	p1 =	sne.s32 s0, $0x7C;
	s0 =	sadd.s32 $0x4, s0;
	(v2sf) =	vpush v0, $0x0  }
0x1ed: {  	v0 =	vld.msk [tilespmem:s2+$0xA118], $0x1  }
.Ltmp27:
0x1ee: {  	(pc) =	sbr.rel @p1 .LBB3_28-.Ltmp27, $4  }
0x1ef: {  	s3 =	spop (v2sf)  }
0x1f0: {  	p2 =	sne.s32 s5, $0xFFFFFFFF;
	s2 =	smov.u32 s3  }
0x1f1: {  	p3 =	seq.s32 s3, $0xFFFFFFFF;
	s2 =	smov.u32 @p2 s5  }
0x1f2: {  	s3 =	smov.u32 @p3 s4;
	s2 =	smov.u32 @p3 s5  }
0x1f3: {  	(v2sf) =	vpush v0, $0x0;
	_ =	sdelay $0x8  }
0x1f4: {  	s0 =	spop (v2sf)  }
0x1f5: {  	p1 =	sne.s32 s2, $0xFFFFFFFF;
	s4 =	smov.u32 s0  }
0x1f6: {  	s6 =	simm.s32 $0x0;
	p2 =	seq.s32 s0, $0xFFFFFFFF;
	s4 =	smov.u32 @p1 s2  }
0x1f7: {  	s9 =	simm.s32 $0xA0C8;
	s4 =	smov.u32 @p2 s2;
	s2 =	spop (v2sf)  }
0x1f8: {  	s0 =	smov.u32 @p2 s3;
	p1 =	sne.s32 s4, $0xFFFFFFFF;
	s5 =	smov.u32 s2  }
.Ltmp28:
0x1f9: {  	p2 =	seq.s32 s2, $0xFFFFFFFF;
	s5 =	smov.u32 @p1 s4;
	(pc) =	sbr.rel .LBB3_30-.Ltmp28, $4  }
0x1fa: {  	s10 =	simm.s32 $0x0;
	s5 =	smov.u32 @p2 s4;
	s7 =	spop (v2sf)  }
0x1fb: {  	s2 =	smov.u32 @p2 s0;
	p1 =	sne.s32 s5, $0xFFFFFFFF;
	s8 =	smov.u32 s7  }
0x1fc: {  	s0 =	simm.s32 $0x6;
	p2 =	seq.s32 s7, $0xFFFFFFFF;
	s8 =	smov.u32 @p1 s5  }
0x1fd: {  	[sflag:s0] =	ssyncpa.u1 $0x0;
	s7 =	smov.u32 @p2 s2;
	s8 =	smov.u32 @p2 s5  }
.LBB3_36:
0x1fe: {  	p1 =	sgt.u32 s2, $0x270F8  }
0x1ff: {  	p2 =	seq.s32 @!p1 s2, s8  }
0x200: {  	p1 =	por p1, p2  }
0x201: {  	p2 =	sne.s32 @!p1 s2, s7  }
0x202: {  	p1 =	por p1, !p2  }
0x203: {  	s2 =	sshll.u32 @p1 s10, $0x8  }
0x204: {  	s3 =	sand.u32 @!p1 $0x3FFF8, s2  }
0x205: {  	s2 =	sand.u32 @!p1 $0x7, s2;
	s3 =	sadd.s32 @!p1 s1, s3  }
0x206: {  	[tilespmem:s9], [sflag:$0x6] =	stream.linear.gather @!p1 [hbm4b:s3+s2], $0x40, $0x38;
	[tilespmem:$0x1EF88] =	vst v63  }
0x207: {  	_ =	swait.ge @!p1 [sflag:s0], $0x40  }
0x208: {  	[sflag:s0] =	ssyncset.done @!p1 $0x0  }
0x209: {  	[sflag:s0] =	ssyncadd.s32 @!p1 $0xFFFFFFC0  }
0x20a: {  	v1 =	vld @!p1 [tilespmem:$0xA0C8];
	_ =	sdelay $0x2  }
0x20b: {  	s2 =	sshll.u32 @!p1 s10, $0x8  }
0x20c: {  	s3 =	sshrl.u32 @!p1 s2, $0x2  }
0x20d: {  	[tilespmem:s3+$0xA138] =	vst.add.f32.msk @!p1 $0xffff, v1  }
0x20e: {  	v1 =	vld @!p1 [tilespmem:$0xA0D8];
	_ =	sdelay $0x4  }
0x20f: {  	[tilespmem:s3+$0xA148] =	vst.add.f32.msk @!p1 $0xffff, v1  }
0x210: {  	v1 =	vld @!p1 [tilespmem:$0xA0E8];
	_ =	sdelay $0x4  }
0x211: {  	[tilespmem:s3+$0xA158] =	vst.add.f32.msk @!p1 $0xffff, v1  }
0x212: {  	v1 =	vld @!p1 [tilespmem:$0xA0F8];
	_ =	sdelay $0x4  }
0x213: {  	[tilespmem:s3+$0xA168] =	vst.add.f32.msk @!p1 $0xffff, v1  }
0x214: {  	s2 =	sshrl.u32 s2, $0x2;
	[tilespmem:s6+$0xA118] =	vst.msk $0x1, v0  }
0x215: {  	v0 =	vld [tilespmem:s2+$0xA138];
	_ =	sdelay $0x2  }
0x216: {  	s31 =	sshll.u32 s6, $0x8  }
0x217: {  	s3 =	sshra.s32 s31, $0x2  }
0x218: {  	[tilespmem:s3+$0xA138] =	vst v0  }
0x219: {  	v0 =	vld [tilespmem:s2+$0xA148];
	_ =	sdelay $0x4  }
0x21a: {  	[tilespmem:s3+$0xA148] =	vst v0  }
0x21b: {  	v0 =	vld [tilespmem:s2+$0xA158];
	_ =	sdelay $0x4  }
0x21c: {  	[tilespmem:s3+$0xA158] =	vst v0  }
0x21d: {  	v0 =	vld [tilespmem:s2+$0xA168];
	_ =	sdelay $0x4  }
0x21e: {  	s6 =	sadd.s32 $0x1, s6;
	[tilespmem:s3+$0xA168] =	vst v0  }
.LBB3_37:
0x21f: {  	s10 =	sadd.s32 $0x1, s10  }
0x220: {  	p1 =	sne.s32 s10, $0x20  }
.Ltmp29:
0x221: {  	_ = 	snop;
	(pc) =	sbr.rel @!p1 .LBB3_38-.Ltmp29, $1  }
0x222: {  	_ =	sdelay $0x3  }
.LBB3_30:
0x223: {  	v0 =	vld.msk [tilespmem:s10+$0xA118], $0x1;
	_ =	sdelay $0x4  }
0x224: {  	(v2sf) =	vpush v0, $0x0;
	_ =	sdelay $0xe  }
0x225: {  	s2 =	spop (v2sf)  }
0x226: {  	p1 =	seq.s32 s2, $0xFFFFFFFF  }
.Ltmp30:
0x227: {  	_ = 	snop;
	(pc) =	sbr.rel @p1 .LBB3_37-.Ltmp30, $1  }
0x228: {  	_ =	sdelay $0x3  }
0x229: {  	p1 =	slt.s32 s6, $0x1  }
.Ltmp31:
0x22a: {  	_ = 	snop;
	(pc) =	sbr.rel @p1 .LBB3_36-.Ltmp31, $1  }
0x22b: {  	_ =	sdelay $0x3  }
0x22c: {  	s3 =	simm.s32 $0xA118;
	p1 =	por $0x0, $0x0  }
0x22d: {  	v1 =	vld.msk @!p1 [tilespmem:s3+$0x0], $0x1;
	_ =	sdelay $0x4  }
0x22e: {  	(v2sf) =	vpush @!p1 v1, $0x0;
	_ =	sdelay $0xd  }
0x22f: {  	p3 =	sne.s32 s6, $0x1  }
.Ltmp32:
0x230: {  	s4 =	spop @!p1 (v2sf);
	(pc) =	sbr.rel @!p3 .LBB3_34-.Ltmp32, $4  }
0x231: {  	p2 =	seq.s32 @!p1 s2, s4  }
0x232: {  	s4 =	simm.s32 $0x0;
	p2 =	por !p2, p1  }
0x233: {  	s11 =	simm.s32 $0xFFFFFFFF;
	s4 =	simm.s32 @p2 $0xFFFFFFFF  }
0x234: {  	s5 =	simm.s32 $0x1;
	s4 =	smov.u32 @p1 s11  }
.LBB3_33:
0x235: {  	s11 =	smov.u32 s4;
	p1 =	sne.s32 s4, $0xFFFFFFFF  }
0x236: {  	s3 =	sadd.s32 $0x1, s3;
	s4 =	smov.u32 s5;
	s5 =	sadd.s32 $0x1, s5  }
0x237: {  	p2 =	sne.s32 s6, s5;
	v1 =	vld.msk @!p1 [tilespmem:s3+$0x0], $0x1;
	_ =	sdelay $0x4  }
0x238: {  	(v2sf) =	vpush @!p1 v1, $0x0;
	_ =	sdelay $0xe  }
.Ltmp33:
0x239: {  	s12 =	spop @!p1 (v2sf);
	(pc) =	sbr.rel @p2 .LBB3_33-.Ltmp33, $4  }
0x23a: {  	p3 =	seq.s32 @!p1 s2, s12  }
0x23b: {  	p3 =	por !p3, p1  }
0x23c: {  	s4 =	simm.s32 @p3 $0xFFFFFFFF  }
0x23d: {  	s4 =	smov.u32 @p1 s11  }
.LBB3_34:
0x23e: {  	p1 =	seq.s32 s4, $0xFFFFFFFF  }
.Ltmp34:
0x23f: {  	_ = 	snop;
	(pc) =	sbr.rel @p1 .LBB3_36-.Ltmp34, $1  }
0x240: {  	_ =	sdelay $0x3  }
0x241: {  	s2 =	sshll.u32 s10, $0x6  }
0x242: {  	s2 =	sand.u32 $0x3FFFFFC0, s2  }
0x243: {  	v0 =	vld [tilespmem:s2+$0xA138];
	_ =	sdelay $0x2  }
0x244: {  	s3 =	sshll.u32 s4, $0x8  }
0x245: {  	s3 =	sshra.s32 s3, $0x2  }
0x246: {  	[tilespmem:s3+$0xA138] =	vst.add.f32.msk $0xffff, v0  }
0x247: {  	v0 =	vld [tilespmem:s2+$0xA148];
	_ =	sdelay $0x4  }
0x248: {  	[tilespmem:s3+$0xA148] =	vst.add.f32.msk $0xffff, v0  }
0x249: {  	v0 =	vld [tilespmem:s2+$0xA158];
	_ =	sdelay $0x4  }
0x24a: {  	[tilespmem:s3+$0xA158] =	vst.add.f32.msk $0xffff, v0  }
0x24b: {  	v0 =	vld [tilespmem:s2+$0xA168]  }
.Ltmp35:
0x24c: {  	_ = 	snop;
	(pc) =	sbr.rel .LBB3_37-.Ltmp35, $2  }
0x24d: {  	_ =	sdelay $0x2  }
0x24e: {  	[tilespmem:s3+$0xA168] =	vst.add.f32.msk $0xffff, v0  }
.LBB3_38:
0x24f: {  	s0 =	simm.s32 $0x6;
	p1 =	seq.s32 s6, $0x0  }
0x250: {  	[sflag:s0] =	ssyncpa.u1 $0x1;
	v0 =	vimm.s32 @p1 $0xFFFFFFFF  }
0x251: {  	s0 =	sadd.s32 $0xFFFFFFFF, s6;
	[tilespmem:$0xA938] =	vst @p1 v0  }
0x252: {  	v0 =	vld.msk @!p1 [tilespmem:s0+$0xA118], $0x1;
	_ =	sdelay $0x1  }
0x253: {  	v1 =	vld.msk @!p1 [tilespmem:$0xA118], $0x1;
	_ =	sdelay $0x2  }
0x254: {  	p2 =	seq.s32 @!p1 s0, $0x0;
	v0 =	vbroadcast @!p1 v0, $0x0  }
0x255: {  	vm0 =	vmmov @!p1 $0x1;
	p2 =	por !p2, p1  }
0x256: {  	v1 =	vnsel @!p1 vm0, $0xFFFFFFFF, v1;
	vm0 =	vcmask @!p1 $0x308;
	v0 =	vpsel !p2, $0xFFFFFFFF, v0  }
0x257: {  	p2 =	sne.s32 @!p1 s8, s7;
	v0 =	vsel @!p1 vm0, v1, v0  }
0x258: {  	s2 =	simm.s32 @!p1 $0xA138;
	s3 =	simm.s32 @!p1 $0x0;
	p3 =	por !p2, p1;
	[tilespmem:$0xA938] =	vst @!p1 v0  }
0x259: {  	[spmem:s3] =	stream.linear.scatter @!p1 [tilespmem:s2], [sflag:$0x1], $0x40, $0x38;
	[tilespmem:$0x1EF88] =	vst v63  }
0x25a: {  	s2 =	sshll.u32 @!p3 s0, $0x8  }
0x25b: {  	s2 =	sshra.s32 @!p3 s2, $0x2  }
0x25c: {  	s3 =	simm.s32 @!p3 $0x40;
	s2 =	sadd.s32 @!p3 $0xA138, s2  }
0x25d: {  	[spmem:s3] =	stream.linear.scatter @!p3 [tilespmem:s2], [sflag:$0x1], $0x40, $0x38;
	[tilespmem:$0x1EF88] =	vst v63  }
0x25e: {  	s2 =	simm.s32 @!p3 $0x1  }
0x25f: {  	_ =	swait.ge @!p3 [sflag:s2], $0x80  }
0x260: {  	p1 =	por p2, p1;
	[sflag:s2] =	ssyncset.done @!p3 $0x0  }
0x261: {  	[sflag:s2] =	ssyncadd.s32 @!p3 $0xFFFFFF80;
	s2 =	simm.s32 @!p1 $0x1  }
0x262: {  	_ =	swait.ge @!p1 [sflag:s2], $0x40  }
0x263: {  	s29 =	simm.s32 $0xA938;
	[sflag:s2] =	ssyncset.done @!p1 $0x0  }
0x264: {  	s30 =	simm.s32 $0x800;
	s31 =	simm.s32 $0x1;
	[sflag:s2] =	ssyncadd.s32 @!p1 $0xFFFFFFC0  }
0x265: {  	[spmem:s30] =	stream.linear.scatter [tilespmem:s29], [sflag:$0x1], $0x10, $0x38;
	[tilespmem:$0x1EF88] =	vst v63  }
0x266: {  	_ =	swait.ge [sflag:s31], $0x10  }
0x267: {  	[sflag:s31] =	ssyncset.done $0x0  }
0x268: {  	p1 =	seq.s32 s13, $0x0;
	s9 =	rddreg [dreg:$0x3];
	[sflag:s31] =	ssyncadd.s32 $0xFFFFFFF0  }
0x269: {  	s3 =	sshll.u32 @p1 s9, $0xE;
	s8 =	rddreg [dreg:$0x4]  }
0x26a: {  	s2 =	sadd.s32 @p1 $0x15C3C, s3;
	s3 =	sshll.u32 @p1 s8, $0x11  }
0x26b: {  	_ =	sfence.stream.spmem;
	s2 =	sor.u32 @p1 s3, s2  }
0x26c: {  	[sflag:s2] =	ssyncadd.remote.s32 @p1 $0x1;
	s2 =	simm.s32 @p1 $0x4  }
0x26d: {  	s4 =	simm.s32 @!p1 $0x3C;
	s3 =	sand.u32 $0xFFFFFFFE, s9;
	_ =	swait.ge @p1 [sflag:s2], $0x12  }
0x26e: {  	s5 =	simm.s32 @!p1 $0x0;
	s3 =	sadd.s32 @!p1 $0x4, s3;
	[sflag:s2] =	ssyncset.done @p1 $0x0  }
0x26f: {  	s7 =	simm.s32 @!p1 $0x80;
	[sflag:s2] =	ssyncadd.s32 @p1 $0xFFFFFFEE;
	s2 =	sshll.u32 @!p1 s3, $0x1A  }
0x270: {  	s3 =	sshll.u32 @!p1 s3, $0xD;
	s2 =	sor.u32 @!p1 s2, s8;
	_ =	swait.eq @!p1 [sflag:s4], $0x1  }
0x271: {  	s3 =	sor.u32 @!p1 $0x1C04, s3;
	s4 =	simm.s32 @!p1 $0x1C03;
	s2 =	sor.u32 @!p1 $0x80004000, s2  }
0x272: {  	[spmem:s7], [sflag:s3] =	dma.general @!p1 [spmem:s5], [sflag:s4], length:$0x10, [dreg:$0x0], stride_count:$0x0, ici_dest:s2, dma_misc:DstOpCode:WRITE  }
0x273: {  	p2 =	slt.s32 s0, $0x2;
	s5 =	simm.s32 @!p1 $0x100;
	s7 =	simm.s32 @!p1 $0x102  }
0x274: {  	[spmem:s7], [sflag:s3] =	dma.general @!p1 [spmem:s5], [sflag:s4], length:$0x2, [dreg:$0x0], stride_count:$0x0, ici_dest:s2, dma_misc:DstOpCode:WRITE  }
.Ltmp36:
0x275: {  	s2 =	simm.s32 @!p1 $0x3;
	(pc) =	sbr.rel @p2 .LBB3_42-.Ltmp36, $4  }
0x276: {  	s3 =	sshll.u32 @!p1 s9, $0xE;
	_ =	swait.ge @!p1 [sflag:s2], $0x12  }
0x277: {  	s4 =	sshll.u32 @!p1 s8, $0x11;
	s3 =	sadd.s32 @!p1 $0x11C3C, s3;
	[sflag:s2] =	ssyncset.done @!p1 $0x0  }
0x278: {  	[sflag:s2] =	ssyncadd.s32 @!p1 $0xFFFFFFEE;
	s2 =	sor.u32 @!p1 s4, s3  }
0x279: {  	s0 =	simm.s32 $0x0;
	[sflag:s2] =	ssyncadd.remote.s32 @!p1 $0xFFFFFFFF  }
0x27a: {  	s0 =	simm.s32 $0xA119  }
0x27b: {  	v0 =	vld.msk [tilespmem:s0+$0x0], $0x1;
	_ =	sdelay $0x4  }
0x27c: {  	(v2sf) =	vpush v0, $0x0;
	_ =	sdelay $0xc  }
0x27d: {  	s2 =	sadd.s32 $0xFFFFFFFE, s6  }
0x27e: {  	s2 =	sadd.s32 $0xFFFFFFFF, s2  }
0x27f: {  	p2 =	sne.s32 s2, $0x0;
	s3 =	spop (v2sf)  }
.Ltmp37:
0x280: {  	p1 =	sgt.u32 s3, $0x270F8;
	(pc) =	sbr.rel @!p2 .LBB3_41-.Ltmp37, $4  }
0x281: {  	s5 =	simm.s32 $0x0;
	s4 =	sand.u32 @!p1 $0x3FFF8, s3  }
0x282: {  	s0 =	simm.s32 $0xA178;
	s3 =	sand.u32 @!p1 $0x7, s3;
	s4 =	sadd.s32 @!p1 s1, s4  }
0x283: {  	[hbm4b:s4+s3] =	stream.linear.scatter @!p1 [tilespmem:s0], [sflag:$0x5], $0x40, $0x38;
	[tilespmem:$0x1EF88] =	vst v63  }
0x284: {  	s5 =	simm.s32 @!p1 $0x100;
	s3 =	simm.s32 $0x0;
	s4 =	simm.s32 $0xA11A  }
.LBB3_40:
0x285: {  	v0 =	vld.msk [tilespmem:s4+$0x0], $0x1;
	s2 =	sadd.s32 $0xFFFFFFFF, s2;
	s3 =	sadd.s32 s3, s5  }
0x286: {  	p1 =	sne.s32 s2, $0x0;
	_ =	sdelay $0x3  }
0x287: {  	(v2sf) =	vpush v0, $0x0;
	_ =	sdelay $0xe  }
.Ltmp38:
0x288: {  	s6 =	spop (v2sf);
	(pc) =	sbr.rel @p1 .LBB3_40-.Ltmp38, $4  }
0x289: {  	s5 =	simm.s32 $0x0;
	p2 =	sgt.u32 s6, $0x270F8  }
0x28a: {  	s0 =	sadd.s32 $0x40, s0;
	s5 =	simm.s32 @!p2 $0x100;
	s7 =	sand.u32 @!p2 $0x3FFF8, s6  }
0x28b: {  	s4 =	sadd.s32 $0x1, s4;
	s6 =	sand.u32 @!p2 $0x7, s6;
	s7 =	sadd.s32 @!p2 s1, s7  }
0x28c: {  	[hbm4b:s7+s6] =	stream.linear.scatter @!p2 [tilespmem:s0], [sflag:$0x5], $0x40, $0x38;
	[tilespmem:$0x1EF88] =	vst v63  }
.LBB3_41:
0x28d: {  	s0 =	sadd.s32 s3, s5  }
0x28e: {  	s0 =	sshrl.u32 s0, $0x2  }
.LBB3_42:
0x28f: {  	s2 =	simm.s32 $0x5  }
0x290: {  	_ =	swait.ge [sflag:s2], s0  }
0x291: {  	s31 =	ssub.s32 $0x0, s0;
	[sflag:s2] =	ssyncset.done $0x0  }
0x292: {  	[sflag:s2] =	ssyncadd.s32 s31  }
0x293: {  	[sflag:s2] =	ssyncpa.u1 $0x1  }
.LBB3_43:
0x294: {  	s0 =	sor.u32 s13, s14  }
0x295: {  	p1 =	sne.s32 s0, $0x0  }
.Ltmp39:
0x296: {  	_ = 	snop;
	(pc) =	sbr.rel @p1 .LBB3_58-.Ltmp39, $3  }
0x297: {  	_ =	sdelay $0x1  }
0x298: {  	[bflag:$0x0] =	sbarrier.arrive $0xFFFF  }
0x299: {  	_ =	sfence  }
0x29a: {  	s2 =	simm.s32 $0x7  }
0x29b: {  	s0 =	simm.s32 $0x800;
	s3 =	simm.s32 $0xA118;
	[sflag:s2] =	ssyncpa.u1 $0x0  }
0x29c: {  	[tilespmem:s3], [sflag:$0x7] =	stream.linear.gather [spmem:s0], $0x20, $0x38;
	[tilespmem:$0x1EF88] =	vst v63  }
0x29d: {  	s30 =	simm.s32 $0xA138;
	s0 =	simm.s32 $0x0  }
0x29e: {  	[tilespmem:s30], [sflag:$0x7] =	stream.linear.gather [spmem:s0], $0x800, $0x38;
	[tilespmem:$0x1EF88] =	vst v63  }
.Ltmp40:
0x29f: {  	_ = 	snop;
	(pc) =	sbr.rel .LBB3_45-.Ltmp40, $4  }
0x2a0: {  	_ =	swait.ge [sflag:s2], $0x820  }
0x2a1: {  	[sflag:s2] =	ssyncset.done $0x0  }
0x2a2: {  	s31 =	simm.s32 $0x8;
	[sflag:s2] =	ssyncadd.s32 $0xFFFFF7E0  }
0x2a3: {  	s2 =	simm.s32 $0x0;
	[sflag:s31] =	ssyncpa.u1 $0x0  }
.LBB3_51:
0x2a4: {  	p1 =	slt.u32 s3, $0x270F9  }
0x2a5: {  	s4 =	sand.u32 @p1 $0x3FFF8, s3  }
0x2a6: {  	s3 =	sand.u32 @p1 $0x7, s3;
	s5 =	simm.s32 @p1 $0xA0C8;
	s4 =	sadd.s32 @p1 s1, s4  }
0x2a7: {  	[tilespmem:s5], [sflag:$0x8] =	stream.linear.gather @p1 [hbm4b:s4+s3], $0x40, $0x38;
	[tilespmem:$0x1EF88] =	vst v63  }
0x2a8: {  	s3 =	simm.s32 @p1 $0x8  }
0x2a9: {  	_ =	swait.ge @p1 [sflag:s3], $0x40  }
0x2aa: {  	[sflag:s3] =	ssyncset.done @p1 $0x0  }
0x2ab: {  	[sflag:s3] =	ssyncadd.s32 @p1 $0xFFFFFFC0  }
0x2ac: {  	v1 =	vld @p1 [tilespmem:$0xA0C8];
	_ =	sdelay $0x2  }
0x2ad: {  	s3 =	sshll.u32 @p1 s2, $0x8  }
0x2ae: {  	s4 =	sshrl.u32 @p1 s3, $0x2  }
0x2af: {  	[tilespmem:s4+$0xA138] =	vst.add.f32.msk @p1 $0xffff, v1  }
0x2b0: {  	v1 =	vld @p1 [tilespmem:$0xA0D8];
	_ =	sdelay $0x4  }
0x2b1: {  	[tilespmem:s4+$0xA148] =	vst.add.f32.msk @p1 $0xffff, v1  }
0x2b2: {  	v1 =	vld @p1 [tilespmem:$0xA0E8];
	_ =	sdelay $0x4  }
0x2b3: {  	[tilespmem:s4+$0xA158] =	vst.add.f32.msk @p1 $0xffff, v1  }
0x2b4: {  	v1 =	vld @p1 [tilespmem:$0xA0F8];
	_ =	sdelay $0x3  }
0x2b5: {  	s5 =	sshll.u32 @!p1 s2, $0x8  }
0x2b6: {  	s5 =	smov.u32 @p1 s3;
	[tilespmem:s4+$0xA168] =	vst.add.f32.msk @p1 $0xffff, v1  }
0x2b7: {  	s3 =	sshrl.u32 s5, $0x2;
	[tilespmem:s0+$0xA118] =	vst.msk $0x1, v0  }
0x2b8: {  	v0 =	vld [tilespmem:s3+$0xA138];
	_ =	sdelay $0x2  }
0x2b9: {  	s31 =	sshll.u32 s0, $0x8  }
0x2ba: {  	s4 =	sshra.s32 s31, $0x2  }
0x2bb: {  	[tilespmem:s4+$0xA138] =	vst v0  }
0x2bc: {  	v0 =	vld [tilespmem:s3+$0xA148];
	_ =	sdelay $0x4  }
0x2bd: {  	[tilespmem:s4+$0xA148] =	vst v0  }
0x2be: {  	v0 =	vld [tilespmem:s3+$0xA158];
	_ =	sdelay $0x4  }
0x2bf: {  	[tilespmem:s4+$0xA158] =	vst v0  }
0x2c0: {  	v0 =	vld [tilespmem:s3+$0xA168];
	_ =	sdelay $0x4  }
0x2c1: {  	s0 =	sadd.s32 $0x1, s0;
	[tilespmem:s4+$0xA168] =	vst v0  }
.LBB3_52:
0x2c2: {  	s2 =	sadd.s32 $0x1, s2  }
0x2c3: {  	p1 =	sne.s32 s2, $0x20  }
.Ltmp41:
0x2c4: {  	_ = 	snop;
	(pc) =	sbr.rel @!p1 .LBB3_53-.Ltmp41, $1  }
0x2c5: {  	_ =	sdelay $0x3  }
.LBB3_45:
0x2c6: {  	v0 =	vld.msk [tilespmem:s2+$0xA118], $0x1;
	_ =	sdelay $0x4  }
0x2c7: {  	(v2sf) =	vpush v0, $0x0;
	_ =	sdelay $0xe  }
0x2c8: {  	s3 =	spop (v2sf)  }
0x2c9: {  	p1 =	seq.s32 s3, $0xFFFFFFFF  }
.Ltmp42:
0x2ca: {  	_ = 	snop;
	(pc) =	sbr.rel @p1 .LBB3_52-.Ltmp42, $1  }
0x2cb: {  	_ =	sdelay $0x3  }
0x2cc: {  	p1 =	slt.s32 s0, $0x1  }
.Ltmp43:
0x2cd: {  	_ = 	snop;
	(pc) =	sbr.rel @p1 .LBB3_51-.Ltmp43, $1  }
0x2ce: {  	_ =	sdelay $0x3  }
0x2cf: {  	s4 =	simm.s32 $0xA118;
	p1 =	por $0x0, $0x0  }
0x2d0: {  	v1 =	vld.msk @!p1 [tilespmem:s4+$0x0], $0x1;
	_ =	sdelay $0x4  }
0x2d1: {  	(v2sf) =	vpush @!p1 v1, $0x0;
	_ =	sdelay $0xd  }
0x2d2: {  	p3 =	sne.s32 s0, $0x1  }
.Ltmp44:
0x2d3: {  	s5 =	spop @!p1 (v2sf);
	(pc) =	sbr.rel @!p3 .LBB3_49-.Ltmp44, $4  }
0x2d4: {  	p2 =	seq.s32 @!p1 s3, s5  }
0x2d5: {  	s5 =	simm.s32 $0x0;
	p2 =	por !p2, p1  }
0x2d6: {  	s7 =	simm.s32 $0xFFFFFFFF;
	s5 =	simm.s32 @p2 $0xFFFFFFFF  }
0x2d7: {  	s6 =	simm.s32 $0x1;
	s5 =	smov.u32 @p1 s7  }
.LBB3_48:
0x2d8: {  	s7 =	smov.u32 s5;
	p1 =	sne.s32 s5, $0xFFFFFFFF  }
0x2d9: {  	s4 =	sadd.s32 $0x1, s4;
	s5 =	smov.u32 s6;
	s6 =	sadd.s32 $0x1, s6  }
0x2da: {  	p2 =	sne.s32 s0, s6;
	v1 =	vld.msk @!p1 [tilespmem:s4+$0x0], $0x1;
	_ =	sdelay $0x4  }
0x2db: {  	(v2sf) =	vpush @!p1 v1, $0x0;
	_ =	sdelay $0xe  }
.Ltmp45:
0x2dc: {  	s8 =	spop @!p1 (v2sf);
	(pc) =	sbr.rel @p2 .LBB3_48-.Ltmp45, $4  }
0x2dd: {  	p3 =	seq.s32 @!p1 s3, s8  }
0x2de: {  	p3 =	por !p3, p1  }
0x2df: {  	s5 =	simm.s32 @p3 $0xFFFFFFFF  }
0x2e0: {  	s5 =	smov.u32 @p1 s7  }
.LBB3_49:
0x2e1: {  	p1 =	seq.s32 s5, $0xFFFFFFFF  }
.Ltmp46:
0x2e2: {  	_ = 	snop;
	(pc) =	sbr.rel @p1 .LBB3_51-.Ltmp46, $1  }
0x2e3: {  	_ =	sdelay $0x3  }
0x2e4: {  	s3 =	sshll.u32 s2, $0x6  }
0x2e5: {  	s3 =	sand.u32 $0x3FFFFFC0, s3  }
0x2e6: {  	v0 =	vld [tilespmem:s3+$0xA138];
	_ =	sdelay $0x2  }
0x2e7: {  	s4 =	sshll.u32 s5, $0x8  }
0x2e8: {  	s4 =	sshra.s32 s4, $0x2  }
0x2e9: {  	[tilespmem:s4+$0xA138] =	vst.add.f32.msk $0xffff, v0  }
0x2ea: {  	v0 =	vld [tilespmem:s3+$0xA148];
	_ =	sdelay $0x4  }
0x2eb: {  	[tilespmem:s4+$0xA148] =	vst.add.f32.msk $0xffff, v0  }
0x2ec: {  	v0 =	vld [tilespmem:s3+$0xA158];
	_ =	sdelay $0x4  }
0x2ed: {  	[tilespmem:s4+$0xA158] =	vst.add.f32.msk $0xffff, v0  }
0x2ee: {  	v0 =	vld [tilespmem:s3+$0xA168]  }
.Ltmp47:
0x2ef: {  	_ = 	snop;
	(pc) =	sbr.rel .LBB3_52-.Ltmp47, $2  }
0x2f0: {  	_ =	sdelay $0x2  }
0x2f1: {  	[tilespmem:s4+$0xA168] =	vst.add.f32.msk $0xffff, v0  }
.LBB3_53:
0x2f2: {  	p1 =	slt.s32 s0, $0x1  }
.Ltmp48:
0x2f3: {  	_ = 	snop;
	(pc) =	sbr.rel @p1 .LBB3_57-.Ltmp48, $3  }
0x2f4: {  	_ =	sdelay $0x1  }
0x2f5: {  	s2 =	simm.s32 $0x8  }
0x2f6: {  	[sflag:s2] =	ssyncpa.u1 $0x1;
	s2 =	simm.s32 $0x0  }
0x2f7: {  	s3 =	simm.s32 $0xA118  }
0x2f8: {  	v0 =	vld.msk [tilespmem:s3+$0x0], $0x1;
	_ =	sdelay $0x4  }
0x2f9: {  	(v2sf) =	vpush v0, $0x0;
	_ =	sdelay $0xe  }
0x2fa: {  	s0 =	sadd.s32 $0xFFFFFFFF, s0;
	s4 =	spop (v2sf)  }
0x2fb: {  	p2 =	sne.s32 s0, $0x0;
	p1 =	sgt.u32 s4, $0x270F8  }
.Ltmp49:
0x2fc: {  	s5 =	sand.u32 @!p1 $0x3FFF8, s4;
	(pc) =	sbr.rel @!p2 .LBB3_56-.Ltmp49, $4  }
0x2fd: {  	s3 =	simm.s32 $0xA138;
	s4 =	sand.u32 @!p1 $0x7, s4;
	s5 =	sadd.s32 @!p1 s1, s5  }
0x2fe: {  	[hbm4b:s5+s4] =	stream.linear.scatter @!p1 [tilespmem:s3], [sflag:$0x7], $0x40, $0x38;
	[tilespmem:$0x1EF88] =	vst v63  }
0x2ff: {  	s5 =	simm.s32 $0x0  }
0x300: {  	s4 =	simm.s32 $0xA119;
	s5 =	simm.s32 @!p1 $0x100  }
.LBB3_55:
0x301: {  	v0 =	vld.msk [tilespmem:s4+$0x0], $0x1;
	s0 =	sadd.s32 $0xFFFFFFFF, s0;
	s2 =	sadd.s32 s2, s5  }
0x302: {  	p1 =	sne.s32 s0, $0x0;
	_ =	sdelay $0x3  }
0x303: {  	(v2sf) =	vpush v0, $0x0;
	_ =	sdelay $0xe  }
.Ltmp50:
0x304: {  	s6 =	spop (v2sf);
	(pc) =	sbr.rel @p1 .LBB3_55-.Ltmp50, $4  }
0x305: {  	s5 =	simm.s32 $0x0;
	p2 =	sgt.u32 s6, $0x270F8  }
0x306: {  	s3 =	sadd.s32 $0x40, s3;
	s5 =	simm.s32 @!p2 $0x100;
	s7 =	sand.u32 @!p2 $0x3FFF8, s6  }
0x307: {  	s4 =	sadd.s32 $0x1, s4;
	s6 =	sand.u32 @!p2 $0x7, s6;
	s7 =	sadd.s32 @!p2 s1, s7  }
0x308: {  	[hbm4b:s7+s6] =	stream.linear.scatter @!p2 [tilespmem:s3], [sflag:$0x7], $0x40, $0x38;
	[tilespmem:$0x1EF88] =	vst v63  }
.LBB3_56:
0x309: {  	s0 =	sadd.s32 s2, s5  }
0x30a: {  	s2 =	sshrl.u32 s0, $0x2  }
.LBB3_57:
0x30b: {  	s0 =	simm.s32 $0x7  }
0x30c: {  	_ =	swait.ge [sflag:s0], s2  }
0x30d: {  	s1 =	ssub.s32 $0x0, s2;
	[sflag:s0] =	ssyncset.done $0x0  }
0x30e: {  	[sflag:s0] =	ssyncadd.s32 s1  }
0x30f: {  	[sflag:s0] =	ssyncpa.u1 $0x1  }
.LBB3_58:
0x310: {  	_ =	sfence;
	s0 =	simm.s32 $0x1  }
0x311: {  	[sflag:s0] =	ssyncpa.u1 $0x1  }
0x312: {  	_ =	strace $0x9000004D  }
0x313: {  	[bflag:$0x2] =	sbarrier.arrive $0xFFFF  }
0x314: {  	s0 =	rddreg [dreg:$0x5]  }
0x315: {  	s0 =	sadd.s32 @!p0 $0x100000, s0  }
0x316: {  	[sflag:s0] =	ssyncadd.tile.s32 @!p0 $0x1;
	_ =	shalt  }
.Lfunc_end3:
_tile_overlayer_lowered:
.L_overlay_start_3:
0x317: {  	(tag) =	ssettag $0x3  }
0x318: {  	s0 =	rddreg [dreg:$0x0];
	s2 =	stileid.u32  }
0x319: {  	s1 =	rddreg [dreg:$0x1];
	p0 =	sne.s32 s2, $0x0  }
0x31a: {  	s3 =	rddreg [dreg:$0x2];
	[bflag:$0x3] =	sbarrier.arrive $0xFFFF;
	s2 =	simm.s32 @!p0 $0x1C01  }
0x31b: {  	[timem:s3], [sflag:s2] =	dma.local @!p0 [hbm:s0], s1  }
0x31c: {  	s0 =	simm.s32 @!p0 $0x1  }
0x31d: {  	_ =	swait.ge @!p0 [sflag:s0], s1  }
0x31e: {  	s1 =	ssub.s32 @!p0 $0x0, s1;
	[sflag:s0] =	ssyncset.done @!p0 $0x0  }
0x31f: {  	[sflag:s0] =	ssyncadd.s32 @!p0 s1  }
0x320: {  	[bflag:$0x3] =	sbarrier.arrive $0xFFFF  }
0x321: {  	_ =	shalt  }

</sc_bundles>
